<compile_context>
chip_gen: v7x
topology: tpu7x:2x2x1
jax: 0.10.2.dev20260603
libtpu: 0.0.44.dev20260713+nightly
codegen_flags: <defaults>
</compile_context>

<pallas_src>
import functools

import jax
import jax.numpy as jnp
from jax import lax
from jax.experimental import pallas as pl
from jax.experimental.pallas import tpu as pltpu
from jax.experimental.pallas import tpu_sc as plsc

N = 10000
E = 160000
G = 256
L = 4
T = 5
FIN = 75
FOUT = 15
FP = 128
BLK = 1000


def _pool_kernel(batch_ref, raw_ref, st_ref, gam_ref, bet_ref, out_ref, acc):
    i = pl.program_id(0)
    nblk = pl.num_programs(0)
    b = batch_ref[0]
    hb = _bn_relu(raw_ref[...], st_ref[...], gam_ref[...][0:1],
                  bet_ref[...][0:1])
    gids = lax.broadcasted_iota(jnp.int32, (G, BLK), 0)
    onehot = (gids == b).astype(jnp.float32)
    contrib = jnp.dot(onehot, hb, preferred_element_type=jnp.float32,
                      precision=lax.Precision.HIGHEST)

    @pl.when(i == 0)
    def _():
        acc[...] = jnp.zeros_like(acc)

    acc[...] += contrib

    @pl.when(i == nblk - 1)
    def _():
        out_ref[...] = acc[...]


def _mlp_kernel(g_ref, w1_ref, b1_ref, w2_ref, b2_ref, w3_ref, b3_ref, out_ref):
    def mm(a, b):
        return jnp.dot(a.astype(jnp.bfloat16), b.astype(jnp.bfloat16),
                       preferred_element_type=jnp.float32)
    g = jnp.maximum(mm(g_ref[...], w1_ref[...]) + b1_ref[...], 0.0)
    g = jnp.maximum(mm(g, w2_ref[...]) + b2_ref[...], 0.0)
    out_ref[...] = mm(g, w3_ref[...]) + b3_ref[...]


def _pad2(a, r, c):
    return jnp.pad(a, ((0, r - a.shape[0]), (0, c - a.shape[1])))


def _dot16(a, b):
    return jnp.dot(a.astype(jnp.bfloat16), b.astype(jnp.bfloat16),
                   preferred_element_type=jnp.float32)


def _bn_relu(raw, st, gamma, beta):
    mu = st[0:1] / N
    var = st[1:2] / N
    return jnp.maximum((raw - mu) / jnp.sqrt(var + 1e-5) * gamma + beta, 0.0)


def _var_kernel(raw_ref, st_ref, st2_ref, acc):
    i = pl.program_id(0)
    nblk = pl.num_programs(0)
    mu = st_ref[...][0:1] / N
    d = raw_ref[...] - mu
    ssd = jnp.sum(d * d, 0, keepdims=True)

    @pl.when(i == 0)
    def _():
        acc[...] = jnp.zeros_like(acc)

    acc[...] += jnp.concatenate(
        [jnp.zeros((1, FP), jnp.float32), ssd,
         jnp.zeros((6, FP), jnp.float32)], axis=0)

    @pl.when(i == nblk - 1)
    def _():
        st2_ref[...] = st_ref[...] * jnp.where(
            lax.broadcasted_iota(jnp.int32, (8, FP), 0) == 0, 1.0, 0.0) + acc[...]


DBLK = 1000


def _k1bn_kernel(raw_ref, st_ref, gam_ref, bet_ref, wd_ref, ws_ref,
                 preb_ref, ctp_ref, h_ref, a_ref, b4_ref):
    h = _bn_relu(raw_ref[...], st_ref[...], gam_ref[...][0:1],
                 bet_ref[...][0:1])
    h_ref[...] = h
    a_ref[...] = _dot16(h, wd_ref[...]) + preb_ref[...][0:1]
    b = _dot16(h, ws_ref[...])
    b4_ref[...] = b[:, None, :] + ctp_ref[...][0:4][None, :, :]


def _k0_kernel(x_ref, emb_ref, wd_ref, ws_ref, preb_ref, ctp_ref,
               h_ref, a_ref, b4_ref):
    xv = x_ref[0]
    vids = lax.broadcasted_iota(jnp.int32, (32, DBLK), 0)
    onehot = (vids == xv).astype(jnp.float32)
    h = jnp.einsum('vn,vf->nf', onehot, emb_ref[...],
                   preferred_element_type=jnp.float32,
                   precision=lax.Precision.HIGHEST)
    h_ref[...] = h
    a_ref[...] = _dot16(h, wd_ref[...]) + preb_ref[...][0:1]
    b = _dot16(h, ws_ref[...])
    b4_ref[...] = b[:, None, :] + ctp_ref[...][0:4][None, :, :]


def _k2_kernel(s_ref, q_ref, mn_ref, mx_ref, a_ref, h_ref,
               p1_ref, bd2_ref, bd3_ref, bd4_ref, bd5_ref,
               postb_ref, lin_ref, linb_ref,
               out_ref, st_ref, stacc):
    i = pl.program_id(0)
    nblk = pl.num_programs(0)
    s4 = s_ref[...]
    a4 = a_ref[...]
    cnt = s4[:, 375:376]
    cntc = jnp.maximum(cnt, 1.0)
    empty = cnt == 0.0
    meanv = s4 / cntc
    mean = jnp.where(empty, 0.0, a4 + meanv)
    std = jnp.sqrt(jnp.maximum(q_ref[...] / cntc - meanv * meanv, 0.0) + 1e-5)
    mn = jnp.where(empty, 0.0, a4 + mn_ref[...])
    mx = jnp.where(empty, 0.0, a4 + mx_ref[...])
    y = (_dot16(h_ref[...], p1_ref[...]) + _dot16(mean, bd2_ref[...])
         + _dot16(mn, bd3_ref[...]) + _dot16(mx, bd4_ref[...])
         + _dot16(std, bd5_ref[...]) + postb_ref[...][0:1])
    out = _dot16(y, lin_ref[...]) + linb_ref[...][0:1]
    out_ref[...] = out

    @pl.when(i == 0)
    def _():
        stacc[...] = jnp.zeros_like(stacc)

    z = jnp.zeros((6, FP), jnp.float32)
    stacc[...] += jnp.concatenate(
        [jnp.sum(out, 0, keepdims=True), jnp.sum(out * out, 0, keepdims=True),
         z], axis=0)

    @pl.when(i == nblk - 1)
    def _():
        st_ref[...] = stacc[...]



FT = T * FIN
FTP = 384
NW = 16
KB = 128
NBLK = N // NW
NTILES = 32
NCH = FTP // 16
WROWS = NW + 2
FINF = 3.0e38


NPASS = 2
CPP = NCH // NPASS


def _seg_kernel(bt_hbm, src_hbm, rp_hbm,
                s_hbm, q_hbm, mn_hbm, mx_hbm,
                rp_v, idx_v, rows_v,
                s_w, q_w, mn_w, mx_w, sem):
    cid = lax.axis_index("c")
    sid = lax.axis_index("s")
    wid = sid * 2 + cid

    pltpu.sync_copy(rp_hbm, rp_v)

    nk = (NBLK + NTILES - 1) // NTILES
    zv = jnp.zeros((16,), jnp.float32)
    ident = ([zv] * CPP) + ([zv] * CPP) + ([zv + FINF] * CPP) + ([zv - FINF] * CPP)

    def combine(row, accs, cbase):
        for j in range(CPP):
            slc = pl.ds(row * FTP + cbase + j * 16, 16)
            plsc.addupdate(s_w.at[slc], accs[j])
            plsc.addupdate(q_w.at[slc], accs[CPP + j])
            mn_w[slc] = jnp.minimum(mn_w[slc], accs[2 * CPP + j])
            mx_w[slc] = jnp.maximum(mx_w[slc], accs[3 * CPP + j])

    def block_body(k, _):
        bi = wid + NTILES * k

        @pl.when(bi < NBLK)
        def _():
            ev = rp_v[pl.ds(NW * bi, 16)]
            ev2 = rp_v[pl.ds(NW * bi + 8, 16)]
            e0 = ev[0]
            e1 = ev2[8]
            a0 = (e0 // 8) * 8
            nsub = lax.div(e1 - a0 + KB - 1, KB)

            def init_body(r, _):
                s_w[pl.ds(r * 16, 16)] = zv
                q_w[pl.ds(r * 16, 16)] = zv
                mn_w[pl.ds(r * 16, 16)] = zv + FINF
                mx_w[pl.ds(r * 16, 16)] = zv - FINF
                return 0
            lax.fori_loop(0, NW * NCH, init_body, 0)

            def sub_body(sb, _):
                estart = a0 + sb * KB
                pltpu.sync_copy(src_hbm.at[pl.ds(estart, KB)], idx_v)
                pltpu.async_copy(bt_hbm.at[idx_v], rows_v, sem).wait()

                def node_body(n, _):
                    pv = rp_v[pl.ds(NW * bi + n, 16)]
                    lo = jnp.maximum(pv[0], estart)
                    hi = jnp.minimum(pv[1], estart + KB)

                    @pl.when(hi > lo)
                    def _():
                        for p in range(NPASS):
                            cbase = p * CPP * 16

                            def edge_body(e, accs):
                                r = e - estart
                                out = []
                                for j in range(CPP):
                                    b = rows_v[r, pl.ds(cbase + j * 16, 16)]
                                    out.append(accs[j] + b)
                                for j in range(CPP):
                                    b = rows_v[r, pl.ds(cbase + j * 16, 16)]
                                    out.append(accs[CPP + j] + b * b)
                                for j in range(CPP):
                                    b = rows_v[r, pl.ds(cbase + j * 16, 16)]
                                    out.append(jnp.minimum(accs[2 * CPP + j], b))
                                for j in range(CPP):
                                    b = rows_v[r, pl.ds(cbase + j * 16, 16)]
                                    out.append(jnp.maximum(accs[3 * CPP + j], b))
                                return tuple(out)

                            fin = lax.fori_loop(lo, hi, edge_body, tuple(ident))
                            combine(n, list(fin), cbase)
                    return 0
                lax.fori_loop(0, NW, node_body, 0)
                return 0
            lax.fori_loop(0, nsub, sub_body, 0)

            nbase = NW * bi * FTP
            pltpu.sync_copy(s_w.at[pl.ds(0, NW * FTP)],
                            s_hbm.at[pl.ds(nbase, NW * FTP)])
            pltpu.sync_copy(q_w.at[pl.ds(0, NW * FTP)],
                            q_hbm.at[pl.ds(nbase, NW * FTP)])
            pltpu.sync_copy(mn_w.at[pl.ds(0, NW * FTP)],
                            mn_hbm.at[pl.ds(nbase, NW * FTP)])
            pltpu.sync_copy(mx_w.at[pl.ds(0, NW * FTP)],
                            mx_hbm.at[pl.ds(nbase, NW * FTP)])
        return 0

    lax.fori_loop(0, nk, block_body, 0)


@jax.jit
def _seg_reduce(bt4, src4, rowptr):
    mesh = plsc.VectorSubcoreMesh(core_axis_name="c", subcore_axis_name="s")
    f32 = jnp.float32
    fn = pl.kernel(
        _seg_kernel,
        mesh=mesh,
        out_type=[jax.ShapeDtypeStruct((N * FTP,), f32) for _ in range(4)],
        scratch_types=[
            pltpu.VMEM((RPN,), jnp.int32),
            pltpu.VMEM((KB,), jnp.int32),
            pltpu.VMEM((KB, FTP), f32),
            pltpu.VMEM((NW * FTP,), f32),
            pltpu.VMEM((NW * FTP,), f32),
            pltpu.VMEM((NW * FTP,), f32),
            pltpu.VMEM((NW * FTP,), f32),
            pltpu.SemaphoreType.DMA,
        ],
    )
    s4, q4, mn4, mx4 = fn(bt4, src4, rowptr)
    return (s4.reshape(N, FTP), q4.reshape(N, FTP),
            mn4.reshape(N, FTP), mx4.reshape(N, FTP))


EPAD = E + 2 * KB
RPN = 10016


def _bf(a):
    return a.astype(jnp.bfloat16)


def _mm(a, b):
    return jnp.dot(_bf(a), _bf(b), preferred_element_type=jnp.float32)


def _es(spec, a, b):
    return jnp.einsum(spec, _bf(a), _bf(b), preferred_element_type=jnp.float32)


def kernel(*args):
    return _impl(*args)


def _impl(x, edge_index, edge_attr, batch, node_emb, edge_emb, edge_enc_W, edge_enc_b, pre_W, pre_b, post_W, post_b, lin_W, lin_b, bn_gamma, bn_beta, mlp_W1, mlp_b1, mlp_W2, mlp_b2, mlp_W3, mlp_b3):
    src, dst = edge_index[0], edge_index[1]
    perm = jnp.argsort(dst)
    src_s = src[perm].astype(jnp.int32)
    dst_s = dst[perm].astype(jnp.int32)
    attr_s = edge_attr[perm].astype(jnp.int32)
    rowptr = jnp.searchsorted(dst_s, jnp.arange(N + 1)).astype(jnp.int32)
    rowptr = jnp.pad(rowptr, (0, RPN - N - 1), constant_values=E)
    src4_p = jnp.pad(4 * src_s + attr_s, (0, EPAD - E))
    TF = T * FIN
    NB = N // DBLK
    full2 = lambda shape: pl.BlockSpec(shape, lambda i: (0, 0))
    blk2 = lambda c: pl.BlockSpec((DBLK, c), lambda i: (i, 0))
    x3 = x.astype(jnp.int32).reshape(NB, 1, DBLK)
    embp = _pad2(node_emb, 32, FP)
    f32 = jnp.float32
    raw = st = gam = bet = None
    for l in range(L):
        ee4 = _mm(edge_emb, edge_enc_W[l]) + edge_enc_b[l]
        C = _es('kf,tfo->kto', ee4, pre_W[l][:, 2 * FIN:]).reshape(4, TF)
        ctp = jnp.pad(C, ((0, 4), (0, FTP - FT)))
        ctp = ctp.at[0:4, FT].set(1.0)
        wd = _pad2(pre_W[l][:, :FIN].transpose(1, 0, 2).reshape(FIN, TF),
                   FP, FTP)
        ws = _pad2(pre_W[l][:, FIN:2 * FIN].transpose(1, 0, 2).reshape(FIN, TF),
                   FP, FTP)
        preb = _pad2(pre_b[l].reshape(1, TF), 8, FTP)
        wspecs = [full2((FP, FTP)), full2((FP, FTP)), full2((8, FTP)),
                  full2((8, FTP))]
        outspecs = [blk2(FP), blk2(FTP),
                    pl.BlockSpec((DBLK, 4, FTP), lambda i: (i, 0, 0))]
        outshapes = [jax.ShapeDtypeStruct((N, FP), f32),
                     jax.ShapeDtypeStruct((N, FTP), f32),
                     jax.ShapeDtypeStruct((N, 4, FTP), f32)]
        if l == 0:
            h, A, b4 = pl.pallas_call(
                _k0_kernel, grid=(NB,),
                in_specs=[pl.BlockSpec((1, 1, DBLK), lambda i: (i, 0, 0)),
                          full2((32, FP))] + wspecs,
                out_specs=outspecs, out_shape=outshapes,
            )(x3, embp, wd, ws, preb, ctp)
        else:
            h, A, b4 = pl.pallas_call(
                _k1bn_kernel, grid=(NB,),
                in_specs=[blk2(FP), full2((8, FP)), full2((8, FP)),
                          full2((8, FP))] + wspecs,
                out_specs=outspecs, out_shape=outshapes,
            )(raw, st, gam, bet, wd, ws, preb, ctp)

        S4, Q4, MN4, MX4 = _seg_reduce(b4.reshape(4 * N, FTP),
                                       src4_p, rowptr)

        P = post_W[l]
        eye = jnp.eye(T, dtype=f32)
        p1 = _pad2(P[:, :FIN].transpose(1, 0, 2).reshape(FIN, T * FOUT),
                   FP, FP)
        bds = [_pad2(jnp.einsum('tfo,ts->tfso', P[:, c * FIN:(c + 1) * FIN],
                                eye).reshape(TF, T * FOUT), FTP, FP)
               for c in range(1, 5)]
        postb = _pad2(post_b[l].reshape(1, T * FOUT), 8, FP)
        linp = _pad2(lin_W[l], FP, FP)
        linb = _pad2(lin_b[l].reshape(1, -1), 8, FP)
        gam = _pad2(bn_gamma[l].reshape(1, -1), 8, FP)
        bet = _pad2(bn_beta[l].reshape(1, -1), 8, FP)
        raw, st = pl.pallas_call(
            _k2_kernel, grid=(NB,),
            in_specs=[blk2(FTP)] * 5 + [blk2(FP)]
            + [full2((FP, FP))] + [full2((FTP, FP))] * 4
            + [full2((8, FP)), full2((FP, FP)), full2((8, FP))],
            out_specs=[blk2(FP), pl.BlockSpec((8, FP), lambda i: (0, 0))],
            out_shape=[jax.ShapeDtypeStruct((N, FP), f32),
                       jax.ShapeDtypeStruct((8, FP), f32)],
            scratch_shapes=[pltpu.VMEM((8, FP), f32)],
        )(S4, Q4, MN4, MX4, A, h, p1, *bds, postb, linp, linb)
        st = pl.pallas_call(
            _var_kernel, grid=(NB,),
            in_specs=[blk2(FP), pl.BlockSpec((8, FP), lambda i: (0, 0))],
            out_specs=pl.BlockSpec((8, FP), lambda i: (0, 0)),
            out_shape=jax.ShapeDtypeStruct((8, FP), f32),
            scratch_shapes=[pltpu.VMEM((8, FP), f32)],
        )(raw, st)

    g = pl.pallas_call(
        _pool_kernel,
        grid=(N // BLK,),
        in_specs=[pl.BlockSpec((1, 1, BLK), lambda i: (i, 0, 0)),
                  pl.BlockSpec((BLK, FP), lambda i: (i, 0)),
                  pl.BlockSpec((8, FP), lambda i: (0, 0)),
                  pl.BlockSpec((8, FP), lambda i: (0, 0)),
                  pl.BlockSpec((8, FP), lambda i: (0, 0))],
        out_specs=pl.BlockSpec((G, FP), lambda i: (0, 0)),
        out_shape=jax.ShapeDtypeStruct((G, FP), jnp.float32),
        scratch_shapes=[pltpu.VMEM((G, FP), jnp.float32)],
    )(batch.astype(jnp.int32).reshape(N // BLK, 1, BLK), raw, st, gam, bet)

    w1 = _pad2(mlp_W1, FP, FP)
    b1 = _pad2(mlp_b1.reshape(1, -1), 1, FP)
    w2 = _pad2(mlp_W2, FP, FP)
    b2 = _pad2(mlp_b2.reshape(1, -1), 1, FP)
    w3 = _pad2(mlp_W3, FP, FP)
    b3 = _pad2(mlp_b3.reshape(1, -1), 1, FP)
    out = pl.pallas_call(
        _mlp_kernel,
        out_shape=jax.ShapeDtypeStruct((G, FP), jnp.float32),
    )(g, w1, b1, w2, b2, w3, b3)
    return out[:, :1]

# --- scband reference (transcript-rebuilt; emitter-appended) ---
"""Pipeline reference for scband-net-32916629357166 (READ-ONLY COPY).

The authoritative reference and input builder live on the scoring server;
editing this copy changes nothing except your own understanding.
"""

import jax, jax.numpy as jnp
import numpy as np

N = 10000
E = 160000
G = 256
L = 4
T = 5
FIN = 75
FOUT = 15

def _glorot(key, shape, fan_in):
    return (jax.random.uniform(key, shape, minval=-1.0, maxval=1.0) * (1.0 / np.sqrt(fan_in))).astype(jnp.float32)

def setup_inputs(seed=0):
    key = jax.random.key(seed)
    ks = jax.random.split(key, 24)
    inp = {}
    inp['x'] = jax.random.randint(ks[0], (N,), 0, 21)
    inp['edge_index'] = jax.random.randint(ks[1], (2, E), 0, N)
    inp['edge_attr'] = jax.random.randint(ks[2], (E,), 0, 4)
    inp['batch'] = jnp.sort(jax.random.randint(ks[3], (N,), 0, G))
    inp['node_emb'] = jax.random.normal(ks[4], (21, FIN), dtype=jnp.float32)
    inp['edge_emb'] = jax.random.normal(ks[5], (4, 50), dtype=jnp.float32)
    inp['edge_enc_W'] = _glorot(ks[6], (L, 50, FIN), 50)
    inp['edge_enc_b'] = jnp.zeros((L, FIN), dtype=jnp.float32)
    inp['pre_W'] = _glorot(ks[7], (L, T, 3 * FIN, FIN), 3 * FIN)
    inp['pre_b'] = jnp.zeros((L, T, FIN), dtype=jnp.float32)
    inp['post_W'] = _glorot(ks[8], (L, T, 5 * FIN, FOUT), 5 * FIN)
    inp['post_b'] = jnp.zeros((L, T, FOUT), dtype=jnp.float32)
    inp['lin_W'] = _glorot(ks[9], (L, FIN, FIN), FIN)
    inp['lin_b'] = jnp.zeros((L, FIN), dtype=jnp.float32)
    inp['bn_gamma'] = jnp.ones((L, FIN), dtype=jnp.float32)
    inp['bn_beta'] = jnp.zeros((L, FIN), dtype=jnp.float32)
    inp['mlp_W1'] = _glorot(ks[10], (75, 50), 75)
    inp['mlp_b1'] = jnp.zeros((50,), dtype=jnp.float32)
    inp['mlp_W2'] = _glorot(ks[11], (50, 25), 50)
    inp['mlp_b2'] = jnp.zeros((25,), dtype=jnp.float32)
    inp['mlp_W3'] = _glorot(ks[12], (25, 1), 25)
    inp['mlp_b3'] = jnp.zeros((1,), dtype=jnp.float32)
    return inp

def _net(x, edge_index, edge_attr, batch, node_emb, edge_emb, edge_enc_W, edge_enc_b, pre_W, pre_b, post_W, post_b, lin_W, lin_b, bn_gamma, bn_beta, mlp_W1, mlp_b1, mlp_W2, mlp_b2, mlp_W3, mlp_b3):
    h = node_emb[x]
    e = edge_emb[edge_attr]
    src = edge_index[0]
    dst = edge_index[1]
    cnt = jax.ops.segment_sum(jnp.ones((E,), dtype=jnp.float32), dst, num_segments=N)
    cnt_c = jnp.maximum(cnt, 1.0)[:, None, None]
    empty = (cnt == 0.0)[:, None, None]
    for l in range(L):
        ee = e @ edge_enc_W[l] + edge_enc_b[l]
        msg_in = jnp.concatenate([h[dst], h[src], ee], axis=-1)
        m = jnp.einsum('ef,tfo->eto', msg_in, pre_W[l]) + pre_b[l]
        s = jax.ops.segment_sum(m, dst, num_segments=N)
        mean = s / cnt_c
        s2 = jax.ops.segment_sum(m * m, dst, num_segments=N) / cnt_c
        std = jnp.sqrt(jax.nn.relu(s2 - mean * mean) + 1e-5)
        mn = jnp.where(empty, 0.0, jax.ops.segment_min(m, dst, num_segments=N))
        mx = jnp.where(empty, 0.0, jax.ops.segment_max(m, dst, num_segments=N))
        aggr = jnp.concatenate([mean, mn, mx, std], axis=-1)
        ht = jnp.broadcast_to(h[:, None, :], (N, T, FIN))
        out = jnp.concatenate([ht, aggr], axis=-1)
        out = jnp.einsum('ntf,tfo->nto', out, post_W[l]) + post_b[l]
        out = out.reshape(N, T * FOUT)
        out = out @ lin_W[l] + lin_b[l]
        mu = out.mean(axis=0)
        var = out.var(axis=0)
        out = (out - mu) / jnp.sqrt(var + 1e-5) * bn_gamma[l] + bn_beta[l]
        h = jax.nn.relu(out)
    g = jax.ops.segment_sum(h, batch, num_segments=G)
    g = jax.nn.relu(g @ mlp_W1 + mlp_b1)
    g = jax.nn.relu(g @ mlp_W2 + mlp_b2)
    return g @ mlp_W3 + mlp_b3

def reference(x, edge_index, edge_attr, batch, node_emb, edge_emb, edge_enc_W, edge_enc_b, pre_W, pre_b, post_W, post_b, lin_W, lin_b, bn_gamma, bn_beta, mlp_W1, mlp_b1, mlp_W2, mlp_b2, mlp_W3, mlp_b3):
    return _net(x, edge_index, edge_attr, batch, node_emb, edge_emb, edge_enc_W, edge_enc_b, pre_W, pre_b, post_W, post_b, lin_W, lin_b, bn_gamma, bn_beta, mlp_W1, mlp_b1, mlp_W2, mlp_b2, mlp_W3, mlp_b3)

if __name__ == "__main__":
    import jax
    _d = setup_inputs()
    print(jax.jit(kernel)(*tuple(_d.values())))

</pallas_src>

<mosaic_0001>
#map = affine_map<(d0, d1) -> (0, 0)>
#map1 = affine_map<(d0, d1) -> (0)>
module attributes {stable_mosaic.version = 14 : i64} {
  func.func @_seg_kernel(%arg0: i32, %arg1: i32, %arg2: memref<40000x384xf32, #tpu.memory_space<hbm>>, %arg3: memref<160256xi32, #tpu.memory_space<hbm>>, %arg4: memref<10016xi32, #tpu.memory_space<hbm>>, %arg5: memref<3840000xf32, #tpu.memory_space<hbm>>, %arg6: memref<3840000xf32, #tpu.memory_space<hbm>>, %arg7: memref<3840000xf32, #tpu.memory_space<hbm>>, %arg8: memref<3840000xf32, #tpu.memory_space<hbm>>, %arg9: memref<10016xi32, #tpu.memory_space<vmem>>, %arg10: memref<128xi32, #tpu.memory_space<vmem>>, %arg11: memref<128x384xf32, #tpu.memory_space<vmem>>, %arg12: memref<6144xf32, #tpu.memory_space<vmem>>, %arg13: memref<6144xf32, #tpu.memory_space<vmem>>, %arg14: memref<6144xf32, #tpu.memory_space<vmem>>, %arg15: memref<6144xf32, #tpu.memory_space<vmem>>, %arg16: memref<!tpu.dma_semaphore, #tpu.memory_space<semaphore_mem>>) attributes {dimension_semantics = [#tpu.dimension_semantics<core_parallel>, #tpu.dimension_semantics<subcore_parallel>], iteration_bounds = array<i64: 2, 16>, scalar_prefetch = 0 : i64, scratch_operands = 8 : i64, tpu.core_type = #tpu.core_type<sc_vector_subcore>, window_params = [{transform_indices = #map}, {transform_indices = #map1}, {transform_indices = #map1}, {transform_indices = #map1}, {transform_indices = #map1}, {transform_indices = #map1}, {transform_indices = #map1}]} {
    %mul3A = arith.constant 2 : i32
    %mul3A_0 = arith.muli %arg1, %mul3A : i32
    %add3A = arith.addi %mul3A_0, %arg0 : i32
    "tpu.region"() ({
      %run_scoped3A = tpu.sem_alloc : memref<!tpu.dma_semaphore, #tpu.memory_space<semaphore_mem>>
      tpu.enqueue_dma source(%arg4 : memref<10016xi32, #tpu.memory_space<hbm>>) target(%arg9 : memref<10016xi32, #tpu.memory_space<vmem>>) target_semaphore(%run_scoped3A : memref<!tpu.dma_semaphore, #tpu.memory_space<semaphore_mem>>)
      tpu.wait_dma2 semaphore(%run_scoped3A : memref<!tpu.dma_semaphore, #tpu.memory_space<semaphore_mem>>) src(%arg4 : memref<10016xi32, #tpu.memory_space<hbm>>) dst(%arg9 : memref<10016xi32, #tpu.memory_space<vmem>>)
      tpu.yield
    }) : () -> ()
    %broadcast_in_dim3A = arith.constant 0.000000e+00 : f32
    %broadcast_in_dim3A_1 = vector.broadcast %broadcast_in_dim3A : f32 to vector<16xf32>
    %add3A_2 = arith.constant 3.000000e+38 : f32
    %add3A_3 = vector.broadcast %add3A_2 : f32 to vector<16xf32>
    %add3A_4 = arith.addf %broadcast_in_dim3A_1, %add3A_3 : vector<16xf32>
    %sub3A = arith.constant 3.000000e+38 : f32
    %sub3A_5 = vector.broadcast %sub3A : f32 to vector<16xf32>
    %sub3A_6 = arith.subf %broadcast_in_dim3A_1, %sub3A_5 : vector<16xf32>
    %scan3A = arith.constant 0 : i32
    %scan3A_7 = arith.constant 0 : i32
    %scan3A_8 = arith.constant 20 : i32
    %scan3A_9 = arith.addi %scan3A_7, %scan3A_8 : i32
    %scan3A_10 = arith.constant 1 : i32
    %scan3A_11 = scf.for %scan3A_13 = %scan3A_7 to %scan3A_9 step %scan3A_10 iter_args(%scan3A_14 = %scan3A) -> (i32)  : i32 {
      %mul3A_15 = arith.constant 32 : i32
      %mul3A_16 = arith.muli %mul3A_15, %scan3A_13 : i32
      %add3A_17 = arith.addi %add3A, %mul3A_16 : i32
      %lt3A = arith.constant 625 : i32
      %lt3A_18 = arith.cmpi slt, %add3A_17, %lt3A : i32
      %convert_element_type3A = arith.extui %lt3A_18 : i1 to i32
      %cond3A = arith.constant 0 : i32
      %cond3A_19 = arith.cmpi ne, %convert_element_type3A, %cond3A : i32
      scf.if %cond3A_19 {
        %mul3A_21 = arith.constant 16 : i32
        %mul3A_22 = arith.muli %mul3A_21, %add3A_17 : i32
        %get3A = arith.index_cast %mul3A_22 : i32 to index
        %get3A_23 = tpu.vector_load %arg9[%get3A] {strides = array<i32>} : memref<10016xi32, #tpu.memory_space<vmem>>, vector<16xi32>,
        %get3A_24 = vector.shape_cast %get3A_23 : vector<16xi32> to vector<16xi32>
        %mul3A_25 = arith.constant 16 : i32
        %mul3A_26 = arith.muli %mul3A_25, %add3A_17 : i32
        %add3A_27 = arith.constant 8 : i32
        %add3A_28 = arith.addi %mul3A_26, %add3A_27 : i32
        %get3A_29 = arith.index_cast %add3A_28 : i32 to index
        %get3A_30 = tpu.vector_load %arg9[%get3A_29] {strides = array<i32>} : memref<10016xi32, #tpu.memory_space<vmem>>, vector<16xi32>,
        %get3A_31 = vector.shape_cast %get3A_30 : vector<16xi32> to vector<16xi32>
        %slice3A = vector.extract_strided_slice %get3A_24 {offsets = [0], sizes = [1], strides = [1]} : vector<16xi32> to vector<1xi32>
        %squeeze3A = vector.extract %slice3A[0] : i32 from vector<1xi32>
        %slice3A_32 = vector.extract_strided_slice %get3A_31 {offsets = [8], sizes = [1], strides = [1]} : vector<16xi32> to vector<1xi32>
        %squeeze3A_33 = vector.extract %slice3A_32[0] : i32 from vector<1xi32>
        %jit3A = arith.constant 8 : i32
        %div3A = arith.divsi %squeeze3A, %jit3A : i32
        %sign3A = arith.constant 0 : i32
        %sign3A_34 = arith.cmpi sgt, %squeeze3A, %sign3A : i32
        %sign3A_35 = arith.extui %sign3A_34 : i1 to i32
        %sign3A_36 = arith.constant 0 : i32
        %sign3A_37 = arith.cmpi slt, %squeeze3A, %sign3A_36 : i32
        %sign3A_38 = arith.extui %sign3A_37 : i1 to i32
        %sign3A_39 = arith.subi %sign3A_35, %sign3A_38 : i32
        %sign3A_40 = arith.constant 0 : i32
        %sign3A_41 = arith.cmpi sgt, %jit3A, %sign3A_40 : i32
        %sign3A_42 = arith.extui %sign3A_41 : i1 to i32
        %sign3A_43 = arith.constant 0 : i32
        %sign3A_44 = arith.cmpi slt, %jit3A, %sign3A_43 : i32
        %sign3A_45 = arith.extui %sign3A_44 : i1 to i32
        %sign3A_46 = arith.subi %sign3A_42, %sign3A_45 : i32
        %ne3A = arith.cmpi ne, %sign3A_39, %sign3A_46 : i32
        %rem3A = arith.remsi %squeeze3A, %jit3A : i32
        %ne3A_47 = arith.constant 0 : i32
        %ne3A_48 = arith.cmpi ne, %rem3A, %ne3A_47 : i32
        %and3A = arith.andi %ne3A, %ne3A_48 : i1
        %sub3A_49 = arith.constant 1 : i32
        %sub3A_50 = arith.subi %div3A, %sub3A_49 : i32
        %select_n3A = arith.select %and3A, %sub3A_50, %div3A : i32
        %mul3A_51 = arith.constant 8 : i32
        %mul3A_52 = arith.muli %select_n3A, %mul3A_51 : i32
        %sub3A_53 = arith.subi %squeeze3A_33, %mul3A_52 : i32
        %add3A_54 = arith.constant 128 : i32
        %add3A_55 = arith.addi %sub3A_53, %add3A_54 : i32
        %sub3A_56 = arith.constant 1 : i32
        %sub3A_57 = arith.subi %add3A_55, %sub3A_56 : i32
        %div3A_58 = arith.constant 128 : i32
        %div3A_59 = arith.divsi %sub3A_57, %div3A_58 : i32
        %scan3A_60 = arith.constant 0 : i32
        %scan3A_61 = arith.constant 0 : i32
        %scan3A_62 = arith.constant 384 : i32
        %scan3A_63 = arith.addi %scan3A_61, %scan3A_62 : i32
        %scan3A_64 = arith.constant 1 : i32
        %scan3A_65 = scf.for %scan3A_82 = %scan3A_61 to %scan3A_63 step %scan3A_64 iter_args(%scan3A_83 = %scan3A_60) -> (i32)  : i32 {
          %mul3A_84 = arith.constant 16 : i32
          %mul3A_85 = arith.muli %scan3A_82, %mul3A_84 : i32
          %swap3A = arith.index_cast %mul3A_85 : i32 to index
          %swap3A_86 = tpu.vector_load %arg12[%swap3A] {strides = array<i32>} : memref<6144xf32, #tpu.memory_space<vmem>>, vector<16xf32>,
          %swap3A_87 = vector.shape_cast %swap3A_86 : vector<16xf32> to vector<16xf32>
          %swap3A_88 = vector.shape_cast %broadcast_in_dim3A_1 : vector<16xf32> to vector<16xf32>
          tpu.vector_store %arg12[%swap3A], %swap3A_88 {strides = array<i32>} : memref<6144xf32, #tpu.memory_space<vmem>>, vector<16xf32>,
          %mul3A_89 = arith.constant 16 : i32
          %mul3A_90 = arith.muli %scan3A_82, %mul3A_89 : i32
          %swap3A_91 = arith.index_cast %mul3A_90 : i32 to index
          %swap3A_92 = tpu.vector_load %arg13[%swap3A_91] {strides = array<i32>} : memref<6144xf32, #tpu.memory_space<vmem>>, vector<16xf32>,
          %swap3A_93 = vector.shape_cast %swap3A_92 : vector<16xf32> to vector<16xf32>
          %swap3A_94 = vector.shape_cast %broadcast_in_dim3A_1 : vector<16xf32> to vector<16xf32>
          tpu.vector_store %arg13[%swap3A_91], %swap3A_94 {strides = array<i32>} : memref<6144xf32, #tpu.memory_space<vmem>>, vector<16xf32>,
          %add3A_95 = arith.constant 3.000000e+38 : f32
          %add3A_96 = vector.broadcast %add3A_95 : f32 to vector<16xf32>
          %add3A_97 = arith.addf %broadcast_in_dim3A_1, %add3A_96 : vector<16xf32>
          %mul3A_98 = arith.constant 16 : i32
          %mul3A_99 = arith.muli %scan3A_82, %mul3A_98 : i32
          %swap3A_100 = arith.index_cast %mul3A_99 : i32 to index
          %swap3A_101 = tpu.vector_load %arg14[%swap3A_100] {strides = array<i32>} : memref<6144xf32, #tpu.memory_space<vmem>>, vector<16xf32>,
          %swap3A_102 = vector.shape_cast %swap3A_101 : vector<16xf32> to vector<16xf32>
          %swap3A_103 = vector.shape_cast %add3A_97 : vector<16xf32> to vector<16xf32>
          tpu.vector_store %arg14[%swap3A_100], %swap3A_103 {strides = array<i32>} : memref<6144xf32, #tpu.memory_space<vmem>>, vector<16xf32>,
          %sub3A_104 = arith.constant 3.000000e+38 : f32
          %sub3A_105 = vector.broadcast %sub3A_104 : f32 to vector<16xf32>
          %sub3A_106 = arith.subf %broadcast_in_dim3A_1, %sub3A_105 : vector<16xf32>
          %mul3A_107 = arith.constant 16 : i32
          %mul3A_108 = arith.muli %scan3A_82, %mul3A_107 : i32
          %swap3A_109 = arith.index_cast %mul3A_108 : i32 to index
          %swap3A_110 = tpu.vector_load %arg15[%swap3A_109] {strides = array<i32>} : memref<6144xf32, #tpu.memory_space<vmem>>, vector<16xf32>,
          %swap3A_111 = vector.shape_cast %swap3A_110 : vector<16xf32> to vector<16xf32>
          %swap3A_112 = vector.shape_cast %sub3A_106 : vector<16xf32> to vector<16xf32>
          tpu.vector_store %arg15[%swap3A_109], %swap3A_112 {strides = array<i32>} : memref<6144xf32, #tpu.memory_space<vmem>>, vector<16xf32>,
          %scan3A_113 = arith.constant 0 : i32
          scf.yield %scan3A_113 : i32
        }
        %scan3A_66 = arith.constant 384 : i32
        %while3A = arith.constant 0 : i32
        %while3A_67 = arith.constant 0 : i32
        %while3A_68 = arith.subi %div3A_59, %while3A : i32
        %while3A_69 = arith.addi %while3A, %while3A_68 : i32
        %while3A_70 = arith.constant 1 : i32
        %while3A_71 = arith.divsi %while3A_68, %while3A_70 : i32
        %while3A_72 = arith.muli %while3A_71, %while3A_70 : i32
        %while3A_73 = arith.addi %while3A, %while3A_72 : i32
        %while3A_74 = arith.constant 1 : i32
        %while3A_75 = scf.for %while3A_82 = %while3A to %while3A_73 step %while3A_74 iter_args(%while3A_83 = %while3A_67) -> (i32)  : i32 {
          %mul3A_84 = arith.constant 128 : i32
          %mul3A_85 = arith.muli %while3A_82, %mul3A_84 : i32
          %add3A_86 = arith.addi %mul3A_52, %mul3A_85 : i32
          "tpu.region"() ({
            %run_scoped3A = tpu.sem_alloc : memref<!tpu.dma_semaphore, #tpu.memory_space<semaphore_mem>>
            %dma_start3A_99 = tpu.memref_slice %arg3[%add3A_86] : memref<160256xi32, #tpu.memory_space<hbm>> -> memref<128xi32, #tpu.memory_space<hbm>>
            %dma_start3A_100 = tpu.memref_slice %arg3[%add3A_86] : memref<160256xi32, #tpu.memory_space<hbm>> -> memref<128xi32, #tpu.memory_space<hbm>>
            tpu.enqueue_dma source(%dma_start3A_100 : memref<128xi32, #tpu.memory_space<hbm>>) target(%arg10 : memref<128xi32, #tpu.memory_space<vmem>>) target_semaphore(%run_scoped3A : memref<!tpu.dma_semaphore, #tpu.memory_space<semaphore_mem>>)
            %dma_wait3A_101 = tpu.memref_slice %arg3[%add3A_86] : memref<160256xi32, #tpu.memory_space<hbm>> -> memref<128xi32, #tpu.memory_space<hbm>>
            %dma_wait3A_102 = tpu.memref_slice %arg3[%add3A_86] : memref<160256xi32, #tpu.memory_space<hbm>> -> memref<128xi32, #tpu.memory_space<hbm>>
            tpu.wait_dma2 semaphore(%run_scoped3A : memref<!tpu.dma_semaphore, #tpu.memory_space<semaphore_mem>>) src(%dma_wait3A_102 : memref<128xi32, #tpu.memory_space<hbm>>) dst(%arg10 : memref<128xi32, #tpu.memory_space<vmem>>)
            tpu.yield
          }) : () -> ()
          %dma_start3A = arith.constant 0 : i32
          %dma_start3A_87 = arith.constant 0 : i32
          %dma_start3A_88 = tpu.memref_slice %arg2[%dma_start3A, %dma_start3A_87] : memref<40000x384xf32, #tpu.memory_space<hbm>> -> memref<40000x384xf32, #tpu.memory_space<hbm>>
          tpu.enqueue_indirect_dma source(%dma_start3A_88 : memref<40000x384xf32, #tpu.memory_space<hbm>>) target(%arg11 : memref<128x384xf32, #tpu.memory_space<vmem>>) offsets(%arg10 : memref<128xi32, #tpu.memory_space<vmem>>) semaphore(%arg16 : memref<!tpu.dma_semaphore, #tpu.memory_space<semaphore_mem>>)
          %dma_wait3A = arith.constant 0 : i32
          %dma_wait3A_89 = arith.constant 0 : i32
          %dma_wait3A_90 = tpu.memref_slice %arg2[%dma_wait3A, %dma_wait3A_89] : memref<40000x384xf32, #tpu.memory_space<hbm>> -> memref<40000x384xf32, #tpu.memory_space<hbm>>
          tpu.wait_indirect_dma semaphore(%arg16 : memref<!tpu.dma_semaphore, #tpu.memory_space<semaphore_mem>>) src(%dma_wait3A_90 : memref<40000x384xf32, #tpu.memory_space<hbm>>) dst(%arg11 : memref<128x384xf32, #tpu.memory_space<vmem>>)
          %scan3A_91 = arith.constant 0 : i32
          %scan3A_92 = arith.constant 0 : i32
          %scan3A_93 = arith.constant 16 : i32
          %scan3A_94 = arith.addi %scan3A_92, %scan3A_93 : i32
          %scan3A_95 = arith.constant 1 : i32
          %scan3A_96 = scf.for %scan3A_99 = %scan3A_92 to %scan3A_94 step %scan3A_95 iter_args(%scan3A_100 = %scan3A_91) -> (i32)  : i32 {
            %mul3A_101 = arith.constant 16 : i32
            %mul3A_102 = arith.muli %mul3A_101, %add3A_17 : i32
            %add3A_103 = arith.addi %mul3A_102, %scan3A_99 : i32
            %get3A_104 = arith.index_cast %add3A_103 : i32 to index
            %get3A_105 = tpu.vector_load %arg9[%get3A_104] {strides = array<i32>} : memref<10016xi32, #tpu.memory_space<vmem>>, vector<16xi32>,
            %get3A_106 = vector.shape_cast %get3A_105 : vector<16xi32> to vector<16xi32>
            %slice3A_107 = vector.extract_strided_slice %get3A_106 {offsets = [0], sizes = [1], strides = [1]} : vector<16xi32> to vector<1xi32>
            %squeeze3A_108 = vector.extract %slice3A_107[0] : i32 from vector<1xi32>
            %max3A = arith.maxsi %squeeze3A_108, %add3A_86 : i32
            %slice3A_109 = vector.extract_strided_slice %get3A_106 {offsets = [1], sizes = [1], strides = [1]} : vector<16xi32> to vector<1xi32>
            %squeeze3A_110 = vector.extract %slice3A_109[0] : i32 from vector<1xi32>
            %add3A_111 = arith.constant 128 : i32
            %add3A_112 = arith.addi %add3A_86, %add3A_111 : i32
            %min3A = arith.minsi %squeeze3A_110, %add3A_112 : i32
            %gt3A = arith.cmpi sgt, %min3A, %max3A : i32
            %convert_element_type3A_113 = arith.extui %gt3A : i1 to i32
            %cond3A_114 = arith.constant 0 : i32
            %cond3A_115 = arith.cmpi ne, %convert_element_type3A_113, %cond3A_114 : i32
            scf.if %cond3A_115 {
              %while3A_117 = arith.subi %min3A, %max3A : i32
              %while3A_118 = arith.addi %max3A, %while3A_117 : i32
              %while3A_119 = arith.constant 1 : i32
              %while3A_120 = arith.divsi %while3A_117, %while3A_119 : i32
              %while3A_121 = arith.muli %while3A_120, %while3A_119 : i32
              %while3A_122 = arith.addi %max3A, %while3A_121 : i32
              %while3A_123 = arith.constant 1 : i32
              %while3A_124:48 = scf.for %while3A_856 = %max3A to %while3A_122 step %while3A_123 iter_args(%while3A_857 = %broadcast_in_dim3A_1, %while3A_858 = %broadcast_in_dim3A_1, %while3A_859 = %broadcast_in_dim3A_1, %while3A_860 = %broadcast_in_dim3A_1, %while3A_861 = %broadcast_in_dim3A_1, %while3A_862 = %broadcast_in_dim3A_1, %while3A_863 = %broadcast_in_dim3A_1, %while3A_864 = %broadcast_in_dim3A_1, %while3A_865 = %broadcast_in_dim3A_1, %while3A_866 = %broadcast_in_dim3A_1, %while3A_867 = %broadcast_in_dim3A_1, %while3A_868 = %broadcast_in_dim3A_1, %while3A_869 = %broadcast_in_dim3A_1, %while3A_870 = %broadcast_in_dim3A_1, %while3A_871 = %broadcast_in_dim3A_1, %while3A_872 = %broadcast_in_dim3A_1, %while3A_873 = %broadcast_in_dim3A_1, %while3A_874 = %broadcast_in_dim3A_1, %while3A_875 = %broadcast_in_dim3A_1, %while3A_876 = %broadcast_in_dim3A_1, %while3A_877 = %broadcast_in_dim3A_1, %while3A_878 = %broadcast_in_dim3A_1, %while3A_879 = %broadcast_in_dim3A_1, %while3A_880 = %broadcast_in_dim3A_1, %while3A_881 = %add3A_4, %while3A_882 = %add3A_4, %while3A_883 = %add3A_4, %while3A_884 = %add3A_4, %while3A_885 = %add3A_4, %while3A_886 = %add3A_4, %while3A_887 = %add3A_4, %while3A_888 = %add3A_4, %while3A_889 = %add3A_4, %while3A_890 = %add3A_4, %while3A_891 = %add3A_4, %while3A_892 = %add3A_4, %while3A_893 = %sub3A_6, %while3A_894 = %sub3A_6, %while3A_895 = %sub3A_6, %while3A_896 = %sub3A_6, %while3A_897 = %sub3A_6, %while3A_898 = %sub3A_6, %while3A_899 = %sub3A_6, %while3A_900 = %sub3A_6, %while3A_901 = %sub3A_6, %while3A_902 = %sub3A_6, %while3A_903 = %sub3A_6, %while3A_904 = %sub3A_6) -> (vector<16xf32>, vector<16xf32>, vector<16xf32>, vector<16xf32>, vector<16xf32>, vector<16xf32>, vector<16xf32>, vector<16xf32>, vector<16xf32>, vector<16xf32>, vector<16xf32>, vector<16xf32>, vector<16xf32>, vector<16xf32>, vector<16xf32>, vector<16xf32>, vector<16xf32>, vector<16xf32>, vector<16xf32>, vector<16xf32>, vector<16xf32>, vector<16xf32>, vector<16xf32>, vector<16xf32>, vector<16xf32>, vector<16xf32>, vector<16xf32>, vector<16xf32>, vector<16xf32>, vector<16xf32>, vector<16xf32>, vector<16xf32>, vector<16xf32>, vector<16xf32>, vector<16xf32>, vector<16xf32>, vector<16xf32>, vector<16xf32>, vector<16xf32>, vector<16xf32>, vector<16xf32>, vector<16xf32>, vector<16xf32>, vector<16xf32>, vector<16xf32>, vector<16xf32>, vector<16xf32>, vector<16xf32>)  : i32 {
                %sub3A_905 = arith.subi %while3A_856, %add3A_86 : i32
                %get3A_906 = arith.index_cast %sub3A_905 : i32 to index
                %get3A_907 = arith.constant 0 : index
                %get3A_908 = tpu.vector_load %arg11[%get3A_906, %get3A_907] {strides = array<i32>} : memref<128x384xf32, #tpu.memory_space<vmem>>, vector<1x16xf32>,
                %get3A_909 = vector.shape_cast %get3A_908 : vector<1x16xf32> to vector<16xf32>
                %add3A_910 = arith.addf %while3A_857, %get3A_909 : vector<16xf32>
                %get3A_911 = arith.index_cast %sub3A_905 : i32 to index
                %get3A_912 = arith.constant 16 : index
                %get3A_913 = tpu.vector_load %arg11[%get3A_911, %get3A_912] {strides = array<i32>} : memref<128x384xf32, #tpu.memory_space<vmem>>, vector<1x16xf32>,
                %get3A_914 = vector.shape_cast %get3A_913 : vector<1x16xf32> to vector<16xf32>
                %add3A_915 = arith.addf %while3A_858, %get3A_914 : vector<16xf32>
                %get3A_916 = arith.index_cast %sub3A_905 : i32 to index
                %get3A_917 = arith.constant 32 : index
                %get3A_918 = tpu.vector_load %arg11[%get3A_916, %get3A_917] {strides = array<i32>} : memref<128x384xf32, #tpu.memory_space<vmem>>, vector<1x16xf32>,
                %get3A_919 = vector.shape_cast %get3A_918 : vector<1x16xf32> to vector<16xf32>
                %add3A_920 = arith.addf %while3A_859, %get3A_919 : vector<16xf32>
                %get3A_921 = arith.index_cast %sub3A_905 : i32 to index
                %get3A_922 = arith.constant 48 : index
                %get3A_923 = tpu.vector_load %arg11[%get3A_921, %get3A_922] {strides = array<i32>} : memref<128x384xf32, #tpu.memory_space<vmem>>, vector<1x16xf32>,
                %get3A_924 = vector.shape_cast %get3A_923 : vector<1x16xf32> to vector<16xf32>
                %add3A_925 = arith.addf %while3A_860, %get3A_924 : vector<16xf32>
                %get3A_926 = arith.index_cast %sub3A_905 : i32 to index
                %get3A_927 = arith.constant 64 : index
                %get3A_928 = tpu.vector_load %arg11[%get3A_926, %get3A_927] {strides = array<i32>} : memref<128x384xf32, #tpu.memory_space<vmem>>, vector<1x16xf32>,
                %get3A_929 = vector.shape_cast %get3A_928 : vector<1x16xf32> to vector<16xf32>
                %add3A_930 = arith.addf %while3A_861, %get3A_929 : vector<16xf32>
                %get3A_931 = arith.index_cast %sub3A_905 : i32 to index
                %get3A_932 = arith.constant 80 : index
                %get3A_933 = tpu.vector_load %arg11[%get3A_931, %get3A_932] {strides = array<i32>} : memref<128x384xf32, #tpu.memory_space<vmem>>, vector<1x16xf32>,
                %get3A_934 = vector.shape_cast %get3A_933 : vector<1x16xf32> to vector<16xf32>
                %add3A_935 = arith.addf %while3A_862, %get3A_934 : vector<16xf32>
                %get3A_936 = arith.index_cast %sub3A_905 : i32 to index
                %get3A_937 = arith.constant 96 : index
                %get3A_938 = tpu.vector_load %arg11[%get3A_936, %get3A_937] {strides = array<i32>} : memref<128x384xf32, #tpu.memory_space<vmem>>, vector<1x16xf32>,
                %get3A_939 = vector.shape_cast %get3A_938 : vector<1x16xf32> to vector<16xf32>
                %add3A_940 = arith.addf %while3A_863, %get3A_939 : vector<16xf32>
                %get3A_941 = arith.index_cast %sub3A_905 : i32 to index
                %get3A_942 = arith.constant 112 : index
                %get3A_943 = tpu.vector_load %arg11[%get3A_941, %get3A_942] {strides = array<i32>} : memref<128x384xf32, #tpu.memory_space<vmem>>, vector<1x16xf32>,
                %get3A_944 = vector.shape_cast %get3A_943 : vector<1x16xf32> to vector<16xf32>
                %add3A_945 = arith.addf %while3A_864, %get3A_944 : vector<16xf32>
                %get3A_946 = arith.index_cast %sub3A_905 : i32 to index
                %get3A_947 = arith.constant 128 : index
                %get3A_948 = tpu.vector_load %arg11[%get3A_946, %get3A_947] {strides = array<i32>} : memref<128x384xf32, #tpu.memory_space<vmem>>, vector<1x16xf32>,
                %get3A_949 = vector.shape_cast %get3A_948 : vector<1x16xf32> to vector<16xf32>
                %add3A_950 = arith.addf %while3A_865, %get3A_949 : vector<16xf32>
                %get3A_951 = arith.index_cast %sub3A_905 : i32 to index
                %get3A_952 = arith.constant 144 : index
                %get3A_953 = tpu.vector_load %arg11[%get3A_951, %get3A_952] {strides = array<i32>} : memref<128x384xf32, #tpu.memory_space<vmem>>, vector<1x16xf32>,
                %get3A_954 = vector.shape_cast %get3A_953 : vector<1x16xf32> to vector<16xf32>
                %add3A_955 = arith.addf %while3A_866, %get3A_954 : vector<16xf32>
                %get3A_956 = arith.index_cast %sub3A_905 : i32 to index
                %get3A_957 = arith.constant 160 : index
                %get3A_958 = tpu.vector_load %arg11[%get3A_956, %get3A_957] {strides = array<i32>} : memref<128x384xf32, #tpu.memory_space<vmem>>, vector<1x16xf32>,
                %get3A_959 = vector.shape_cast %get3A_958 : vector<1x16xf32> to vector<16xf32>
                %add3A_960 = arith.addf %while3A_867, %get3A_959 : vector<16xf32>
                %get3A_961 = arith.index_cast %sub3A_905 : i32 to index
                %get3A_962 = arith.constant 176 : index
                %get3A_963 = tpu.vector_load %arg11[%get3A_961, %get3A_962] {strides = array<i32>} : memref<128x384xf32, #tpu.memory_space<vmem>>, vector<1x16xf32>,
                %get3A_964 = vector.shape_cast %get3A_963 : vector<1x16xf32> to vector<16xf32>
                %add3A_965 = arith.addf %while3A_868, %get3A_964 : vector<16xf32>
                %get3A_966 = arith.index_cast %sub3A_905 : i32 to index
                %get3A_967 = arith.constant 0 : index
                %get3A_968 = tpu.vector_load %arg11[%get3A_966, %get3A_967] {strides = array<i32>} : memref<128x384xf32, #tpu.memory_space<vmem>>, vector<1x16xf32>,
                %get3A_969 = vector.shape_cast %get3A_968 : vector<1x16xf32> to vector<16xf32>
                %mul3A_970 = arith.mulf %get3A_969, %get3A_969 : vector<16xf32>
                %add3A_971 = arith.addf %while3A_869, %mul3A_970 : vector<16xf32>
                %get3A_972 = arith.index_cast %sub3A_905 : i32 to index
                %get3A_973 = arith.constant 16 : index
                %get3A_974 = tpu.vector_load %arg11[%get3A_972, %get3A_973] {strides = array<i32>} : memref<128x384xf32, #tpu.memory_space<vmem>>, vector<1x16xf32>,
                %get3A_975 = vector.shape_cast %get3A_974 : vector<1x16xf32> to vector<16xf32>
                %mul3A_976 = arith.mulf %get3A_975, %get3A_975 : vector<16xf32>
                %add3A_977 = arith.addf %while3A_870, %mul3A_976 : vector<16xf32>
                %get3A_978 = arith.index_cast %sub3A_905 : i32 to index
                %get3A_979 = arith.constant 32 : index
                %get3A_980 = tpu.vector_load %arg11[%get3A_978, %get3A_979] {strides = array<i32>} : memref<128x384xf32, #tpu.memory_space<vmem>>, vector<1x16xf32>,
                %get3A_981 = vector.shape_cast %get3A_980 : vector<1x16xf32> to vector<16xf32>
                %mul3A_982 = arith.mulf %get3A_981, %get3A_981 : vector<16xf32>
                %add3A_983 = arith.addf %while3A_871, %mul3A_982 : vector<16xf32>
                %get3A_984 = arith.index_cast %sub3A_905 : i32 to index
                %get3A_985 = arith.constant 48 : index
                %get3A_986 = tpu.vector_load %arg11[%get3A_984, %get3A_985] {strides = array<i32>} : memref<128x384xf32, #tpu.memory_space<vmem>>, vector<1x16xf32>,
                %get3A_987 = vector.shape_cast %get3A_986 : vector<1x16xf32> to vector<16xf32>
                %mul3A_988 = arith.mulf %get3A_987, %get3A_987 : vector<16xf32>
                %add3A_989 = arith.addf %while3A_872, %mul3A_988 : vector<16xf32>
                %get3A_990 = arith.index_cast %sub3A_905 : i32 to index
                %get3A_991 = arith.constant 64 : index
                %get3A_992 = tpu.vector_load %arg11[%get3A_990, %get3A_991] {strides = array<i32>} : memref<128x384xf32, #tpu.memory_space<vmem>>, vector<1x16xf32>,
                %get3A_993 = vector.shape_cast %get3A_992 : vector<1x16xf32> to vector<16xf32>
                %mul3A_994 = arith.mulf %get3A_993, %get3A_993 : vector<16xf32>
                %add3A_995 = arith.addf %while3A_873, %mul3A_994 : vector<16xf32>
                %get3A_996 = arith.index_cast %sub3A_905 : i32 to index
                %get3A_997 = arith.constant 80 : index
                %get3A_998 = tpu.vector_load %arg11[%get3A_996, %get3A_997] {strides = array<i32>} : memref<128x384xf32, #tpu.memory_space<vmem>>, vector<1x16xf32>,
                %get3A_999 = vector.shape_cast %get3A_998 : vector<1x16xf32> to vector<16xf32>
                %mul3A_1000 = arith.mulf %get3A_999, %get3A_999 : vector<16xf32>
                %add3A_1001 = arith.addf %while3A_874, %mul3A_1000 : vector<16xf32>
                %get3A_1002 = arith.index_cast %sub3A_905 : i32 to index
                %get3A_1003 = arith.constant 96 : index
                %get3A_1004 = tpu.vector_load %arg11[%get3A_1002, %get3A_1003] {strides = array<i32>} : memref<128x384xf32, #tpu.memory_space<vmem>>, vector<1x16xf32>,
                %get3A_1005 = vector.shape_cast %get3A_1004 : vector<1x16xf32> to vector<16xf32>
                %mul3A_1006 = arith.mulf %get3A_1005, %get3A_1005 : vector<16xf32>
                %add3A_1007 = arith.addf %while3A_875, %mul3A_1006 : vector<16xf32>
                %get3A_1008 = arith.index_cast %sub3A_905 : i32 to index
                %get3A_1009 = arith.constant 112 : index
                %get3A_1010 = tpu.vector_load %arg11[%get3A_1008, %get3A_1009] {strides = array<i32>} : memref<128x384xf32, #tpu.memory_space<vmem>>, vector<1x16xf32>,
                %get3A_1011 = vector.shape_cast %get3A_1010 : vector<1x16xf32> to vector<16xf32>
                %mul3A_1012 = arith.mulf %get3A_1011, %get3A_1011 : vector<16xf32>
                %add3A_1013 = arith.addf %while3A_876, %mul3A_1012 : vector<16xf32>
                %get3A_1014 = arith.index_cast %sub3A_905 : i32 to index
                %get3A_1015 = arith.constant 128 : index
                %get3A_1016 = tpu.vector_load %arg11[%get3A_1014, %get3A_1015] {strides = array<i32>} : memref<128x384xf32, #tpu.memory_space<vmem>>, vector<1x16xf32>,
                %get3A_1017 = vector.shape_cast %get3A_1016 : vector<1x16xf32> to vector<16xf32>
                %mul3A_1018 = arith.mulf %get3A_1017, %get3A_1017 : vector<16xf32>
                %add3A_1019 = arith.addf %while3A_877, %mul3A_1018 : vector<16xf32>
                %get3A_1020 = arith.index_cast %sub3A_905 : i32 to index
                %get3A_1021 = arith.constant 144 : index
                %get3A_1022 = tpu.vector_load %arg11[%get3A_1020, %get3A_1021] {strides = array<i32>} : memref<128x384xf32, #tpu.memory_space<vmem>>, vector<1x16xf32>,
                %get3A_1023 = vector.shape_cast %get3A_1022 : vector<1x16xf32> to vector<16xf32>
                %mul3A_1024 = arith.mulf %get3A_1023, %get3A_1023 : vector<16xf32>
                %add3A_1025 = arith.addf %while3A_878, %mul3A_1024 : vector<16xf32>
                %get3A_1026 = arith.index_cast %sub3A_905 : i32 to index
                %get3A_1027 = arith.constant 160 : index
                %get3A_1028 = tpu.vector_load %arg11[%get3A_1026, %get3A_1027] {strides = array<i32>} : memref<128x384xf32, #tpu.memory_space<vmem>>, vector<1x16xf32>,
                %get3A_1029 = vector.shape_cast %get3A_1028 : vector<1x16xf32> to vector<16xf32>
                %mul3A_1030 = arith.mulf %get3A_1029, %get3A_1029 : vector<16xf32>
                %add3A_1031 = arith.addf %while3A_879, %mul3A_1030 : vector<16xf32>
                %get3A_1032 = arith.index_cast %sub3A_905 : i32 to index
                %get3A_1033 = arith.constant 176 : index
                %get3A_1034 = tpu.vector_load %arg11[%get3A_1032, %get3A_1033] {strides = array<i32>} : memref<128x384xf32, #tpu.memory_space<vmem>>, vector<1x16xf32>,
                %get3A_1035 = vector.shape_cast %get3A_1034 : vector<1x16xf32> to vector<16xf32>
                %mul3A_1036 = arith.mulf %get3A_1035, %get3A_1035 : vector<16xf32>
                %add3A_1037 = arith.addf %while3A_880, %mul3A_1036 : vector<16xf32>
                %get3A_1038 = arith.index_cast %sub3A_905 : i32 to index
                %get3A_1039 = arith.constant 0 : index
                %get3A_1040 = tpu.vector_load %arg11[%get3A_1038, %get3A_1039] {strides = array<i32>} : memref<128x384xf32, #tpu.memory_space<vmem>>, vector<1x16xf32>,
                %get3A_1041 = vector.shape_cast %get3A_1040 : vector<1x16xf32> to vector<16xf32>
                %min3A_1042 = arith.minimumf %while3A_881, %get3A_1041 : vector<16xf32>
                %get3A_1043 = arith.index_cast %sub3A_905 : i32 to index
                %get3A_1044 = arith.constant 16 : index
                %get3A_1045 = tpu.vector_load %arg11[%get3A_1043, %get3A_1044] {strides = array<i32>} : memref<128x384xf32, #tpu.memory_space<vmem>>, vector<1x16xf32>,
                %get3A_1046 = vector.shape_cast %get3A_1045 : vector<1x16xf32> to vector<16xf32>
                %min3A_1047 = arith.minimumf %while3A_882, %get3A_1046 : vector<16xf32>
                %get3A_1048 = arith.index_cast %sub3A_905 : i32 to index
                %get3A_1049 = arith.constant 32 : index
                %get3A_1050 = tpu.vector_load %arg11[%get3A_1048, %get3A_1049] {strides = array<i32>} : memref<128x384xf32, #tpu.memory_space<vmem>>, vector<1x16xf32>,
                %get3A_1051 = vector.shape_cast %get3A_1050 : vector<1x16xf32> to vector<16xf32>
                %min3A_1052 = arith.minimumf %while3A_883, %get3A_1051 : vector<16xf32>
                %get3A_1053 = arith.index_cast %sub3A_905 : i32 to index
                %get3A_1054 = arith.constant 48 : index
                %get3A_1055 = tpu.vector_load %arg11[%get3A_1053, %get3A_1054] {strides = array<i32>} : memref<128x384xf32, #tpu.memory_space<vmem>>, vector<1x16xf32>,
                %get3A_1056 = vector.shape_cast %get3A_1055 : vector<1x16xf32> to vector<16xf32>
                %min3A_1057 = arith.minimumf %while3A_884, %get3A_1056 : vector<16xf32>
                %get3A_1058 = arith.index_cast %sub3A_905 : i32 to index
                %get3A_1059 = arith.constant 64 : index
                %get3A_1060 = tpu.vector_load %arg11[%get3A_1058, %get3A_1059] {strides = array<i32>} : memref<128x384xf32, #tpu.memory_space<vmem>>, vector<1x16xf32>,
                %get3A_1061 = vector.shape_cast %get3A_1060 : vector<1x16xf32> to vector<16xf32>
                %min3A_1062 = arith.minimumf %while3A_885, %get3A_1061 : vector<16xf32>
                %get3A_1063 = arith.index_cast %sub3A_905 : i32 to index
                %get3A_1064 = arith.constant 80 : index
                %get3A_1065 = tpu.vector_load %arg11[%get3A_1063, %get3A_1064] {strides = array<i32>} : memref<128x384xf32, #tpu.memory_space<vmem>>, vector<1x16xf32>,
                %get3A_1066 = vector.shape_cast %get3A_1065 : vector<1x16xf32> to vector<16xf32>
                %min3A_1067 = arith.minimumf %while3A_886, %get3A_1066 : vector<16xf32>
                %get3A_1068 = arith.index_cast %sub3A_905 : i32 to index
                %get3A_1069 = arith.constant 96 : index
                %get3A_1070 = tpu.vector_load %arg11[%get3A_1068, %get3A_1069] {strides = array<i32>} : memref<128x384xf32, #tpu.memory_space<vmem>>, vector<1x16xf32>,
                %get3A_1071 = vector.shape_cast %get3A_1070 : vector<1x16xf32> to vector<16xf32>
                %min3A_1072 = arith.minimumf %while3A_887, %get3A_1071 : vector<16xf32>
                %get3A_1073 = arith.index_cast %sub3A_905 : i32 to index
                %get3A_1074 = arith.constant 112 : index
                %get3A_1075 = tpu.vector_load %arg11[%get3A_1073, %get3A_1074] {strides = array<i32>} : memref<128x384xf32, #tpu.memory_space<vmem>>, vector<1x16xf32>,
                %get3A_1076 = vector.shape_cast %get3A_1075 : vector<1x16xf32> to vector<16xf32>
                %min3A_1077 = arith.minimumf %while3A_888, %get3A_1076 : vector<16xf32>
                %get3A_1078 = arith.index_cast %sub3A_905 : i32 to index
                %get3A_1079 = arith.constant 128 : index
                %get3A_1080 = tpu.vector_load %arg11[%get3A_1078, %get3A_1079] {strides = array<i32>} : memref<128x384xf32, #tpu.memory_space<vmem>>, vector<1x16xf32>,
                %get3A_1081 = vector.shape_cast %get3A_1080 : vector<1x16xf32> to vector<16xf32>
                %min3A_1082 = arith.minimumf %while3A_889, %get3A_1081 : vector<16xf32>
                %get3A_1083 = arith.index_cast %sub3A_905 : i32 to index
                %get3A_1084 = arith.constant 144 : index
                %get3A_1085 = tpu.vector_load %arg11[%get3A_1083, %get3A_1084] {strides = array<i32>} : memref<128x384xf32, #tpu.memory_space<vmem>>, vector<1x16xf32>,
                %get3A_1086 = vector.shape_cast %get3A_1085 : vector<1x16xf32> to vector<16xf32>
                %min3A_1087 = arith.minimumf %while3A_890, %get3A_1086 : vector<16xf32>
                %get3A_1088 = arith.index_cast %sub3A_905 : i32 to index
                %get3A_1089 = arith.constant 160 : index
                %get3A_1090 = tpu.vector_load %arg11[%get3A_1088, %get3A_1089] {strides = array<i32>} : memref<128x384xf32, #tpu.memory_space<vmem>>, vector<1x16xf32>,
                %get3A_1091 = vector.shape_cast %get3A_1090 : vector<1x16xf32> to vector<16xf32>
                %min3A_1092 = arith.minimumf %while3A_891, %get3A_1091 : vector<16xf32>
                %get3A_1093 = arith.index_cast %sub3A_905 : i32 to index
                %get3A_1094 = arith.constant 176 : index
                %get3A_1095 = tpu.vector_load %arg11[%get3A_1093, %get3A_1094] {strides = array<i32>} : memref<128x384xf32, #tpu.memory_space<vmem>>, vector<1x16xf32>,
                %get3A_1096 = vector.shape_cast %get3A_1095 : vector<1x16xf32> to vector<16xf32>
                %min3A_1097 = arith.minimumf %while3A_892, %get3A_1096 : vector<16xf32>
                %get3A_1098 = arith.index_cast %sub3A_905 : i32 to index
                %get3A_1099 = arith.constant 0 : index
                %get3A_1100 = tpu.vector_load %arg11[%get3A_1098, %get3A_1099] {strides = array<i32>} : memref<128x384xf32, #tpu.memory_space<vmem>>, vector<1x16xf32>,
                %get3A_1101 = vector.shape_cast %get3A_1100 : vector<1x16xf32> to vector<16xf32>
                %max3A_1102 = arith.maximumf %while3A_893, %get3A_1101 : vector<16xf32>
                %get3A_1103 = arith.index_cast %sub3A_905 : i32 to index
                %get3A_1104 = arith.constant 16 : index
                %get3A_1105 = tpu.vector_load %arg11[%get3A_1103, %get3A_1104] {strides = array<i32>} : memref<128x384xf32, #tpu.memory_space<vmem>>, vector<1x16xf32>,
                %get3A_1106 = vector.shape_cast %get3A_1105 : vector<1x16xf32> to vector<16xf32>
                %max3A_1107 = arith.maximumf %while3A_894, %get3A_1106 : vector<16xf32>
                %get3A_1108 = arith.index_cast %sub3A_905 : i32 to index
                %get3A_1109 = arith.constant 32 : index
                %get3A_1110 = tpu.vector_load %arg11[%get3A_1108, %get3A_1109] {strides = array<i32>} : memref<128x384xf32, #tpu.memory_space<vmem>>, vector<1x16xf32>,
                %get3A_1111 = vector.shape_cast %get3A_1110 : vector<1x16xf32> to vector<16xf32>
                %max3A_1112 = arith.maximumf %while3A_895, %get3A_1111 : vector<16xf32>
                %get3A_1113 = arith.index_cast %sub3A_905 : i32 to index
                %get3A_1114 = arith.constant 48 : index
                %get3A_1115 = tpu.vector_load %arg11[%get3A_1113, %get3A_1114] {strides = array<i32>} : memref<128x384xf32, #tpu.memory_space<vmem>>, vector<1x16xf32>,
                %get3A_1116 = vector.shape_cast %get3A_1115 : vector<1x16xf32> to vector<16xf32>
                %max3A_1117 = arith.maximumf %while3A_896, %get3A_1116 : vector<16xf32>
                %get3A_1118 = arith.index_cast %sub3A_905 : i32 to index
                %get3A_1119 = arith.constant 64 : index
                %get3A_1120 = tpu.vector_load %arg11[%get3A_1118, %get3A_1119] {strides = array<i32>} : memref<128x384xf32, #tpu.memory_space<vmem>>, vector<1x16xf32>,
                %get3A_1121 = vector.shape_cast %get3A_1120 : vector<1x16xf32> to vector<16xf32>
                %max3A_1122 = arith.maximumf %while3A_897, %get3A_1121 : vector<16xf32>
                %get3A_1123 = arith.index_cast %sub3A_905 : i32 to index
                %get3A_1124 = arith.constant 80 : index
                %get3A_1125 = tpu.vector_load %arg11[%get3A_1123, %get3A_1124] {strides = array<i32>} : memref<128x384xf32, #tpu.memory_space<vmem>>, vector<1x16xf32>,
                %get3A_1126 = vector.shape_cast %get3A_1125 : vector<1x16xf32> to vector<16xf32>
                %max3A_1127 = arith.maximumf %while3A_898, %get3A_1126 : vector<16xf32>
                %get3A_1128 = arith.index_cast %sub3A_905 : i32 to index
                %get3A_1129 = arith.constant 96 : index
                %get3A_1130 = tpu.vector_load %arg11[%get3A_1128, %get3A_1129] {strides = array<i32>} : memref<128x384xf32, #tpu.memory_space<vmem>>, vector<1x16xf32>,
                %get3A_1131 = vector.shape_cast %get3A_1130 : vector<1x16xf32> to vector<16xf32>
                %max3A_1132 = arith.maximumf %while3A_899, %get3A_1131 : vector<16xf32>
                %get3A_1133 = arith.index_cast %sub3A_905 : i32 to index
                %get3A_1134 = arith.constant 112 : index
                %get3A_1135 = tpu.vector_load %arg11[%get3A_1133, %get3A_1134] {strides = array<i32>} : memref<128x384xf32, #tpu.memory_space<vmem>>, vector<1x16xf32>,
                %get3A_1136 = vector.shape_cast %get3A_1135 : vector<1x16xf32> to vector<16xf32>
                %max3A_1137 = arith.maximumf %while3A_900, %get3A_1136 : vector<16xf32>
                %get3A_1138 = arith.index_cast %sub3A_905 : i32 to index
                %get3A_1139 = arith.constant 128 : index
                %get3A_1140 = tpu.vector_load %arg11[%get3A_1138, %get3A_1139] {strides = array<i32>} : memref<128x384xf32, #tpu.memory_space<vmem>>, vector<1x16xf32>,
                %get3A_1141 = vector.shape_cast %get3A_1140 : vector<1x16xf32> to vector<16xf32>
                %max3A_1142 = arith.maximumf %while3A_901, %get3A_1141 : vector<16xf32>
                %get3A_1143 = arith.index_cast %sub3A_905 : i32 to index
                %get3A_1144 = arith.constant 144 : index
                %get3A_1145 = tpu.vector_load %arg11[%get3A_1143, %get3A_1144] {strides = array<i32>} : memref<128x384xf32, #tpu.memory_space<vmem>>, vector<1x16xf32>,
                %get3A_1146 = vector.shape_cast %get3A_1145 : vector<1x16xf32> to vector<16xf32>
                %max3A_1147 = arith.maximumf %while3A_902, %get3A_1146 : vector<16xf32>
                %get3A_1148 = arith.index_cast %sub3A_905 : i32 to index
                %get3A_1149 = arith.constant 160 : index
                %get3A_1150 = tpu.vector_load %arg11[%get3A_1148, %get3A_1149] {strides = array<i32>} : memref<128x384xf32, #tpu.memory_space<vmem>>, vector<1x16xf32>,
                %get3A_1151 = vector.shape_cast %get3A_1150 : vector<1x16xf32> to vector<16xf32>
                %max3A_1152 = arith.maximumf %while3A_903, %get3A_1151 : vector<16xf32>
                %get3A_1153 = arith.index_cast %sub3A_905 : i32 to index
                %get3A_1154 = arith.constant 176 : index
                %get3A_1155 = tpu.vector_load %arg11[%get3A_1153, %get3A_1154] {strides = array<i32>} : memref<128x384xf32, #tpu.memory_space<vmem>>, vector<1x16xf32>,
                %get3A_1156 = vector.shape_cast %get3A_1155 : vector<1x16xf32> to vector<16xf32>
                %max3A_1157 = arith.maximumf %while3A_904, %get3A_1156 : vector<16xf32>
                scf.yield %add3A_910, %add3A_915, %add3A_920, %add3A_925, %add3A_930, %add3A_935, %add3A_940, %add3A_945, %add3A_950, %add3A_955, %add3A_960, %add3A_965, %add3A_971, %add3A_977, %add3A_983, %add3A_989, %add3A_995, %add3A_1001, %add3A_1007, %add3A_1013, %add3A_1019, %add3A_1025, %add3A_1031, %add3A_1037, %min3A_1042, %min3A_1047, %min3A_1052, %min3A_1057, %min3A_1062, %min3A_1067, %min3A_1072, %min3A_1077, %min3A_1082, %min3A_1087, %min3A_1092, %min3A_1097, %max3A_1102, %max3A_1107, %max3A_1112, %max3A_1117, %max3A_1122, %max3A_1127, %max3A_1132, %max3A_1137, %max3A_1142, %max3A_1147, %max3A_1152, %max3A_1157 : vector<16xf32>, vector<16xf32>, vector<16xf32>, vector<16xf32>, vector<16xf32>, vector<16xf32>, vector<16xf32>, vector<16xf32>, vector<16xf32>, vector<16xf32>, vector<16xf32>, vector<16xf32>, vector<16xf32>, vector<16xf32>, vector<16xf32>, vector<16xf32>, vector<16xf32>, vector<16xf32>, vector<16xf32>, vector<16xf32>, vector<16xf32>, vector<16xf32>, vector<16xf32>, vector<16xf32>, vector<16xf32>, vector<16xf32>, vector<16xf32>, vector<16xf32>, vector<16xf32>, vector<16xf32>, vector<16xf32>, vector<16xf32>, vector<16xf32>, vector<16xf32>, vector<16xf32>, vector<16xf32>, vector<16xf32>, vector<16xf32>, vector<16xf32>, vector<16xf32>, vector<16xf32>, vector<16xf32>, vector<16xf32>, vector<16xf32>, vector<16xf32>, vector<16xf32>, vector<16xf32>, vector<16xf32>
              }
              %while3A_125 = arith.constant 1 : i32
              %while3A_126:48 = scf.for %while3A_856 = %while3A_122 to %while3A_118 step %while3A_125 iter_args(%while3A_857 = %while3A_124#0, %while3A_858 = %while3A_124#1, %while3A_859 = %while3A_124#2, %while3A_860 = %while3A_124#3, %while3A_861 = %while3A_124#4, %while3A_862 = %while3A_124#5, %while3A_863 = %while3A_124#6, %while3A_864 = %while3A_124#7, %while3A_865 = %while3A_124#8, %while3A_866 = %while3A_124#9, %while3A_867 = %while3A_124#10, %while3A_868 = %while3A_124#11, %while3A_869 = %while3A_124#12, %while3A_870 = %while3A_124#13, %while3A_871 = %while3A_124#14, %while3A_872 = %while3A_124#15, %while3A_873 = %while3A_124#16, %while3A_874 = %while3A_124#17, %while3A_875 = %while3A_124#18, %while3A_876 = %while3A_124#19, %while3A_877 = %while3A_124#20, %while3A_878 = %while3A_124#21, %while3A_879 = %while3A_124#22, %while3A_880 = %while3A_124#23, %while3A_881 = %while3A_124#24, %while3A_882 = %while3A_124#25, %while3A_883 = %while3A_124#26, %while3A_884 = %while3A_124#27, %while3A_885 = %while3A_124#28, %while3A_886 = %while3A_124#29, %while3A_887 = %while3A_124#30, %while3A_888 = %while3A_124#31, %while3A_889 = %while3A_124#32, %while3A_890 = %while3A_124#33, %while3A_891 = %while3A_124#34, %while3A_892 = %while3A_124#35, %while3A_893 = %while3A_124#36, %while3A_894 = %while3A_124#37, %while3A_895 = %while3A_124#38, %while3A_896 = %while3A_124#39, %while3A_897 = %while3A_124#40, %while3A_898 = %while3A_124#41, %while3A_899 = %while3A_124#42, %while3A_900 = %while3A_124#43, %while3A_901 = %while3A_124#44, %while3A_902 = %while3A_124#45, %while3A_903 = %while3A_124#46, %while3A_904 = %while3A_124#47) -> (vector<16xf32>, vector<16xf32>, vector<16xf32>, vector<16xf32>, vector<16xf32>, vector<16xf32>, vector<16xf32>, vector<16xf32>, vector<16xf32>, vector<16xf32>, vector<16xf32>, vector<16xf32>, vector<16xf32>, vector<16xf32>, vector<16xf32>, vector<16xf32>, vector<16xf32>, vector<16xf32>, vector<16xf32>, vector<16xf32>, vector<16xf32>, vector<16xf32>, vector<16xf32>, vector<16xf32>, vector<16xf32>, vector<16xf32>, vector<16xf32>, vector<16xf32>, vector<16xf32>, vector<16xf32>, vector<16xf32>, vector<16xf32>, vector<16xf32>, vector<16xf32>, vector<16xf32>, vector<16xf32>, vector<16xf32>, vector<16xf32>, vector<16xf32>, vector<16xf32>, vector<16xf32>, vector<16xf32>, vector<16xf32>, vector<16xf32>, vector<16xf32>, vector<16xf32>, vector<16xf32>, vector<16xf32>)  : i32 {
                %sub3A_905 = arith.subi %while3A_856, %add3A_86 : i32
                %get3A_906 = arith.index_cast %sub3A_905 : i32 to index
                %get3A_907 = arith.constant 0 : index
                %get3A_908 = tpu.vector_load %arg11[%get3A_906, %get3A_907] {strides = array<i32>} : memref<128x384xf32, #tpu.memory_space<vmem>>, vector<1x16xf32>,
                %get3A_909 = vector.shape_cast %get3A_908 : vector<1x16xf32> to vector<16xf32>
                %add3A_910 = arith.addf %while3A_857, %get3A_909 : vector<16xf32>
                %get3A_911 = arith.index_cast %sub3A_905 : i32 to index
                %get3A_912 = arith.constant 16 : index
                %get3A_913 = tpu.vector_load %arg11[%get3A_911, %get3A_912] {strides = array<i32>} : memref<128x384xf32, #tpu.memory_space<vmem>>, vector<1x16xf32>,
                %get3A_914 = vector.shape_cast %get3A_913 : vector<1x16xf32> to vector<16xf32>
                %add3A_915 = arith.addf %while3A_858, %get3A_914 : vector<16xf32>
                %get3A_916 = arith.index_cast %sub3A_905 : i32 to index
                %get3A_917 = arith.constant 32 : index
                %get3A_918 = tpu.vector_load %arg11[%get3A_916, %get3A_917] {strides = array<i32>} : memref<128x384xf32, #tpu.memory_space<vmem>>, vector<1x16xf32>,
                %get3A_919 = vector.shape_cast %get3A_918 : vector<1x16xf32> to vector<16xf32>
                %add3A_920 = arith.addf %while3A_859, %get3A_919 : vector<16xf32>
                %get3A_921 = arith.index_cast %sub3A_905 : i32 to index
                %get3A_922 = arith.constant 48 : index
                %get3A_923 = tpu.vector_load %arg11[%get3A_921, %get3A_922] {strides = array<i32>} : memref<128x384xf32, #tpu.memory_space<vmem>>, vector<1x16xf32>,
                %get3A_924 = vector.shape_cast %get3A_923 : vector<1x16xf32> to vector<16xf32>
                %add3A_925 = arith.addf %while3A_860, %get3A_924 : vector<16xf32>
                %get3A_926 = arith.index_cast %sub3A_905 : i32 to index
                %get3A_927 = arith.constant 64 : index
                %get3A_928 = tpu.vector_load %arg11[%get3A_926, %get3A_927] {strides = array<i32>} : memref<128x384xf32, #tpu.memory_space<vmem>>, vector<1x16xf32>,
                %get3A_929 = vector.shape_cast %get3A_928 : vector<1x16xf32> to vector<16xf32>
                %add3A_930 = arith.addf %while3A_861, %get3A_929 : vector<16xf32>
                %get3A_931 = arith.index_cast %sub3A_905 : i32 to index
                %get3A_932 = arith.constant 80 : index
                %get3A_933 = tpu.vector_load %arg11[%get3A_931, %get3A_932] {strides = array<i32>} : memref<128x384xf32, #tpu.memory_space<vmem>>, vector<1x16xf32>,
                %get3A_934 = vector.shape_cast %get3A_933 : vector<1x16xf32> to vector<16xf32>
                %add3A_935 = arith.addf %while3A_862, %get3A_934 : vector<16xf32>
                %get3A_936 = arith.index_cast %sub3A_905 : i32 to index
                %get3A_937 = arith.constant 96 : index
                %get3A_938 = tpu.vector_load %arg11[%get3A_936, %get3A_937] {strides = array<i32>} : memref<128x384xf32, #tpu.memory_space<vmem>>, vector<1x16xf32>,
                %get3A_939 = vector.shape_cast %get3A_938 : vector<1x16xf32> to vector<16xf32>
                %add3A_940 = arith.addf %while3A_863, %get3A_939 : vector<16xf32>
                %get3A_941 = arith.index_cast %sub3A_905 : i32 to index
                %get3A_942 = arith.constant 112 : index
                %get3A_943 = tpu.vector_load %arg11[%get3A_941, %get3A_942] {strides = array<i32>} : memref<128x384xf32, #tpu.memory_space<vmem>>, vector<1x16xf32>,
                %get3A_944 = vector.shape_cast %get3A_943 : vector<1x16xf32> to vector<16xf32>
                %add3A_945 = arith.addf %while3A_864, %get3A_944 : vector<16xf32>
                %get3A_946 = arith.index_cast %sub3A_905 : i32 to index
                %get3A_947 = arith.constant 128 : index
                %get3A_948 = tpu.vector_load %arg11[%get3A_946, %get3A_947] {strides = array<i32>} : memref<128x384xf32, #tpu.memory_space<vmem>>, vector<1x16xf32>,
                %get3A_949 = vector.shape_cast %get3A_948 : vector<1x16xf32> to vector<16xf32>
                %add3A_950 = arith.addf %while3A_865, %get3A_949 : vector<16xf32>
                %get3A_951 = arith.index_cast %sub3A_905 : i32 to index
                %get3A_952 = arith.constant 144 : index
                %get3A_953 = tpu.vector_load %arg11[%get3A_951, %get3A_952] {strides = array<i32>} : memref<128x384xf32, #tpu.memory_space<vmem>>, vector<1x16xf32>,
                %get3A_954 = vector.shape_cast %get3A_953 : vector<1x16xf32> to vector<16xf32>
                %add3A_955 = arith.addf %while3A_866, %get3A_954 : vector<16xf32>
                %get3A_956 = arith.index_cast %sub3A_905 : i32 to index
                %get3A_957 = arith.constant 160 : index
                %get3A_958 = tpu.vector_load %arg11[%get3A_956, %get3A_957] {strides = array<i32>} : memref<128x384xf32, #tpu.memory_space<vmem>>, vector<1x16xf32>,
                %get3A_959 = vector.shape_cast %get3A_958 : vector<1x16xf32> to vector<16xf32>
                %add3A_960 = arith.addf %while3A_867, %get3A_959 : vector<16xf32>
                %get3A_961 = arith.index_cast %sub3A_905 : i32 to index
                %get3A_962 = arith.constant 176 : index
                %get3A_963 = tpu.vector_load %arg11[%get3A_961, %get3A_962] {strides = array<i32>} : memref<128x384xf32, #tpu.memory_space<vmem>>, vector<1x16xf32>,
                %get3A_964 = vector.shape_cast %get3A_963 : vector<1x16xf32> to vector<16xf32>
                %add3A_965 = arith.addf %while3A_868, %get3A_964 : vector<16xf32>
                %get3A_966 = arith.index_cast %sub3A_905 : i32 to index
                %get3A_967 = arith.constant 0 : index
                %get3A_968 = tpu.vector_load %arg11[%get3A_966, %get3A_967] {strides = array<i32>} : memref<128x384xf32, #tpu.memory_space<vmem>>, vector<1x16xf32>,
                %get3A_969 = vector.shape_cast %get3A_968 : vector<1x16xf32> to vector<16xf32>
                %mul3A_970 = arith.mulf %get3A_969, %get3A_969 : vector<16xf32>
                %add3A_971 = arith.addf %while3A_869, %mul3A_970 : vector<16xf32>
                %get3A_972 = arith.index_cast %sub3A_905 : i32 to index
                %get3A_973 = arith.constant 16 : index
                %get3A_974 = tpu.vector_load %arg11[%get3A_972, %get3A_973] {strides = array<i32>} : memref<128x384xf32, #tpu.memory_space<vmem>>, vector<1x16xf32>,
                %get3A_975 = vector.shape_cast %get3A_974 : vector<1x16xf32> to vector<16xf32>
                %mul3A_976 = arith.mulf %get3A_975, %get3A_975 : vector<16xf32>
                %add3A_977 = arith.addf %while3A_870, %mul3A_976 : vector<16xf32>
                %get3A_978 = arith.index_cast %sub3A_905 : i32 to index
                %get3A_979 = arith.constant 32 : index
                %get3A_980 = tpu.vector_load %arg11[%get3A_978, %get3A_979] {strides = array<i32>} : memref<128x384xf32, #tpu.memory_space<vmem>>, vector<1x16xf32>,
                %get3A_981 = vector.shape_cast %get3A_980 : vector<1x16xf32> to vector<16xf32>
                %mul3A_982 = arith.mulf %get3A_981, %get3A_981 : vector<16xf32>
                %add3A_983 = arith.addf %while3A_871, %mul3A_982 : vector<16xf32>
                %get3A_984 = arith.index_cast %sub3A_905 : i32 to index
                %get3A_985 = arith.constant 48 : index
                %get3A_986 = tpu.vector_load %arg11[%get3A_984, %get3A_985] {strides = array<i32>} : memref<128x384xf32, #tpu.memory_space<vmem>>, vector<1x16xf32>,
                %get3A_987 = vector.shape_cast %get3A_986 : vector<1x16xf32> to vector<16xf32>
                %mul3A_988 = arith.mulf %get3A_987, %get3A_987 : vector<16xf32>
                %add3A_989 = arith.addf %while3A_872, %mul3A_988 : vector<16xf32>
                %get3A_990 = arith.index_cast %sub3A_905 : i32 to index
                %get3A_991 = arith.constant 64 : index
                %get3A_992 = tpu.vector_load %arg11[%get3A_990, %get3A_991] {strides = array<i32>} : memref<128x384xf32, #tpu.memory_space<vmem>>, vector<1x16xf32>,
                %get3A_993 = vector.shape_cast %get3A_992 : vector<1x16xf32> to vector<16xf32>
                %mul3A_994 = arith.mulf %get3A_993, %get3A_993 : vector<16xf32>
                %add3A_995 = arith.addf %while3A_873, %mul3A_994 : vector<16xf32>
                %get3A_996 = arith.index_cast %sub3A_905 : i32 to index
                %get3A_997 = arith.constant 80 : index
                %get3A_998 = tpu.vector_load %arg11[%get3A_996, %get3A_997] {strides = array<i32>} : memref<128x384xf32, #tpu.memory_space<vmem>>, vector<1x16xf32>,
                %get3A_999 = vector.shape_cast %get3A_998 : vector<1x16xf32> to vector<16xf32>
                %mul3A_1000 = arith.mulf %get3A_999, %get3A_999 : vector<16xf32>
                %add3A_1001 = arith.addf %while3A_874, %mul3A_1000 : vector<16xf32>
                %get3A_1002 = arith.index_cast %sub3A_905 : i32 to index
                %get3A_1003 = arith.constant 96 : index
                %get3A_1004 = tpu.vector_load %arg11[%get3A_1002, %get3A_1003] {strides = array<i32>} : memref<128x384xf32, #tpu.memory_space<vmem>>, vector<1x16xf32>,
                %get3A_1005 = vector.shape_cast %get3A_1004 : vector<1x16xf32> to vector<16xf32>
                %mul3A_1006 = arith.mulf %get3A_1005, %get3A_1005 : vector<16xf32>
                %add3A_1007 = arith.addf %while3A_875, %mul3A_1006 : vector<16xf32>
                %get3A_1008 = arith.index_cast %sub3A_905 : i32 to index
                %get3A_1009 = arith.constant 112 : index
                %get3A_1010 = tpu.vector_load %arg11[%get3A_1008, %get3A_1009] {strides = array<i32>} : memref<128x384xf32, #tpu.memory_space<vmem>>, vector<1x16xf32>,
                %get3A_1011 = vector.shape_cast %get3A_1010 : vector<1x16xf32> to vector<16xf32>
                %mul3A_1012 = arith.mulf %get3A_1011, %get3A_1011 : vector<16xf32>
                %add3A_1013 = arith.addf %while3A_876, %mul3A_1012 : vector<16xf32>
                %get3A_1014 = arith.index_cast %sub3A_905 : i32 to index
                %get3A_1015 = arith.constant 128 : index
                %get3A_1016 = tpu.vector_load %arg11[%get3A_1014, %get3A_1015] {strides = array<i32>} : memref<128x384xf32, #tpu.memory_space<vmem>>, vector<1x16xf32>,
                %get3A_1017 = vector.shape_cast %get3A_1016 : vector<1x16xf32> to vector<16xf32>
                %mul3A_1018 = arith.mulf %get3A_1017, %get3A_1017 : vector<16xf32>
                %add3A_1019 = arith.addf %while3A_877, %mul3A_1018 : vector<16xf32>
                %get3A_1020 = arith.index_cast %sub3A_905 : i32 to index
                %get3A_1021 = arith.constant 144 : index
                %get3A_1022 = tpu.vector_load %arg11[%get3A_1020, %get3A_1021] {strides = array<i32>} : memref<128x384xf32, #tpu.memory_space<vmem>>, vector<1x16xf32>,
                %get3A_1023 = vector.shape_cast %get3A_1022 : vector<1x16xf32> to vector<16xf32>
                %mul3A_1024 = arith.mulf %get3A_1023, %get3A_1023 : vector<16xf32>
                %add3A_1025 = arith.addf %while3A_878, %mul3A_1024 : vector<16xf32>
                %get3A_1026 = arith.index_cast %sub3A_905 : i32 to index
                %get3A_1027 = arith.constant 160 : index
                %get3A_1028 = tpu.vector_load %arg11[%get3A_1026, %get3A_1027] {strides = array<i32>} : memref<128x384xf32, #tpu.memory_space<vmem>>, vector<1x16xf32>,
                %get3A_1029 = vector.shape_cast %get3A_1028 : vector<1x16xf32> to vector<16xf32>
                %mul3A_1030 = arith.mulf %get3A_1029, %get3A_1029 : vector<16xf32>
                %add3A_1031 = arith.addf %while3A_879, %mul3A_1030 : vector<16xf32>
                %get3A_1032 = arith.index_cast %sub3A_905 : i32 to index
                %get3A_1033 = arith.constant 176 : index
                %get3A_1034 = tpu.vector_load %arg11[%get3A_1032, %get3A_1033] {strides = array<i32>} : memref<128x384xf32, #tpu.memory_space<vmem>>, vector<1x16xf32>,
                %get3A_1035 = vector.shape_cast %get3A_1034 : vector<1x16xf32> to vector<16xf32>
                %mul3A_1036 = arith.mulf %get3A_1035, %get3A_1035 : vector<16xf32>
                %add3A_1037 = arith.addf %while3A_880, %mul3A_1036 : vector<16xf32>
                %get3A_1038 = arith.index_cast %sub3A_905 : i32 to index
                %get3A_1039 = arith.constant 0 : index
                %get3A_1040 = tpu.vector_load %arg11[%get3A_1038, %get3A_1039] {strides = array<i32>} : memref<128x384xf32, #tpu.memory_space<vmem>>, vector<1x16xf32>,
                %get3A_1041 = vector.shape_cast %get3A_1040 : vector<1x16xf32> to vector<16xf32>
                %min3A_1042 = arith.minimumf %while3A_881, %get3A_1041 : vector<16xf32>
                %get3A_1043 = arith.index_cast %sub3A_905 : i32 to index
                %get3A_1044 = arith.constant 16 : index
                %get3A_1045 = tpu.vector_load %arg11[%get3A_1043, %get3A_1044] {strides = array<i32>} : memref<128x384xf32, #tpu.memory_space<vmem>>, vector<1x16xf32>,
                %get3A_1046 = vector.shape_cast %get3A_1045 : vector<1x16xf32> to vector<16xf32>
                %min3A_1047 = arith.minimumf %while3A_882, %get3A_1046 : vector<16xf32>
                %get3A_1048 = arith.index_cast %sub3A_905 : i32 to index
                %get3A_1049 = arith.constant 32 : index
                %get3A_1050 = tpu.vector_load %arg11[%get3A_1048, %get3A_1049] {strides = array<i32>} : memref<128x384xf32, #tpu.memory_space<vmem>>, vector<1x16xf32>,
                %get3A_1051 = vector.shape_cast %get3A_1050 : vector<1x16xf32> to vector<16xf32>
                %min3A_1052 = arith.minimumf %while3A_883, %get3A_1051 : vector<16xf32>
                %get3A_1053 = arith.index_cast %sub3A_905 : i32 to index
                %get3A_1054 = arith.constant 48 : index
                %get3A_1055 = tpu.vector_load %arg11[%get3A_1053, %get3A_1054] {strides = array<i32>} : memref<128x384xf32, #tpu.memory_space<vmem>>, vector<1x16xf32>,
                %get3A_1056 = vector.shape_cast %get3A_1055 : vector<1x16xf32> to vector<16xf32>
                %min3A_1057 = arith.minimumf %while3A_884, %get3A_1056 : vector<16xf32>
                %get3A_1058 = arith.index_cast %sub3A_905 : i32 to index
                %get3A_1059 = arith.constant 64 : index
                %get3A_1060 = tpu.vector_load %arg11[%get3A_1058, %get3A_1059] {strides = array<i32>} : memref<128x384xf32, #tpu.memory_space<vmem>>, vector<1x16xf32>,
                %get3A_1061 = vector.shape_cast %get3A_1060 : vector<1x16xf32> to vector<16xf32>
                %min3A_1062 = arith.minimumf %while3A_885, %get3A_1061 : vector<16xf32>
                %get3A_1063 = arith.index_cast %sub3A_905 : i32 to index
                %get3A_1064 = arith.constant 80 : index
                %get3A_1065 = tpu.vector_load %arg11[%get3A_1063, %get3A_1064] {strides = array<i32>} : memref<128x384xf32, #tpu.memory_space<vmem>>, vector<1x16xf32>,
                %get3A_1066 = vector.shape_cast %get3A_1065 : vector<1x16xf32> to vector<16xf32>
                %min3A_1067 = arith.minimumf %while3A_886, %get3A_1066 : vector<16xf32>
                %get3A_1068 = arith.index_cast %sub3A_905 : i32 to index
                %get3A_1069 = arith.constant 96 : index
                %get3A_1070 = tpu.vector_load %arg11[%get3A_1068, %get3A_1069] {strides = array<i32>} : memref<128x384xf32, #tpu.memory_space<vmem>>, vector<1x16xf32>,
                %get3A_1071 = vector.shape_cast %get3A_1070 : vector<1x16xf32> to vector<16xf32>
                %min3A_1072 = arith.minimumf %while3A_887, %get3A_1071 : vector<16xf32>
                %get3A_1073 = arith.index_cast %sub3A_905 : i32 to index
                %get3A_1074 = arith.constant 112 : index
                %get3A_1075 = tpu.vector_load %arg11[%get3A_1073, %get3A_1074] {strides = array<i32>} : memref<128x384xf32, #tpu.memory_space<vmem>>, vector<1x16xf32>,
                %get3A_1076 = vector.shape_cast %get3A_1075 : vector<1x16xf32> to vector<16xf32>
                %min3A_1077 = arith.minimumf %while3A_888, %get3A_1076 : vector<16xf32>
                %get3A_1078 = arith.index_cast %sub3A_905 : i32 to index
                %get3A_1079 = arith.constant 128 : index
                %get3A_1080 = tpu.vector_load %arg11[%get3A_1078, %get3A_1079] {strides = array<i32>} : memref<128x384xf32, #tpu.memory_space<vmem>>, vector<1x16xf32>,
                %get3A_1081 = vector.shape_cast %get3A_1080 : vector<1x16xf32> to vector<16xf32>
                %min3A_1082 = arith.minimumf %while3A_889, %get3A_1081 : vector<16xf32>
                %get3A_1083 = arith.index_cast %sub3A_905 : i32 to index
                %get3A_1084 = arith.constant 144 : index
                %get3A_1085 = tpu.vector_load %arg11[%get3A_1083, %get3A_1084] {strides = array<i32>} : memref<128x384xf32, #tpu.memory_space<vmem>>, vector<1x16xf32>,
                %get3A_1086 = vector.shape_cast %get3A_1085 : vector<1x16xf32> to vector<16xf32>
                %min3A_1087 = arith.minimumf %while3A_890, %get3A_1086 : vector<16xf32>
                %get3A_1088 = arith.index_cast %sub3A_905 : i32 to index
                %get3A_1089 = arith.constant 160 : index
                %get3A_1090 = tpu.vector_load %arg11[%get3A_1088, %get3A_1089] {strides = array<i32>} : memref<128x384xf32, #tpu.memory_space<vmem>>, vector<1x16xf32>,
                %get3A_1091 = vector.shape_cast %get3A_1090 : vector<1x16xf32> to vector<16xf32>
                %min3A_1092 = arith.minimumf %while3A_891, %get3A_1091 : vector<16xf32>
                %get3A_1093 = arith.index_cast %sub3A_905 : i32 to index
                %get3A_1094 = arith.constant 176 : index
                %get3A_1095 = tpu.vector_load %arg11[%get3A_1093, %get3A_1094] {strides = array<i32>} : memref<128x384xf32, #tpu.memory_space<vmem>>, vector<1x16xf32>,
                %get3A_1096 = vector.shape_cast %get3A_1095 : vector<1x16xf32> to vector<16xf32>
                %min3A_1097 = arith.minimumf %while3A_892, %get3A_1096 : vector<16xf32>
                %get3A_1098 = arith.index_cast %sub3A_905 : i32 to index
                %get3A_1099 = arith.constant 0 : index
                %get3A_1100 = tpu.vector_load %arg11[%get3A_1098, %get3A_1099] {strides = array<i32>} : memref<128x384xf32, #tpu.memory_space<vmem>>, vector<1x16xf32>,
                %get3A_1101 = vector.shape_cast %get3A_1100 : vector<1x16xf32> to vector<16xf32>
                %max3A_1102 = arith.maximumf %while3A_893, %get3A_1101 : vector<16xf32>
                %get3A_1103 = arith.index_cast %sub3A_905 : i32 to index
                %get3A_1104 = arith.constant 16 : index
                %get3A_1105 = tpu.vector_load %arg11[%get3A_1103, %get3A_1104] {strides = array<i32>} : memref<128x384xf32, #tpu.memory_space<vmem>>, vector<1x16xf32>,
                %get3A_1106 = vector.shape_cast %get3A_1105 : vector<1x16xf32> to vector<16xf32>
                %max3A_1107 = arith.maximumf %while3A_894, %get3A_1106 : vector<16xf32>
                %get3A_1108 = arith.index_cast %sub3A_905 : i32 to index
                %get3A_1109 = arith.constant 32 : index
                %get3A_1110 = tpu.vector_load %arg11[%get3A_1108, %get3A_1109] {strides = array<i32>} : memref<128x384xf32, #tpu.memory_space<vmem>>, vector<1x16xf32>,
                %get3A_1111 = vector.shape_cast %get3A_1110 : vector<1x16xf32> to vector<16xf32>
                %max3A_1112 = arith.maximumf %while3A_895, %get3A_1111 : vector<16xf32>
                %get3A_1113 = arith.index_cast %sub3A_905 : i32 to index
                %get3A_1114 = arith.constant 48 : index
                %get3A_1115 = tpu.vector_load %arg11[%get3A_1113, %get3A_1114] {strides = array<i32>} : memref<128x384xf32, #tpu.memory_space<vmem>>, vector<1x16xf32>,
                %get3A_1116 = vector.shape_cast %get3A_1115 : vector<1x16xf32> to vector<16xf32>
                %max3A_1117 = arith.maximumf %while3A_896, %get3A_1116 : vector<16xf32>
                %get3A_1118 = arith.index_cast %sub3A_905 : i32 to index
                %get3A_1119 = arith.constant 64 : index
                %get3A_1120 = tpu.vector_load %arg11[%get3A_1118, %get3A_1119] {strides = array<i32>} : memref<128x384xf32, #tpu.memory_space<vmem>>, vector<1x16xf32>,
                %get3A_1121 = vector.shape_cast %get3A_1120 : vector<1x16xf32> to vector<16xf32>
                %max3A_1122 = arith.maximumf %while3A_897, %get3A_1121 : vector<16xf32>
                %get3A_1123 = arith.index_cast %sub3A_905 : i32 to index
                %get3A_1124 = arith.constant 80 : index
                %get3A_1125 = tpu.vector_load %arg11[%get3A_1123, %get3A_1124] {strides = array<i32>} : memref<128x384xf32, #tpu.memory_space<vmem>>, vector<1x16xf32>,
                %get3A_1126 = vector.shape_cast %get3A_1125 : vector<1x16xf32> to vector<16xf32>
                %max3A_1127 = arith.maximumf %while3A_898, %get3A_1126 : vector<16xf32>
                %get3A_1128 = arith.index_cast %sub3A_905 : i32 to index
                %get3A_1129 = arith.constant 96 : index
                %get3A_1130 = tpu.vector_load %arg11[%get3A_1128, %get3A_1129] {strides = array<i32>} : memref<128x384xf32, #tpu.memory_space<vmem>>, vector<1x16xf32>,
                %get3A_1131 = vector.shape_cast %get3A_1130 : vector<1x16xf32> to vector<16xf32>
                %max3A_1132 = arith.maximumf %while3A_899, %get3A_1131 : vector<16xf32>
                %get3A_1133 = arith.index_cast %sub3A_905 : i32 to index
                %get3A_1134 = arith.constant 112 : index
                %get3A_1135 = tpu.vector_load %arg11[%get3A_1133, %get3A_1134] {strides = array<i32>} : memref<128x384xf32, #tpu.memory_space<vmem>>, vector<1x16xf32>,
                %get3A_1136 = vector.shape_cast %get3A_1135 : vector<1x16xf32> to vector<16xf32>
                %max3A_1137 = arith.maximumf %while3A_900, %get3A_1136 : vector<16xf32>
                %get3A_1138 = arith.index_cast %sub3A_905 : i32 to index
                %get3A_1139 = arith.constant 128 : index
                %get3A_1140 = tpu.vector_load %arg11[%get3A_1138, %get3A_1139] {strides = array<i32>} : memref<128x384xf32, #tpu.memory_space<vmem>>, vector<1x16xf32>,
                %get3A_1141 = vector.shape_cast %get3A_1140 : vector<1x16xf32> to vector<16xf32>
                %max3A_1142 = arith.maximumf %while3A_901, %get3A_1141 : vector<16xf32>
                %get3A_1143 = arith.index_cast %sub3A_905 : i32 to index
                %get3A_1144 = arith.constant 144 : index
                %get3A_1145 = tpu.vector_load %arg11[%get3A_1143, %get3A_1144] {strides = array<i32>} : memref<128x384xf32, #tpu.memory_space<vmem>>, vector<1x16xf32>,
                %get3A_1146 = vector.shape_cast %get3A_1145 : vector<1x16xf32> to vector<16xf32>
                %max3A_1147 = arith.maximumf %while3A_902, %get3A_1146 : vector<16xf32>
                %get3A_1148 = arith.index_cast %sub3A_905 : i32 to index
                %get3A_1149 = arith.constant 160 : index
                %get3A_1150 = tpu.vector_load %arg11[%get3A_1148, %get3A_1149] {strides = array<i32>} : memref<128x384xf32, #tpu.memory_space<vmem>>, vector<1x16xf32>,
                %get3A_1151 = vector.shape_cast %get3A_1150 : vector<1x16xf32> to vector<16xf32>
                %max3A_1152 = arith.maximumf %while3A_903, %get3A_1151 : vector<16xf32>
                %get3A_1153 = arith.index_cast %sub3A_905 : i32 to index
                %get3A_1154 = arith.constant 176 : index
                %get3A_1155 = tpu.vector_load %arg11[%get3A_1153, %get3A_1154] {strides = array<i32>} : memref<128x384xf32, #tpu.memory_space<vmem>>, vector<1x16xf32>,
                %get3A_1156 = vector.shape_cast %get3A_1155 : vector<1x16xf32> to vector<16xf32>
                %max3A_1157 = arith.maximumf %while3A_904, %get3A_1156 : vector<16xf32>
                scf.yield %add3A_910, %add3A_915, %add3A_920, %add3A_925, %add3A_930, %add3A_935, %add3A_940, %add3A_945, %add3A_950, %add3A_955, %add3A_960, %add3A_965, %add3A_971, %add3A_977, %add3A_983, %add3A_989, %add3A_995, %add3A_1001, %add3A_1007, %add3A_1013, %add3A_1019, %add3A_1025, %add3A_1031, %add3A_1037, %min3A_1042, %min3A_1047, %min3A_1052, %min3A_1057, %min3A_1062, %min3A_1067, %min3A_1072, %min3A_1077, %min3A_1082, %min3A_1087, %min3A_1092, %min3A_1097, %max3A_1102, %max3A_1107, %max3A_1112, %max3A_1117, %max3A_1122, %max3A_1127, %max3A_1132, %max3A_1137, %max3A_1142, %max3A_1147, %max3A_1152, %max3A_1157 : vector<16xf32>, vector<16xf32>, vector<16xf32>, vector<16xf32>, vector<16xf32>, vector<16xf32>, vector<16xf32>, vector<16xf32>, vector<16xf32>, vector<16xf32>, vector<16xf32>, vector<16xf32>, vector<16xf32>, vector<16xf32>, vector<16xf32>, vector<16xf32>, vector<16xf32>, vector<16xf32>, vector<16xf32>, vector<16xf32>, vector<16xf32>, vector<16xf32>, vector<16xf32>, vector<16xf32>, vector<16xf32>, vector<16xf32>, vector<16xf32>, vector<16xf32>, vector<16xf32>, vector<16xf32>, vector<16xf32>, vector<16xf32>, vector<16xf32>, vector<16xf32>, vector<16xf32>, vector<16xf32>, vector<16xf32>, vector<16xf32>, vector<16xf32>, vector<16xf32>, vector<16xf32>, vector<16xf32>, vector<16xf32>, vector<16xf32>, vector<16xf32>, vector<16xf32>, vector<16xf32>, vector<16xf32>
              }
              %mul3A_127 = arith.constant 384 : i32
              %mul3A_128 = arith.muli %scan3A_99, %mul3A_127 : i32
              %add3A_129 = arith.constant 0 : i32
              %add3A_130 = arith.addi %mul3A_128, %add3A_129 : i32
              %add3A_131 = arith.constant 0 : i32
              %add3A_132 = arith.addi %add3A_130, %add3A_131 : i32
              %swap3A = arith.index_cast %add3A_132 : i32 to index
              %swap3A_133 = tpu.vector_load %arg12[%swap3A] {strides = array<i32>} : memref<6144xf32, #tpu.memory_space<vmem>>, vector<16xf32>,
              %swap3A_134 = vector.shape_cast %swap3A_133 : vector<16xf32> to vector<16xf32>
              %swap3A_135 = vector.shape_cast %while3A_126#0 : vector<16xf32> to vector<16xf32>
              tpu.vector_store %arg12[%swap3A], %swap3A_135 {add = true, strides = array<i32>} : memref<6144xf32, #tpu.memory_space<vmem>>, vector<16xf32>,
              %swap3A_136 = arith.index_cast %add3A_132 : i32 to index
              %swap3A_137 = tpu.vector_load %arg13[%swap3A_136] {strides = array<i32>} : memref<6144xf32, #tpu.memory_space<vmem>>, vector<16xf32>,
              %swap3A_138 = vector.shape_cast %swap3A_137 : vector<16xf32> to vector<16xf32>
              %swap3A_139 = vector.shape_cast %while3A_126#12 : vector<16xf32> to vector<16xf32>
              tpu.vector_store %arg13[%swap3A_136], %swap3A_139 {add = true, strides = array<i32>} : memref<6144xf32, #tpu.memory_space<vmem>>, vector<16xf32>,
              %get3A_140 = arith.index_cast %add3A_132 : i32 to index
              %get3A_141 = tpu.vector_load %arg14[%get3A_140] {strides = array<i32>} : memref<6144xf32, #tpu.memory_space<vmem>>, vector<16xf32>,
              %get3A_142 = vector.shape_cast %get3A_141 : vector<16xf32> to vector<16xf32>
              %min3A_143 = arith.minimumf %get3A_142, %while3A_126#24 : vector<16xf32>
              %swap3A_144 = arith.index_cast %add3A_132 : i32 to index
              %swap3A_145 = tpu.vector_load %arg14[%swap3A_144] {strides = array<i32>} : memref<6144xf32, #tpu.memory_space<vmem>>, vector<16xf32>,
              %swap3A_146 = vector.shape_cast %swap3A_145 : vector<16xf32> to vector<16xf32>
              %swap3A_147 = vector.shape_cast %min3A_143 : vector<16xf32> to vector<16xf32>
              tpu.vector_store %arg14[%swap3A_144], %swap3A_147 {strides = array<i32>} : memref<6144xf32, #tpu.memory_space<vmem>>, vector<16xf32>,
              %get3A_148 = arith.index_cast %add3A_132 : i32 to index
              %get3A_149 = tpu.vector_load %arg15[%get3A_148] {strides = array<i32>} : memref<6144xf32, #tpu.memory_space<vmem>>, vector<16xf32>,
              %get3A_150 = vector.shape_cast %get3A_149 : vector<16xf32> to vector<16xf32>
              %max3A_151 = arith.maximumf %get3A_150, %while3A_126#36 : vector<16xf32>
              %swap3A_152 = arith.index_cast %add3A_132 : i32 to index
              %swap3A_153 = tpu.vector_load %arg15[%swap3A_152] {strides = array<i32>} : memref<6144xf32, #tpu.memory_space<vmem>>, vector<16xf32>,
              %swap3A_154 = vector.shape_cast %swap3A_153 : vector<16xf32> to vector<16xf32>
              %swap3A_155 = vector.shape_cast %max3A_151 : vector<16xf32> to vector<16xf32>
              tpu.vector_store %arg15[%swap3A_152], %swap3A_155 {strides = array<i32>} : memref<6144xf32, #tpu.memory_space<vmem>>, vector<16xf32>,
              %mul3A_156 = arith.constant 384 : i32
              %mul3A_157 = arith.muli %scan3A_99, %mul3A_156 : i32
              %add3A_158 = arith.constant 0 : i32
              %add3A_159 = arith.addi %mul3A_157, %add3A_158 : i32
              %add3A_160 = arith.constant 16 : i32
              %add3A_161 = arith.addi %add3A_159, %add3A_160 : i32
              %swap3A_162 = arith.index_cast %add3A_161 : i32 to index
              %swap3A_163 = tpu.vector_load %arg12[%swap3A_162] {strides = array<i32>} : memref<6144xf32, #tpu.memory_space<vmem>>, vector<16xf32>,
              %swap3A_164 = vector.shape_cast %swap3A_163 : vector<16xf32> to vector<16xf32>
              %swap3A_165 = vector.shape_cast %while3A_126#1 : vector<16xf32> to vector<16xf32>
              tpu.vector_store %arg12[%swap3A_162], %swap3A_165 {add = true, strides = array<i32>} : memref<6144xf32, #tpu.memory_space<vmem>>, vector<16xf32>,
              %swap3A_166 = arith.index_cast %add3A_161 : i32 to index
              %swap3A_167 = tpu.vector_load %arg13[%swap3A_166] {strides = array<i32>} : memref<6144xf32, #tpu.memory_space<vmem>>, vector<16xf32>,
              %swap3A_168 = vector.shape_cast %swap3A_167 : vector<16xf32> to vector<16xf32>
              %swap3A_169 = vector.shape_cast %while3A_126#13 : vector<16xf32> to vector<16xf32>
              tpu.vector_store %arg13[%swap3A_166], %swap3A_169 {add = true, strides = array<i32>} : memref<6144xf32, #tpu.memory_space<vmem>>, vector<16xf32>,
              %get3A_170 = arith.index_cast %add3A_161 : i32 to index
              %get3A_171 = tpu.vector_load %arg14[%get3A_170] {strides = array<i32>} : memref<6144xf32, #tpu.memory_space<vmem>>, vector<16xf32>,
              %get3A_172 = vector.shape_cast %get3A_171 : vector<16xf32> to vector<16xf32>
              %min3A_173 = arith.minimumf %get3A_172, %while3A_126#25 : vector<16xf32>
              %swap3A_174 = arith.index_cast %add3A_161 : i32 to index
              %swap3A_175 = tpu.vector_load %arg14[%swap3A_174] {strides = array<i32>} : memref<6144xf32, #tpu.memory_space<vmem>>, vector<16xf32>,
              %swap3A_176 = vector.shape_cast %swap3A_175 : vector<16xf32> to vector<16xf32>
              %swap3A_177 = vector.shape_cast %min3A_173 : vector<16xf32> to vector<16xf32>
              tpu.vector_store %arg14[%swap3A_174], %swap3A_177 {strides = array<i32>} : memref<6144xf32, #tpu.memory_space<vmem>>, vector<16xf32>,
              %get3A_178 = arith.index_cast %add3A_161 : i32 to index
              %get3A_179 = tpu.vector_load %arg15[%get3A_178] {strides = array<i32>} : memref<6144xf32, #tpu.memory_space<vmem>>, vector<16xf32>,
              %get3A_180 = vector.shape_cast %get3A_179 : vector<16xf32> to vector<16xf32>
              %max3A_181 = arith.maximumf %get3A_180, %while3A_126#37 : vector<16xf32>
              %swap3A_182 = arith.index_cast %add3A_161 : i32 to index
              %swap3A_183 = tpu.vector_load %arg15[%swap3A_182] {strides = array<i32>} : memref<6144xf32, #tpu.memory_space<vmem>>, vector<16xf32>,
              %swap3A_184 = vector.shape_cast %swap3A_183 : vector<16xf32> to vector<16xf32>
              %swap3A_185 = vector.shape_cast %max3A_181 : vector<16xf32> to vector<16xf32>
              tpu.vector_store %arg15[%swap3A_182], %swap3A_185 {strides = array<i32>} : memref<6144xf32, #tpu.memory_space<vmem>>, vector<16xf32>,
              %mul3A_186 = arith.constant 384 : i32
              %mul3A_187 = arith.muli %scan3A_99, %mul3A_186 : i32
              %add3A_188 = arith.constant 0 : i32
              %add3A_189 = arith.addi %mul3A_187, %add3A_188 : i32
              %add3A_190 = arith.constant 32 : i32
              %add3A_191 = arith.addi %add3A_189, %add3A_190 : i32
              %swap3A_192 = arith.index_cast %add3A_191 : i32 to index
              %swap3A_193 = tpu.vector_load %arg12[%swap3A_192] {strides = array<i32>} : memref<6144xf32, #tpu.memory_space<vmem>>, vector<16xf32>,
              %swap3A_194 = vector.shape_cast %swap3A_193 : vector<16xf32> to vector<16xf32>
              %swap3A_195 = vector.shape_cast %while3A_126#2 : vector<16xf32> to vector<16xf32>
              tpu.vector_store %arg12[%swap3A_192], %swap3A_195 {add = true, strides = array<i32>} : memref<6144xf32, #tpu.memory_space<vmem>>, vector<16xf32>,
              %swap3A_196 = arith.index_cast %add3A_191 : i32 to index
              %swap3A_197 = tpu.vector_load %arg13[%swap3A_196] {strides = array<i32>} : memref<6144xf32, #tpu.memory_space<vmem>>, vector<16xf32>,
              %swap3A_198 = vector.shape_cast %swap3A_197 : vector<16xf32> to vector<16xf32>
              %swap3A_199 = vector.shape_cast %while3A_126#14 : vector<16xf32> to vector<16xf32>
              tpu.vector_store %arg13[%swap3A_196], %swap3A_199 {add = true, strides = array<i32>} : memref<6144xf32, #tpu.memory_space<vmem>>, vector<16xf32>,
              %get3A_200 = arith.index_cast %add3A_191 : i32 to index
              %get3A_201 = tpu.vector_load %arg14[%get3A_200] {strides = array<i32>} : memref<6144xf32, #tpu.memory_space<vmem>>, vector<16xf32>,
              %get3A_202 = vector.shape_cast %get3A_201 : vector<16xf32> to vector<16xf32>
              %min3A_203 = arith.minimumf %get3A_202, %while3A_126#26 : vector<16xf32>
              %swap3A_204 = arith.index_cast %add3A_191 : i32 to index
              %swap3A_205 = tpu.vector_load %arg14[%swap3A_204] {strides = array<i32>} : memref<6144xf32, #tpu.memory_space<vmem>>, vector<16xf32>,
              %swap3A_206 = vector.shape_cast %swap3A_205 : vector<16xf32> to vector<16xf32>
              %swap3A_207 = vector.shape_cast %min3A_203 : vector<16xf32> to vector<16xf32>
              tpu.vector_store %arg14[%swap3A_204], %swap3A_207 {strides = array<i32>} : memref<6144xf32, #tpu.memory_space<vmem>>, vector<16xf32>,
              %get3A_208 = arith.index_cast %add3A_191 : i32 to index
              %get3A_209 = tpu.vector_load %arg15[%get3A_208] {strides = array<i32>} : memref<6144xf32, #tpu.memory_space<vmem>>, vector<16xf32>,
              %get3A_210 = vector.shape_cast %get3A_209 : vector<16xf32> to vector<16xf32>
              %max3A_211 = arith.maximumf %get3A_210, %while3A_126#38 : vector<16xf32>
              %swap3A_212 = arith.index_cast %add3A_191 : i32 to index
              %swap3A_213 = tpu.vector_load %arg15[%swap3A_212] {strides = array<i32>} : memref<6144xf32, #tpu.memory_space<vmem>>, vector<16xf32>,
              %swap3A_214 = vector.shape_cast %swap3A_213 : vector<16xf32> to vector<16xf32>
              %swap3A_215 = vector.shape_cast %max3A_211 : vector<16xf32> to vector<16xf32>
              tpu.vector_store %arg15[%swap3A_212], %swap3A_215 {strides = array<i32>} : memref<6144xf32, #tpu.memory_space<vmem>>, vector<16xf32>,
              %mul3A_216 = arith.constant 384 : i32
              %mul3A_217 = arith.muli %scan3A_99, %mul3A_216 : i32
              %add3A_218 = arith.constant 0 : i32
              %add3A_219 = arith.addi %mul3A_217, %add3A_218 : i32
              %add3A_220 = arith.constant 48 : i32
              %add3A_221 = arith.addi %add3A_219, %add3A_220 : i32
              %swap3A_222 = arith.index_cast %add3A_221 : i32 to index
              %swap3A_223 = tpu.vector_load %arg12[%swap3A_222] {strides = array<i32>} : memref<6144xf32, #tpu.memory_space<vmem>>, vector<16xf32>,
              %swap3A_224 = vector.shape_cast %swap3A_223 : vector<16xf32> to vector<16xf32>
              %swap3A_225 = vector.shape_cast %while3A_126#3 : vector<16xf32> to vector<16xf32>
              tpu.vector_store %arg12[%swap3A_222], %swap3A_225 {add = true, strides = array<i32>} : memref<6144xf32, #tpu.memory_space<vmem>>, vector<16xf32>,
              %swap3A_226 = arith.index_cast %add3A_221 : i32 to index
              %swap3A_227 = tpu.vector_load %arg13[%swap3A_226] {strides = array<i32>} : memref<6144xf32, #tpu.memory_space<vmem>>, vector<16xf32>,
              %swap3A_228 = vector.shape_cast %swap3A_227 : vector<16xf32> to vector<16xf32>
              %swap3A_229 = vector.shape_cast %while3A_126#15 : vector<16xf32> to vector<16xf32>
              tpu.vector_store %arg13[%swap3A_226], %swap3A_229 {add = true, strides = array<i32>} : memref<6144xf32, #tpu.memory_space<vmem>>, vector<16xf32>,
              %get3A_230 = arith.index_cast %add3A_221 : i32 to index
              %get3A_231 = tpu.vector_load %arg14[%get3A_230] {strides = array<i32>} : memref<6144xf32, #tpu.memory_space<vmem>>, vector<16xf32>,
              %get3A_232 = vector.shape_cast %get3A_231 : vector<16xf32> to vector<16xf32>
              %min3A_233 = arith.minimumf %get3A_232, %while3A_126#27 : vector<16xf32>
              %swap3A_234 = arith.index_cast %add3A_221 : i32 to index
              %swap3A_235 = tpu.vector_load %arg14[%swap3A_234] {strides = array<i32>} : memref<6144xf32, #tpu.memory_space<vmem>>, vector<16xf32>,
              %swap3A_236 = vector.shape_cast %swap3A_235 : vector<16xf32> to vector<16xf32>
              %swap3A_237 = vector.shape_cast %min3A_233 : vector<16xf32> to vector<16xf32>
              tpu.vector_store %arg14[%swap3A_234], %swap3A_237 {strides = array<i32>} : memref<6144xf32, #tpu.memory_space<vmem>>, vector<16xf32>,
              %get3A_238 = arith.index_cast %add3A_221 : i32 to index
              %get3A_239 = tpu.vector_load %arg15[%get3A_238] {strides = array<i32>} : memref<6144xf32, #tpu.memory_space<vmem>>, vector<16xf32>,
              %get3A_240 = vector.shape_cast %get3A_239 : vector<16xf32> to vector<16xf32>
              %max3A_241 = arith.maximumf %get3A_240, %while3A_126#39 : vector<16xf32>
              %swap3A_242 = arith.index_cast %add3A_221 : i32 to index
              %swap3A_243 = tpu.vector_load %arg15[%swap3A_242] {strides = array<i32>} : memref<6144xf32, #tpu.memory_space<vmem>>, vector<16xf32>,
              %swap3A_244 = vector.shape_cast %swap3A_243 : vector<16xf32> to vector<16xf32>
              %swap3A_245 = vector.shape_cast %max3A_241 : vector<16xf32> to vector<16xf32>
              tpu.vector_store %arg15[%swap3A_242], %swap3A_245 {strides = array<i32>} : memref<6144xf32, #tpu.memory_space<vmem>>, vector<16xf32>,
              %mul3A_246 = arith.constant 384 : i32
              %mul3A_247 = arith.muli %scan3A_99, %mul3A_246 : i32
              %add3A_248 = arith.constant 0 : i32
              %add3A_249 = arith.addi %mul3A_247, %add3A_248 : i32
              %add3A_250 = arith.constant 64 : i32
              %add3A_251 = arith.addi %add3A_249, %add3A_250 : i32
              %swap3A_252 = arith.index_cast %add3A_251 : i32 to index
              %swap3A_253 = tpu.vector_load %arg12[%swap3A_252] {strides = array<i32>} : memref<6144xf32, #tpu.memory_space<vmem>>, vector<16xf32>,
              %swap3A_254 = vector.shape_cast %swap3A_253 : vector<16xf32> to vector<16xf32>
              %swap3A_255 = vector.shape_cast %while3A_126#4 : vector<16xf32> to vector<16xf32>
              tpu.vector_store %arg12[%swap3A_252], %swap3A_255 {add = true, strides = array<i32>} : memref<6144xf32, #tpu.memory_space<vmem>>, vector<16xf32>,
              %swap3A_256 = arith.index_cast %add3A_251 : i32 to index
              %swap3A_257 = tpu.vector_load %arg13[%swap3A_256] {strides = array<i32>} : memref<6144xf32, #tpu.memory_space<vmem>>, vector<16xf32>,
              %swap3A_258 = vector.shape_cast %swap3A_257 : vector<16xf32> to vector<16xf32>
              %swap3A_259 = vector.shape_cast %while3A_126#16 : vector<16xf32> to vector<16xf32>
              tpu.vector_store %arg13[%swap3A_256], %swap3A_259 {add = true, strides = array<i32>} : memref<6144xf32, #tpu.memory_space<vmem>>, vector<16xf32>,
              %get3A_260 = arith.index_cast %add3A_251 : i32 to index
              %get3A_261 = tpu.vector_load %arg14[%get3A_260] {strides = array<i32>} : memref<6144xf32, #tpu.memory_space<vmem>>, vector<16xf32>,
              %get3A_262 = vector.shape_cast %get3A_261 : vector<16xf32> to vector<16xf32>
              %min3A_263 = arith.minimumf %get3A_262, %while3A_126#28 : vector<16xf32>
              %swap3A_264 = arith.index_cast %add3A_251 : i32 to index
              %swap3A_265 = tpu.vector_load %arg14[%swap3A_264] {strides = array<i32>} : memref<6144xf32, #tpu.memory_space<vmem>>, vector<16xf32>,
              %swap3A_266 = vector.shape_cast %swap3A_265 : vector<16xf32> to vector<16xf32>
              %swap3A_267 = vector.shape_cast %min3A_263 : vector<16xf32> to vector<16xf32>
              tpu.vector_store %arg14[%swap3A_264], %swap3A_267 {strides = array<i32>} : memref<6144xf32, #tpu.memory_space<vmem>>, vector<16xf32>,
              %get3A_268 = arith.index_cast %add3A_251 : i32 to index
              %get3A_269 = tpu.vector_load %arg15[%get3A_268] {strides = array<i32>} : memref<6144xf32, #tpu.memory_space<vmem>>, vector<16xf32>,
              %get3A_270 = vector.shape_cast %get3A_269 : vector<16xf32> to vector<16xf32>
              %max3A_271 = arith.maximumf %get3A_270, %while3A_126#40 : vector<16xf32>
              %swap3A_272 = arith.index_cast %add3A_251 : i32 to index
              %swap3A_273 = tpu.vector_load %arg15[%swap3A_272] {strides = array<i32>} : memref<6144xf32, #tpu.memory_space<vmem>>, vector<16xf32>,
              %swap3A_274 = vector.shape_cast %swap3A_273 : vector<16xf32> to vector<16xf32>
              %swap3A_275 = vector.shape_cast %max3A_271 : vector<16xf32> to vector<16xf32>
              tpu.vector_store %arg15[%swap3A_272], %swap3A_275 {strides = array<i32>} : memref<6144xf32, #tpu.memory_space<vmem>>, vector<16xf32>,
              %mul3A_276 = arith.constant 384 : i32
              %mul3A_277 = arith.muli %scan3A_99, %mul3A_276 : i32
              %add3A_278 = arith.constant 0 : i32
              %add3A_279 = arith.addi %mul3A_277, %add3A_278 : i32
              %add3A_280 = arith.constant 80 : i32
              %add3A_281 = arith.addi %add3A_279, %add3A_280 : i32
              %swap3A_282 = arith.index_cast %add3A_281 : i32 to index
              %swap3A_283 = tpu.vector_load %arg12[%swap3A_282] {strides = array<i32>} : memref<6144xf32, #tpu.memory_space<vmem>>, vector<16xf32>,
              %swap3A_284 = vector.shape_cast %swap3A_283 : vector<16xf32> to vector<16xf32>
              %swap3A_285 = vector.shape_cast %while3A_126#5 : vector<16xf32> to vector<16xf32>
              tpu.vector_store %arg12[%swap3A_282], %swap3A_285 {add = true, strides = array<i32>} : memref<6144xf32, #tpu.memory_space<vmem>>, vector<16xf32>,
              %swap3A_286 = arith.index_cast %add3A_281 : i32 to index
              %swap3A_287 = tpu.vector_load %arg13[%swap3A_286] {strides = array<i32>} : memref<6144xf32, #tpu.memory_space<vmem>>, vector<16xf32>,
              %swap3A_288 = vector.shape_cast %swap3A_287 : vector<16xf32> to vector<16xf32>
              %swap3A_289 = vector.shape_cast %while3A_126#17 : vector<16xf32> to vector<16xf32>
              tpu.vector_store %arg13[%swap3A_286], %swap3A_289 {add = true, strides = array<i32>} : memref<6144xf32, #tpu.memory_space<vmem>>, vector<16xf32>,
              %get3A_290 = arith.index_cast %add3A_281 : i32 to index
              %get3A_291 = tpu.vector_load %arg14[%get3A_290] {strides = array<i32>} : memref<6144xf32, #tpu.memory_space<vmem>>, vector<16xf32>,
              %get3A_292 = vector.shape_cast %get3A_291 : vector<16xf32> to vector<16xf32>
              %min3A_293 = arith.minimumf %get3A_292, %while3A_126#29 : vector<16xf32>
              %swap3A_294 = arith.index_cast %add3A_281 : i32 to index
              %swap3A_295 = tpu.vector_load %arg14[%swap3A_294] {strides = array<i32>} : memref<6144xf32, #tpu.memory_space<vmem>>, vector<16xf32>,
              %swap3A_296 = vector.shape_cast %swap3A_295 : vector<16xf32> to vector<16xf32>
              %swap3A_297 = vector.shape_cast %min3A_293 : vector<16xf32> to vector<16xf32>
              tpu.vector_store %arg14[%swap3A_294], %swap3A_297 {strides = array<i32>} : memref<6144xf32, #tpu.memory_space<vmem>>, vector<16xf32>,
              %get3A_298 = arith.index_cast %add3A_281 : i32 to index
              %get3A_299 = tpu.vector_load %arg15[%get3A_298] {strides = array<i32>} : memref<6144xf32, #tpu.memory_space<vmem>>, vector<16xf32>,
              %get3A_300 = vector.shape_cast %get3A_299 : vector<16xf32> to vector<16xf32>
              %max3A_301 = arith.maximumf %get3A_300, %while3A_126#41 : vector<16xf32>
              %swap3A_302 = arith.index_cast %add3A_281 : i32 to index
              %swap3A_303 = tpu.vector_load %arg15[%swap3A_302] {strides = array<i32>} : memref<6144xf32, #tpu.memory_space<vmem>>, vector<16xf32>,
              %swap3A_304 = vector.shape_cast %swap3A_303 : vector<16xf32> to vector<16xf32>
              %swap3A_305 = vector.shape_cast %max3A_301 : vector<16xf32> to vector<16xf32>
              tpu.vector_store %arg15[%swap3A_302], %swap3A_305 {strides = array<i32>} : memref<6144xf32, #tpu.memory_space<vmem>>, vector<16xf32>,
              %mul3A_306 = arith.constant 384 : i32
              %mul3A_307 = arith.muli %scan3A_99, %mul3A_306 : i32
              %add3A_308 = arith.constant 0 : i32
              %add3A_309 = arith.addi %mul3A_307, %add3A_308 : i32
              %add3A_310 = arith.constant 96 : i32
              %add3A_311 = arith.addi %add3A_309, %add3A_310 : i32
              %swap3A_312 = arith.index_cast %add3A_311 : i32 to index
              %swap3A_313 = tpu.vector_load %arg12[%swap3A_312] {strides = array<i32>} : memref<6144xf32, #tpu.memory_space<vmem>>, vector<16xf32>,
              %swap3A_314 = vector.shape_cast %swap3A_313 : vector<16xf32> to vector<16xf32>
              %swap3A_315 = vector.shape_cast %while3A_126#6 : vector<16xf32> to vector<16xf32>
              tpu.vector_store %arg12[%swap3A_312], %swap3A_315 {add = true, strides = array<i32>} : memref<6144xf32, #tpu.memory_space<vmem>>, vector<16xf32>,
              %swap3A_316 = arith.index_cast %add3A_311 : i32 to index
              %swap3A_317 = tpu.vector_load %arg13[%swap3A_316] {strides = array<i32>} : memref<6144xf32, #tpu.memory_space<vmem>>, vector<16xf32>,
              %swap3A_318 = vector.shape_cast %swap3A_317 : vector<16xf32> to vector<16xf32>
              %swap3A_319 = vector.shape_cast %while3A_126#18 : vector<16xf32> to vector<16xf32>
              tpu.vector_store %arg13[%swap3A_316], %swap3A_319 {add = true, strides = array<i32>} : memref<6144xf32, #tpu.memory_space<vmem>>, vector<16xf32>,
              %get3A_320 = arith.index_cast %add3A_311 : i32 to index
              %get3A_321 = tpu.vector_load %arg14[%get3A_320] {strides = array<i32>} : memref<6144xf32, #tpu.memory_space<vmem>>, vector<16xf32>,
              %get3A_322 = vector.shape_cast %get3A_321 : vector<16xf32> to vector<16xf32>
              %min3A_323 = arith.minimumf %get3A_322, %while3A_126#30 : vector<16xf32>
              %swap3A_324 = arith.index_cast %add3A_311 : i32 to index
              %swap3A_325 = tpu.vector_load %arg14[%swap3A_324] {strides = array<i32>} : memref<6144xf32, #tpu.memory_space<vmem>>, vector<16xf32>,
              %swap3A_326 = vector.shape_cast %swap3A_325 : vector<16xf32> to vector<16xf32>
              %swap3A_327 = vector.shape_cast %min3A_323 : vector<16xf32> to vector<16xf32>
              tpu.vector_store %arg14[%swap3A_324], %swap3A_327 {strides = array<i32>} : memref<6144xf32, #tpu.memory_space<vmem>>, vector<16xf32>,
              %get3A_328 = arith.index_cast %add3A_311 : i32 to index
              %get3A_329 = tpu.vector_load %arg15[%get3A_328] {strides = array<i32>} : memref<6144xf32, #tpu.memory_space<vmem>>, vector<16xf32>,
              %get3A_330 = vector.shape_cast %get3A_329 : vector<16xf32> to vector<16xf32>
              %max3A_331 = arith.maximumf %get3A_330, %while3A_126#42 : vector<16xf32>
              %swap3A_332 = arith.index_cast %add3A_311 : i32 to index
              %swap3A_333 = tpu.vector_load %arg15[%swap3A_332] {strides = array<i32>} : memref<6144xf32, #tpu.memory_space<vmem>>, vector<16xf32>,
              %swap3A_334 = vector.shape_cast %swap3A_333 : vector<16xf32> to vector<16xf32>
              %swap3A_335 = vector.shape_cast %max3A_331 : vector<16xf32> to vector<16xf32>
              tpu.vector_store %arg15[%swap3A_332], %swap3A_335 {strides = array<i32>} : memref<6144xf32, #tpu.memory_space<vmem>>, vector<16xf32>,
              %mul3A_336 = arith.constant 384 : i32
              %mul3A_337 = arith.muli %scan3A_99, %mul3A_336 : i32
              %add3A_338 = arith.constant 0 : i32
              %add3A_339 = arith.addi %mul3A_337, %add3A_338 : i32
              %add3A_340 = arith.constant 112 : i32
              %add3A_341 = arith.addi %add3A_339, %add3A_340 : i32
              %swap3A_342 = arith.index_cast %add3A_341 : i32 to index
              %swap3A_343 = tpu.vector_load %arg12[%swap3A_342] {strides = array<i32>} : memref<6144xf32, #tpu.memory_space<vmem>>, vector<16xf32>,
              %swap3A_344 = vector.shape_cast %swap3A_343 : vector<16xf32> to vector<16xf32>
              %swap3A_345 = vector.shape_cast %while3A_126#7 : vector<16xf32> to vector<16xf32>
              tpu.vector_store %arg12[%swap3A_342], %swap3A_345 {add = true, strides = array<i32>} : memref<6144xf32, #tpu.memory_space<vmem>>, vector<16xf32>,
              %swap3A_346 = arith.index_cast %add3A_341 : i32 to index
              %swap3A_347 = tpu.vector_load %arg13[%swap3A_346] {strides = array<i32>} : memref<6144xf32, #tpu.memory_space<vmem>>, vector<16xf32>,
              %swap3A_348 = vector.shape_cast %swap3A_347 : vector<16xf32> to vector<16xf32>
              %swap3A_349 = vector.shape_cast %while3A_126#19 : vector<16xf32> to vector<16xf32>
              tpu.vector_store %arg13[%swap3A_346], %swap3A_349 {add = true, strides = array<i32>} : memref<6144xf32, #tpu.memory_space<vmem>>, vector<16xf32>,
              %get3A_350 = arith.index_cast %add3A_341 : i32 to index
              %get3A_351 = tpu.vector_load %arg14[%get3A_350] {strides = array<i32>} : memref<6144xf32, #tpu.memory_space<vmem>>, vector<16xf32>,
              %get3A_352 = vector.shape_cast %get3A_351 : vector<16xf32> to vector<16xf32>
              %min3A_353 = arith.minimumf %get3A_352, %while3A_126#31 : vector<16xf32>
              %swap3A_354 = arith.index_cast %add3A_341 : i32 to index
              %swap3A_355 = tpu.vector_load %arg14[%swap3A_354] {strides = array<i32>} : memref<6144xf32, #tpu.memory_space<vmem>>, vector<16xf32>,
              %swap3A_356 = vector.shape_cast %swap3A_355 : vector<16xf32> to vector<16xf32>
              %swap3A_357 = vector.shape_cast %min3A_353 : vector<16xf32> to vector<16xf32>
              tpu.vector_store %arg14[%swap3A_354], %swap3A_357 {strides = array<i32>} : memref<6144xf32, #tpu.memory_space<vmem>>, vector<16xf32>,
              %get3A_358 = arith.index_cast %add3A_341 : i32 to index
              %get3A_359 = tpu.vector_load %arg15[%get3A_358] {strides = array<i32>} : memref<6144xf32, #tpu.memory_space<vmem>>, vector<16xf32>,
              %get3A_360 = vector.shape_cast %get3A_359 : vector<16xf32> to vector<16xf32>
              %max3A_361 = arith.maximumf %get3A_360, %while3A_126#43 : vector<16xf32>
              %swap3A_362 = arith.index_cast %add3A_341 : i32 to index
              %swap3A_363 = tpu.vector_load %arg15[%swap3A_362] {strides = array<i32>} : memref<6144xf32, #tpu.memory_space<vmem>>, vector<16xf32>,
              %swap3A_364 = vector.shape_cast %swap3A_363 : vector<16xf32> to vector<16xf32>
              %swap3A_365 = vector.shape_cast %max3A_361 : vector<16xf32> to vector<16xf32>
              tpu.vector_store %arg15[%swap3A_362], %swap3A_365 {strides = array<i32>} : memref<6144xf32, #tpu.memory_space<vmem>>, vector<16xf32>,
              %mul3A_366 = arith.constant 384 : i32
              %mul3A_367 = arith.muli %scan3A_99, %mul3A_366 : i32
              %add3A_368 = arith.constant 0 : i32
              %add3A_369 = arith.addi %mul3A_367, %add3A_368 : i32
              %add3A_370 = arith.constant 128 : i32
              %add3A_371 = arith.addi %add3A_369, %add3A_370 : i32
              %swap3A_372 = arith.index_cast %add3A_371 : i32 to index
              %swap3A_373 = tpu.vector_load %arg12[%swap3A_372] {strides = array<i32>} : memref<6144xf32, #tpu.memory_space<vmem>>, vector<16xf32>,
              %swap3A_374 = vector.shape_cast %swap3A_373 : vector<16xf32> to vector<16xf32>
              %swap3A_375 = vector.shape_cast %while3A_126#8 : vector<16xf32> to vector<16xf32>
              tpu.vector_store %arg12[%swap3A_372], %swap3A_375 {add = true, strides = array<i32>} : memref<6144xf32, #tpu.memory_space<vmem>>, vector<16xf32>,
              %swap3A_376 = arith.index_cast %add3A_371 : i32 to index
              %swap3A_377 = tpu.vector_load %arg13[%swap3A_376] {strides = array<i32>} : memref<6144xf32, #tpu.memory_space<vmem>>, vector<16xf32>,
              %swap3A_378 = vector.shape_cast %swap3A_377 : vector<16xf32> to vector<16xf32>
              %swap3A_379 = vector.shape_cast %while3A_126#20 : vector<16xf32> to vector<16xf32>
              tpu.vector_store %arg13[%swap3A_376], %swap3A_379 {add = true, strides = array<i32>} : memref<6144xf32, #tpu.memory_space<vmem>>, vector<16xf32>,
              %get3A_380 = arith.index_cast %add3A_371 : i32 to index
              %get3A_381 = tpu.vector_load %arg14[%get3A_380] {strides = array<i32>} : memref<6144xf32, #tpu.memory_space<vmem>>, vector<16xf32>,
              %get3A_382 = vector.shape_cast %get3A_381 : vector<16xf32> to vector<16xf32>
              %min3A_383 = arith.minimumf %get3A_382, %while3A_126#32 : vector<16xf32>
              %swap3A_384 = arith.index_cast %add3A_371 : i32 to index
              %swap3A_385 = tpu.vector_load %arg14[%swap3A_384] {strides = array<i32>} : memref<6144xf32, #tpu.memory_space<vmem>>, vector<16xf32>,
              %swap3A_386 = vector.shape_cast %swap3A_385 : vector<16xf32> to vector<16xf32>
              %swap3A_387 = vector.shape_cast %min3A_383 : vector<16xf32> to vector<16xf32>
              tpu.vector_store %arg14[%swap3A_384], %swap3A_387 {strides = array<i32>} : memref<6144xf32, #tpu.memory_space<vmem>>, vector<16xf32>,
              %get3A_388 = arith.index_cast %add3A_371 : i32 to index
              %get3A_389 = tpu.vector_load %arg15[%get3A_388] {strides = array<i32>} : memref<6144xf32, #tpu.memory_space<vmem>>, vector<16xf32>,
              %get3A_390 = vector.shape_cast %get3A_389 : vector<16xf32> to vector<16xf32>
              %max3A_391 = arith.maximumf %get3A_390, %while3A_126#44 : vector<16xf32>
              %swap3A_392 = arith.index_cast %add3A_371 : i32 to index
              %swap3A_393 = tpu.vector_load %arg15[%swap3A_392] {strides = array<i32>} : memref<6144xf32, #tpu.memory_space<vmem>>, vector<16xf32>,
              %swap3A_394 = vector.shape_cast %swap3A_393 : vector<16xf32> to vector<16xf32>
              %swap3A_395 = vector.shape_cast %max3A_391 : vector<16xf32> to vector<16xf32>
              tpu.vector_store %arg15[%swap3A_392], %swap3A_395 {strides = array<i32>} : memref<6144xf32, #tpu.memory_space<vmem>>, vector<16xf32>,
              %mul3A_396 = arith.constant 384 : i32
              %mul3A_397 = arith.muli %scan3A_99, %mul3A_396 : i32
              %add3A_398 = arith.constant 0 : i32
              %add3A_399 = arith.addi %mul3A_397, %add3A_398 : i32
              %add3A_400 = arith.constant 144 : i32
              %add3A_401 = arith.addi %add3A_399, %add3A_400 : i32
              %swap3A_402 = arith.index_cast %add3A_401 : i32 to index
              %swap3A_403 = tpu.vector_load %arg12[%swap3A_402] {strides = array<i32>} : memref<6144xf32, #tpu.memory_space<vmem>>, vector<16xf32>,
              %swap3A_404 = vector.shape_cast %swap3A_403 : vector<16xf32> to vector<16xf32>
              %swap3A_405 = vector.shape_cast %while3A_126#9 : vector<16xf32> to vector<16xf32>
              tpu.vector_store %arg12[%swap3A_402], %swap3A_405 {add = true, strides = array<i32>} : memref<6144xf32, #tpu.memory_space<vmem>>, vector<16xf32>,
              %swap3A_406 = arith.index_cast %add3A_401 : i32 to index
              %swap3A_407 = tpu.vector_load %arg13[%swap3A_406] {strides = array<i32>} : memref<6144xf32, #tpu.memory_space<vmem>>, vector<16xf32>,
              %swap3A_408 = vector.shape_cast %swap3A_407 : vector<16xf32> to vector<16xf32>
              %swap3A_409 = vector.shape_cast %while3A_126#21 : vector<16xf32> to vector<16xf32>
              tpu.vector_store %arg13[%swap3A_406], %swap3A_409 {add = true, strides = array<i32>} : memref<6144xf32, #tpu.memory_space<vmem>>, vector<16xf32>,
              %get3A_410 = arith.index_cast %add3A_401 : i32 to index
              %get3A_411 = tpu.vector_load %arg14[%get3A_410] {strides = array<i32>} : memref<6144xf32, #tpu.memory_space<vmem>>, vector<16xf32>,
              %get3A_412 = vector.shape_cast %get3A_411 : vector<16xf32> to vector<16xf32>
              %min3A_413 = arith.minimumf %get3A_412, %while3A_126#33 : vector<16xf32>
              %swap3A_414 = arith.index_cast %add3A_401 : i32 to index
              %swap3A_415 = tpu.vector_load %arg14[%swap3A_414] {strides = array<i32>} : memref<6144xf32, #tpu.memory_space<vmem>>, vector<16xf32>,
              %swap3A_416 = vector.shape_cast %swap3A_415 : vector<16xf32> to vector<16xf32>
              %swap3A_417 = vector.shape_cast %min3A_413 : vector<16xf32> to vector<16xf32>
              tpu.vector_store %arg14[%swap3A_414], %swap3A_417 {strides = array<i32>} : memref<6144xf32, #tpu.memory_space<vmem>>, vector<16xf32>,
              %get3A_418 = arith.index_cast %add3A_401 : i32 to index
              %get3A_419 = tpu.vector_load %arg15[%get3A_418] {strides = array<i32>} : memref<6144xf32, #tpu.memory_space<vmem>>, vector<16xf32>,
              %get3A_420 = vector.shape_cast %get3A_419 : vector<16xf32> to vector<16xf32>
              %max3A_421 = arith.maximumf %get3A_420, %while3A_126#45 : vector<16xf32>
              %swap3A_422 = arith.index_cast %add3A_401 : i32 to index
              %swap3A_423 = tpu.vector_load %arg15[%swap3A_422] {strides = array<i32>} : memref<6144xf32, #tpu.memory_space<vmem>>, vector<16xf32>,
              %swap3A_424 = vector.shape_cast %swap3A_423 : vector<16xf32> to vector<16xf32>
              %swap3A_425 = vector.shape_cast %max3A_421 : vector<16xf32> to vector<16xf32>
              tpu.vector_store %arg15[%swap3A_422], %swap3A_425 {strides = array<i32>} : memref<6144xf32, #tpu.memory_space<vmem>>, vector<16xf32>,
              %mul3A_426 = arith.constant 384 : i32
              %mul3A_427 = arith.muli %scan3A_99, %mul3A_426 : i32
              %add3A_428 = arith.constant 0 : i32
              %add3A_429 = arith.addi %mul3A_427, %add3A_428 : i32
              %add3A_430 = arith.constant 160 : i32
              %add3A_431 = arith.addi %add3A_429, %add3A_430 : i32
              %swap3A_432 = arith.index_cast %add3A_431 : i32 to index
              %swap3A_433 = tpu.vector_load %arg12[%swap3A_432] {strides = array<i32>} : memref<6144xf32, #tpu.memory_space<vmem>>, vector<16xf32>,
              %swap3A_434 = vector.shape_cast %swap3A_433 : vector<16xf32> to vector<16xf32>
              %swap3A_435 = vector.shape_cast %while3A_126#10 : vector<16xf32> to vector<16xf32>
              tpu.vector_store %arg12[%swap3A_432], %swap3A_435 {add = true, strides = array<i32>} : memref<6144xf32, #tpu.memory_space<vmem>>, vector<16xf32>,
              %swap3A_436 = arith.index_cast %add3A_431 : i32 to index
              %swap3A_437 = tpu.vector_load %arg13[%swap3A_436] {strides = array<i32>} : memref<6144xf32, #tpu.memory_space<vmem>>, vector<16xf32>,
              %swap3A_438 = vector.shape_cast %swap3A_437 : vector<16xf32> to vector<16xf32>
              %swap3A_439 = vector.shape_cast %while3A_126#22 : vector<16xf32> to vector<16xf32>
              tpu.vector_store %arg13[%swap3A_436], %swap3A_439 {add = true, strides = array<i32>} : memref<6144xf32, #tpu.memory_space<vmem>>, vector<16xf32>,
              %get3A_440 = arith.index_cast %add3A_431 : i32 to index
              %get3A_441 = tpu.vector_load %arg14[%get3A_440] {strides = array<i32>} : memref<6144xf32, #tpu.memory_space<vmem>>, vector<16xf32>,
              %get3A_442 = vector.shape_cast %get3A_441 : vector<16xf32> to vector<16xf32>
              %min3A_443 = arith.minimumf %get3A_442, %while3A_126#34 : vector<16xf32>
              %swap3A_444 = arith.index_cast %add3A_431 : i32 to index
              %swap3A_445 = tpu.vector_load %arg14[%swap3A_444] {strides = array<i32>} : memref<6144xf32, #tpu.memory_space<vmem>>, vector<16xf32>,
              %swap3A_446 = vector.shape_cast %swap3A_445 : vector<16xf32> to vector<16xf32>
              %swap3A_447 = vector.shape_cast %min3A_443 : vector<16xf32> to vector<16xf32>
              tpu.vector_store %arg14[%swap3A_444], %swap3A_447 {strides = array<i32>} : memref<6144xf32, #tpu.memory_space<vmem>>, vector<16xf32>,
              %get3A_448 = arith.index_cast %add3A_431 : i32 to index
              %get3A_449 = tpu.vector_load %arg15[%get3A_448] {strides = array<i32>} : memref<6144xf32, #tpu.memory_space<vmem>>, vector<16xf32>,
              %get3A_450 = vector.shape_cast %get3A_449 : vector<16xf32> to vector<16xf32>
              %max3A_451 = arith.maximumf %get3A_450, %while3A_126#46 : vector<16xf32>
              %swap3A_452 = arith.index_cast %add3A_431 : i32 to index
              %swap3A_453 = tpu.vector_load %arg15[%swap3A_452] {strides = array<i32>} : memref<6144xf32, #tpu.memory_space<vmem>>, vector<16xf32>,
              %swap3A_454 = vector.shape_cast %swap3A_453 : vector<16xf32> to vector<16xf32>
              %swap3A_455 = vector.shape_cast %max3A_451 : vector<16xf32> to vector<16xf32>
              tpu.vector_store %arg15[%swap3A_452], %swap3A_455 {strides = array<i32>} : memref<6144xf32, #tpu.memory_space<vmem>>, vector<16xf32>,
              %mul3A_456 = arith.constant 384 : i32
              %mul3A_457 = arith.muli %scan3A_99, %mul3A_456 : i32
              %add3A_458 = arith.constant 0 : i32
              %add3A_459 = arith.addi %mul3A_457, %add3A_458 : i32
              %add3A_460 = arith.constant 176 : i32
              %add3A_461 = arith.addi %add3A_459, %add3A_460 : i32
              %swap3A_462 = arith.index_cast %add3A_461 : i32 to index
              %swap3A_463 = tpu.vector_load %arg12[%swap3A_462] {strides = array<i32>} : memref<6144xf32, #tpu.memory_space<vmem>>, vector<16xf32>,
              %swap3A_464 = vector.shape_cast %swap3A_463 : vector<16xf32> to vector<16xf32>
              %swap3A_465 = vector.shape_cast %while3A_126#11 : vector<16xf32> to vector<16xf32>
              tpu.vector_store %arg12[%swap3A_462], %swap3A_465 {add = true, strides = array<i32>} : memref<6144xf32, #tpu.memory_space<vmem>>, vector<16xf32>,
              %swap3A_466 = arith.index_cast %add3A_461 : i32 to index
              %swap3A_467 = tpu.vector_load %arg13[%swap3A_466] {strides = array<i32>} : memref<6144xf32, #tpu.memory_space<vmem>>, vector<16xf32>,
              %swap3A_468 = vector.shape_cast %swap3A_467 : vector<16xf32> to vector<16xf32>
              %swap3A_469 = vector.shape_cast %while3A_126#23 : vector<16xf32> to vector<16xf32>
              tpu.vector_store %arg13[%swap3A_466], %swap3A_469 {add = true, strides = array<i32>} : memref<6144xf32, #tpu.memory_space<vmem>>, vector<16xf32>,
              %get3A_470 = arith.index_cast %add3A_461 : i32 to index
              %get3A_471 = tpu.vector_load %arg14[%get3A_470] {strides = array<i32>} : memref<6144xf32, #tpu.memory_space<vmem>>, vector<16xf32>,
              %get3A_472 = vector.shape_cast %get3A_471 : vector<16xf32> to vector<16xf32>
              %min3A_473 = arith.minimumf %get3A_472, %while3A_126#35 : vector<16xf32>
              %swap3A_474 = arith.index_cast %add3A_461 : i32 to index
              %swap3A_475 = tpu.vector_load %arg14[%swap3A_474] {strides = array<i32>} : memref<6144xf32, #tpu.memory_space<vmem>>, vector<16xf32>,
              %swap3A_476 = vector.shape_cast %swap3A_475 : vector<16xf32> to vector<16xf32>
              %swap3A_477 = vector.shape_cast %min3A_473 : vector<16xf32> to vector<16xf32>
              tpu.vector_store %arg14[%swap3A_474], %swap3A_477 {strides = array<i32>} : memref<6144xf32, #tpu.memory_space<vmem>>, vector<16xf32>,
              %get3A_478 = arith.index_cast %add3A_461 : i32 to index
              %get3A_479 = tpu.vector_load %arg15[%get3A_478] {strides = array<i32>} : memref<6144xf32, #tpu.memory_space<vmem>>, vector<16xf32>,
              %get3A_480 = vector.shape_cast %get3A_479 : vector<16xf32> to vector<16xf32>
              %max3A_481 = arith.maximumf %get3A_480, %while3A_126#47 : vector<16xf32>
              %swap3A_482 = arith.index_cast %add3A_461 : i32 to index
              %swap3A_483 = tpu.vector_load %arg15[%swap3A_482] {strides = array<i32>} : memref<6144xf32, #tpu.memory_space<vmem>>, vector<16xf32>,
              %swap3A_484 = vector.shape_cast %swap3A_483 : vector<16xf32> to vector<16xf32>
              %swap3A_485 = vector.shape_cast %max3A_481 : vector<16xf32> to vector<16xf32>
              tpu.vector_store %arg15[%swap3A_482], %swap3A_485 {strides = array<i32>} : memref<6144xf32, #tpu.memory_space<vmem>>, vector<16xf32>,
              %while3A_486 = arith.subi %min3A, %max3A : i32
              %while3A_487 = arith.addi %max3A, %while3A_486 : i32
              %while3A_488 = arith.constant 1 : i32
              %while3A_489 = arith.divsi %while3A_486, %while3A_488 : i32
              %while3A_490 = arith.muli %while3A_489, %while3A_488 : i32
              %while3A_491 = arith.addi %max3A, %while3A_490 : i32
              %while3A_492 = arith.constant 1 : i32
              %while3A_493:48 = scf.for %while3A_856 = %max3A to %while3A_491 step %while3A_492 iter_args(%while3A_857 = %broadcast_in_dim3A_1, %while3A_858 = %broadcast_in_dim3A_1, %while3A_859 = %broadcast_in_dim3A_1, %while3A_860 = %broadcast_in_dim3A_1, %while3A_861 = %broadcast_in_dim3A_1, %while3A_862 = %broadcast_in_dim3A_1, %while3A_863 = %broadcast_in_dim3A_1, %while3A_864 = %broadcast_in_dim3A_1, %while3A_865 = %broadcast_in_dim3A_1, %while3A_866 = %broadcast_in_dim3A_1, %while3A_867 = %broadcast_in_dim3A_1, %while3A_868 = %broadcast_in_dim3A_1, %while3A_869 = %broadcast_in_dim3A_1, %while3A_870 = %broadcast_in_dim3A_1, %while3A_871 = %broadcast_in_dim3A_1, %while3A_872 = %broadcast_in_dim3A_1, %while3A_873 = %broadcast_in_dim3A_1, %while3A_874 = %broadcast_in_dim3A_1, %while3A_875 = %broadcast_in_dim3A_1, %while3A_876 = %broadcast_in_dim3A_1, %while3A_877 = %broadcast_in_dim3A_1, %while3A_878 = %broadcast_in_dim3A_1, %while3A_879 = %broadcast_in_dim3A_1, %while3A_880 = %broadcast_in_dim3A_1, %while3A_881 = %add3A_4, %while3A_882 = %add3A_4, %while3A_883 = %add3A_4, %while3A_884 = %add3A_4, %while3A_885 = %add3A_4, %while3A_886 = %add3A_4, %while3A_887 = %add3A_4, %while3A_888 = %add3A_4, %while3A_889 = %add3A_4, %while3A_890 = %add3A_4, %while3A_891 = %add3A_4, %while3A_892 = %add3A_4, %while3A_893 = %sub3A_6, %while3A_894 = %sub3A_6, %while3A_895 = %sub3A_6, %while3A_896 = %sub3A_6, %while3A_897 = %sub3A_6, %while3A_898 = %sub3A_6, %while3A_899 = %sub3A_6, %while3A_900 = %sub3A_6, %while3A_901 = %sub3A_6, %while3A_902 = %sub3A_6, %while3A_903 = %sub3A_6, %while3A_904 = %sub3A_6) -> (vector<16xf32>, vector<16xf32>, vector<16xf32>, vector<16xf32>, vector<16xf32>, vector<16xf32>, vector<16xf32>, vector<16xf32>, vector<16xf32>, vector<16xf32>, vector<16xf32>, vector<16xf32>, vector<16xf32>, vector<16xf32>, vector<16xf32>, vector<16xf32>, vector<16xf32>, vector<16xf32>, vector<16xf32>, vector<16xf32>, vector<16xf32>, vector<16xf32>, vector<16xf32>, vector<16xf32>, vector<16xf32>, vector<16xf32>, vector<16xf32>, vector<16xf32>, vector<16xf32>, vector<16xf32>, vector<16xf32>, vector<16xf32>, vector<16xf32>, vector<16xf32>, vector<16xf32>, vector<16xf32>, vector<16xf32>, vector<16xf32>, vector<16xf32>, vector<16xf32>, vector<16xf32>, vector<16xf32>, vector<16xf32>, vector<16xf32>, vector<16xf32>, vector<16xf32>, vector<16xf32>, vector<16xf32>)  : i32 {
                %sub3A_905 = arith.subi %while3A_856, %add3A_86 : i32
                %get3A_906 = arith.index_cast %sub3A_905 : i32 to index
                %get3A_907 = arith.constant 192 : index
                %get3A_908 = tpu.vector_load %arg11[%get3A_906, %get3A_907] {strides = array<i32>} : memref<128x384xf32, #tpu.memory_space<vmem>>, vector<1x16xf32>,
                %get3A_909 = vector.shape_cast %get3A_908 : vector<1x16xf32> to vector<16xf32>
                %add3A_910 = arith.addf %while3A_857, %get3A_909 : vector<16xf32>
                %get3A_911 = arith.index_cast %sub3A_905 : i32 to index
                %get3A_912 = arith.constant 208 : index
                %get3A_913 = tpu.vector_load %arg11[%get3A_911, %get3A_912] {strides = array<i32>} : memref<128x384xf32, #tpu.memory_space<vmem>>, vector<1x16xf32>,
                %get3A_914 = vector.shape_cast %get3A_913 : vector<1x16xf32> to vector<16xf32>
                %add3A_915 = arith.addf %while3A_858, %get3A_914 : vector<16xf32>
                %get3A_916 = arith.index_cast %sub3A_905 : i32 to index
                %get3A_917 = arith.constant 224 : index
                %get3A_918 = tpu.vector_load %arg11[%get3A_916, %get3A_917] {strides = array<i32>} : memref<128x384xf32, #tpu.memory_space<vmem>>, vector<1x16xf32>,
                %get3A_919 = vector.shape_cast %get3A_918 : vector<1x16xf32> to vector<16xf32>
                %add3A_920 = arith.addf %while3A_859, %get3A_919 : vector<16xf32>
                %get3A_921 = arith.index_cast %sub3A_905 : i32 to index
                %get3A_922 = arith.constant 240 : index
                %get3A_923 = tpu.vector_load %arg11[%get3A_921, %get3A_922] {strides = array<i32>} : memref<128x384xf32, #tpu.memory_space<vmem>>, vector<1x16xf32>,
                %get3A_924 = vector.shape_cast %get3A_923 : vector<1x16xf32> to vector<16xf32>
                %add3A_925 = arith.addf %while3A_860, %get3A_924 : vector<16xf32>
                %get3A_926 = arith.index_cast %sub3A_905 : i32 to index
                %get3A_927 = arith.constant 256 : index
                %get3A_928 = tpu.vector_load %arg11[%get3A_926, %get3A_927] {strides = array<i32>} : memref<128x384xf32, #tpu.memory_space<vmem>>, vector<1x16xf32>,
                %get3A_929 = vector.shape_cast %get3A_928 : vector<1x16xf32> to vector<16xf32>
                %add3A_930 = arith.addf %while3A_861, %get3A_929 : vector<16xf32>
                %get3A_931 = arith.index_cast %sub3A_905 : i32 to index
                %get3A_932 = arith.constant 272 : index
                %get3A_933 = tpu.vector_load %arg11[%get3A_931, %get3A_932] {strides = array<i32>} : memref<128x384xf32, #tpu.memory_space<vmem>>, vector<1x16xf32>,
                %get3A_934 = vector.shape_cast %get3A_933 : vector<1x16xf32> to vector<16xf32>
                %add3A_935 = arith.addf %while3A_862, %get3A_934 : vector<16xf32>
                %get3A_936 = arith.index_cast %sub3A_905 : i32 to index
                %get3A_937 = arith.constant 288 : index
                %get3A_938 = tpu.vector_load %arg11[%get3A_936, %get3A_937] {strides = array<i32>} : memref<128x384xf32, #tpu.memory_space<vmem>>, vector<1x16xf32>,
                %get3A_939 = vector.shape_cast %get3A_938 : vector<1x16xf32> to vector<16xf32>
                %add3A_940 = arith.addf %while3A_863, %get3A_939 : vector<16xf32>
                %get3A_941 = arith.index_cast %sub3A_905 : i32 to index
                %get3A_942 = arith.constant 304 : index
                %get3A_943 = tpu.vector_load %arg11[%get3A_941, %get3A_942] {strides = array<i32>} : memref<128x384xf32, #tpu.memory_space<vmem>>, vector<1x16xf32>,
                %get3A_944 = vector.shape_cast %get3A_943 : vector<1x16xf32> to vector<16xf32>
                %add3A_945 = arith.addf %while3A_864, %get3A_944 : vector<16xf32>
                %get3A_946 = arith.index_cast %sub3A_905 : i32 to index
                %get3A_947 = arith.constant 320 : index
                %get3A_948 = tpu.vector_load %arg11[%get3A_946, %get3A_947] {strides = array<i32>} : memref<128x384xf32, #tpu.memory_space<vmem>>, vector<1x16xf32>,
                %get3A_949 = vector.shape_cast %get3A_948 : vector<1x16xf32> to vector<16xf32>
                %add3A_950 = arith.addf %while3A_865, %get3A_949 : vector<16xf32>
                %get3A_951 = arith.index_cast %sub3A_905 : i32 to index
                %get3A_952 = arith.constant 336 : index
                %get3A_953 = tpu.vector_load %arg11[%get3A_951, %get3A_952] {strides = array<i32>} : memref<128x384xf32, #tpu.memory_space<vmem>>, vector<1x16xf32>,
                %get3A_954 = vector.shape_cast %get3A_953 : vector<1x16xf32> to vector<16xf32>
                %add3A_955 = arith.addf %while3A_866, %get3A_954 : vector<16xf32>
                %get3A_956 = arith.index_cast %sub3A_905 : i32 to index
                %get3A_957 = arith.constant 352 : index
                %get3A_958 = tpu.vector_load %arg11[%get3A_956, %get3A_957] {strides = array<i32>} : memref<128x384xf32, #tpu.memory_space<vmem>>, vector<1x16xf32>,
                %get3A_959 = vector.shape_cast %get3A_958 : vector<1x16xf32> to vector<16xf32>
                %add3A_960 = arith.addf %while3A_867, %get3A_959 : vector<16xf32>
                %get3A_961 = arith.index_cast %sub3A_905 : i32 to index
                %get3A_962 = arith.constant 368 : index
                %get3A_963 = tpu.vector_load %arg11[%get3A_961, %get3A_962] {strides = array<i32>} : memref<128x384xf32, #tpu.memory_space<vmem>>, vector<1x16xf32>,
                %get3A_964 = vector.shape_cast %get3A_963 : vector<1x16xf32> to vector<16xf32>
                %add3A_965 = arith.addf %while3A_868, %get3A_964 : vector<16xf32>
                %get3A_966 = arith.index_cast %sub3A_905 : i32 to index
                %get3A_967 = arith.constant 192 : index
                %get3A_968 = tpu.vector_load %arg11[%get3A_966, %get3A_967] {strides = array<i32>} : memref<128x384xf32, #tpu.memory_space<vmem>>, vector<1x16xf32>,
                %get3A_969 = vector.shape_cast %get3A_968 : vector<1x16xf32> to vector<16xf32>
                %mul3A_970 = arith.mulf %get3A_969, %get3A_969 : vector<16xf32>
                %add3A_971 = arith.addf %while3A_869, %mul3A_970 : vector<16xf32>
                %get3A_972 = arith.index_cast %sub3A_905 : i32 to index
                %get3A_973 = arith.constant 208 : index
                %get3A_974 = tpu.vector_load %arg11[%get3A_972, %get3A_973] {strides = array<i32>} : memref<128x384xf32, #tpu.memory_space<vmem>>, vector<1x16xf32>,
                %get3A_975 = vector.shape_cast %get3A_974 : vector<1x16xf32> to vector<16xf32>
                %mul3A_976 = arith.mulf %get3A_975, %get3A_975 : vector<16xf32>
                %add3A_977 = arith.addf %while3A_870, %mul3A_976 : vector<16xf32>
                %get3A_978 = arith.index_cast %sub3A_905 : i32 to index
                %get3A_979 = arith.constant 224 : index
                %get3A_980 = tpu.vector_load %arg11[%get3A_978, %get3A_979] {strides = array<i32>} : memref<128x384xf32, #tpu.memory_space<vmem>>, vector<1x16xf32>,
                %get3A_981 = vector.shape_cast %get3A_980 : vector<1x16xf32> to vector<16xf32>
                %mul3A_982 = arith.mulf %get3A_981, %get3A_981 : vector<16xf32>
                %add3A_983 = arith.addf %while3A_871, %mul3A_982 : vector<16xf32>
                %get3A_984 = arith.index_cast %sub3A_905 : i32 to index
                %get3A_985 = arith.constant 240 : index
                %get3A_986 = tpu.vector_load %arg11[%get3A_984, %get3A_985] {strides = array<i32>} : memref<128x384xf32, #tpu.memory_space<vmem>>, vector<1x16xf32>,
                %get3A_987 = vector.shape_cast %get3A_986 : vector<1x16xf32> to vector<16xf32>
                %mul3A_988 = arith.mulf %get3A_987, %get3A_987 : vector<16xf32>
                %add3A_989 = arith.addf %while3A_872, %mul3A_988 : vector<16xf32>
                %get3A_990 = arith.index_cast %sub3A_905 : i32 to index
                %get3A_991 = arith.constant 256 : index
                %get3A_992 = tpu.vector_load %arg11[%get3A_990, %get3A_991] {strides = array<i32>} : memref<128x384xf32, #tpu.memory_space<vmem>>, vector<1x16xf32>,
                %get3A_993 = vector.shape_cast %get3A_992 : vector<1x16xf32> to vector<16xf32>
                %mul3A_994 = arith.mulf %get3A_993, %get3A_993 : vector<16xf32>
                %add3A_995 = arith.addf %while3A_873, %mul3A_994 : vector<16xf32>
                %get3A_996 = arith.index_cast %sub3A_905 : i32 to index
                %get3A_997 = arith.constant 272 : index
                %get3A_998 = tpu.vector_load %arg11[%get3A_996, %get3A_997] {strides = array<i32>} : memref<128x384xf32, #tpu.memory_space<vmem>>, vector<1x16xf32>,
                %get3A_999 = vector.shape_cast %get3A_998 : vector<1x16xf32> to vector<16xf32>
                %mul3A_1000 = arith.mulf %get3A_999, %get3A_999 : vector<16xf32>
                %add3A_1001 = arith.addf %while3A_874, %mul3A_1000 : vector<16xf32>
                %get3A_1002 = arith.index_cast %sub3A_905 : i32 to index
                %get3A_1003 = arith.constant 288 : index
                %get3A_1004 = tpu.vector_load %arg11[%get3A_1002, %get3A_1003] {strides = array<i32>} : memref<128x384xf32, #tpu.memory_space<vmem>>, vector<1x16xf32>,
                %get3A_1005 = vector.shape_cast %get3A_1004 : vector<1x16xf32> to vector<16xf32>
                %mul3A_1006 = arith.mulf %get3A_1005, %get3A_1005 : vector<16xf32>
                %add3A_1007 = arith.addf %while3A_875, %mul3A_1006 : vector<16xf32>
                %get3A_1008 = arith.index_cast %sub3A_905 : i32 to index
                %get3A_1009 = arith.constant 304 : index
                %get3A_1010 = tpu.vector_load %arg11[%get3A_1008, %get3A_1009] {strides = array<i32>} : memref<128x384xf32, #tpu.memory_space<vmem>>, vector<1x16xf32>,
                %get3A_1011 = vector.shape_cast %get3A_1010 : vector<1x16xf32> to vector<16xf32>
                %mul3A_1012 = arith.mulf %get3A_1011, %get3A_1011 : vector<16xf32>
                %add3A_1013 = arith.addf %while3A_876, %mul3A_1012 : vector<16xf32>
                %get3A_1014 = arith.index_cast %sub3A_905 : i32 to index
                %get3A_1015 = arith.constant 320 : index
                %get3A_1016 = tpu.vector_load %arg11[%get3A_1014, %get3A_1015] {strides = array<i32>} : memref<128x384xf32, #tpu.memory_space<vmem>>, vector<1x16xf32>,
                %get3A_1017 = vector.shape_cast %get3A_1016 : vector<1x16xf32> to vector<16xf32>
                %mul3A_1018 = arith.mulf %get3A_1017, %get3A_1017 : vector<16xf32>
                %add3A_1019 = arith.addf %while3A_877, %mul3A_1018 : vector<16xf32>
                %get3A_1020 = arith.index_cast %sub3A_905 : i32 to index
                %get3A_1021 = arith.constant 336 : index
                %get3A_1022 = tpu.vector_load %arg11[%get3A_1020, %get3A_1021] {strides = array<i32>} : memref<128x384xf32, #tpu.memory_space<vmem>>, vector<1x16xf32>,
                %get3A_1023 = vector.shape_cast %get3A_1022 : vector<1x16xf32> to vector<16xf32>
                %mul3A_1024 = arith.mulf %get3A_1023, %get3A_1023 : vector<16xf32>
                %add3A_1025 = arith.addf %while3A_878, %mul3A_1024 : vector<16xf32>
                %get3A_1026 = arith.index_cast %sub3A_905 : i32 to index
                %get3A_1027 = arith.constant 352 : index
                %get3A_1028 = tpu.vector_load %arg11[%get3A_1026, %get3A_1027] {strides = array<i32>} : memref<128x384xf32, #tpu.memory_space<vmem>>, vector<1x16xf32>,
                %get3A_1029 = vector.shape_cast %get3A_1028 : vector<1x16xf32> to vector<16xf32>
                %mul3A_1030 = arith.mulf %get3A_1029, %get3A_1029 : vector<16xf32>
                %add3A_1031 = arith.addf %while3A_879, %mul3A_1030 : vector<16xf32>
                %get3A_1032 = arith.index_cast %sub3A_905 : i32 to index
                %get3A_1033 = arith.constant 368 : index
                %get3A_1034 = tpu.vector_load %arg11[%get3A_1032, %get3A_1033] {strides = array<i32>} : memref<128x384xf32, #tpu.memory_space<vmem>>, vector<1x16xf32>,
                %get3A_1035 = vector.shape_cast %get3A_1034 : vector<1x16xf32> to vector<16xf32>
                %mul3A_1036 = arith.mulf %get3A_1035, %get3A_1035 : vector<16xf32>
                %add3A_1037 = arith.addf %while3A_880, %mul3A_1036 : vector<16xf32>
                %get3A_1038 = arith.index_cast %sub3A_905 : i32 to index
                %get3A_1039 = arith.constant 192 : index
                %get3A_1040 = tpu.vector_load %arg11[%get3A_1038, %get3A_1039] {strides = array<i32>} : memref<128x384xf32, #tpu.memory_space<vmem>>, vector<1x16xf32>,
                %get3A_1041 = vector.shape_cast %get3A_1040 : vector<1x16xf32> to vector<16xf32>
                %min3A_1042 = arith.minimumf %while3A_881, %get3A_1041 : vector<16xf32>
                %get3A_1043 = arith.index_cast %sub3A_905 : i32 to index
                %get3A_1044 = arith.constant 208 : index
                %get3A_1045 = tpu.vector_load %arg11[%get3A_1043, %get3A_1044] {strides = array<i32>} : memref<128x384xf32, #tpu.memory_space<vmem>>, vector<1x16xf32>,
                %get3A_1046 = vector.shape_cast %get3A_1045 : vector<1x16xf32> to vector<16xf32>
                %min3A_1047 = arith.minimumf %while3A_882, %get3A_1046 : vector<16xf32>
                %get3A_1048 = arith.index_cast %sub3A_905 : i32 to index
                %get3A_1049 = arith.constant 224 : index
                %get3A_1050 = tpu.vector_load %arg11[%get3A_1048, %get3A_1049] {strides = array<i32>} : memref<128x384xf32, #tpu.memory_space<vmem>>, vector<1x16xf32>,
                %get3A_1051 = vector.shape_cast %get3A_1050 : vector<1x16xf32> to vector<16xf32>
                %min3A_1052 = arith.minimumf %while3A_883, %get3A_1051 : vector<16xf32>
                %get3A_1053 = arith.index_cast %sub3A_905 : i32 to index
                %get3A_1054 = arith.constant 240 : index
                %get3A_1055 = tpu.vector_load %arg11[%get3A_1053, %get3A_1054] {strides = array<i32>} : memref<128x384xf32, #tpu.memory_space<vmem>>, vector<1x16xf32>,
                %get3A_1056 = vector.shape_cast %get3A_1055 : vector<1x16xf32> to vector<16xf32>
                %min3A_1057 = arith.minimumf %while3A_884, %get3A_1056 : vector<16xf32>
                %get3A_1058 = arith.index_cast %sub3A_905 : i32 to index
                %get3A_1059 = arith.constant 256 : index
                %get3A_1060 = tpu.vector_load %arg11[%get3A_1058, %get3A_1059] {strides = array<i32>} : memref<128x384xf32, #tpu.memory_space<vmem>>, vector<1x16xf32>,
                %get3A_1061 = vector.shape_cast %get3A_1060 : vector<1x16xf32> to vector<16xf32>
                %min3A_1062 = arith.minimumf %while3A_885, %get3A_1061 : vector<16xf32>
                %get3A_1063 = arith.index_cast %sub3A_905 : i32 to index
                %get3A_1064 = arith.constant 272 : index
                %get3A_1065 = tpu.vector_load %arg11[%get3A_1063, %get3A_1064] {strides = array<i32>} : memref<128x384xf32, #tpu.memory_space<vmem>>, vector<1x16xf32>,
                %get3A_1066 = vector.shape_cast %get3A_1065 : vector<1x16xf32> to vector<16xf32>
                %min3A_1067 = arith.minimumf %while3A_886, %get3A_1066 : vector<16xf32>
                %get3A_1068 = arith.index_cast %sub3A_905 : i32 to index
                %get3A_1069 = arith.constant 288 : index
                %get3A_1070 = tpu.vector_load %arg11[%get3A_1068, %get3A_1069] {strides = array<i32>} : memref<128x384xf32, #tpu.memory_space<vmem>>, vector<1x16xf32>,
                %get3A_1071 = vector.shape_cast %get3A_1070 : vector<1x16xf32> to vector<16xf32>
                %min3A_1072 = arith.minimumf %while3A_887, %get3A_1071 : vector<16xf32>
                %get3A_1073 = arith.index_cast %sub3A_905 : i32 to index
                %get3A_1074 = arith.constant 304 : index
                %get3A_1075 = tpu.vector_load %arg11[%get3A_1073, %get3A_1074] {strides = array<i32>} : memref<128x384xf32, #tpu.memory_space<vmem>>, vector<1x16xf32>,
                %get3A_1076 = vector.shape_cast %get3A_1075 : vector<1x16xf32> to vector<16xf32>
                %min3A_1077 = arith.minimumf %while3A_888, %get3A_1076 : vector<16xf32>
                %get3A_1078 = arith.index_cast %sub3A_905 : i32 to index
                %get3A_1079 = arith.constant 320 : index
                %get3A_1080 = tpu.vector_load %arg11[%get3A_1078, %get3A_1079] {strides = array<i32>} : memref<128x384xf32, #tpu.memory_space<vmem>>, vector<1x16xf32>,
                %get3A_1081 = vector.shape_cast %get3A_1080 : vector<1x16xf32> to vector<16xf32>
                %min3A_1082 = arith.minimumf %while3A_889, %get3A_1081 : vector<16xf32>
                %get3A_1083 = arith.index_cast %sub3A_905 : i32 to index
                %get3A_1084 = arith.constant 336 : index
                %get3A_1085 = tpu.vector_load %arg11[%get3A_1083, %get3A_1084] {strides = array<i32>} : memref<128x384xf32, #tpu.memory_space<vmem>>, vector<1x16xf32>,
                %get3A_1086 = vector.shape_cast %get3A_1085 : vector<1x16xf32> to vector<16xf32>
                %min3A_1087 = arith.minimumf %while3A_890, %get3A_1086 : vector<16xf32>
                %get3A_1088 = arith.index_cast %sub3A_905 : i32 to index
                %get3A_1089 = arith.constant 352 : index
                %get3A_1090 = tpu.vector_load %arg11[%get3A_1088, %get3A_1089] {strides = array<i32>} : memref<128x384xf32, #tpu.memory_space<vmem>>, vector<1x16xf32>,
                %get3A_1091 = vector.shape_cast %get3A_1090 : vector<1x16xf32> to vector<16xf32>
                %min3A_1092 = arith.minimumf %while3A_891, %get3A_1091 : vector<16xf32>
                %get3A_1093 = arith.index_cast %sub3A_905 : i32 to index
                %get3A_1094 = arith.constant 368 : index
                %get3A_1095 = tpu.vector_load %arg11[%get3A_1093, %get3A_1094] {strides = array<i32>} : memref<128x384xf32, #tpu.memory_space<vmem>>, vector<1x16xf32>,
                %get3A_1096 = vector.shape_cast %get3A_1095 : vector<1x16xf32> to vector<16xf32>
                %min3A_1097 = arith.minimumf %while3A_892, %get3A_1096 : vector<16xf32>
                %get3A_1098 = arith.index_cast %sub3A_905 : i32 to index
                %get3A_1099 = arith.constant 192 : index
                %get3A_1100 = tpu.vector_load %arg11[%get3A_1098, %get3A_1099] {strides = array<i32>} : memref<128x384xf32, #tpu.memory_space<vmem>>, vector<1x16xf32>,
                %get3A_1101 = vector.shape_cast %get3A_1100 : vector<1x16xf32> to vector<16xf32>
                %max3A_1102 = arith.maximumf %while3A_893, %get3A_1101 : vector<16xf32>
                %get3A_1103 = arith.index_cast %sub3A_905 : i32 to index
                %get3A_1104 = arith.constant 208 : index
                %get3A_1105 = tpu.vector_load %arg11[%get3A_1103, %get3A_1104] {strides = array<i32>} : memref<128x384xf32, #tpu.memory_space<vmem>>, vector<1x16xf32>,
                %get3A_1106 = vector.shape_cast %get3A_1105 : vector<1x16xf32> to vector<16xf32>
                %max3A_1107 = arith.maximumf %while3A_894, %get3A_1106 : vector<16xf32>
                %get3A_1108 = arith.index_cast %sub3A_905 : i32 to index
                %get3A_1109 = arith.constant 224 : index
                %get3A_1110 = tpu.vector_load %arg11[%get3A_1108, %get3A_1109] {strides = array<i32>} : memref<128x384xf32, #tpu.memory_space<vmem>>, vector<1x16xf32>,
                %get3A_1111 = vector.shape_cast %get3A_1110 : vector<1x16xf32> to vector<16xf32>
                %max3A_1112 = arith.maximumf %while3A_895, %get3A_1111 : vector<16xf32>
                %get3A_1113 = arith.index_cast %sub3A_905 : i32 to index
                %get3A_1114 = arith.constant 240 : index
                %get3A_1115 = tpu.vector_load %arg11[%get3A_1113, %get3A_1114] {strides = array<i32>} : memref<128x384xf32, #tpu.memory_space<vmem>>, vector<1x16xf32>,
                %get3A_1116 = vector.shape_cast %get3A_1115 : vector<1x16xf32> to vector<16xf32>
                %max3A_1117 = arith.maximumf %while3A_896, %get3A_1116 : vector<16xf32>
                %get3A_1118 = arith.index_cast %sub3A_905 : i32 to index
                %get3A_1119 = arith.constant 256 : index
                %get3A_1120 = tpu.vector_load %arg11[%get3A_1118, %get3A_1119] {strides = array<i32>} : memref<128x384xf32, #tpu.memory_space<vmem>>, vector<1x16xf32>,
                %get3A_1121 = vector.shape_cast %get3A_1120 : vector<1x16xf32> to vector<16xf32>
                %max3A_1122 = arith.maximumf %while3A_897, %get3A_1121 : vector<16xf32>
                %get3A_1123 = arith.index_cast %sub3A_905 : i32 to index
                %get3A_1124 = arith.constant 272 : index
                %get3A_1125 = tpu.vector_load %arg11[%get3A_1123, %get3A_1124] {strides = array<i32>} : memref<128x384xf32, #tpu.memory_space<vmem>>, vector<1x16xf32>,
                %get3A_1126 = vector.shape_cast %get3A_1125 : vector<1x16xf32> to vector<16xf32>
                %max3A_1127 = arith.maximumf %while3A_898, %get3A_1126 : vector<16xf32>
                %get3A_1128 = arith.index_cast %sub3A_905 : i32 to index
                %get3A_1129 = arith.constant 288 : index
                %get3A_1130 = tpu.vector_load %arg11[%get3A_1128, %get3A_1129] {strides = array<i32>} : memref<128x384xf32, #tpu.memory_space<vmem>>, vector<1x16xf32>,
                %get3A_1131 = vector.shape_cast %get3A_1130 : vector<1x16xf32> to vector<16xf32>
                %max3A_1132 = arith.maximumf %while3A_899, %get3A_1131 : vector<16xf32>
                %get3A_1133 = arith.index_cast %sub3A_905 : i32 to index
                %get3A_1134 = arith.constant 304 : index
                %get3A_1135 = tpu.vector_load %arg11[%get3A_1133, %get3A_1134] {strides = array<i32>} : memref<128x384xf32, #tpu.memory_space<vmem>>, vector<1x16xf32>,
                %get3A_1136 = vector.shape_cast %get3A_1135 : vector<1x16xf32> to vector<16xf32>
                %max3A_1137 = arith.maximumf %while3A_900, %get3A_1136 : vector<16xf32>
                %get3A_1138 = arith.index_cast %sub3A_905 : i32 to index
                %get3A_1139 = arith.constant 320 : index
                %get3A_1140 = tpu.vector_load %arg11[%get3A_1138, %get3A_1139] {strides = array<i32>} : memref<128x384xf32, #tpu.memory_space<vmem>>, vector<1x16xf32>,
                %get3A_1141 = vector.shape_cast %get3A_1140 : vector<1x16xf32> to vector<16xf32>
                %max3A_1142 = arith.maximumf %while3A_901, %get3A_1141 : vector<16xf32>
                %get3A_1143 = arith.index_cast %sub3A_905 : i32 to index
                %get3A_1144 = arith.constant 336 : index
                %get3A_1145 = tpu.vector_load %arg11[%get3A_1143, %get3A_1144] {strides = array<i32>} : memref<128x384xf32, #tpu.memory_space<vmem>>, vector<1x16xf32>,
                %get3A_1146 = vector.shape_cast %get3A_1145 : vector<1x16xf32> to vector<16xf32>
                %max3A_1147 = arith.maximumf %while3A_902, %get3A_1146 : vector<16xf32>
                %get3A_1148 = arith.index_cast %sub3A_905 : i32 to index
                %get3A_1149 = arith.constant 352 : index
                %get3A_1150 = tpu.vector_load %arg11[%get3A_1148, %get3A_1149] {strides = array<i32>} : memref<128x384xf32, #tpu.memory_space<vmem>>, vector<1x16xf32>,
                %get3A_1151 = vector.shape_cast %get3A_1150 : vector<1x16xf32> to vector<16xf32>
                %max3A_1152 = arith.maximumf %while3A_903, %get3A_1151 : vector<16xf32>
                %get3A_1153 = arith.index_cast %sub3A_905 : i32 to index
                %get3A_1154 = arith.constant 368 : index
                %get3A_1155 = tpu.vector_load %arg11[%get3A_1153, %get3A_1154] {strides = array<i32>} : memref<128x384xf32, #tpu.memory_space<vmem>>, vector<1x16xf32>,
                %get3A_1156 = vector.shape_cast %get3A_1155 : vector<1x16xf32> to vector<16xf32>
                %max3A_1157 = arith.maximumf %while3A_904, %get3A_1156 : vector<16xf32>
                scf.yield %add3A_910, %add3A_915, %add3A_920, %add3A_925, %add3A_930, %add3A_935, %add3A_940, %add3A_945, %add3A_950, %add3A_955, %add3A_960, %add3A_965, %add3A_971, %add3A_977, %add3A_983, %add3A_989, %add3A_995, %add3A_1001, %add3A_1007, %add3A_1013, %add3A_1019, %add3A_1025, %add3A_1031, %add3A_1037, %min3A_1042, %min3A_1047, %min3A_1052, %min3A_1057, %min3A_1062, %min3A_1067, %min3A_1072, %min3A_1077, %min3A_1082, %min3A_1087, %min3A_1092, %min3A_1097, %max3A_1102, %max3A_1107, %max3A_1112, %max3A_1117, %max3A_1122, %max3A_1127, %max3A_1132, %max3A_1137, %max3A_1142, %max3A_1147, %max3A_1152, %max3A_1157 : vector<16xf32>, vector<16xf32>, vector<16xf32>, vector<16xf32>, vector<16xf32>, vector<16xf32>, vector<16xf32>, vector<16xf32>, vector<16xf32>, vector<16xf32>, vector<16xf32>, vector<16xf32>, vector<16xf32>, vector<16xf32>, vector<16xf32>, vector<16xf32>, vector<16xf32>, vector<16xf32>, vector<16xf32>, vector<16xf32>, vector<16xf32>, vector<16xf32>, vector<16xf32>, vector<16xf32>, vector<16xf32>, vector<16xf32>, vector<16xf32>, vector<16xf32>, vector<16xf32>, vector<16xf32>, vector<16xf32>, vector<16xf32>, vector<16xf32>, vector<16xf32>, vector<16xf32>, vector<16xf32>, vector<16xf32>, vector<16xf32>, vector<16xf32>, vector<16xf32>, vector<16xf32>, vector<16xf32>, vector<16xf32>, vector<16xf32>, vector<16xf32>, vector<16xf32>, vector<16xf32>, vector<16xf32>
              }
              %while3A_494 = arith.constant 1 : i32
              %while3A_495:48 = scf.for %while3A_856 = %while3A_491 to %while3A_487 step %while3A_494 iter_args(%while3A_857 = %while3A_493#0, %while3A_858 = %while3A_493#1, %while3A_859 = %while3A_493#2, %while3A_860 = %while3A_493#3, %while3A_861 = %while3A_493#4, %while3A_862 = %while3A_493#5, %while3A_863 = %while3A_493#6, %while3A_864 = %while3A_493#7, %while3A_865 = %while3A_493#8, %while3A_866 = %while3A_493#9, %while3A_867 = %while3A_493#10, %while3A_868 = %while3A_493#11, %while3A_869 = %while3A_493#12, %while3A_870 = %while3A_493#13, %while3A_871 = %while3A_493#14, %while3A_872 = %while3A_493#15, %while3A_873 = %while3A_493#16, %while3A_874 = %while3A_493#17, %while3A_875 = %while3A_493#18, %while3A_876 = %while3A_493#19, %while3A_877 = %while3A_493#20, %while3A_878 = %while3A_493#21, %while3A_879 = %while3A_493#22, %while3A_880 = %while3A_493#23, %while3A_881 = %while3A_493#24, %while3A_882 = %while3A_493#25, %while3A_883 = %while3A_493#26, %while3A_884 = %while3A_493#27, %while3A_885 = %while3A_493#28, %while3A_886 = %while3A_493#29, %while3A_887 = %while3A_493#30, %while3A_888 = %while3A_493#31, %while3A_889 = %while3A_493#32, %while3A_890 = %while3A_493#33, %while3A_891 = %while3A_493#34, %while3A_892 = %while3A_493#35, %while3A_893 = %while3A_493#36, %while3A_894 = %while3A_493#37, %while3A_895 = %while3A_493#38, %while3A_896 = %while3A_493#39, %while3A_897 = %while3A_493#40, %while3A_898 = %while3A_493#41, %while3A_899 = %while3A_493#42, %while3A_900 = %while3A_493#43, %while3A_901 = %while3A_493#44, %while3A_902 = %while3A_493#45, %while3A_903 = %while3A_493#46, %while3A_904 = %while3A_493#47) -> (vector<16xf32>, vector<16xf32>, vector<16xf32>, vector<16xf32>, vector<16xf32>, vector<16xf32>, vector<16xf32>, vector<16xf32>, vector<16xf32>, vector<16xf32>, vector<16xf32>, vector<16xf32>, vector<16xf32>, vector<16xf32>, vector<16xf32>, vector<16xf32>, vector<16xf32>, vector<16xf32>, vector<16xf32>, vector<16xf32>, vector<16xf32>, vector<16xf32>, vector<16xf32>, vector<16xf32>, vector<16xf32>, vector<16xf32>, vector<16xf32>, vector<16xf32>, vector<16xf32>, vector<16xf32>, vector<16xf32>, vector<16xf32>, vector<16xf32>, vector<16xf32>, vector<16xf32>, vector<16xf32>, vector<16xf32>, vector<16xf32>, vector<16xf32>, vector<16xf32>, vector<16xf32>, vector<16xf32>, vector<16xf32>, vector<16xf32>, vector<16xf32>, vector<16xf32>, vector<16xf32>, vector<16xf32>)  : i32 {
                %sub3A_905 = arith.subi %while3A_856, %add3A_86 : i32
                %get3A_906 = arith.index_cast %sub3A_905 : i32 to index
                %get3A_907 = arith.constant 192 : index
                %get3A_908 = tpu.vector_load %arg11[%get3A_906, %get3A_907] {strides = array<i32>} : memref<128x384xf32, #tpu.memory_space<vmem>>, vector<1x16xf32>,
                %get3A_909 = vector.shape_cast %get3A_908 : vector<1x16xf32> to vector<16xf32>
                %add3A_910 = arith.addf %while3A_857, %get3A_909 : vector<16xf32>
                %get3A_911 = arith.index_cast %sub3A_905 : i32 to index
                %get3A_912 = arith.constant 208 : index
                %get3A_913 = tpu.vector_load %arg11[%get3A_911, %get3A_912] {strides = array<i32>} : memref<128x384xf32, #tpu.memory_space<vmem>>, vector<1x16xf32>,
                %get3A_914 = vector.shape_cast %get3A_913 : vector<1x16xf32> to vector<16xf32>
                %add3A_915 = arith.addf %while3A_858, %get3A_914 : vector<16xf32>
                %get3A_916 = arith.index_cast %sub3A_905 : i32 to index
                %get3A_917 = arith.constant 224 : index
                %get3A_918 = tpu.vector_load %arg11[%get3A_916, %get3A_917] {strides = array<i32>} : memref<128x384xf32, #tpu.memory_space<vmem>>, vector<1x16xf32>,
                %get3A_919 = vector.shape_cast %get3A_918 : vector<1x16xf32> to vector<16xf32>
                %add3A_920 = arith.addf %while3A_859, %get3A_919 : vector<16xf32>
                %get3A_921 = arith.index_cast %sub3A_905 : i32 to index
                %get3A_922 = arith.constant 240 : index
                %get3A_923 = tpu.vector_load %arg11[%get3A_921, %get3A_922] {strides = array<i32>} : memref<128x384xf32, #tpu.memory_space<vmem>>, vector<1x16xf32>,
                %get3A_924 = vector.shape_cast %get3A_923 : vector<1x16xf32> to vector<16xf32>
                %add3A_925 = arith.addf %while3A_860, %get3A_924 : vector<16xf32>
                %get3A_926 = arith.index_cast %sub3A_905 : i32 to index
                %get3A_927 = arith.constant 256 : index
                %get3A_928 = tpu.vector_load %arg11[%get3A_926, %get3A_927] {strides = array<i32>} : memref<128x384xf32, #tpu.memory_space<vmem>>, vector<1x16xf32>,
                %get3A_929 = vector.shape_cast %get3A_928 : vector<1x16xf32> to vector<16xf32>
                %add3A_930 = arith.addf %while3A_861, %get3A_929 : vector<16xf32>
                %get3A_931 = arith.index_cast %sub3A_905 : i32 to index
                %get3A_932 = arith.constant 272 : index
                %get3A_933 = tpu.vector_load %arg11[%get3A_931, %get3A_932] {strides = array<i32>} : memref<128x384xf32, #tpu.memory_space<vmem>>, vector<1x16xf32>,
                %get3A_934 = vector.shape_cast %get3A_933 : vector<1x16xf32> to vector<16xf32>
                %add3A_935 = arith.addf %while3A_862, %get3A_934 : vector<16xf32>
                %get3A_936 = arith.index_cast %sub3A_905 : i32 to index
                %get3A_937 = arith.constant 288 : index
                %get3A_938 = tpu.vector_load %arg11[%get3A_936, %get3A_937] {strides = array<i32>} : memref<128x384xf32, #tpu.memory_space<vmem>>, vector<1x16xf32>,
                %get3A_939 = vector.shape_cast %get3A_938 : vector<1x16xf32> to vector<16xf32>
                %add3A_940 = arith.addf %while3A_863, %get3A_939 : vector<16xf32>
                %get3A_941 = arith.index_cast %sub3A_905 : i32 to index
                %get3A_942 = arith.constant 304 : index
                %get3A_943 = tpu.vector_load %arg11[%get3A_941, %get3A_942] {strides = array<i32>} : memref<128x384xf32, #tpu.memory_space<vmem>>, vector<1x16xf32>,
                %get3A_944 = vector.shape_cast %get3A_943 : vector<1x16xf32> to vector<16xf32>
                %add3A_945 = arith.addf %while3A_864, %get3A_944 : vector<16xf32>
                %get3A_946 = arith.index_cast %sub3A_905 : i32 to index
                %get3A_947 = arith.constant 320 : index
                %get3A_948 = tpu.vector_load %arg11[%get3A_946, %get3A_947] {strides = array<i32>} : memref<128x384xf32, #tpu.memory_space<vmem>>, vector<1x16xf32>,
                %get3A_949 = vector.shape_cast %get3A_948 : vector<1x16xf32> to vector<16xf32>
                %add3A_950 = arith.addf %while3A_865, %get3A_949 : vector<16xf32>
                %get3A_951 = arith.index_cast %sub3A_905 : i32 to index
                %get3A_952 = arith.constant 336 : index
                %get3A_953 = tpu.vector_load %arg11[%get3A_951, %get3A_952] {strides = array<i32>} : memref<128x384xf32, #tpu.memory_space<vmem>>, vector<1x16xf32>,
                %get3A_954 = vector.shape_cast %get3A_953 : vector<1x16xf32> to vector<16xf32>
                %add3A_955 = arith.addf %while3A_866, %get3A_954 : vector<16xf32>
                %get3A_956 = arith.index_cast %sub3A_905 : i32 to index
                %get3A_957 = arith.constant 352 : index
                %get3A_958 = tpu.vector_load %arg11[%get3A_956, %get3A_957] {strides = array<i32>} : memref<128x384xf32, #tpu.memory_space<vmem>>, vector<1x16xf32>,
                %get3A_959 = vector.shape_cast %get3A_958 : vector<1x16xf32> to vector<16xf32>
                %add3A_960 = arith.addf %while3A_867, %get3A_959 : vector<16xf32>
                %get3A_961 = arith.index_cast %sub3A_905 : i32 to index
                %get3A_962 = arith.constant 368 : index
                %get3A_963 = tpu.vector_load %arg11[%get3A_961, %get3A_962] {strides = array<i32>} : memref<128x384xf32, #tpu.memory_space<vmem>>, vector<1x16xf32>,
                %get3A_964 = vector.shape_cast %get3A_963 : vector<1x16xf32> to vector<16xf32>
                %add3A_965 = arith.addf %while3A_868, %get3A_964 : vector<16xf32>
                %get3A_966 = arith.index_cast %sub3A_905 : i32 to index
                %get3A_967 = arith.constant 192 : index
                %get3A_968 = tpu.vector_load %arg11[%get3A_966, %get3A_967] {strides = array<i32>} : memref<128x384xf32, #tpu.memory_space<vmem>>, vector<1x16xf32>,
                %get3A_969 = vector.shape_cast %get3A_968 : vector<1x16xf32> to vector<16xf32>
                %mul3A_970 = arith.mulf %get3A_969, %get3A_969 : vector<16xf32>
                %add3A_971 = arith.addf %while3A_869, %mul3A_970 : vector<16xf32>
                %get3A_972 = arith.index_cast %sub3A_905 : i32 to index
                %get3A_973 = arith.constant 208 : index
                %get3A_974 = tpu.vector_load %arg11[%get3A_972, %get3A_973] {strides = array<i32>} : memref<128x384xf32, #tpu.memory_space<vmem>>, vector<1x16xf32>,
                %get3A_975 = vector.shape_cast %get3A_974 : vector<1x16xf32> to vector<16xf32>
                %mul3A_976 = arith.mulf %get3A_975, %get3A_975 : vector<16xf32>
                %add3A_977 = arith.addf %while3A_870, %mul3A_976 : vector<16xf32>
                %get3A_978 = arith.index_cast %sub3A_905 : i32 to index
                %get3A_979 = arith.constant 224 : index
                %get3A_980 = tpu.vector_load %arg11[%get3A_978, %get3A_979] {strides = array<i32>} : memref<128x384xf32, #tpu.memory_space<vmem>>, vector<1x16xf32>,
                %get3A_981 = vector.shape_cast %get3A_980 : vector<1x16xf32> to vector<16xf32>
                %mul3A_982 = arith.mulf %get3A_981, %get3A_981 : vector<16xf32>
                %add3A_983 = arith.addf %while3A_871, %mul3A_982 : vector<16xf32>
                %get3A_984 = arith.index_cast %sub3A_905 : i32 to index
                %get3A_985 = arith.constant 240 : index
                %get3A_986 = tpu.vector_load %arg11[%get3A_984, %get3A_985] {strides = array<i32>} : memref<128x384xf32, #tpu.memory_space<vmem>>, vector<1x16xf32>,
                %get3A_987 = vector.shape_cast %get3A_986 : vector<1x16xf32> to vector<16xf32>
                %mul3A_988 = arith.mulf %get3A_987, %get3A_987 : vector<16xf32>
                %add3A_989 = arith.addf %while3A_872, %mul3A_988 : vector<16xf32>
                %get3A_990 = arith.index_cast %sub3A_905 : i32 to index
                %get3A_991 = arith.constant 256 : index
                %get3A_992 = tpu.vector_load %arg11[%get3A_990, %get3A_991] {strides = array<i32>} : memref<128x384xf32, #tpu.memory_space<vmem>>, vector<1x16xf32>,
                %get3A_993 = vector.shape_cast %get3A_992 : vector<1x16xf32> to vector<16xf32>
                %mul3A_994 = arith.mulf %get3A_993, %get3A_993 : vector<16xf32>
                %add3A_995 = arith.addf %while3A_873, %mul3A_994 : vector<16xf32>
                %get3A_996 = arith.index_cast %sub3A_905 : i32 to index
                %get3A_997 = arith.constant 272 : index
                %get3A_998 = tpu.vector_load %arg11[%get3A_996, %get3A_997] {strides = array<i32>} : memref<128x384xf32, #tpu.memory_space<vmem>>, vector<1x16xf32>,
                %get3A_999 = vector.shape_cast %get3A_998 : vector<1x16xf32> to vector<16xf32>
                %mul3A_1000 = arith.mulf %get3A_999, %get3A_999 : vector<16xf32>
                %add3A_1001 = arith.addf %while3A_874, %mul3A_1000 : vector<16xf32>
                %get3A_1002 = arith.index_cast %sub3A_905 : i32 to index
                %get3A_1003 = arith.constant 288 : index
                %get3A_1004 = tpu.vector_load %arg11[%get3A_1002, %get3A_1003] {strides = array<i32>} : memref<128x384xf32, #tpu.memory_space<vmem>>, vector<1x16xf32>,
                %get3A_1005 = vector.shape_cast %get3A_1004 : vector<1x16xf32> to vector<16xf32>
                %mul3A_1006 = arith.mulf %get3A_1005, %get3A_1005 : vector<16xf32>
                %add3A_1007 = arith.addf %while3A_875, %mul3A_1006 : vector<16xf32>
                %get3A_1008 = arith.index_cast %sub3A_905 : i32 to index
                %get3A_1009 = arith.constant 304 : index
                %get3A_1010 = tpu.vector_load %arg11[%get3A_1008, %get3A_1009] {strides = array<i32>} : memref<128x384xf32, #tpu.memory_space<vmem>>, vector<1x16xf32>,
                %get3A_1011 = vector.shape_cast %get3A_1010 : vector<1x16xf32> to vector<16xf32>
                %mul3A_1012 = arith.mulf %get3A_1011, %get3A_1011 : vector<16xf32>
                %add3A_1013 = arith.addf %while3A_876, %mul3A_1012 : vector<16xf32>
                %get3A_1014 = arith.index_cast %sub3A_905 : i32 to index
                %get3A_1015 = arith.constant 320 : index
                %get3A_1016 = tpu.vector_load %arg11[%get3A_1014, %get3A_1015] {strides = array<i32>} : memref<128x384xf32, #tpu.memory_space<vmem>>, vector<1x16xf32>,
                %get3A_1017 = vector.shape_cast %get3A_1016 : vector<1x16xf32> to vector<16xf32>
                %mul3A_1018 = arith.mulf %get3A_1017, %get3A_1017 : vector<16xf32>
                %add3A_1019 = arith.addf %while3A_877, %mul3A_1018 : vector<16xf32>
                %get3A_1020 = arith.index_cast %sub3A_905 : i32 to index
                %get3A_1021 = arith.constant 336 : index
                %get3A_1022 = tpu.vector_load %arg11[%get3A_1020, %get3A_1021] {strides = array<i32>} : memref<128x384xf32, #tpu.memory_space<vmem>>, vector<1x16xf32>,
                %get3A_1023 = vector.shape_cast %get3A_1022 : vector<1x16xf32> to vector<16xf32>
                %mul3A_1024 = arith.mulf %get3A_1023, %get3A_1023 : vector<16xf32>
                %add3A_1025 = arith.addf %while3A_878, %mul3A_1024 : vector<16xf32>
                %get3A_1026 = arith.index_cast %sub3A_905 : i32 to index
                %get3A_1027 = arith.constant 352 : index
                %get3A_1028 = tpu.vector_load %arg11[%get3A_1026, %get3A_1027] {strides = array<i32>} : memref<128x384xf32, #tpu.memory_space<vmem>>, vector<1x16xf32>,
                %get3A_1029 = vector.shape_cast %get3A_1028 : vector<1x16xf32> to vector<16xf32>
                %mul3A_1030 = arith.mulf %get3A_1029, %get3A_1029 : vector<16xf32>
                %add3A_1031 = arith.addf %while3A_879, %mul3A_1030 : vector<16xf32>
                %get3A_1032 = arith.index_cast %sub3A_905 : i32 to index
                %get3A_1033 = arith.constant 368 : index
                %get3A_1034 = tpu.vector_load %arg11[%get3A_1032, %get3A_1033] {strides = array<i32>} : memref<128x384xf32, #tpu.memory_space<vmem>>, vector<1x16xf32>,
                %get3A_1035 = vector.shape_cast %get3A_1034 : vector<1x16xf32> to vector<16xf32>
                %mul3A_1036 = arith.mulf %get3A_1035, %get3A_1035 : vector<16xf32>
                %add3A_1037 = arith.addf %while3A_880, %mul3A_1036 : vector<16xf32>
                %get3A_1038 = arith.index_cast %sub3A_905 : i32 to index
                %get3A_1039 = arith.constant 192 : index
                %get3A_1040 = tpu.vector_load %arg11[%get3A_1038, %get3A_1039] {strides = array<i32>} : memref<128x384xf32, #tpu.memory_space<vmem>>, vector<1x16xf32>,
                %get3A_1041 = vector.shape_cast %get3A_1040 : vector<1x16xf32> to vector<16xf32>
                %min3A_1042 = arith.minimumf %while3A_881, %get3A_1041 : vector<16xf32>
                %get3A_1043 = arith.index_cast %sub3A_905 : i32 to index
                %get3A_1044 = arith.constant 208 : index
                %get3A_1045 = tpu.vector_load %arg11[%get3A_1043, %get3A_1044] {strides = array<i32>} : memref<128x384xf32, #tpu.memory_space<vmem>>, vector<1x16xf32>,
                %get3A_1046 = vector.shape_cast %get3A_1045 : vector<1x16xf32> to vector<16xf32>
                %min3A_1047 = arith.minimumf %while3A_882, %get3A_1046 : vector<16xf32>
                %get3A_1048 = arith.index_cast %sub3A_905 : i32 to index
                %get3A_1049 = arith.constant 224 : index
                %get3A_1050 = tpu.vector_load %arg11[%get3A_1048, %get3A_1049] {strides = array<i32>} : memref<128x384xf32, #tpu.memory_space<vmem>>, vector<1x16xf32>,
                %get3A_1051 = vector.shape_cast %get3A_1050 : vector<1x16xf32> to vector<16xf32>
                %min3A_1052 = arith.minimumf %while3A_883, %get3A_1051 : vector<16xf32>
                %get3A_1053 = arith.index_cast %sub3A_905 : i32 to index
                %get3A_1054 = arith.constant 240 : index
                %get3A_1055 = tpu.vector_load %arg11[%get3A_1053, %get3A_1054] {strides = array<i32>} : memref<128x384xf32, #tpu.memory_space<vmem>>, vector<1x16xf32>,
                %get3A_1056 = vector.shape_cast %get3A_1055 : vector<1x16xf32> to vector<16xf32>
                %min3A_1057 = arith.minimumf %while3A_884, %get3A_1056 : vector<16xf32>
                %get3A_1058 = arith.index_cast %sub3A_905 : i32 to index
                %get3A_1059 = arith.constant 256 : index
                %get3A_1060 = tpu.vector_load %arg11[%get3A_1058, %get3A_1059] {strides = array<i32>} : memref<128x384xf32, #tpu.memory_space<vmem>>, vector<1x16xf32>,
                %get3A_1061 = vector.shape_cast %get3A_1060 : vector<1x16xf32> to vector<16xf32>
                %min3A_1062 = arith.minimumf %while3A_885, %get3A_1061 : vector<16xf32>
                %get3A_1063 = arith.index_cast %sub3A_905 : i32 to index
                %get3A_1064 = arith.constant 272 : index
                %get3A_1065 = tpu.vector_load %arg11[%get3A_1063, %get3A_1064] {strides = array<i32>} : memref<128x384xf32, #tpu.memory_space<vmem>>, vector<1x16xf32>,
                %get3A_1066 = vector.shape_cast %get3A_1065 : vector<1x16xf32> to vector<16xf32>
                %min3A_1067 = arith.minimumf %while3A_886, %get3A_1066 : vector<16xf32>
                %get3A_1068 = arith.index_cast %sub3A_905 : i32 to index
                %get3A_1069 = arith.constant 288 : index
                %get3A_1070 = tpu.vector_load %arg11[%get3A_1068, %get3A_1069] {strides = array<i32>} : memref<128x384xf32, #tpu.memory_space<vmem>>, vector<1x16xf32>,
                %get3A_1071 = vector.shape_cast %get3A_1070 : vector<1x16xf32> to vector<16xf32>
                %min3A_1072 = arith.minimumf %while3A_887, %get3A_1071 : vector<16xf32>
                %get3A_1073 = arith.index_cast %sub3A_905 : i32 to index
                %get3A_1074 = arith.constant 304 : index
                %get3A_1075 = tpu.vector_load %arg11[%get3A_1073, %get3A_1074] {strides = array<i32>} : memref<128x384xf32, #tpu.memory_space<vmem>>, vector<1x16xf32>,
                %get3A_1076 = vector.shape_cast %get3A_1075 : vector<1x16xf32> to vector<16xf32>
                %min3A_1077 = arith.minimumf %while3A_888, %get3A_1076 : vector<16xf32>
                %get3A_1078 = arith.index_cast %sub3A_905 : i32 to index
                %get3A_1079 = arith.constant 320 : index
                %get3A_1080 = tpu.vector_load %arg11[%get3A_1078, %get3A_1079] {strides = array<i32>} : memref<128x384xf32, #tpu.memory_space<vmem>>, vector<1x16xf32>,
                %get3A_1081 = vector.shape_cast %get3A_1080 : vector<1x16xf32> to vector<16xf32>
                %min3A_1082 = arith.minimumf %while3A_889, %get3A_1081 : vector<16xf32>
                %get3A_1083 = arith.index_cast %sub3A_905 : i32 to index
                %get3A_1084 = arith.constant 336 : index
                %get3A_1085 = tpu.vector_load %arg11[%get3A_1083, %get3A_1084] {strides = array<i32>} : memref<128x384xf32, #tpu.memory_space<vmem>>, vector<1x16xf32>,
                %get3A_1086 = vector.shape_cast %get3A_1085 : vector<1x16xf32> to vector<16xf32>
                %min3A_1087 = arith.minimumf %while3A_890, %get3A_1086 : vector<16xf32>
                %get3A_1088 = arith.index_cast %sub3A_905 : i32 to index
                %get3A_1089 = arith.constant 352 : index
                %get3A_1090 = tpu.vector_load %arg11[%get3A_1088, %get3A_1089] {strides = array<i32>} : memref<128x384xf32, #tpu.memory_space<vmem>>, vector<1x16xf32>,
                %get3A_1091 = vector.shape_cast %get3A_1090 : vector<1x16xf32> to vector<16xf32>
                %min3A_1092 = arith.minimumf %while3A_891, %get3A_1091 : vector<16xf32>
                %get3A_1093 = arith.index_cast %sub3A_905 : i32 to index
                %get3A_1094 = arith.constant 368 : index
                %get3A_1095 = tpu.vector_load %arg11[%get3A_1093, %get3A_1094] {strides = array<i32>} : memref<128x384xf32, #tpu.memory_space<vmem>>, vector<1x16xf32>,
                %get3A_1096 = vector.shape_cast %get3A_1095 : vector<1x16xf32> to vector<16xf32>
                %min3A_1097 = arith.minimumf %while3A_892, %get3A_1096 : vector<16xf32>
                %get3A_1098 = arith.index_cast %sub3A_905 : i32 to index
                %get3A_1099 = arith.constant 192 : index
                %get3A_1100 = tpu.vector_load %arg11[%get3A_1098, %get3A_1099] {strides = array<i32>} : memref<128x384xf32, #tpu.memory_space<vmem>>, vector<1x16xf32>,
                %get3A_1101 = vector.shape_cast %get3A_1100 : vector<1x16xf32> to vector<16xf32>
                %max3A_1102 = arith.maximumf %while3A_893, %get3A_1101 : vector<16xf32>
                %get3A_1103 = arith.index_cast %sub3A_905 : i32 to index
                %get3A_1104 = arith.constant 208 : index
                %get3A_1105 = tpu.vector_load %arg11[%get3A_1103, %get3A_1104] {strides = array<i32>} : memref<128x384xf32, #tpu.memory_space<vmem>>, vector<1x16xf32>,
                %get3A_1106 = vector.shape_cast %get3A_1105 : vector<1x16xf32> to vector<16xf32>
                %max3A_1107 = arith.maximumf %while3A_894, %get3A_1106 : vector<16xf32>
                %get3A_1108 = arith.index_cast %sub3A_905 : i32 to index
                %get3A_1109 = arith.constant 224 : index
                %get3A_1110 = tpu.vector_load %arg11[%get3A_1108, %get3A_1109] {strides = array<i32>} : memref<128x384xf32, #tpu.memory_space<vmem>>, vector<1x16xf32>,
                %get3A_1111 = vector.shape_cast %get3A_1110 : vector<1x16xf32> to vector<16xf32>
                %max3A_1112 = arith.maximumf %while3A_895, %get3A_1111 : vector<16xf32>
                %get3A_1113 = arith.index_cast %sub3A_905 : i32 to index
                %get3A_1114 = arith.constant 240 : index
                %get3A_1115 = tpu.vector_load %arg11[%get3A_1113, %get3A_1114] {strides = array<i32>} : memref<128x384xf32, #tpu.memory_space<vmem>>, vector<1x16xf32>,
                %get3A_1116 = vector.shape_cast %get3A_1115 : vector<1x16xf32> to vector<16xf32>
                %max3A_1117 = arith.maximumf %while3A_896, %get3A_1116 : vector<16xf32>
                %get3A_1118 = arith.index_cast %sub3A_905 : i32 to index
                %get3A_1119 = arith.constant 256 : index
                %get3A_1120 = tpu.vector_load %arg11[%get3A_1118, %get3A_1119] {strides = array<i32>} : memref<128x384xf32, #tpu.memory_space<vmem>>, vector<1x16xf32>,
                %get3A_1121 = vector.shape_cast %get3A_1120 : vector<1x16xf32> to vector<16xf32>
                %max3A_1122 = arith.maximumf %while3A_897, %get3A_1121 : vector<16xf32>
                %get3A_1123 = arith.index_cast %sub3A_905 : i32 to index
                %get3A_1124 = arith.constant 272 : index
                %get3A_1125 = tpu.vector_load %arg11[%get3A_1123, %get3A_1124] {strides = array<i32>} : memref<128x384xf32, #tpu.memory_space<vmem>>, vector<1x16xf32>,
                %get3A_1126 = vector.shape_cast %get3A_1125 : vector<1x16xf32> to vector<16xf32>
                %max3A_1127 = arith.maximumf %while3A_898, %get3A_1126 : vector<16xf32>
                %get3A_1128 = arith.index_cast %sub3A_905 : i32 to index
                %get3A_1129 = arith.constant 288 : index
                %get3A_1130 = tpu.vector_load %arg11[%get3A_1128, %get3A_1129] {strides = array<i32>} : memref<128x384xf32, #tpu.memory_space<vmem>>, vector<1x16xf32>,
                %get3A_1131 = vector.shape_cast %get3A_1130 : vector<1x16xf32> to vector<16xf32>
                %max3A_1132 = arith.maximumf %while3A_899, %get3A_1131 : vector<16xf32>
                %get3A_1133 = arith.index_cast %sub3A_905 : i32 to index
                %get3A_1134 = arith.constant 304 : index
                %get3A_1135 = tpu.vector_load %arg11[%get3A_1133, %get3A_1134] {strides = array<i32>} : memref<128x384xf32, #tpu.memory_space<vmem>>, vector<1x16xf32>,
                %get3A_1136 = vector.shape_cast %get3A_1135 : vector<1x16xf32> to vector<16xf32>
                %max3A_1137 = arith.maximumf %while3A_900, %get3A_1136 : vector<16xf32>
                %get3A_1138 = arith.index_cast %sub3A_905 : i32 to index
                %get3A_1139 = arith.constant 320 : index
                %get3A_1140 = tpu.vector_load %arg11[%get3A_1138, %get3A_1139] {strides = array<i32>} : memref<128x384xf32, #tpu.memory_space<vmem>>, vector<1x16xf32>,
                %get3A_1141 = vector.shape_cast %get3A_1140 : vector<1x16xf32> to vector<16xf32>
                %max3A_1142 = arith.maximumf %while3A_901, %get3A_1141 : vector<16xf32>
                %get3A_1143 = arith.index_cast %sub3A_905 : i32 to index
                %get3A_1144 = arith.constant 336 : index
                %get3A_1145 = tpu.vector_load %arg11[%get3A_1143, %get3A_1144] {strides = array<i32>} : memref<128x384xf32, #tpu.memory_space<vmem>>, vector<1x16xf32>,
                %get3A_1146 = vector.shape_cast %get3A_1145 : vector<1x16xf32> to vector<16xf32>
                %max3A_1147 = arith.maximumf %while3A_902, %get3A_1146 : vector<16xf32>
                %get3A_1148 = arith.index_cast %sub3A_905 : i32 to index
                %get3A_1149 = arith.constant 352 : index
                %get3A_1150 = tpu.vector_load %arg11[%get3A_1148, %get3A_1149] {strides = array<i32>} : memref<128x384xf32, #tpu.memory_space<vmem>>, vector<1x16xf32>,
                %get3A_1151 = vector.shape_cast %get3A_1150 : vector<1x16xf32> to vector<16xf32>
                %max3A_1152 = arith.maximumf %while3A_903, %get3A_1151 : vector<16xf32>
                %get3A_1153 = arith.index_cast %sub3A_905 : i32 to index
                %get3A_1154 = arith.constant 368 : index
                %get3A_1155 = tpu.vector_load %arg11[%get3A_1153, %get3A_1154] {strides = array<i32>} : memref<128x384xf32, #tpu.memory_space<vmem>>, vector<1x16xf32>,
                %get3A_1156 = vector.shape_cast %get3A_1155 : vector<1x16xf32> to vector<16xf32>
                %max3A_1157 = arith.maximumf %while3A_904, %get3A_1156 : vector<16xf32>
                scf.yield %add3A_910, %add3A_915, %add3A_920, %add3A_925, %add3A_930, %add3A_935, %add3A_940, %add3A_945, %add3A_950, %add3A_955, %add3A_960, %add3A_965, %add3A_971, %add3A_977, %add3A_983, %add3A_989, %add3A_995, %add3A_1001, %add3A_1007, %add3A_1013, %add3A_1019, %add3A_1025, %add3A_1031, %add3A_1037, %min3A_1042, %min3A_1047, %min3A_1052, %min3A_1057, %min3A_1062, %min3A_1067, %min3A_1072, %min3A_1077, %min3A_1082, %min3A_1087, %min3A_1092, %min3A_1097, %max3A_1102, %max3A_1107, %max3A_1112, %max3A_1117, %max3A_1122, %max3A_1127, %max3A_1132, %max3A_1137, %max3A_1142, %max3A_1147, %max3A_1152, %max3A_1157 : vector<16xf32>, vector<16xf32>, vector<16xf32>, vector<16xf32>, vector<16xf32>, vector<16xf32>, vector<16xf32>, vector<16xf32>, vector<16xf32>, vector<16xf32>, vector<16xf32>, vector<16xf32>, vector<16xf32>, vector<16xf32>, vector<16xf32>, vector<16xf32>, vector<16xf32>, vector<16xf32>, vector<16xf32>, vector<16xf32>, vector<16xf32>, vector<16xf32>, vector<16xf32>, vector<16xf32>, vector<16xf32>, vector<16xf32>, vector<16xf32>, vector<16xf32>, vector<16xf32>, vector<16xf32>, vector<16xf32>, vector<16xf32>, vector<16xf32>, vector<16xf32>, vector<16xf32>, vector<16xf32>, vector<16xf32>, vector<16xf32>, vector<16xf32>, vector<16xf32>, vector<16xf32>, vector<16xf32>, vector<16xf32>, vector<16xf32>, vector<16xf32>, vector<16xf32>, vector<16xf32>, vector<16xf32>
              }
              %mul3A_496 = arith.constant 384 : i32
              %mul3A_497 = arith.muli %scan3A_99, %mul3A_496 : i32
              %add3A_498 = arith.constant 192 : i32
              %add3A_499 = arith.addi %mul3A_497, %add3A_498 : i32
              %add3A_500 = arith.constant 0 : i32
              %add3A_501 = arith.addi %add3A_499, %add3A_500 : i32
              %swap3A_502 = arith.index_cast %add3A_501 : i32 to index
              %swap3A_503 = tpu.vector_load %arg12[%swap3A_502] {strides = array<i32>} : memref<6144xf32, #tpu.memory_space<vmem>>, vector<16xf32>,
              %swap3A_504 = vector.shape_cast %swap3A_503 : vector<16xf32> to vector<16xf32>
              %swap3A_505 = vector.shape_cast %while3A_495#0 : vector<16xf32> to vector<16xf32>
              tpu.vector_store %arg12[%swap3A_502], %swap3A_505 {add = true, strides = array<i32>} : memref<6144xf32, #tpu.memory_space<vmem>>, vector<16xf32>,
              %swap3A_506 = arith.index_cast %add3A_501 : i32 to index
              %swap3A_507 = tpu.vector_load %arg13[%swap3A_506] {strides = array<i32>} : memref<6144xf32, #tpu.memory_space<vmem>>, vector<16xf32>,
              %swap3A_508 = vector.shape_cast %swap3A_507 : vector<16xf32> to vector<16xf32>
              %swap3A_509 = vector.shape_cast %while3A_495#12 : vector<16xf32> to vector<16xf32>
              tpu.vector_store %arg13[%swap3A_506], %swap3A_509 {add = true, strides = array<i32>} : memref<6144xf32, #tpu.memory_space<vmem>>, vector<16xf32>,
              %get3A_510 = arith.index_cast %add3A_501 : i32 to index
              %get3A_511 = tpu.vector_load %arg14[%get3A_510] {strides = array<i32>} : memref<6144xf32, #tpu.memory_space<vmem>>, vector<16xf32>,
              %get3A_512 = vector.shape_cast %get3A_511 : vector<16xf32> to vector<16xf32>
              %min3A_513 = arith.minimumf %get3A_512, %while3A_495#24 : vector<16xf32>
              %swap3A_514 = arith.index_cast %add3A_501 : i32 to index
              %swap3A_515 = tpu.vector_load %arg14[%swap3A_514] {strides = array<i32>} : memref<6144xf32, #tpu.memory_space<vmem>>, vector<16xf32>,
              %swap3A_516 = vector.shape_cast %swap3A_515 : vector<16xf32> to vector<16xf32>
              %swap3A_517 = vector.shape_cast %min3A_513 : vector<16xf32> to vector<16xf32>
              tpu.vector_store %arg14[%swap3A_514], %swap3A_517 {strides = array<i32>} : memref<6144xf32, #tpu.memory_space<vmem>>, vector<16xf32>,
              %get3A_518 = arith.index_cast %add3A_501 : i32 to index
              %get3A_519 = tpu.vector_load %arg15[%get3A_518] {strides = array<i32>} : memref<6144xf32, #tpu.memory_space<vmem>>, vector<16xf32>,
              %get3A_520 = vector.shape_cast %get3A_519 : vector<16xf32> to vector<16xf32>
              %max3A_521 = arith.maximumf %get3A_520, %while3A_495#36 : vector<16xf32>
              %swap3A_522 = arith.index_cast %add3A_501 : i32 to index
              %swap3A_523 = tpu.vector_load %arg15[%swap3A_522] {strides = array<i32>} : memref<6144xf32, #tpu.memory_space<vmem>>, vector<16xf32>,
              %swap3A_524 = vector.shape_cast %swap3A_523 : vector<16xf32> to vector<16xf32>
              %swap3A_525 = vector.shape_cast %max3A_521 : vector<16xf32> to vector<16xf32>
              tpu.vector_store %arg15[%swap3A_522], %swap3A_525 {strides = array<i32>} : memref<6144xf32, #tpu.memory_space<vmem>>, vector<16xf32>,
              %mul3A_526 = arith.constant 384 : i32
              %mul3A_527 = arith.muli %scan3A_99, %mul3A_526 : i32
              %add3A_528 = arith.constant 192 : i32
              %add3A_529 = arith.addi %mul3A_527, %add3A_528 : i32
              %add3A_530 = arith.constant 16 : i32
              %add3A_531 = arith.addi %add3A_529, %add3A_530 : i32
              %swap3A_532 = arith.index_cast %add3A_531 : i32 to index
              %swap3A_533 = tpu.vector_load %arg12[%swap3A_532] {strides = array<i32>} : memref<6144xf32, #tpu.memory_space<vmem>>, vector<16xf32>,
              %swap3A_534 = vector.shape_cast %swap3A_533 : vector<16xf32> to vector<16xf32>
              %swap3A_535 = vector.shape_cast %while3A_495#1 : vector<16xf32> to vector<16xf32>
              tpu.vector_store %arg12[%swap3A_532], %swap3A_535 {add = true, strides = array<i32>} : memref<6144xf32, #tpu.memory_space<vmem>>, vector<16xf32>,
              %swap3A_536 = arith.index_cast %add3A_531 : i32 to index
              %swap3A_537 = tpu.vector_load %arg13[%swap3A_536] {strides = array<i32>} : memref<6144xf32, #tpu.memory_space<vmem>>, vector<16xf32>,
              %swap3A_538 = vector.shape_cast %swap3A_537 : vector<16xf32> to vector<16xf32>
              %swap3A_539 = vector.shape_cast %while3A_495#13 : vector<16xf32> to vector<16xf32>
              tpu.vector_store %arg13[%swap3A_536], %swap3A_539 {add = true, strides = array<i32>} : memref<6144xf32, #tpu.memory_space<vmem>>, vector<16xf32>,
              %get3A_540 = arith.index_cast %add3A_531 : i32 to index
              %get3A_541 = tpu.vector_load %arg14[%get3A_540] {strides = array<i32>} : memref<6144xf32, #tpu.memory_space<vmem>>, vector<16xf32>,
              %get3A_542 = vector.shape_cast %get3A_541 : vector<16xf32> to vector<16xf32>
              %min3A_543 = arith.minimumf %get3A_542, %while3A_495#25 : vector<16xf32>
              %swap3A_544 = arith.index_cast %add3A_531 : i32 to index
              %swap3A_545 = tpu.vector_load %arg14[%swap3A_544] {strides = array<i32>} : memref<6144xf32, #tpu.memory_space<vmem>>, vector<16xf32>,
              %swap3A_546 = vector.shape_cast %swap3A_545 : vector<16xf32> to vector<16xf32>
              %swap3A_547 = vector.shape_cast %min3A_543 : vector<16xf32> to vector<16xf32>
              tpu.vector_store %arg14[%swap3A_544], %swap3A_547 {strides = array<i32>} : memref<6144xf32, #tpu.memory_space<vmem>>, vector<16xf32>,
              %get3A_548 = arith.index_cast %add3A_531 : i32 to index
              %get3A_549 = tpu.vector_load %arg15[%get3A_548] {strides = array<i32>} : memref<6144xf32, #tpu.memory_space<vmem>>, vector<16xf32>,
              %get3A_550 = vector.shape_cast %get3A_549 : vector<16xf32> to vector<16xf32>
              %max3A_551 = arith.maximumf %get3A_550, %while3A_495#37 : vector<16xf32>
              %swap3A_552 = arith.index_cast %add3A_531 : i32 to index
              %swap3A_553 = tpu.vector_load %arg15[%swap3A_552] {strides = array<i32>} : memref<6144xf32, #tpu.memory_space<vmem>>, vector<16xf32>,
              %swap3A_554 = vector.shape_cast %swap3A_553 : vector<16xf32> to vector<16xf32>
              %swap3A_555 = vector.shape_cast %max3A_551 : vector<16xf32> to vector<16xf32>
              tpu.vector_store %arg15[%swap3A_552], %swap3A_555 {strides = array<i32>} : memref<6144xf32, #tpu.memory_space<vmem>>, vector<16xf32>,
              %mul3A_556 = arith.constant 384 : i32
              %mul3A_557 = arith.muli %scan3A_99, %mul3A_556 : i32
              %add3A_558 = arith.constant 192 : i32
              %add3A_559 = arith.addi %mul3A_557, %add3A_558 : i32
              %add3A_560 = arith.constant 32 : i32
              %add3A_561 = arith.addi %add3A_559, %add3A_560 : i32
              %swap3A_562 = arith.index_cast %add3A_561 : i32 to index
              %swap3A_563 = tpu.vector_load %arg12[%swap3A_562] {strides = array<i32>} : memref<6144xf32, #tpu.memory_space<vmem>>, vector<16xf32>,
              %swap3A_564 = vector.shape_cast %swap3A_563 : vector<16xf32> to vector<16xf32>
              %swap3A_565 = vector.shape_cast %while3A_495#2 : vector<16xf32> to vector<16xf32>
              tpu.vector_store %arg12[%swap3A_562], %swap3A_565 {add = true, strides = array<i32>} : memref<6144xf32, #tpu.memory_space<vmem>>, vector<16xf32>,
              %swap3A_566 = arith.index_cast %add3A_561 : i32 to index
              %swap3A_567 = tpu.vector_load %arg13[%swap3A_566] {strides = array<i32>} : memref<6144xf32, #tpu.memory_space<vmem>>, vector<16xf32>,
              %swap3A_568 = vector.shape_cast %swap3A_567 : vector<16xf32> to vector<16xf32>
              %swap3A_569 = vector.shape_cast %while3A_495#14 : vector<16xf32> to vector<16xf32>
              tpu.vector_store %arg13[%swap3A_566], %swap3A_569 {add = true, strides = array<i32>} : memref<6144xf32, #tpu.memory_space<vmem>>, vector<16xf32>,
              %get3A_570 = arith.index_cast %add3A_561 : i32 to index
              %get3A_571 = tpu.vector_load %arg14[%get3A_570] {strides = array<i32>} : memref<6144xf32, #tpu.memory_space<vmem>>, vector<16xf32>,
              %get3A_572 = vector.shape_cast %get3A_571 : vector<16xf32> to vector<16xf32>
              %min3A_573 = arith.minimumf %get3A_572, %while3A_495#26 : vector<16xf32>
              %swap3A_574 = arith.index_cast %add3A_561 : i32 to index
              %swap3A_575 = tpu.vector_load %arg14[%swap3A_574] {strides = array<i32>} : memref<6144xf32, #tpu.memory_space<vmem>>, vector<16xf32>,
              %swap3A_576 = vector.shape_cast %swap3A_575 : vector<16xf32> to vector<16xf32>
              %swap3A_577 = vector.shape_cast %min3A_573 : vector<16xf32> to vector<16xf32>
              tpu.vector_store %arg14[%swap3A_574], %swap3A_577 {strides = array<i32>} : memref<6144xf32, #tpu.memory_space<vmem>>, vector<16xf32>,
              %get3A_578 = arith.index_cast %add3A_561 : i32 to index
              %get3A_579 = tpu.vector_load %arg15[%get3A_578] {strides = array<i32>} : memref<6144xf32, #tpu.memory_space<vmem>>, vector<16xf32>,
              %get3A_580 = vector.shape_cast %get3A_579 : vector<16xf32> to vector<16xf32>
              %max3A_581 = arith.maximumf %get3A_580, %while3A_495#38 : vector<16xf32>
              %swap3A_582 = arith.index_cast %add3A_561 : i32 to index
              %swap3A_583 = tpu.vector_load %arg15[%swap3A_582] {strides = array<i32>} : memref<6144xf32, #tpu.memory_space<vmem>>, vector<16xf32>,
              %swap3A_584 = vector.shape_cast %swap3A_583 : vector<16xf32> to vector<16xf32>
              %swap3A_585 = vector.shape_cast %max3A_581 : vector<16xf32> to vector<16xf32>
              tpu.vector_store %arg15[%swap3A_582], %swap3A_585 {strides = array<i32>} : memref<6144xf32, #tpu.memory_space<vmem>>, vector<16xf32>,
              %mul3A_586 = arith.constant 384 : i32
              %mul3A_587 = arith.muli %scan3A_99, %mul3A_586 : i32
              %add3A_588 = arith.constant 192 : i32
              %add3A_589 = arith.addi %mul3A_587, %add3A_588 : i32
              %add3A_590 = arith.constant 48 : i32
              %add3A_591 = arith.addi %add3A_589, %add3A_590 : i32
              %swap3A_592 = arith.index_cast %add3A_591 : i32 to index
              %swap3A_593 = tpu.vector_load %arg12[%swap3A_592] {strides = array<i32>} : memref<6144xf32, #tpu.memory_space<vmem>>, vector<16xf32>,
              %swap3A_594 = vector.shape_cast %swap3A_593 : vector<16xf32> to vector<16xf32>
              %swap3A_595 = vector.shape_cast %while3A_495#3 : vector<16xf32> to vector<16xf32>
              tpu.vector_store %arg12[%swap3A_592], %swap3A_595 {add = true, strides = array<i32>} : memref<6144xf32, #tpu.memory_space<vmem>>, vector<16xf32>,
              %swap3A_596 = arith.index_cast %add3A_591 : i32 to index
              %swap3A_597 = tpu.vector_load %arg13[%swap3A_596] {strides = array<i32>} : memref<6144xf32, #tpu.memory_space<vmem>>, vector<16xf32>,
              %swap3A_598 = vector.shape_cast %swap3A_597 : vector<16xf32> to vector<16xf32>
              %swap3A_599 = vector.shape_cast %while3A_495#15 : vector<16xf32> to vector<16xf32>
              tpu.vector_store %arg13[%swap3A_596], %swap3A_599 {add = true, strides = array<i32>} : memref<6144xf32, #tpu.memory_space<vmem>>, vector<16xf32>,
              %get3A_600 = arith.index_cast %add3A_591 : i32 to index
              %get3A_601 = tpu.vector_load %arg14[%get3A_600] {strides = array<i32>} : memref<6144xf32, #tpu.memory_space<vmem>>, vector<16xf32>,
              %get3A_602 = vector.shape_cast %get3A_601 : vector<16xf32> to vector<16xf32>
              %min3A_603 = arith.minimumf %get3A_602, %while3A_495#27 : vector<16xf32>
              %swap3A_604 = arith.index_cast %add3A_591 : i32 to index
              %swap3A_605 = tpu.vector_load %arg14[%swap3A_604] {strides = array<i32>} : memref<6144xf32, #tpu.memory_space<vmem>>, vector<16xf32>,
              %swap3A_606 = vector.shape_cast %swap3A_605 : vector<16xf32> to vector<16xf32>
              %swap3A_607 = vector.shape_cast %min3A_603 : vector<16xf32> to vector<16xf32>
              tpu.vector_store %arg14[%swap3A_604], %swap3A_607 {strides = array<i32>} : memref<6144xf32, #tpu.memory_space<vmem>>, vector<16xf32>,
              %get3A_608 = arith.index_cast %add3A_591 : i32 to index
              %get3A_609 = tpu.vector_load %arg15[%get3A_608] {strides = array<i32>} : memref<6144xf32, #tpu.memory_space<vmem>>, vector<16xf32>,
              %get3A_610 = vector.shape_cast %get3A_609 : vector<16xf32> to vector<16xf32>
              %max3A_611 = arith.maximumf %get3A_610, %while3A_495#39 : vector<16xf32>
              %swap3A_612 = arith.index_cast %add3A_591 : i32 to index
              %swap3A_613 = tpu.vector_load %arg15[%swap3A_612] {strides = array<i32>} : memref<6144xf32, #tpu.memory_space<vmem>>, vector<16xf32>,
              %swap3A_614 = vector.shape_cast %swap3A_613 : vector<16xf32> to vector<16xf32>
              %swap3A_615 = vector.shape_cast %max3A_611 : vector<16xf32> to vector<16xf32>
              tpu.vector_store %arg15[%swap3A_612], %swap3A_615 {strides = array<i32>} : memref<6144xf32, #tpu.memory_space<vmem>>, vector<16xf32>,
              %mul3A_616 = arith.constant 384 : i32
              %mul3A_617 = arith.muli %scan3A_99, %mul3A_616 : i32
              %add3A_618 = arith.constant 192 : i32
              %add3A_619 = arith.addi %mul3A_617, %add3A_618 : i32
              %add3A_620 = arith.constant 64 : i32
              %add3A_621 = arith.addi %add3A_619, %add3A_620 : i32
              %swap3A_622 = arith.index_cast %add3A_621 : i32 to index
              %swap3A_623 = tpu.vector_load %arg12[%swap3A_622] {strides = array<i32>} : memref<6144xf32, #tpu.memory_space<vmem>>, vector<16xf32>,
              %swap3A_624 = vector.shape_cast %swap3A_623 : vector<16xf32> to vector<16xf32>
              %swap3A_625 = vector.shape_cast %while3A_495#4 : vector<16xf32> to vector<16xf32>
              tpu.vector_store %arg12[%swap3A_622], %swap3A_625 {add = true, strides = array<i32>} : memref<6144xf32, #tpu.memory_space<vmem>>, vector<16xf32>,
              %swap3A_626 = arith.index_cast %add3A_621 : i32 to index
              %swap3A_627 = tpu.vector_load %arg13[%swap3A_626] {strides = array<i32>} : memref<6144xf32, #tpu.memory_space<vmem>>, vector<16xf32>,
              %swap3A_628 = vector.shape_cast %swap3A_627 : vector<16xf32> to vector<16xf32>
              %swap3A_629 = vector.shape_cast %while3A_495#16 : vector<16xf32> to vector<16xf32>
              tpu.vector_store %arg13[%swap3A_626], %swap3A_629 {add = true, strides = array<i32>} : memref<6144xf32, #tpu.memory_space<vmem>>, vector<16xf32>,
              %get3A_630 = arith.index_cast %add3A_621 : i32 to index
              %get3A_631 = tpu.vector_load %arg14[%get3A_630] {strides = array<i32>} : memref<6144xf32, #tpu.memory_space<vmem>>, vector<16xf32>,
              %get3A_632 = vector.shape_cast %get3A_631 : vector<16xf32> to vector<16xf32>
              %min3A_633 = arith.minimumf %get3A_632, %while3A_495#28 : vector<16xf32>
              %swap3A_634 = arith.index_cast %add3A_621 : i32 to index
              %swap3A_635 = tpu.vector_load %arg14[%swap3A_634] {strides = array<i32>} : memref<6144xf32, #tpu.memory_space<vmem>>, vector<16xf32>,
              %swap3A_636 = vector.shape_cast %swap3A_635 : vector<16xf32> to vector<16xf32>
              %swap3A_637 = vector.shape_cast %min3A_633 : vector<16xf32> to vector<16xf32>
              tpu.vector_store %arg14[%swap3A_634], %swap3A_637 {strides = array<i32>} : memref<6144xf32, #tpu.memory_space<vmem>>, vector<16xf32>,
              %get3A_638 = arith.index_cast %add3A_621 : i32 to index
              %get3A_639 = tpu.vector_load %arg15[%get3A_638] {strides = array<i32>} : memref<6144xf32, #tpu.memory_space<vmem>>, vector<16xf32>,
              %get3A_640 = vector.shape_cast %get3A_639 : vector<16xf32> to vector<16xf32>
              %max3A_641 = arith.maximumf %get3A_640, %while3A_495#40 : vector<16xf32>
              %swap3A_642 = arith.index_cast %add3A_621 : i32 to index
              %swap3A_643 = tpu.vector_load %arg15[%swap3A_642] {strides = array<i32>} : memref<6144xf32, #tpu.memory_space<vmem>>, vector<16xf32>,
              %swap3A_644 = vector.shape_cast %swap3A_643 : vector<16xf32> to vector<16xf32>
              %swap3A_645 = vector.shape_cast %max3A_641 : vector<16xf32> to vector<16xf32>
              tpu.vector_store %arg15[%swap3A_642], %swap3A_645 {strides = array<i32>} : memref<6144xf32, #tpu.memory_space<vmem>>, vector<16xf32>,
              %mul3A_646 = arith.constant 384 : i32
              %mul3A_647 = arith.muli %scan3A_99, %mul3A_646 : i32
              %add3A_648 = arith.constant 192 : i32
              %add3A_649 = arith.addi %mul3A_647, %add3A_648 : i32
              %add3A_650 = arith.constant 80 : i32
              %add3A_651 = arith.addi %add3A_649, %add3A_650 : i32
              %swap3A_652 = arith.index_cast %add3A_651 : i32 to index
              %swap3A_653 = tpu.vector_load %arg12[%swap3A_652] {strides = array<i32>} : memref<6144xf32, #tpu.memory_space<vmem>>, vector<16xf32>,
              %swap3A_654 = vector.shape_cast %swap3A_653 : vector<16xf32> to vector<16xf32>
              %swap3A_655 = vector.shape_cast %while3A_495#5 : vector<16xf32> to vector<16xf32>
              tpu.vector_store %arg12[%swap3A_652], %swap3A_655 {add = true, strides = array<i32>} : memref<6144xf32, #tpu.memory_space<vmem>>, vector<16xf32>,
              %swap3A_656 = arith.index_cast %add3A_651 : i32 to index
              %swap3A_657 = tpu.vector_load %arg13[%swap3A_656] {strides = array<i32>} : memref<6144xf32, #tpu.memory_space<vmem>>, vector<16xf32>,
              %swap3A_658 = vector.shape_cast %swap3A_657 : vector<16xf32> to vector<16xf32>
              %swap3A_659 = vector.shape_cast %while3A_495#17 : vector<16xf32> to vector<16xf32>
              tpu.vector_store %arg13[%swap3A_656], %swap3A_659 {add = true, strides = array<i32>} : memref<6144xf32, #tpu.memory_space<vmem>>, vector<16xf32>,
              %get3A_660 = arith.index_cast %add3A_651 : i32 to index
              %get3A_661 = tpu.vector_load %arg14[%get3A_660] {strides = array<i32>} : memref<6144xf32, #tpu.memory_space<vmem>>, vector<16xf32>,
              %get3A_662 = vector.shape_cast %get3A_661 : vector<16xf32> to vector<16xf32>
              %min3A_663 = arith.minimumf %get3A_662, %while3A_495#29 : vector<16xf32>
              %swap3A_664 = arith.index_cast %add3A_651 : i32 to index
              %swap3A_665 = tpu.vector_load %arg14[%swap3A_664] {strides = array<i32>} : memref<6144xf32, #tpu.memory_space<vmem>>, vector<16xf32>,
              %swap3A_666 = vector.shape_cast %swap3A_665 : vector<16xf32> to vector<16xf32>
              %swap3A_667 = vector.shape_cast %min3A_663 : vector<16xf32> to vector<16xf32>
              tpu.vector_store %arg14[%swap3A_664], %swap3A_667 {strides = array<i32>} : memref<6144xf32, #tpu.memory_space<vmem>>, vector<16xf32>,
              %get3A_668 = arith.index_cast %add3A_651 : i32 to index
              %get3A_669 = tpu.vector_load %arg15[%get3A_668] {strides = array<i32>} : memref<6144xf32, #tpu.memory_space<vmem>>, vector<16xf32>,
              %get3A_670 = vector.shape_cast %get3A_669 : vector<16xf32> to vector<16xf32>
              %max3A_671 = arith.maximumf %get3A_670, %while3A_495#41 : vector<16xf32>
              %swap3A_672 = arith.index_cast %add3A_651 : i32 to index
              %swap3A_673 = tpu.vector_load %arg15[%swap3A_672] {strides = array<i32>} : memref<6144xf32, #tpu.memory_space<vmem>>, vector<16xf32>,
              %swap3A_674 = vector.shape_cast %swap3A_673 : vector<16xf32> to vector<16xf32>
              %swap3A_675 = vector.shape_cast %max3A_671 : vector<16xf32> to vector<16xf32>
              tpu.vector_store %arg15[%swap3A_672], %swap3A_675 {strides = array<i32>} : memref<6144xf32, #tpu.memory_space<vmem>>, vector<16xf32>,
              %mul3A_676 = arith.constant 384 : i32
              %mul3A_677 = arith.muli %scan3A_99, %mul3A_676 : i32
              %add3A_678 = arith.constant 192 : i32
              %add3A_679 = arith.addi %mul3A_677, %add3A_678 : i32
              %add3A_680 = arith.constant 96 : i32
              %add3A_681 = arith.addi %add3A_679, %add3A_680 : i32
              %swap3A_682 = arith.index_cast %add3A_681 : i32 to index
              %swap3A_683 = tpu.vector_load %arg12[%swap3A_682] {strides = array<i32>} : memref<6144xf32, #tpu.memory_space<vmem>>, vector<16xf32>,
              %swap3A_684 = vector.shape_cast %swap3A_683 : vector<16xf32> to vector<16xf32>
              %swap3A_685 = vector.shape_cast %while3A_495#6 : vector<16xf32> to vector<16xf32>
              tpu.vector_store %arg12[%swap3A_682], %swap3A_685 {add = true, strides = array<i32>} : memref<6144xf32, #tpu.memory_space<vmem>>, vector<16xf32>,
              %swap3A_686 = arith.index_cast %add3A_681 : i32 to index
              %swap3A_687 = tpu.vector_load %arg13[%swap3A_686] {strides = array<i32>} : memref<6144xf32, #tpu.memory_space<vmem>>, vector<16xf32>,
              %swap3A_688 = vector.shape_cast %swap3A_687 : vector<16xf32> to vector<16xf32>
              %swap3A_689 = vector.shape_cast %while3A_495#18 : vector<16xf32> to vector<16xf32>
              tpu.vector_store %arg13[%swap3A_686], %swap3A_689 {add = true, strides = array<i32>} : memref<6144xf32, #tpu.memory_space<vmem>>, vector<16xf32>,
              %get3A_690 = arith.index_cast %add3A_681 : i32 to index
              %get3A_691 = tpu.vector_load %arg14[%get3A_690] {strides = array<i32>} : memref<6144xf32, #tpu.memory_space<vmem>>, vector<16xf32>,
              %get3A_692 = vector.shape_cast %get3A_691 : vector<16xf32> to vector<16xf32>
              %min3A_693 = arith.minimumf %get3A_692, %while3A_495#30 : vector<16xf32>
              %swap3A_694 = arith.index_cast %add3A_681 : i32 to index
              %swap3A_695 = tpu.vector_load %arg14[%swap3A_694] {strides = array<i32>} : memref<6144xf32, #tpu.memory_space<vmem>>, vector<16xf32>,
              %swap3A_696 = vector.shape_cast %swap3A_695 : vector<16xf32> to vector<16xf32>
              %swap3A_697 = vector.shape_cast %min3A_693 : vector<16xf32> to vector<16xf32>
              tpu.vector_store %arg14[%swap3A_694], %swap3A_697 {strides = array<i32>} : memref<6144xf32, #tpu.memory_space<vmem>>, vector<16xf32>,
              %get3A_698 = arith.index_cast %add3A_681 : i32 to index
              %get3A_699 = tpu.vector_load %arg15[%get3A_698] {strides = array<i32>} : memref<6144xf32, #tpu.memory_space<vmem>>, vector<16xf32>,
              %get3A_700 = vector.shape_cast %get3A_699 : vector<16xf32> to vector<16xf32>
              %max3A_701 = arith.maximumf %get3A_700, %while3A_495#42 : vector<16xf32>
              %swap3A_702 = arith.index_cast %add3A_681 : i32 to index
              %swap3A_703 = tpu.vector_load %arg15[%swap3A_702] {strides = array<i32>} : memref<6144xf32, #tpu.memory_space<vmem>>, vector<16xf32>,
              %swap3A_704 = vector.shape_cast %swap3A_703 : vector<16xf32> to vector<16xf32>
              %swap3A_705 = vector.shape_cast %max3A_701 : vector<16xf32> to vector<16xf32>
              tpu.vector_store %arg15[%swap3A_702], %swap3A_705 {strides = array<i32>} : memref<6144xf32, #tpu.memory_space<vmem>>, vector<16xf32>,
              %mul3A_706 = arith.constant 384 : i32
              %mul3A_707 = arith.muli %scan3A_99, %mul3A_706 : i32
              %add3A_708 = arith.constant 192 : i32
              %add3A_709 = arith.addi %mul3A_707, %add3A_708 : i32
              %add3A_710 = arith.constant 112 : i32
              %add3A_711 = arith.addi %add3A_709, %add3A_710 : i32
              %swap3A_712 = arith.index_cast %add3A_711 : i32 to index
              %swap3A_713 = tpu.vector_load %arg12[%swap3A_712] {strides = array<i32>} : memref<6144xf32, #tpu.memory_space<vmem>>, vector<16xf32>,
              %swap3A_714 = vector.shape_cast %swap3A_713 : vector<16xf32> to vector<16xf32>
              %swap3A_715 = vector.shape_cast %while3A_495#7 : vector<16xf32> to vector<16xf32>
              tpu.vector_store %arg12[%swap3A_712], %swap3A_715 {add = true, strides = array<i32>} : memref<6144xf32, #tpu.memory_space<vmem>>, vector<16xf32>,
              %swap3A_716 = arith.index_cast %add3A_711 : i32 to index
              %swap3A_717 = tpu.vector_load %arg13[%swap3A_716] {strides = array<i32>} : memref<6144xf32, #tpu.memory_space<vmem>>, vector<16xf32>,
              %swap3A_718 = vector.shape_cast %swap3A_717 : vector<16xf32> to vector<16xf32>
              %swap3A_719 = vector.shape_cast %while3A_495#19 : vector<16xf32> to vector<16xf32>
              tpu.vector_store %arg13[%swap3A_716], %swap3A_719 {add = true, strides = array<i32>} : memref<6144xf32, #tpu.memory_space<vmem>>, vector<16xf32>,
              %get3A_720 = arith.index_cast %add3A_711 : i32 to index
              %get3A_721 = tpu.vector_load %arg14[%get3A_720] {strides = array<i32>} : memref<6144xf32, #tpu.memory_space<vmem>>, vector<16xf32>,
              %get3A_722 = vector.shape_cast %get3A_721 : vector<16xf32> to vector<16xf32>
              %min3A_723 = arith.minimumf %get3A_722, %while3A_495#31 : vector<16xf32>
              %swap3A_724 = arith.index_cast %add3A_711 : i32 to index
              %swap3A_725 = tpu.vector_load %arg14[%swap3A_724] {strides = array<i32>} : memref<6144xf32, #tpu.memory_space<vmem>>, vector<16xf32>,
              %swap3A_726 = vector.shape_cast %swap3A_725 : vector<16xf32> to vector<16xf32>
              %swap3A_727 = vector.shape_cast %min3A_723 : vector<16xf32> to vector<16xf32>
              tpu.vector_store %arg14[%swap3A_724], %swap3A_727 {strides = array<i32>} : memref<6144xf32, #tpu.memory_space<vmem>>, vector<16xf32>,
              %get3A_728 = arith.index_cast %add3A_711 : i32 to index
              %get3A_729 = tpu.vector_load %arg15[%get3A_728] {strides = array<i32>} : memref<6144xf32, #tpu.memory_space<vmem>>, vector<16xf32>,
              %get3A_730 = vector.shape_cast %get3A_729 : vector<16xf32> to vector<16xf32>
              %max3A_731 = arith.maximumf %get3A_730, %while3A_495#43 : vector<16xf32>
              %swap3A_732 = arith.index_cast %add3A_711 : i32 to index
              %swap3A_733 = tpu.vector_load %arg15[%swap3A_732] {strides = array<i32>} : memref<6144xf32, #tpu.memory_space<vmem>>, vector<16xf32>,
              %swap3A_734 = vector.shape_cast %swap3A_733 : vector<16xf32> to vector<16xf32>
              %swap3A_735 = vector.shape_cast %max3A_731 : vector<16xf32> to vector<16xf32>
              tpu.vector_store %arg15[%swap3A_732], %swap3A_735 {strides = array<i32>} : memref<6144xf32, #tpu.memory_space<vmem>>, vector<16xf32>,
              %mul3A_736 = arith.constant 384 : i32
              %mul3A_737 = arith.muli %scan3A_99, %mul3A_736 : i32
              %add3A_738 = arith.constant 192 : i32
              %add3A_739 = arith.addi %mul3A_737, %add3A_738 : i32
              %add3A_740 = arith.constant 128 : i32
              %add3A_741 = arith.addi %add3A_739, %add3A_740 : i32
              %swap3A_742 = arith.index_cast %add3A_741 : i32 to index
              %swap3A_743 = tpu.vector_load %arg12[%swap3A_742] {strides = array<i32>} : memref<6144xf32, #tpu.memory_space<vmem>>, vector<16xf32>,
              %swap3A_744 = vector.shape_cast %swap3A_743 : vector<16xf32> to vector<16xf32>
              %swap3A_745 = vector.shape_cast %while3A_495#8 : vector<16xf32> to vector<16xf32>
              tpu.vector_store %arg12[%swap3A_742], %swap3A_745 {add = true, strides = array<i32>} : memref<6144xf32, #tpu.memory_space<vmem>>, vector<16xf32>,
              %swap3A_746 = arith.index_cast %add3A_741 : i32 to index
              %swap3A_747 = tpu.vector_load %arg13[%swap3A_746] {strides = array<i32>} : memref<6144xf32, #tpu.memory_space<vmem>>, vector<16xf32>,
              %swap3A_748 = vector.shape_cast %swap3A_747 : vector<16xf32> to vector<16xf32>
              %swap3A_749 = vector.shape_cast %while3A_495#20 : vector<16xf32> to vector<16xf32>
              tpu.vector_store %arg13[%swap3A_746], %swap3A_749 {add = true, strides = array<i32>} : memref<6144xf32, #tpu.memory_space<vmem>>, vector<16xf32>,
              %get3A_750 = arith.index_cast %add3A_741 : i32 to index
              %get3A_751 = tpu.vector_load %arg14[%get3A_750] {strides = array<i32>} : memref<6144xf32, #tpu.memory_space<vmem>>, vector<16xf32>,
              %get3A_752 = vector.shape_cast %get3A_751 : vector<16xf32> to vector<16xf32>
              %min3A_753 = arith.minimumf %get3A_752, %while3A_495#32 : vector<16xf32>
              %swap3A_754 = arith.index_cast %add3A_741 : i32 to index
              %swap3A_755 = tpu.vector_load %arg14[%swap3A_754] {strides = array<i32>} : memref<6144xf32, #tpu.memory_space<vmem>>, vector<16xf32>,
              %swap3A_756 = vector.shape_cast %swap3A_755 : vector<16xf32> to vector<16xf32>
              %swap3A_757 = vector.shape_cast %min3A_753 : vector<16xf32> to vector<16xf32>
              tpu.vector_store %arg14[%swap3A_754], %swap3A_757 {strides = array<i32>} : memref<6144xf32, #tpu.memory_space<vmem>>, vector<16xf32>,
              %get3A_758 = arith.index_cast %add3A_741 : i32 to index
              %get3A_759 = tpu.vector_load %arg15[%get3A_758] {strides = array<i32>} : memref<6144xf32, #tpu.memory_space<vmem>>, vector<16xf32>,
              %get3A_760 = vector.shape_cast %get3A_759 : vector<16xf32> to vector<16xf32>
              %max3A_761 = arith.maximumf %get3A_760, %while3A_495#44 : vector<16xf32>
              %swap3A_762 = arith.index_cast %add3A_741 : i32 to index
              %swap3A_763 = tpu.vector_load %arg15[%swap3A_762] {strides = array<i32>} : memref<6144xf32, #tpu.memory_space<vmem>>, vector<16xf32>,
              %swap3A_764 = vector.shape_cast %swap3A_763 : vector<16xf32> to vector<16xf32>
              %swap3A_765 = vector.shape_cast %max3A_761 : vector<16xf32> to vector<16xf32>
              tpu.vector_store %arg15[%swap3A_762], %swap3A_765 {strides = array<i32>} : memref<6144xf32, #tpu.memory_space<vmem>>, vector<16xf32>,
              %mul3A_766 = arith.constant 384 : i32
              %mul3A_767 = arith.muli %scan3A_99, %mul3A_766 : i32
              %add3A_768 = arith.constant 192 : i32
              %add3A_769 = arith.addi %mul3A_767, %add3A_768 : i32
              %add3A_770 = arith.constant 144 : i32
              %add3A_771 = arith.addi %add3A_769, %add3A_770 : i32
              %swap3A_772 = arith.index_cast %add3A_771 : i32 to index
              %swap3A_773 = tpu.vector_load %arg12[%swap3A_772] {strides = array<i32>} : memref<6144xf32, #tpu.memory_space<vmem>>, vector<16xf32>,
              %swap3A_774 = vector.shape_cast %swap3A_773 : vector<16xf32> to vector<16xf32>
              %swap3A_775 = vector.shape_cast %while3A_495#9 : vector<16xf32> to vector<16xf32>
              tpu.vector_store %arg12[%swap3A_772], %swap3A_775 {add = true, strides = array<i32>} : memref<6144xf32, #tpu.memory_space<vmem>>, vector<16xf32>,
              %swap3A_776 = arith.index_cast %add3A_771 : i32 to index
              %swap3A_777 = tpu.vector_load %arg13[%swap3A_776] {strides = array<i32>} : memref<6144xf32, #tpu.memory_space<vmem>>, vector<16xf32>,
              %swap3A_778 = vector.shape_cast %swap3A_777 : vector<16xf32> to vector<16xf32>
              %swap3A_779 = vector.shape_cast %while3A_495#21 : vector<16xf32> to vector<16xf32>
              tpu.vector_store %arg13[%swap3A_776], %swap3A_779 {add = true, strides = array<i32>} : memref<6144xf32, #tpu.memory_space<vmem>>, vector<16xf32>,
              %get3A_780 = arith.index_cast %add3A_771 : i32 to index
              %get3A_781 = tpu.vector_load %arg14[%get3A_780] {strides = array<i32>} : memref<6144xf32, #tpu.memory_space<vmem>>, vector<16xf32>,
              %get3A_782 = vector.shape_cast %get3A_781 : vector<16xf32> to vector<16xf32>
              %min3A_783 = arith.minimumf %get3A_782, %while3A_495#33 : vector<16xf32>
              %swap3A_784 = arith.index_cast %add3A_771 : i32 to index
              %swap3A_785 = tpu.vector_load %arg14[%swap3A_784] {strides = array<i32>} : memref<6144xf32, #tpu.memory_space<vmem>>, vector<16xf32>,
              %swap3A_786 = vector.shape_cast %swap3A_785 : vector<16xf32> to vector<16xf32>
              %swap3A_787 = vector.shape_cast %min3A_783 : vector<16xf32> to vector<16xf32>
              tpu.vector_store %arg14[%swap3A_784], %swap3A_787 {strides = array<i32>} : memref<6144xf32, #tpu.memory_space<vmem>>, vector<16xf32>,
              %get3A_788 = arith.index_cast %add3A_771 : i32 to index
              %get3A_789 = tpu.vector_load %arg15[%get3A_788] {strides = array<i32>} : memref<6144xf32, #tpu.memory_space<vmem>>, vector<16xf32>,
              %get3A_790 = vector.shape_cast %get3A_789 : vector<16xf32> to vector<16xf32>
              %max3A_791 = arith.maximumf %get3A_790, %while3A_495#45 : vector<16xf32>
              %swap3A_792 = arith.index_cast %add3A_771 : i32 to index
              %swap3A_793 = tpu.vector_load %arg15[%swap3A_792] {strides = array<i32>} : memref<6144xf32, #tpu.memory_space<vmem>>, vector<16xf32>,
              %swap3A_794 = vector.shape_cast %swap3A_793 : vector<16xf32> to vector<16xf32>
              %swap3A_795 = vector.shape_cast %max3A_791 : vector<16xf32> to vector<16xf32>
              tpu.vector_store %arg15[%swap3A_792], %swap3A_795 {strides = array<i32>} : memref<6144xf32, #tpu.memory_space<vmem>>, vector<16xf32>,
              %mul3A_796 = arith.constant 384 : i32
              %mul3A_797 = arith.muli %scan3A_99, %mul3A_796 : i32
              %add3A_798 = arith.constant 192 : i32
              %add3A_799 = arith.addi %mul3A_797, %add3A_798 : i32
              %add3A_800 = arith.constant 160 : i32
              %add3A_801 = arith.addi %add3A_799, %add3A_800 : i32
              %swap3A_802 = arith.index_cast %add3A_801 : i32 to index
              %swap3A_803 = tpu.vector_load %arg12[%swap3A_802] {strides = array<i32>} : memref<6144xf32, #tpu.memory_space<vmem>>, vector<16xf32>,
              %swap3A_804 = vector.shape_cast %swap3A_803 : vector<16xf32> to vector<16xf32>
              %swap3A_805 = vector.shape_cast %while3A_495#10 : vector<16xf32> to vector<16xf32>
              tpu.vector_store %arg12[%swap3A_802], %swap3A_805 {add = true, strides = array<i32>} : memref<6144xf32, #tpu.memory_space<vmem>>, vector<16xf32>,
              %swap3A_806 = arith.index_cast %add3A_801 : i32 to index
              %swap3A_807 = tpu.vector_load %arg13[%swap3A_806] {strides = array<i32>} : memref<6144xf32, #tpu.memory_space<vmem>>, vector<16xf32>,
              %swap3A_808 = vector.shape_cast %swap3A_807 : vector<16xf32> to vector<16xf32>
              %swap3A_809 = vector.shape_cast %while3A_495#22 : vector<16xf32> to vector<16xf32>
              tpu.vector_store %arg13[%swap3A_806], %swap3A_809 {add = true, strides = array<i32>} : memref<6144xf32, #tpu.memory_space<vmem>>, vector<16xf32>,
              %get3A_810 = arith.index_cast %add3A_801 : i32 to index
              %get3A_811 = tpu.vector_load %arg14[%get3A_810] {strides = array<i32>} : memref<6144xf32, #tpu.memory_space<vmem>>, vector<16xf32>,
              %get3A_812 = vector.shape_cast %get3A_811 : vector<16xf32> to vector<16xf32>
              %min3A_813 = arith.minimumf %get3A_812, %while3A_495#34 : vector<16xf32>
              %swap3A_814 = arith.index_cast %add3A_801 : i32 to index
              %swap3A_815 = tpu.vector_load %arg14[%swap3A_814] {strides = array<i32>} : memref<6144xf32, #tpu.memory_space<vmem>>, vector<16xf32>,
              %swap3A_816 = vector.shape_cast %swap3A_815 : vector<16xf32> to vector<16xf32>
              %swap3A_817 = vector.shape_cast %min3A_813 : vector<16xf32> to vector<16xf32>
              tpu.vector_store %arg14[%swap3A_814], %swap3A_817 {strides = array<i32>} : memref<6144xf32, #tpu.memory_space<vmem>>, vector<16xf32>,
              %get3A_818 = arith.index_cast %add3A_801 : i32 to index
              %get3A_819 = tpu.vector_load %arg15[%get3A_818] {strides = array<i32>} : memref<6144xf32, #tpu.memory_space<vmem>>, vector<16xf32>,
              %get3A_820 = vector.shape_cast %get3A_819 : vector<16xf32> to vector<16xf32>
              %max3A_821 = arith.maximumf %get3A_820, %while3A_495#46 : vector<16xf32>
              %swap3A_822 = arith.index_cast %add3A_801 : i32 to index
              %swap3A_823 = tpu.vector_load %arg15[%swap3A_822] {strides = array<i32>} : memref<6144xf32, #tpu.memory_space<vmem>>, vector<16xf32>,
              %swap3A_824 = vector.shape_cast %swap3A_823 : vector<16xf32> to vector<16xf32>
              %swap3A_825 = vector.shape_cast %max3A_821 : vector<16xf32> to vector<16xf32>
              tpu.vector_store %arg15[%swap3A_822], %swap3A_825 {strides = array<i32>} : memref<6144xf32, #tpu.memory_space<vmem>>, vector<16xf32>,
              %mul3A_826 = arith.constant 384 : i32
              %mul3A_827 = arith.muli %scan3A_99, %mul3A_826 : i32
              %add3A_828 = arith.constant 192 : i32
              %add3A_829 = arith.addi %mul3A_827, %add3A_828 : i32
              %add3A_830 = arith.constant 176 : i32
              %add3A_831 = arith.addi %add3A_829, %add3A_830 : i32
              %swap3A_832 = arith.index_cast %add3A_831 : i32 to index
              %swap3A_833 = tpu.vector_load %arg12[%swap3A_832] {strides = array<i32>} : memref<6144xf32, #tpu.memory_space<vmem>>, vector<16xf32>,
              %swap3A_834 = vector.shape_cast %swap3A_833 : vector<16xf32> to vector<16xf32>
              %swap3A_835 = vector.shape_cast %while3A_495#11 : vector<16xf32> to vector<16xf32>
              tpu.vector_store %arg12[%swap3A_832], %swap3A_835 {add = true, strides = array<i32>} : memref<6144xf32, #tpu.memory_space<vmem>>, vector<16xf32>,
              %swap3A_836 = arith.index_cast %add3A_831 : i32 to index
              %swap3A_837 = tpu.vector_load %arg13[%swap3A_836] {strides = array<i32>} : memref<6144xf32, #tpu.memory_space<vmem>>, vector<16xf32>,
              %swap3A_838 = vector.shape_cast %swap3A_837 : vector<16xf32> to vector<16xf32>
              %swap3A_839 = vector.shape_cast %while3A_495#23 : vector<16xf32> to vector<16xf32>
              tpu.vector_store %arg13[%swap3A_836], %swap3A_839 {add = true, strides = array<i32>} : memref<6144xf32, #tpu.memory_space<vmem>>, vector<16xf32>,
              %get3A_840 = arith.index_cast %add3A_831 : i32 to index
              %get3A_841 = tpu.vector_load %arg14[%get3A_840] {strides = array<i32>} : memref<6144xf32, #tpu.memory_space<vmem>>, vector<16xf32>,
              %get3A_842 = vector.shape_cast %get3A_841 : vector<16xf32> to vector<16xf32>
              %min3A_843 = arith.minimumf %get3A_842, %while3A_495#35 : vector<16xf32>
              %swap3A_844 = arith.index_cast %add3A_831 : i32 to index
              %swap3A_845 = tpu.vector_load %arg14[%swap3A_844] {strides = array<i32>} : memref<6144xf32, #tpu.memory_space<vmem>>, vector<16xf32>,
              %swap3A_846 = vector.shape_cast %swap3A_845 : vector<16xf32> to vector<16xf32>
              %swap3A_847 = vector.shape_cast %min3A_843 : vector<16xf32> to vector<16xf32>
              tpu.vector_store %arg14[%swap3A_844], %swap3A_847 {strides = array<i32>} : memref<6144xf32, #tpu.memory_space<vmem>>, vector<16xf32>,
              %get3A_848 = arith.index_cast %add3A_831 : i32 to index
              %get3A_849 = tpu.vector_load %arg15[%get3A_848] {strides = array<i32>} : memref<6144xf32, #tpu.memory_space<vmem>>, vector<16xf32>,
              %get3A_850 = vector.shape_cast %get3A_849 : vector<16xf32> to vector<16xf32>
              %max3A_851 = arith.maximumf %get3A_850, %while3A_495#47 : vector<16xf32>
              %swap3A_852 = arith.index_cast %add3A_831 : i32 to index
              %swap3A_853 = tpu.vector_load %arg15[%swap3A_852] {strides = array<i32>} : memref<6144xf32, #tpu.memory_space<vmem>>, vector<16xf32>,
              %swap3A_854 = vector.shape_cast %swap3A_853 : vector<16xf32> to vector<16xf32>
              %swap3A_855 = vector.shape_cast %max3A_851 : vector<16xf32> to vector<16xf32>
              tpu.vector_store %arg15[%swap3A_852], %swap3A_855 {strides = array<i32>} : memref<6144xf32, #tpu.memory_space<vmem>>, vector<16xf32>,
            } else {
            }
            %scan3A_116 = arith.constant 0 : i32
            scf.yield %scan3A_116 : i32
          }
          %scan3A_97 = arith.constant 16 : i32
          %while3A_98 = arith.constant 0 : i32
          scf.yield %while3A_98 : i32
        }
        %while3A_76 = arith.constant 1 : i32
        %while3A_77 = scf.for %while3A_82 = %while3A_73 to %while3A_69 step %while3A_76 iter_args(%while3A_83 = %while3A_75) -> (i32)  : i32 {
          %mul3A_84 = arith.constant 128 : i32
          %mul3A_85 = arith.muli %while3A_82, %mul3A_84 : i32
          %add3A_86 = arith.addi %mul3A_52, %mul3A_85 : i32
          "tpu.region"() ({
            %run_scoped3A = tpu.sem_alloc : memref<!tpu.dma_semaphore, #tpu.memory_space<semaphore_mem>>
            %dma_start3A_99 = tpu.memref_slice %arg3[%add3A_86] : memref<160256xi32, #tpu.memory_space<hbm>> -> memref<128xi32, #tpu.memory_space<hbm>>
            %dma_start3A_100 = tpu.memref_slice %arg3[%add3A_86] : memref<160256xi32, #tpu.memory_space<hbm>> -> memref<128xi32, #tpu.memory_space<hbm>>
            tpu.enqueue_dma source(%dma_start3A_100 : memref<128xi32, #tpu.memory_space<hbm>>) target(%arg10 : memref<128xi32, #tpu.memory_space<vmem>>) target_semaphore(%run_scoped3A : memref<!tpu.dma_semaphore, #tpu.memory_space<semaphore_mem>>)
            %dma_wait3A_101 = tpu.memref_slice %arg3[%add3A_86] : memref<160256xi32, #tpu.memory_space<hbm>> -> memref<128xi32, #tpu.memory_space<hbm>>
            %dma_wait3A_102 = tpu.memref_slice %arg3[%add3A_86] : memref<160256xi32, #tpu.memory_space<hbm>> -> memref<128xi32, #tpu.memory_space<hbm>>
            tpu.wait_dma2 semaphore(%run_scoped3A : memref<!tpu.dma_semaphore, #tpu.memory_space<semaphore_mem>>) src(%dma_wait3A_102 : memref<128xi32, #tpu.memory_space<hbm>>) dst(%arg10 : memref<128xi32, #tpu.memory_space<vmem>>)
            tpu.yield
          }) : () -> ()
          %dma_start3A = arith.constant 0 : i32
          %dma_start3A_87 = arith.constant 0 : i32
          %dma_start3A_88 = tpu.memref_slice %arg2[%dma_start3A, %dma_start3A_87] : memref<40000x384xf32, #tpu.memory_space<hbm>> -> memref<40000x384xf32, #tpu.memory_space<hbm>>
          tpu.enqueue_indirect_dma source(%dma_start3A_88 : memref<40000x384xf32, #tpu.memory_space<hbm>>) target(%arg11 : memref<128x384xf32, #tpu.memory_space<vmem>>) offsets(%arg10 : memref<128xi32, #tpu.memory_space<vmem>>) semaphore(%arg16 : memref<!tpu.dma_semaphore, #tpu.memory_space<semaphore_mem>>)
          %dma_wait3A = arith.constant 0 : i32
          %dma_wait3A_89 = arith.constant 0 : i32
          %dma_wait3A_90 = tpu.memref_slice %arg2[%dma_wait3A, %dma_wait3A_89] : memref<40000x384xf32, #tpu.memory_space<hbm>> -> memref<40000x384xf32, #tpu.memory_space<hbm>>
          tpu.wait_indirect_dma semaphore(%arg16 : memref<!tpu.dma_semaphore, #tpu.memory_space<semaphore_mem>>) src(%dma_wait3A_90 : memref<40000x384xf32, #tpu.memory_space<hbm>>) dst(%arg11 : memref<128x384xf32, #tpu.memory_space<vmem>>)
          %scan3A_91 = arith.constant 0 : i32
          %scan3A_92 = arith.constant 0 : i32
          %scan3A_93 = arith.constant 16 : i32
          %scan3A_94 = arith.addi %scan3A_92, %scan3A_93 : i32
          %scan3A_95 = arith.constant 1 : i32
          %scan3A_96 = scf.for %scan3A_99 = %scan3A_92 to %scan3A_94 step %scan3A_95 iter_args(%scan3A_100 = %scan3A_91) -> (i32)  : i32 {
            %mul3A_101 = arith.constant 16 : i32
            %mul3A_102 = arith.muli %mul3A_101, %add3A_17 : i32
            %add3A_103 = arith.addi %mul3A_102, %scan3A_99 : i32
            %get3A_104 = arith.index_cast %add3A_103 : i32 to index
            %get3A_105 = tpu.vector_load %arg9[%get3A_104] {strides = array<i32>} : memref<10016xi32, #tpu.memory_space<vmem>>, vector<16xi32>,
            %get3A_106 = vector.shape_cast %get3A_105 : vector<16xi32> to vector<16xi32>
            %slice3A_107 = vector.extract_strided_slice %get3A_106 {offsets = [0], sizes = [1], strides = [1]} : vector<16xi32> to vector<1xi32>
            %squeeze3A_108 = vector.extract %slice3A_107[0] : i32 from vector<1xi32>
            %max3A = arith.maxsi %squeeze3A_108, %add3A_86 : i32
            %slice3A_109 = vector.extract_strided_slice %get3A_106 {offsets = [1], sizes = [1], strides = [1]} : vector<16xi32> to vector<1xi32>
            %squeeze3A_110 = vector.extract %slice3A_109[0] : i32 from vector<1xi32>
            %add3A_111 = arith.constant 128 : i32
            %add3A_112 = arith.addi %add3A_86, %add3A_111 : i32
            %min3A = arith.minsi %squeeze3A_110, %add3A_112 : i32
            %gt3A = arith.cmpi sgt, %min3A, %max3A : i32
            %convert_element_type3A_113 = arith.extui %gt3A : i1 to i32
            %cond3A_114 = arith.constant 0 : i32
            %cond3A_115 = arith.cmpi ne, %convert_element_type3A_113, %cond3A_114 : i32
            scf.if %cond3A_115 {
              %while3A_117 = arith.subi %min3A, %max3A : i32
              %while3A_118 = arith.addi %max3A, %while3A_117 : i32
              %while3A_119 = arith.constant 1 : i32
              %while3A_120 = arith.divsi %while3A_117, %while3A_119 : i32
              %while3A_121 = arith.muli %while3A_120, %while3A_119 : i32
              %while3A_122 = arith.addi %max3A, %while3A_121 : i32
              %while3A_123 = arith.constant 1 : i32
              %while3A_124:48 = scf.for %while3A_856 = %max3A to %while3A_122 step %while3A_123 iter_args(%while3A_857 = %broadcast_in_dim3A_1, %while3A_858 = %broadcast_in_dim3A_1, %while3A_859 = %broadcast_in_dim3A_1, %while3A_860 = %broadcast_in_dim3A_1, %while3A_861 = %broadcast_in_dim3A_1, %while3A_862 = %broadcast_in_dim3A_1, %while3A_863 = %broadcast_in_dim3A_1, %while3A_864 = %broadcast_in_dim3A_1, %while3A_865 = %broadcast_in_dim3A_1, %while3A_866 = %broadcast_in_dim3A_1, %while3A_867 = %broadcast_in_dim3A_1, %while3A_868 = %broadcast_in_dim3A_1, %while3A_869 = %broadcast_in_dim3A_1, %while3A_870 = %broadcast_in_dim3A_1, %while3A_871 = %broadcast_in_dim3A_1, %while3A_872 = %broadcast_in_dim3A_1, %while3A_873 = %broadcast_in_dim3A_1, %while3A_874 = %broadcast_in_dim3A_1, %while3A_875 = %broadcast_in_dim3A_1, %while3A_876 = %broadcast_in_dim3A_1, %while3A_877 = %broadcast_in_dim3A_1, %while3A_878 = %broadcast_in_dim3A_1, %while3A_879 = %broadcast_in_dim3A_1, %while3A_880 = %broadcast_in_dim3A_1, %while3A_881 = %add3A_4, %while3A_882 = %add3A_4, %while3A_883 = %add3A_4, %while3A_884 = %add3A_4, %while3A_885 = %add3A_4, %while3A_886 = %add3A_4, %while3A_887 = %add3A_4, %while3A_888 = %add3A_4, %while3A_889 = %add3A_4, %while3A_890 = %add3A_4, %while3A_891 = %add3A_4, %while3A_892 = %add3A_4, %while3A_893 = %sub3A_6, %while3A_894 = %sub3A_6, %while3A_895 = %sub3A_6, %while3A_896 = %sub3A_6, %while3A_897 = %sub3A_6, %while3A_898 = %sub3A_6, %while3A_899 = %sub3A_6, %while3A_900 = %sub3A_6, %while3A_901 = %sub3A_6, %while3A_902 = %sub3A_6, %while3A_903 = %sub3A_6, %while3A_904 = %sub3A_6) -> (vector<16xf32>, vector<16xf32>, vector<16xf32>, vector<16xf32>, vector<16xf32>, vector<16xf32>, vector<16xf32>, vector<16xf32>, vector<16xf32>, vector<16xf32>, vector<16xf32>, vector<16xf32>, vector<16xf32>, vector<16xf32>, vector<16xf32>, vector<16xf32>, vector<16xf32>, vector<16xf32>, vector<16xf32>, vector<16xf32>, vector<16xf32>, vector<16xf32>, vector<16xf32>, vector<16xf32>, vector<16xf32>, vector<16xf32>, vector<16xf32>, vector<16xf32>, vector<16xf32>, vector<16xf32>, vector<16xf32>, vector<16xf32>, vector<16xf32>, vector<16xf32>, vector<16xf32>, vector<16xf32>, vector<16xf32>, vector<16xf32>, vector<16xf32>, vector<16xf32>, vector<16xf32>, vector<16xf32>, vector<16xf32>, vector<16xf32>, vector<16xf32>, vector<16xf32>, vector<16xf32>, vector<16xf32>)  : i32 {
                %sub3A_905 = arith.subi %while3A_856, %add3A_86 : i32
                %get3A_906 = arith.index_cast %sub3A_905 : i32 to index
                %get3A_907 = arith.constant 0 : index
                %get3A_908 = tpu.vector_load %arg11[%get3A_906, %get3A_907] {strides = array<i32>} : memref<128x384xf32, #tpu.memory_space<vmem>>, vector<1x16xf32>,
                %get3A_909 = vector.shape_cast %get3A_908 : vector<1x16xf32> to vector<16xf32>
                %add3A_910 = arith.addf %while3A_857, %get3A_909 : vector<16xf32>
                %get3A_911 = arith.index_cast %sub3A_905 : i32 to index
                %get3A_912 = arith.constant 16 : index
                %get3A_913 = tpu.vector_load %arg11[%get3A_911, %get3A_912] {strides = array<i32>} : memref<128x384xf32, #tpu.memory_space<vmem>>, vector<1x16xf32>,
                %get3A_914 = vector.shape_cast %get3A_913 : vector<1x16xf32> to vector<16xf32>
                %add3A_915 = arith.addf %while3A_858, %get3A_914 : vector<16xf32>
                %get3A_916 = arith.index_cast %sub3A_905 : i32 to index
                %get3A_917 = arith.constant 32 : index
                %get3A_918 = tpu.vector_load %arg11[%get3A_916, %get3A_917] {strides = array<i32>} : memref<128x384xf32, #tpu.memory_space<vmem>>, vector<1x16xf32>,
                %get3A_919 = vector.shape_cast %get3A_918 : vector<1x16xf32> to vector<16xf32>
                %add3A_920 = arith.addf %while3A_859, %get3A_919 : vector<16xf32>
                %get3A_921 = arith.index_cast %sub3A_905 : i32 to index
                %get3A_922 = arith.constant 48 : index
                %get3A_923 = tpu.vector_load %arg11[%get3A_921, %get3A_922] {strides = array<i32>} : memref<128x384xf32, #tpu.memory_space<vmem>>, vector<1x16xf32>,
                %get3A_924 = vector.shape_cast %get3A_923 : vector<1x16xf32> to vector<16xf32>
                %add3A_925 = arith.addf %while3A_860, %get3A_924 : vector<16xf32>
                %get3A_926 = arith.index_cast %sub3A_905 : i32 to index
                %get3A_927 = arith.constant 64 : index
                %get3A_928 = tpu.vector_load %arg11[%get3A_926, %get3A_927] {strides = array<i32>} : memref<128x384xf32, #tpu.memory_space<vmem>>, vector<1x16xf32>,
                %get3A_929 = vector.shape_cast %get3A_928 : vector<1x16xf32> to vector<16xf32>
                %add3A_930 = arith.addf %while3A_861, %get3A_929 : vector<16xf32>
                %get3A_931 = arith.index_cast %sub3A_905 : i32 to index
                %get3A_932 = arith.constant 80 : index
                %get3A_933 = tpu.vector_load %arg11[%get3A_931, %get3A_932] {strides = array<i32>} : memref<128x384xf32, #tpu.memory_space<vmem>>, vector<1x16xf32>,
                %get3A_934 = vector.shape_cast %get3A_933 : vector<1x16xf32> to vector<16xf32>
                %add3A_935 = arith.addf %while3A_862, %get3A_934 : vector<16xf32>
                %get3A_936 = arith.index_cast %sub3A_905 : i32 to index
                %get3A_937 = arith.constant 96 : index
                %get3A_938 = tpu.vector_load %arg11[%get3A_936, %get3A_937] {strides = array<i32>} : memref<128x384xf32, #tpu.memory_space<vmem>>, vector<1x16xf32>,
                %get3A_939 = vector.shape_cast %get3A_938 : vector<1x16xf32> to vector<16xf32>
                %add3A_940 = arith.addf %while3A_863, %get3A_939 : vector<16xf32>
                %get3A_941 = arith.index_cast %sub3A_905 : i32 to index
                %get3A_942 = arith.constant 112 : index
                %get3A_943 = tpu.vector_load %arg11[%get3A_941, %get3A_942] {strides = array<i32>} : memref<128x384xf32, #tpu.memory_space<vmem>>, vector<1x16xf32>,
                %get3A_944 = vector.shape_cast %get3A_943 : vector<1x16xf32> to vector<16xf32>
                %add3A_945 = arith.addf %while3A_864, %get3A_944 : vector<16xf32>
                %get3A_946 = arith.index_cast %sub3A_905 : i32 to index
                %get3A_947 = arith.constant 128 : index
                %get3A_948 = tpu.vector_load %arg11[%get3A_946, %get3A_947] {strides = array<i32>} : memref<128x384xf32, #tpu.memory_space<vmem>>, vector<1x16xf32>,
                %get3A_949 = vector.shape_cast %get3A_948 : vector<1x16xf32> to vector<16xf32>
                %add3A_950 = arith.addf %while3A_865, %get3A_949 : vector<16xf32>
                %get3A_951 = arith.index_cast %sub3A_905 : i32 to index
                %get3A_952 = arith.constant 144 : index
                %get3A_953 = tpu.vector_load %arg11[%get3A_951, %get3A_952] {strides = array<i32>} : memref<128x384xf32, #tpu.memory_space<vmem>>, vector<1x16xf32>,
                %get3A_954 = vector.shape_cast %get3A_953 : vector<1x16xf32> to vector<16xf32>
                %add3A_955 = arith.addf %while3A_866, %get3A_954 : vector<16xf32>
                %get3A_956 = arith.index_cast %sub3A_905 : i32 to index
                %get3A_957 = arith.constant 160 : index
                %get3A_958 = tpu.vector_load %arg11[%get3A_956, %get3A_957] {strides = array<i32>} : memref<128x384xf32, #tpu.memory_space<vmem>>, vector<1x16xf32>,
                %get3A_959 = vector.shape_cast %get3A_958 : vector<1x16xf32> to vector<16xf32>
                %add3A_960 = arith.addf %while3A_867, %get3A_959 : vector<16xf32>
                %get3A_961 = arith.index_cast %sub3A_905 : i32 to index
                %get3A_962 = arith.constant 176 : index
                %get3A_963 = tpu.vector_load %arg11[%get3A_961, %get3A_962] {strides = array<i32>} : memref<128x384xf32, #tpu.memory_space<vmem>>, vector<1x16xf32>,
                %get3A_964 = vector.shape_cast %get3A_963 : vector<1x16xf32> to vector<16xf32>
                %add3A_965 = arith.addf %while3A_868, %get3A_964 : vector<16xf32>
                %get3A_966 = arith.index_cast %sub3A_905 : i32 to index
                %get3A_967 = arith.constant 0 : index
                %get3A_968 = tpu.vector_load %arg11[%get3A_966, %get3A_967] {strides = array<i32>} : memref<128x384xf32, #tpu.memory_space<vmem>>, vector<1x16xf32>,
                %get3A_969 = vector.shape_cast %get3A_968 : vector<1x16xf32> to vector<16xf32>
                %mul3A_970 = arith.mulf %get3A_969, %get3A_969 : vector<16xf32>
                %add3A_971 = arith.addf %while3A_869, %mul3A_970 : vector<16xf32>
                %get3A_972 = arith.index_cast %sub3A_905 : i32 to index
                %get3A_973 = arith.constant 16 : index
                %get3A_974 = tpu.vector_load %arg11[%get3A_972, %get3A_973] {strides = array<i32>} : memref<128x384xf32, #tpu.memory_space<vmem>>, vector<1x16xf32>,
                %get3A_975 = vector.shape_cast %get3A_974 : vector<1x16xf32> to vector<16xf32>
                %mul3A_976 = arith.mulf %get3A_975, %get3A_975 : vector<16xf32>
                %add3A_977 = arith.addf %while3A_870, %mul3A_976 : vector<16xf32>
                %get3A_978 = arith.index_cast %sub3A_905 : i32 to index
                %get3A_979 = arith.constant 32 : index
                %get3A_980 = tpu.vector_load %arg11[%get3A_978, %get3A_979] {strides = array<i32>} : memref<128x384xf32, #tpu.memory_space<vmem>>, vector<1x16xf32>,
                %get3A_981 = vector.shape_cast %get3A_980 : vector<1x16xf32> to vector<16xf32>
                %mul3A_982 = arith.mulf %get3A_981, %get3A_981 : vector<16xf32>
                %add3A_983 = arith.addf %while3A_871, %mul3A_982 : vector<16xf32>
                %get3A_984 = arith.index_cast %sub3A_905 : i32 to index
                %get3A_985 = arith.constant 48 : index
                %get3A_986 = tpu.vector_load %arg11[%get3A_984, %get3A_985] {strides = array<i32>} : memref<128x384xf32, #tpu.memory_space<vmem>>, vector<1x16xf32>,
                %get3A_987 = vector.shape_cast %get3A_986 : vector<1x16xf32> to vector<16xf32>
                %mul3A_988 = arith.mulf %get3A_987, %get3A_987 : vector<16xf32>
                %add3A_989 = arith.addf %while3A_872, %mul3A_988 : vector<16xf32>
                %get3A_990 = arith.index_cast %sub3A_905 : i32 to index
                %get3A_991 = arith.constant 64 : index
                %get3A_992 = tpu.vector_load %arg11[%get3A_990, %get3A_991] {strides = array<i32>} : memref<128x384xf32, #tpu.memory_space<vmem>>, vector<1x16xf32>,
                %get3A_993 = vector.shape_cast %get3A_992 : vector<1x16xf32> to vector<16xf32>
                %mul3A_994 = arith.mulf %get3A_993, %get3A_993 : vector<16xf32>
                %add3A_995 = arith.addf %while3A_873, %mul3A_994 : vector<16xf32>
                %get3A_996 = arith.index_cast %sub3A_905 : i32 to index
                %get3A_997 = arith.constant 80 : index
                %get3A_998 = tpu.vector_load %arg11[%get3A_996, %get3A_997] {strides = array<i32>} : memref<128x384xf32, #tpu.memory_space<vmem>>, vector<1x16xf32>,
                %get3A_999 = vector.shape_cast %get3A_998 : vector<1x16xf32> to vector<16xf32>
                %mul3A_1000 = arith.mulf %get3A_999, %get3A_999 : vector<16xf32>
                %add3A_1001 = arith.addf %while3A_874, %mul3A_1000 : vector<16xf32>
                %get3A_1002 = arith.index_cast %sub3A_905 : i32 to index
                %get3A_1003 = arith.constant 96 : index
                %get3A_1004 = tpu.vector_load %arg11[%get3A_1002, %get3A_1003] {strides = array<i32>} : memref<128x384xf32, #tpu.memory_space<vmem>>, vector<1x16xf32>,
                %get3A_1005 = vector.shape_cast %get3A_1004 : vector<1x16xf32> to vector<16xf32>
                %mul3A_1006 = arith.mulf %get3A_1005, %get3A_1005 : vector<16xf32>
                %add3A_1007 = arith.addf %while3A_875, %mul3A_1006 : vector<16xf32>
                %get3A_1008 = arith.index_cast %sub3A_905 : i32 to index
                %get3A_1009 = arith.constant 112 : index
                %get3A_1010 = tpu.vector_load %arg11[%get3A_1008, %get3A_1009] {strides = array<i32>} : memref<128x384xf32, #tpu.memory_space<vmem>>, vector<1x16xf32>,
                %get3A_1011 = vector.shape_cast %get3A_1010 : vector<1x16xf32> to vector<16xf32>
                %mul3A_1012 = arith.mulf %get3A_1011, %get3A_1011 : vector<16xf32>
                %add3A_1013 = arith.addf %while3A_876, %mul3A_1012 : vector<16xf32>
                %get3A_1014 = arith.index_cast %sub3A_905 : i32 to index
                %get3A_1015 = arith.constant 128 : index
                %get3A_1016 = tpu.vector_load %arg11[%get3A_1014, %get3A_1015] {strides = array<i32>} : memref<128x384xf32, #tpu.memory_space<vmem>>, vector<1x16xf32>,
                %get3A_1017 = vector.shape_cast %get3A_1016 : vector<1x16xf32> to vector<16xf32>
                %mul3A_1018 = arith.mulf %get3A_1017, %get3A_1017 : vector<16xf32>
                %add3A_1019 = arith.addf %while3A_877, %mul3A_1018 : vector<16xf32>
                %get3A_1020 = arith.index_cast %sub3A_905 : i32 to index
                %get3A_1021 = arith.constant 144 : index
                %get3A_1022 = tpu.vector_load %arg11[%get3A_1020, %get3A_1021] {strides = array<i32>} : memref<128x384xf32, #tpu.memory_space<vmem>>, vector<1x16xf32>,
                %get3A_1023 = vector.shape_cast %get3A_1022 : vector<1x16xf32> to vector<16xf32>
                %mul3A_1024 = arith.mulf %get3A_1023, %get3A_1023 : vector<16xf32>
                %add3A_1025 = arith.addf %while3A_878, %mul3A_1024 : vector<16xf32>
                %get3A_1026 = arith.index_cast %sub3A_905 : i32 to index
                %get3A_1027 = arith.constant 160 : index
                %get3A_1028 = tpu.vector_load %arg11[%get3A_1026, %get3A_1027] {strides = array<i32>} : memref<128x384xf32, #tpu.memory_space<vmem>>, vector<1x16xf32>,
                %get3A_1029 = vector.shape_cast %get3A_1028 : vector<1x16xf32> to vector<16xf32>
                %mul3A_1030 = arith.mulf %get3A_1029, %get3A_1029 : vector<16xf32>
                %add3A_1031 = arith.addf %while3A_879, %mul3A_1030 : vector<16xf32>
                %get3A_1032 = arith.index_cast %sub3A_905 : i32 to index
                %get3A_1033 = arith.constant 176 : index
                %get3A_1034 = tpu.vector_load %arg11[%get3A_1032, %get3A_1033] {strides = array<i32>} : memref<128x384xf32, #tpu.memory_space<vmem>>, vector<1x16xf32>,
                %get3A_1035 = vector.shape_cast %get3A_1034 : vector<1x16xf32> to vector<16xf32>
                %mul3A_1036 = arith.mulf %get3A_1035, %get3A_1035 : vector<16xf32>
                %add3A_1037 = arith.addf %while3A_880, %mul3A_1036 : vector<16xf32>
                %get3A_1038 = arith.index_cast %sub3A_905 : i32 to index
                %get3A_1039 = arith.constant 0 : index
                %get3A_1040 = tpu.vector_load %arg11[%get3A_1038, %get3A_1039] {strides = array<i32>} : memref<128x384xf32, #tpu.memory_space<vmem>>, vector<1x16xf32>,
                %get3A_1041 = vector.shape_cast %get3A_1040 : vector<1x16xf32> to vector<16xf32>
                %min3A_1042 = arith.minimumf %while3A_881, %get3A_1041 : vector<16xf32>
                %get3A_1043 = arith.index_cast %sub3A_905 : i32 to index
                %get3A_1044 = arith.constant 16 : index
                %get3A_1045 = tpu.vector_load %arg11[%get3A_1043, %get3A_1044] {strides = array<i32>} : memref<128x384xf32, #tpu.memory_space<vmem>>, vector<1x16xf32>,
                %get3A_1046 = vector.shape_cast %get3A_1045 : vector<1x16xf32> to vector<16xf32>
                %min3A_1047 = arith.minimumf %while3A_882, %get3A_1046 : vector<16xf32>
                %get3A_1048 = arith.index_cast %sub3A_905 : i32 to index
                %get3A_1049 = arith.constant 32 : index
                %get3A_1050 = tpu.vector_load %arg11[%get3A_1048, %get3A_1049] {strides = array<i32>} : memref<128x384xf32, #tpu.memory_space<vmem>>, vector<1x16xf32>,
                %get3A_1051 = vector.shape_cast %get3A_1050 : vector<1x16xf32> to vector<16xf32>
                %min3A_1052 = arith.minimumf %while3A_883, %get3A_1051 : vector<16xf32>
                %get3A_1053 = arith.index_cast %sub3A_905 : i32 to index
                %get3A_1054 = arith.constant 48 : index
                %get3A_1055 = tpu.vector_load %arg11[%get3A_1053, %get3A_1054] {strides = array<i32>} : memref<128x384xf32, #tpu.memory_space<vmem>>, vector<1x16xf32>,
                %get3A_1056 = vector.shape_cast %get3A_1055 : vector<1x16xf32> to vector<16xf32>
                %min3A_1057 = arith.minimumf %while3A_884, %get3A_1056 : vector<16xf32>
                %get3A_1058 = arith.index_cast %sub3A_905 : i32 to index
                %get3A_1059 = arith.constant 64 : index
                %get3A_1060 = tpu.vector_load %arg11[%get3A_1058, %get3A_1059] {strides = array<i32>} : memref<128x384xf32, #tpu.memory_space<vmem>>, vector<1x16xf32>,
                %get3A_1061 = vector.shape_cast %get3A_1060 : vector<1x16xf32> to vector<16xf32>
                %min3A_1062 = arith.minimumf %while3A_885, %get3A_1061 : vector<16xf32>
                %get3A_1063 = arith.index_cast %sub3A_905 : i32 to index
                %get3A_1064 = arith.constant 80 : index
                %get3A_1065 = tpu.vector_load %arg11[%get3A_1063, %get3A_1064] {strides = array<i32>} : memref<128x384xf32, #tpu.memory_space<vmem>>, vector<1x16xf32>,
                %get3A_1066 = vector.shape_cast %get3A_1065 : vector<1x16xf32> to vector<16xf32>
                %min3A_1067 = arith.minimumf %while3A_886, %get3A_1066 : vector<16xf32>
                %get3A_1068 = arith.index_cast %sub3A_905 : i32 to index
                %get3A_1069 = arith.constant 96 : index
                %get3A_1070 = tpu.vector_load %arg11[%get3A_1068, %get3A_1069] {strides = array<i32>} : memref<128x384xf32, #tpu.memory_space<vmem>>, vector<1x16xf32>,
                %get3A_1071 = vector.shape_cast %get3A_1070 : vector<1x16xf32> to vector<16xf32>
                %min3A_1072 = arith.minimumf %while3A_887, %get3A_1071 : vector<16xf32>
                %get3A_1073 = arith.index_cast %sub3A_905 : i32 to index
                %get3A_1074 = arith.constant 112 : index
                %get3A_1075 = tpu.vector_load %arg11[%get3A_1073, %get3A_1074] {strides = array<i32>} : memref<128x384xf32, #tpu.memory_space<vmem>>, vector<1x16xf32>,
                %get3A_1076 = vector.shape_cast %get3A_1075 : vector<1x16xf32> to vector<16xf32>
                %min3A_1077 = arith.minimumf %while3A_888, %get3A_1076 : vector<16xf32>
                %get3A_1078 = arith.index_cast %sub3A_905 : i32 to index
                %get3A_1079 = arith.constant 128 : index
                %get3A_1080 = tpu.vector_load %arg11[%get3A_1078, %get3A_1079] {strides = array<i32>} : memref<128x384xf32, #tpu.memory_space<vmem>>, vector<1x16xf32>,
                %get3A_1081 = vector.shape_cast %get3A_1080 : vector<1x16xf32> to vector<16xf32>
                %min3A_1082 = arith.minimumf %while3A_889, %get3A_1081 : vector<16xf32>
                %get3A_1083 = arith.index_cast %sub3A_905 : i32 to index
                %get3A_1084 = arith.constant 144 : index
                %get3A_1085 = tpu.vector_load %arg11[%get3A_1083, %get3A_1084] {strides = array<i32>} : memref<128x384xf32, #tpu.memory_space<vmem>>, vector<1x16xf32>,
                %get3A_1086 = vector.shape_cast %get3A_1085 : vector<1x16xf32> to vector<16xf32>
                %min3A_1087 = arith.minimumf %while3A_890, %get3A_1086 : vector<16xf32>
                %get3A_1088 = arith.index_cast %sub3A_905 : i32 to index
                %get3A_1089 = arith.constant 160 : index
                %get3A_1090 = tpu.vector_load %arg11[%get3A_1088, %get3A_1089] {strides = array<i32>} : memref<128x384xf32, #tpu.memory_space<vmem>>, vector<1x16xf32>,
                %get3A_1091 = vector.shape_cast %get3A_1090 : vector<1x16xf32> to vector<16xf32>
                %min3A_1092 = arith.minimumf %while3A_891, %get3A_1091 : vector<16xf32>
                %get3A_1093 = arith.index_cast %sub3A_905 : i32 to index
                %get3A_1094 = arith.constant 176 : index
                %get3A_1095 = tpu.vector_load %arg11[%get3A_1093, %get3A_1094] {strides = array<i32>} : memref<128x384xf32, #tpu.memory_space<vmem>>, vector<1x16xf32>,
                %get3A_1096 = vector.shape_cast %get3A_1095 : vector<1x16xf32> to vector<16xf32>
                %min3A_1097 = arith.minimumf %while3A_892, %get3A_1096 : vector<16xf32>
                %get3A_1098 = arith.index_cast %sub3A_905 : i32 to index
                %get3A_1099 = arith.constant 0 : index
                %get3A_1100 = tpu.vector_load %arg11[%get3A_1098, %get3A_1099] {strides = array<i32>} : memref<128x384xf32, #tpu.memory_space<vmem>>, vector<1x16xf32>,
                %get3A_1101 = vector.shape_cast %get3A_1100 : vector<1x16xf32> to vector<16xf32>
                %max3A_1102 = arith.maximumf %while3A_893, %get3A_1101 : vector<16xf32>
                %get3A_1103 = arith.index_cast %sub3A_905 : i32 to index
                %get3A_1104 = arith.constant 16 : index
                %get3A_1105 = tpu.vector_load %arg11[%get3A_1103, %get3A_1104] {strides = array<i32>} : memref<128x384xf32, #tpu.memory_space<vmem>>, vector<1x16xf32>,
                %get3A_1106 = vector.shape_cast %get3A_1105 : vector<1x16xf32> to vector<16xf32>
                %max3A_1107 = arith.maximumf %while3A_894, %get3A_1106 : vector<16xf32>
                %get3A_1108 = arith.index_cast %sub3A_905 : i32 to index
                %get3A_1109 = arith.constant 32 : index
                %get3A_1110 = tpu.vector_load %arg11[%get3A_1108, %get3A_1109] {strides = array<i32>} : memref<128x384xf32, #tpu.memory_space<vmem>>, vector<1x16xf32>,
                %get3A_1111 = vector.shape_cast %get3A_1110 : vector<1x16xf32> to vector<16xf32>
                %max3A_1112 = arith.maximumf %while3A_895, %get3A_1111 : vector<16xf32>
                %get3A_1113 = arith.index_cast %sub3A_905 : i32 to index
                %get3A_1114 = arith.constant 48 : index
                %get3A_1115 = tpu.vector_load %arg11[%get3A_1113, %get3A_1114] {strides = array<i32>} : memref<128x384xf32, #tpu.memory_space<vmem>>, vector<1x16xf32>,
                %get3A_1116 = vector.shape_cast %get3A_1115 : vector<1x16xf32> to vector<16xf32>
                %max3A_1117 = arith.maximumf %while3A_896, %get3A_1116 : vector<16xf32>
                %get3A_1118 = arith.index_cast %sub3A_905 : i32 to index
                %get3A_1119 = arith.constant 64 : index
                %get3A_1120 = tpu.vector_load %arg11[%get3A_1118, %get3A_1119] {strides = array<i32>} : memref<128x384xf32, #tpu.memory_space<vmem>>, vector<1x16xf32>,
                %get3A_1121 = vector.shape_cast %get3A_1120 : vector<1x16xf32> to vector<16xf32>
                %max3A_1122 = arith.maximumf %while3A_897, %get3A_1121 : vector<16xf32>
                %get3A_1123 = arith.index_cast %sub3A_905 : i32 to index
                %get3A_1124 = arith.constant 80 : index
                %get3A_1125 = tpu.vector_load %arg11[%get3A_1123, %get3A_1124] {strides = array<i32>} : memref<128x384xf32, #tpu.memory_space<vmem>>, vector<1x16xf32>,
                %get3A_1126 = vector.shape_cast %get3A_1125 : vector<1x16xf32> to vector<16xf32>
                %max3A_1127 = arith.maximumf %while3A_898, %get3A_1126 : vector<16xf32>
                %get3A_1128 = arith.index_cast %sub3A_905 : i32 to index
                %get3A_1129 = arith.constant 96 : index
                %get3A_1130 = tpu.vector_load %arg11[%get3A_1128, %get3A_1129] {strides = array<i32>} : memref<128x384xf32, #tpu.memory_space<vmem>>, vector<1x16xf32>,
                %get3A_1131 = vector.shape_cast %get3A_1130 : vector<1x16xf32> to vector<16xf32>
                %max3A_1132 = arith.maximumf %while3A_899, %get3A_1131 : vector<16xf32>
                %get3A_1133 = arith.index_cast %sub3A_905 : i32 to index
                %get3A_1134 = arith.constant 112 : index
                %get3A_1135 = tpu.vector_load %arg11[%get3A_1133, %get3A_1134] {strides = array<i32>} : memref<128x384xf32, #tpu.memory_space<vmem>>, vector<1x16xf32>,
                %get3A_1136 = vector.shape_cast %get3A_1135 : vector<1x16xf32> to vector<16xf32>
                %max3A_1137 = arith.maximumf %while3A_900, %get3A_1136 : vector<16xf32>
                %get3A_1138 = arith.index_cast %sub3A_905 : i32 to index
                %get3A_1139 = arith.constant 128 : index
                %get3A_1140 = tpu.vector_load %arg11[%get3A_1138, %get3A_1139] {strides = array<i32>} : memref<128x384xf32, #tpu.memory_space<vmem>>, vector<1x16xf32>,
                %get3A_1141 = vector.shape_cast %get3A_1140 : vector<1x16xf32> to vector<16xf32>
                %max3A_1142 = arith.maximumf %while3A_901, %get3A_1141 : vector<16xf32>
                %get3A_1143 = arith.index_cast %sub3A_905 : i32 to index
                %get3A_1144 = arith.constant 144 : index
                %get3A_1145 = tpu.vector_load %arg11[%get3A_1143, %get3A_1144] {strides = array<i32>} : memref<128x384xf32, #tpu.memory_space<vmem>>, vector<1x16xf32>,
                %get3A_1146 = vector.shape_cast %get3A_1145 : vector<1x16xf32> to vector<16xf32>
                %max3A_1147 = arith.maximumf %while3A_902, %get3A_1146 : vector<16xf32>
                %get3A_1148 = arith.index_cast %sub3A_905 : i32 to index
                %get3A_1149 = arith.constant 160 : index
                %get3A_1150 = tpu.vector_load %arg11[%get3A_1148, %get3A_1149] {strides = array<i32>} : memref<128x384xf32, #tpu.memory_space<vmem>>, vector<1x16xf32>,
                %get3A_1151 = vector.shape_cast %get3A_1150 : vector<1x16xf32> to vector<16xf32>
                %max3A_1152 = arith.maximumf %while3A_903, %get3A_1151 : vector<16xf32>
                %get3A_1153 = arith.index_cast %sub3A_905 : i32 to index
                %get3A_1154 = arith.constant 176 : index
                %get3A_1155 = tpu.vector_load %arg11[%get3A_1153, %get3A_1154] {strides = array<i32>} : memref<128x384xf32, #tpu.memory_space<vmem>>, vector<1x16xf32>,
                %get3A_1156 = vector.shape_cast %get3A_1155 : vector<1x16xf32> to vector<16xf32>
                %max3A_1157 = arith.maximumf %while3A_904, %get3A_1156 : vector<16xf32>
                scf.yield %add3A_910, %add3A_915, %add3A_920, %add3A_925, %add3A_930, %add3A_935, %add3A_940, %add3A_945, %add3A_950, %add3A_955, %add3A_960, %add3A_965, %add3A_971, %add3A_977, %add3A_983, %add3A_989, %add3A_995, %add3A_1001, %add3A_1007, %add3A_1013, %add3A_1019, %add3A_1025, %add3A_1031, %add3A_1037, %min3A_1042, %min3A_1047, %min3A_1052, %min3A_1057, %min3A_1062, %min3A_1067, %min3A_1072, %min3A_1077, %min3A_1082, %min3A_1087, %min3A_1092, %min3A_1097, %max3A_1102, %max3A_1107, %max3A_1112, %max3A_1117, %max3A_1122, %max3A_1127, %max3A_1132, %max3A_1137, %max3A_1142, %max3A_1147, %max3A_1152, %max3A_1157 : vector<16xf32>, vector<16xf32>, vector<16xf32>, vector<16xf32>, vector<16xf32>, vector<16xf32>, vector<16xf32>, vector<16xf32>, vector<16xf32>, vector<16xf32>, vector<16xf32>, vector<16xf32>, vector<16xf32>, vector<16xf32>, vector<16xf32>, vector<16xf32>, vector<16xf32>, vector<16xf32>, vector<16xf32>, vector<16xf32>, vector<16xf32>, vector<16xf32>, vector<16xf32>, vector<16xf32>, vector<16xf32>, vector<16xf32>, vector<16xf32>, vector<16xf32>, vector<16xf32>, vector<16xf32>, vector<16xf32>, vector<16xf32>, vector<16xf32>, vector<16xf32>, vector<16xf32>, vector<16xf32>, vector<16xf32>, vector<16xf32>, vector<16xf32>, vector<16xf32>, vector<16xf32>, vector<16xf32>, vector<16xf32>, vector<16xf32>, vector<16xf32>, vector<16xf32>, vector<16xf32>, vector<16xf32>
              }
              %while3A_125 = arith.constant 1 : i32
              %while3A_126:48 = scf.for %while3A_856 = %while3A_122 to %while3A_118 step %while3A_125 iter_args(%while3A_857 = %while3A_124#0, %while3A_858 = %while3A_124#1, %while3A_859 = %while3A_124#2, %while3A_860 = %while3A_124#3, %while3A_861 = %while3A_124#4, %while3A_862 = %while3A_124#5, %while3A_863 = %while3A_124#6, %while3A_864 = %while3A_124#7, %while3A_865 = %while3A_124#8, %while3A_866 = %while3A_124#9, %while3A_867 = %while3A_124#10, %while3A_868 = %while3A_124#11, %while3A_869 = %while3A_124#12, %while3A_870 = %while3A_124#13, %while3A_871 = %while3A_124#14, %while3A_872 = %while3A_124#15, %while3A_873 = %while3A_124#16, %while3A_874 = %while3A_124#17, %while3A_875 = %while3A_124#18, %while3A_876 = %while3A_124#19, %while3A_877 = %while3A_124#20, %while3A_878 = %while3A_124#21, %while3A_879 = %while3A_124#22, %while3A_880 = %while3A_124#23, %while3A_881 = %while3A_124#24, %while3A_882 = %while3A_124#25, %while3A_883 = %while3A_124#26, %while3A_884 = %while3A_124#27, %while3A_885 = %while3A_124#28, %while3A_886 = %while3A_124#29, %while3A_887 = %while3A_124#30, %while3A_888 = %while3A_124#31, %while3A_889 = %while3A_124#32, %while3A_890 = %while3A_124#33, %while3A_891 = %while3A_124#34, %while3A_892 = %while3A_124#35, %while3A_893 = %while3A_124#36, %while3A_894 = %while3A_124#37, %while3A_895 = %while3A_124#38, %while3A_896 = %while3A_124#39, %while3A_897 = %while3A_124#40, %while3A_898 = %while3A_124#41, %while3A_899 = %while3A_124#42, %while3A_900 = %while3A_124#43, %while3A_901 = %while3A_124#44, %while3A_902 = %while3A_124#45, %while3A_903 = %while3A_124#46, %while3A_904 = %while3A_124#47) -> (vector<16xf32>, vector<16xf32>, vector<16xf32>, vector<16xf32>, vector<16xf32>, vector<16xf32>, vector<16xf32>, vector<16xf32>, vector<16xf32>, vector<16xf32>, vector<16xf32>, vector<16xf32>, vector<16xf32>, vector<16xf32>, vector<16xf32>, vector<16xf32>, vector<16xf32>, vector<16xf32>, vector<16xf32>, vector<16xf32>, vector<16xf32>, vector<16xf32>, vector<16xf32>, vector<16xf32>, vector<16xf32>, vector<16xf32>, vector<16xf32>, vector<16xf32>, vector<16xf32>, vector<16xf32>, vector<16xf32>, vector<16xf32>, vector<16xf32>, vector<16xf32>, vector<16xf32>, vector<16xf32>, vector<16xf32>, vector<16xf32>, vector<16xf32>, vector<16xf32>, vector<16xf32>, vector<16xf32>, vector<16xf32>, vector<16xf32>, vector<16xf32>, vector<16xf32>, vector<16xf32>, vector<16xf32>)  : i32 {
                %sub3A_905 = arith.subi %while3A_856, %add3A_86 : i32
                %get3A_906 = arith.index_cast %sub3A_905 : i32 to index
                %get3A_907 = arith.constant 0 : index
                %get3A_908 = tpu.vector_load %arg11[%get3A_906, %get3A_907] {strides = array<i32>} : memref<128x384xf32, #tpu.memory_space<vmem>>, vector<1x16xf32>,
                %get3A_909 = vector.shape_cast %get3A_908 : vector<1x16xf32> to vector<16xf32>
                %add3A_910 = arith.addf %while3A_857, %get3A_909 : vector<16xf32>
                %get3A_911 = arith.index_cast %sub3A_905 : i32 to index
                %get3A_912 = arith.constant 16 : index
                %get3A_913 = tpu.vector_load %arg11[%get3A_911, %get3A_912] {strides = array<i32>} : memref<128x384xf32, #tpu.memory_space<vmem>>, vector<1x16xf32>,
                %get3A_914 = vector.shape_cast %get3A_913 : vector<1x16xf32> to vector<16xf32>
                %add3A_915 = arith.addf %while3A_858, %get3A_914 : vector<16xf32>
                %get3A_916 = arith.index_cast %sub3A_905 : i32 to index
                %get3A_917 = arith.constant 32 : index
                %get3A_918 = tpu.vector_load %arg11[%get3A_916, %get3A_917] {strides = array<i32>} : memref<128x384xf32, #tpu.memory_space<vmem>>, vector<1x16xf32>,
                %get3A_919 = vector.shape_cast %get3A_918 : vector<1x16xf32> to vector<16xf32>
                %add3A_920 = arith.addf %while3A_859, %get3A_919 : vector<16xf32>
                %get3A_921 = arith.index_cast %sub3A_905 : i32 to index
                %get3A_922 = arith.constant 48 : index
                %get3A_923 = tpu.vector_load %arg11[%get3A_921, %get3A_922] {strides = array<i32>} : memref<128x384xf32, #tpu.memory_space<vmem>>, vector<1x16xf32>,
                %get3A_924 = vector.shape_cast %get3A_923 : vector<1x16xf32> to vector<16xf32>
                %add3A_925 = arith.addf %while3A_860, %get3A_924 : vector<16xf32>
                %get3A_926 = arith.index_cast %sub3A_905 : i32 to index
                %get3A_927 = arith.constant 64 : index
                %get3A_928 = tpu.vector_load %arg11[%get3A_926, %get3A_927] {strides = array<i32>} : memref<128x384xf32, #tpu.memory_space<vmem>>, vector<1x16xf32>,
                %get3A_929 = vector.shape_cast %get3A_928 : vector<1x16xf32> to vector<16xf32>
                %add3A_930 = arith.addf %while3A_861, %get3A_929 : vector<16xf32>
                %get3A_931 = arith.index_cast %sub3A_905 : i32 to index
                %get3A_932 = arith.constant 80 : index
                %get3A_933 = tpu.vector_load %arg11[%get3A_931, %get3A_932] {strides = array<i32>} : memref<128x384xf32, #tpu.memory_space<vmem>>, vector<1x16xf32>,
                %get3A_934 = vector.shape_cast %get3A_933 : vector<1x16xf32> to vector<16xf32>
                %add3A_935 = arith.addf %while3A_862, %get3A_934 : vector<16xf32>
                %get3A_936 = arith.index_cast %sub3A_905 : i32 to index
                %get3A_937 = arith.constant 96 : index
                %get3A_938 = tpu.vector_load %arg11[%get3A_936, %get3A_937] {strides = array<i32>} : memref<128x384xf32, #tpu.memory_space<vmem>>, vector<1x16xf32>,
                %get3A_939 = vector.shape_cast %get3A_938 : vector<1x16xf32> to vector<16xf32>
                %add3A_940 = arith.addf %while3A_863, %get3A_939 : vector<16xf32>
                %get3A_941 = arith.index_cast %sub3A_905 : i32 to index
                %get3A_942 = arith.constant 112 : index
                %get3A_943 = tpu.vector_load %arg11[%get3A_941, %get3A_942] {strides = array<i32>} : memref<128x384xf32, #tpu.memory_space<vmem>>, vector<1x16xf32>,
                %get3A_944 = vector.shape_cast %get3A_943 : vector<1x16xf32> to vector<16xf32>
                %add3A_945 = arith.addf %while3A_864, %get3A_944 : vector<16xf32>
                %get3A_946 = arith.index_cast %sub3A_905 : i32 to index
                %get3A_947 = arith.constant 128 : index
                %get3A_948 = tpu.vector_load %arg11[%get3A_946, %get3A_947] {strides = array<i32>} : memref<128x384xf32, #tpu.memory_space<vmem>>, vector<1x16xf32>,
                %get3A_949 = vector.shape_cast %get3A_948 : vector<1x16xf32> to vector<16xf32>
                %add3A_950 = arith.addf %while3A_865, %get3A_949 : vector<16xf32>
                %get3A_951 = arith.index_cast %sub3A_905 : i32 to index
                %get3A_952 = arith.constant 144 : index
                %get3A_953 = tpu.vector_load %arg11[%get3A_951, %get3A_952] {strides = array<i32>} : memref<128x384xf32, #tpu.memory_space<vmem>>, vector<1x16xf32>,
                %get3A_954 = vector.shape_cast %get3A_953 : vector<1x16xf32> to vector<16xf32>
                %add3A_955 = arith.addf %while3A_866, %get3A_954 : vector<16xf32>
                %get3A_956 = arith.index_cast %sub3A_905 : i32 to index
                %get3A_957 = arith.constant 160 : index
                %get3A_958 = tpu.vector_load %arg11[%get3A_956, %get3A_957] {strides = array<i32>} : memref<128x384xf32, #tpu.memory_space<vmem>>, vector<1x16xf32>,
                %get3A_959 = vector.shape_cast %get3A_958 : vector<1x16xf32> to vector<16xf32>
                %add3A_960 = arith.addf %while3A_867, %get3A_959 : vector<16xf32>
                %get3A_961 = arith.index_cast %sub3A_905 : i32 to index
                %get3A_962 = arith.constant 176 : index
                %get3A_963 = tpu.vector_load %arg11[%get3A_961, %get3A_962] {strides = array<i32>} : memref<128x384xf32, #tpu.memory_space<vmem>>, vector<1x16xf32>,
                %get3A_964 = vector.shape_cast %get3A_963 : vector<1x16xf32> to vector<16xf32>
                %add3A_965 = arith.addf %while3A_868, %get3A_964 : vector<16xf32>
                %get3A_966 = arith.index_cast %sub3A_905 : i32 to index
                %get3A_967 = arith.constant 0 : index
                %get3A_968 = tpu.vector_load %arg11[%get3A_966, %get3A_967] {strides = array<i32>} : memref<128x384xf32, #tpu.memory_space<vmem>>, vector<1x16xf32>,
                %get3A_969 = vector.shape_cast %get3A_968 : vector<1x16xf32> to vector<16xf32>
                %mul3A_970 = arith.mulf %get3A_969, %get3A_969 : vector<16xf32>
                %add3A_971 = arith.addf %while3A_869, %mul3A_970 : vector<16xf32>
                %get3A_972 = arith.index_cast %sub3A_905 : i32 to index
                %get3A_973 = arith.constant 16 : index
                %get3A_974 = tpu.vector_load %arg11[%get3A_972, %get3A_973] {strides = array<i32>} : memref<128x384xf32, #tpu.memory_space<vmem>>, vector<1x16xf32>,
                %get3A_975 = vector.shape_cast %get3A_974 : vector<1x16xf32> to vector<16xf32>
                %mul3A_976 = arith.mulf %get3A_975, %get3A_975 : vector<16xf32>
                %add3A_977 = arith.addf %while3A_870, %mul3A_976 : vector<16xf32>
                %get3A_978 = arith.index_cast %sub3A_905 : i32 to index
                %get3A_979 = arith.constant 32 : index
                %get3A_980 = tpu.vector_load %arg11[%get3A_978, %get3A_979] {strides = array<i32>} : memref<128x384xf32, #tpu.memory_space<vmem>>, vector<1x16xf32>,
                %get3A_981 = vector.shape_cast %get3A_980 : vector<1x16xf32> to vector<16xf32>
                %mul3A_982 = arith.mulf %get3A_981, %get3A_981 : vector<16xf32>
                %add3A_983 = arith.addf %while3A_871, %mul3A_982 : vector<16xf32>
                %get3A_984 = arith.index_cast %sub3A_905 : i32 to index
                %get3A_985 = arith.constant 48 : index
                %get3A_986 = tpu.vector_load %arg11[%get3A_984, %get3A_985] {strides = array<i32>} : memref<128x384xf32, #tpu.memory_space<vmem>>, vector<1x16xf32>,
                %get3A_987 = vector.shape_cast %get3A_986 : vector<1x16xf32> to vector<16xf32>
                %mul3A_988 = arith.mulf %get3A_987, %get3A_987 : vector<16xf32>
                %add3A_989 = arith.addf %while3A_872, %mul3A_988 : vector<16xf32>
                %get3A_990 = arith.index_cast %sub3A_905 : i32 to index
                %get3A_991 = arith.constant 64 : index
                %get3A_992 = tpu.vector_load %arg11[%get3A_990, %get3A_991] {strides = array<i32>} : memref<128x384xf32, #tpu.memory_space<vmem>>, vector<1x16xf32>,
                %get3A_993 = vector.shape_cast %get3A_992 : vector<1x16xf32> to vector<16xf32>
                %mul3A_994 = arith.mulf %get3A_993, %get3A_993 : vector<16xf32>
                %add3A_995 = arith.addf %while3A_873, %mul3A_994 : vector<16xf32>
                %get3A_996 = arith.index_cast %sub3A_905 : i32 to index
                %get3A_997 = arith.constant 80 : index
                %get3A_998 = tpu.vector_load %arg11[%get3A_996, %get3A_997] {strides = array<i32>} : memref<128x384xf32, #tpu.memory_space<vmem>>, vector<1x16xf32>,
                %get3A_999 = vector.shape_cast %get3A_998 : vector<1x16xf32> to vector<16xf32>
                %mul3A_1000 = arith.mulf %get3A_999, %get3A_999 : vector<16xf32>
                %add3A_1001 = arith.addf %while3A_874, %mul3A_1000 : vector<16xf32>
                %get3A_1002 = arith.index_cast %sub3A_905 : i32 to index
                %get3A_1003 = arith.constant 96 : index
                %get3A_1004 = tpu.vector_load %arg11[%get3A_1002, %get3A_1003] {strides = array<i32>} : memref<128x384xf32, #tpu.memory_space<vmem>>, vector<1x16xf32>,
                %get3A_1005 = vector.shape_cast %get3A_1004 : vector<1x16xf32> to vector<16xf32>
                %mul3A_1006 = arith.mulf %get3A_1005, %get3A_1005 : vector<16xf32>
                %add3A_1007 = arith.addf %while3A_875, %mul3A_1006 : vector<16xf32>
                %get3A_1008 = arith.index_cast %sub3A_905 : i32 to index
                %get3A_1009 = arith.constant 112 : index
                %get3A_1010 = tpu.vector_load %arg11[%get3A_1008, %get3A_1009] {strides = array<i32>} : memref<128x384xf32, #tpu.memory_space<vmem>>, vector<1x16xf32>,
                %get3A_1011 = vector.shape_cast %get3A_1010 : vector<1x16xf32> to vector<16xf32>
                %mul3A_1012 = arith.mulf %get3A_1011, %get3A_1011 : vector<16xf32>
                %add3A_1013 = arith.addf %while3A_876, %mul3A_1012 : vector<16xf32>
                %get3A_1014 = arith.index_cast %sub3A_905 : i32 to index
                %get3A_1015 = arith.constant 128 : index
                %get3A_1016 = tpu.vector_load %arg11[%get3A_1014, %get3A_1015] {strides = array<i32>} : memref<128x384xf32, #tpu.memory_space<vmem>>, vector<1x16xf32>,
                %get3A_1017 = vector.shape_cast %get3A_1016 : vector<1x16xf32> to vector<16xf32>
                %mul3A_1018 = arith.mulf %get3A_1017, %get3A_1017 : vector<16xf32>
                %add3A_1019 = arith.addf %while3A_877, %mul3A_1018 : vector<16xf32>
                %get3A_1020 = arith.index_cast %sub3A_905 : i32 to index
                %get3A_1021 = arith.constant 144 : index
                %get3A_1022 = tpu.vector_load %arg11[%get3A_1020, %get3A_1021] {strides = array<i32>} : memref<128x384xf32, #tpu.memory_space<vmem>>, vector<1x16xf32>,
                %get3A_1023 = vector.shape_cast %get3A_1022 : vector<1x16xf32> to vector<16xf32>
                %mul3A_1024 = arith.mulf %get3A_1023, %get3A_1023 : vector<16xf32>
                %add3A_1025 = arith.addf %while3A_878, %mul3A_1024 : vector<16xf32>
                %get3A_1026 = arith.index_cast %sub3A_905 : i32 to index
                %get3A_1027 = arith.constant 160 : index
                %get3A_1028 = tpu.vector_load %arg11[%get3A_1026, %get3A_1027] {strides = array<i32>} : memref<128x384xf32, #tpu.memory_space<vmem>>, vector<1x16xf32>,
                %get3A_1029 = vector.shape_cast %get3A_1028 : vector<1x16xf32> to vector<16xf32>
                %mul3A_1030 = arith.mulf %get3A_1029, %get3A_1029 : vector<16xf32>
                %add3A_1031 = arith.addf %while3A_879, %mul3A_1030 : vector<16xf32>
                %get3A_1032 = arith.index_cast %sub3A_905 : i32 to index
                %get3A_1033 = arith.constant 176 : index
                %get3A_1034 = tpu.vector_load %arg11[%get3A_1032, %get3A_1033] {strides = array<i32>} : memref<128x384xf32, #tpu.memory_space<vmem>>, vector<1x16xf32>,
                %get3A_1035 = vector.shape_cast %get3A_1034 : vector<1x16xf32> to vector<16xf32>
                %mul3A_1036 = arith.mulf %get3A_1035, %get3A_1035 : vector<16xf32>
                %add3A_1037 = arith.addf %while3A_880, %mul3A_1036 : vector<16xf32>
                %get3A_1038 = arith.index_cast %sub3A_905 : i32 to index
                %get3A_1039 = arith.constant 0 : index
                %get3A_1040 = tpu.vector_load %arg11[%get3A_1038, %get3A_1039] {strides = array<i32>} : memref<128x384xf32, #tpu.memory_space<vmem>>, vector<1x16xf32>,
                %get3A_1041 = vector.shape_cast %get3A_1040 : vector<1x16xf32> to vector<16xf32>
                %min3A_1042 = arith.minimumf %while3A_881, %get3A_1041 : vector<16xf32>
                %get3A_1043 = arith.index_cast %sub3A_905 : i32 to index
                %get3A_1044 = arith.constant 16 : index
                %get3A_1045 = tpu.vector_load %arg11[%get3A_1043, %get3A_1044] {strides = array<i32>} : memref<128x384xf32, #tpu.memory_space<vmem>>, vector<1x16xf32>,
                %get3A_1046 = vector.shape_cast %get3A_1045 : vector<1x16xf32> to vector<16xf32>
                %min3A_1047 = arith.minimumf %while3A_882, %get3A_1046 : vector<16xf32>
                %get3A_1048 = arith.index_cast %sub3A_905 : i32 to index
                %get3A_1049 = arith.constant 32 : index
                %get3A_1050 = tpu.vector_load %arg11[%get3A_1048, %get3A_1049] {strides = array<i32>} : memref<128x384xf32, #tpu.memory_space<vmem>>, vector<1x16xf32>,
                %get3A_1051 = vector.shape_cast %get3A_1050 : vector<1x16xf32> to vector<16xf32>
                %min3A_1052 = arith.minimumf %while3A_883, %get3A_1051 : vector<16xf32>
                %get3A_1053 = arith.index_cast %sub3A_905 : i32 to index
                %get3A_1054 = arith.constant 48 : index
                %get3A_1055 = tpu.vector_load %arg11[%get3A_1053, %get3A_1054] {strides = array<i32>} : memref<128x384xf32, #tpu.memory_space<vmem>>, vector<1x16xf32>,
                %get3A_1056 = vector.shape_cast %get3A_1055 : vector<1x16xf32> to vector<16xf32>
                %min3A_1057 = arith.minimumf %while3A_884, %get3A_1056 : vector<16xf32>
                %get3A_1058 = arith.index_cast %sub3A_905 : i32 to index
                %get3A_1059 = arith.constant 64 : index
                %get3A_1060 = tpu.vector_load %arg11[%get3A_1058, %get3A_1059] {strides = array<i32>} : memref<128x384xf32, #tpu.memory_space<vmem>>, vector<1x16xf32>,
                %get3A_1061 = vector.shape_cast %get3A_1060 : vector<1x16xf32> to vector<16xf32>
                %min3A_1062 = arith.minimumf %while3A_885, %get3A_1061 : vector<16xf32>
                %get3A_1063 = arith.index_cast %sub3A_905 : i32 to index
                %get3A_1064 = arith.constant 80 : index
                %get3A_1065 = tpu.vector_load %arg11[%get3A_1063, %get3A_1064] {strides = array<i32>} : memref<128x384xf32, #tpu.memory_space<vmem>>, vector<1x16xf32>,
                %get3A_1066 = vector.shape_cast %get3A_1065 : vector<1x16xf32> to vector<16xf32>
                %min3A_1067 = arith.minimumf %while3A_886, %get3A_1066 : vector<16xf32>
                %get3A_1068 = arith.index_cast %sub3A_905 : i32 to index
                %get3A_1069 = arith.constant 96 : index
                %get3A_1070 = tpu.vector_load %arg11[%get3A_1068, %get3A_1069] {strides = array<i32>} : memref<128x384xf32, #tpu.memory_space<vmem>>, vector<1x16xf32>,
                %get3A_1071 = vector.shape_cast %get3A_1070 : vector<1x16xf32> to vector<16xf32>
                %min3A_1072 = arith.minimumf %while3A_887, %get3A_1071 : vector<16xf32>
                %get3A_1073 = arith.index_cast %sub3A_905 : i32 to index
                %get3A_1074 = arith.constant 112 : index
                %get3A_1075 = tpu.vector_load %arg11[%get3A_1073, %get3A_1074] {strides = array<i32>} : memref<128x384xf32, #tpu.memory_space<vmem>>, vector<1x16xf32>,
                %get3A_1076 = vector.shape_cast %get3A_1075 : vector<1x16xf32> to vector<16xf32>
                %min3A_1077 = arith.minimumf %while3A_888, %get3A_1076 : vector<16xf32>
                %get3A_1078 = arith.index_cast %sub3A_905 : i32 to index
                %get3A_1079 = arith.constant 128 : index
                %get3A_1080 = tpu.vector_load %arg11[%get3A_1078, %get3A_1079] {strides = array<i32>} : memref<128x384xf32, #tpu.memory_space<vmem>>, vector<1x16xf32>,
                %get3A_1081 = vector.shape_cast %get3A_1080 : vector<1x16xf32> to vector<16xf32>
                %min3A_1082 = arith.minimumf %while3A_889, %get3A_1081 : vector<16xf32>
                %get3A_1083 = arith.index_cast %sub3A_905 : i32 to index
                %get3A_1084 = arith.constant 144 : index
                %get3A_1085 = tpu.vector_load %arg11[%get3A_1083, %get3A_1084] {strides = array<i32>} : memref<128x384xf32, #tpu.memory_space<vmem>>, vector<1x16xf32>,
                %get3A_1086 = vector.shape_cast %get3A_1085 : vector<1x16xf32> to vector<16xf32>
                %min3A_1087 = arith.minimumf %while3A_890, %get3A_1086 : vector<16xf32>
                %get3A_1088 = arith.index_cast %sub3A_905 : i32 to index
                %get3A_1089 = arith.constant 160 : index
                %get3A_1090 = tpu.vector_load %arg11[%get3A_1088, %get3A_1089] {strides = array<i32>} : memref<128x384xf32, #tpu.memory_space<vmem>>, vector<1x16xf32>,
                %get3A_1091 = vector.shape_cast %get3A_1090 : vector<1x16xf32> to vector<16xf32>
                %min3A_1092 = arith.minimumf %while3A_891, %get3A_1091 : vector<16xf32>
                %get3A_1093 = arith.index_cast %sub3A_905 : i32 to index
                %get3A_1094 = arith.constant 176 : index
                %get3A_1095 = tpu.vector_load %arg11[%get3A_1093, %get3A_1094] {strides = array<i32>} : memref<128x384xf32, #tpu.memory_space<vmem>>, vector<1x16xf32>,
                %get3A_1096 = vector.shape_cast %get3A_1095 : vector<1x16xf32> to vector<16xf32>
                %min3A_1097 = arith.minimumf %while3A_892, %get3A_1096 : vector<16xf32>
                %get3A_1098 = arith.index_cast %sub3A_905 : i32 to index
                %get3A_1099 = arith.constant 0 : index
                %get3A_1100 = tpu.vector_load %arg11[%get3A_1098, %get3A_1099] {strides = array<i32>} : memref<128x384xf32, #tpu.memory_space<vmem>>, vector<1x16xf32>,
                %get3A_1101 = vector.shape_cast %get3A_1100 : vector<1x16xf32> to vector<16xf32>
                %max3A_1102 = arith.maximumf %while3A_893, %get3A_1101 : vector<16xf32>
                %get3A_1103 = arith.index_cast %sub3A_905 : i32 to index
                %get3A_1104 = arith.constant 16 : index
                %get3A_1105 = tpu.vector_load %arg11[%get3A_1103, %get3A_1104] {strides = array<i32>} : memref<128x384xf32, #tpu.memory_space<vmem>>, vector<1x16xf32>,
                %get3A_1106 = vector.shape_cast %get3A_1105 : vector<1x16xf32> to vector<16xf32>
                %max3A_1107 = arith.maximumf %while3A_894, %get3A_1106 : vector<16xf32>
                %get3A_1108 = arith.index_cast %sub3A_905 : i32 to index
                %get3A_1109 = arith.constant 32 : index
                %get3A_1110 = tpu.vector_load %arg11[%get3A_1108, %get3A_1109] {strides = array<i32>} : memref<128x384xf32, #tpu.memory_space<vmem>>, vector<1x16xf32>,
                %get3A_1111 = vector.shape_cast %get3A_1110 : vector<1x16xf32> to vector<16xf32>
                %max3A_1112 = arith.maximumf %while3A_895, %get3A_1111 : vector<16xf32>
                %get3A_1113 = arith.index_cast %sub3A_905 : i32 to index
                %get3A_1114 = arith.constant 48 : index
                %get3A_1115 = tpu.vector_load %arg11[%get3A_1113, %get3A_1114] {strides = array<i32>} : memref<128x384xf32, #tpu.memory_space<vmem>>, vector<1x16xf32>,
                %get3A_1116 = vector.shape_cast %get3A_1115 : vector<1x16xf32> to vector<16xf32>
                %max3A_1117 = arith.maximumf %while3A_896, %get3A_1116 : vector<16xf32>
                %get3A_1118 = arith.index_cast %sub3A_905 : i32 to index
                %get3A_1119 = arith.constant 64 : index
                %get3A_1120 = tpu.vector_load %arg11[%get3A_1118, %get3A_1119] {strides = array<i32>} : memref<128x384xf32, #tpu.memory_space<vmem>>, vector<1x16xf32>,
                %get3A_1121 = vector.shape_cast %get3A_1120 : vector<1x16xf32> to vector<16xf32>
                %max3A_1122 = arith.maximumf %while3A_897, %get3A_1121 : vector<16xf32>
                %get3A_1123 = arith.index_cast %sub3A_905 : i32 to index
                %get3A_1124 = arith.constant 80 : index
                %get3A_1125 = tpu.vector_load %arg11[%get3A_1123, %get3A_1124] {strides = array<i32>} : memref<128x384xf32, #tpu.memory_space<vmem>>, vector<1x16xf32>,
                %get3A_1126 = vector.shape_cast %get3A_1125 : vector<1x16xf32> to vector<16xf32>
                %max3A_1127 = arith.maximumf %while3A_898, %get3A_1126 : vector<16xf32>
                %get3A_1128 = arith.index_cast %sub3A_905 : i32 to index
                %get3A_1129 = arith.constant 96 : index
                %get3A_1130 = tpu.vector_load %arg11[%get3A_1128, %get3A_1129] {strides = array<i32>} : memref<128x384xf32, #tpu.memory_space<vmem>>, vector<1x16xf32>,
                %get3A_1131 = vector.shape_cast %get3A_1130 : vector<1x16xf32> to vector<16xf32>
                %max3A_1132 = arith.maximumf %while3A_899, %get3A_1131 : vector<16xf32>
                %get3A_1133 = arith.index_cast %sub3A_905 : i32 to index
                %get3A_1134 = arith.constant 112 : index
                %get3A_1135 = tpu.vector_load %arg11[%get3A_1133, %get3A_1134] {strides = array<i32>} : memref<128x384xf32, #tpu.memory_space<vmem>>, vector<1x16xf32>,
                %get3A_1136 = vector.shape_cast %get3A_1135 : vector<1x16xf32> to vector<16xf32>
                %max3A_1137 = arith.maximumf %while3A_900, %get3A_1136 : vector<16xf32>
                %get3A_1138 = arith.index_cast %sub3A_905 : i32 to index
                %get3A_1139 = arith.constant 128 : index
                %get3A_1140 = tpu.vector_load %arg11[%get3A_1138, %get3A_1139] {strides = array<i32>} : memref<128x384xf32, #tpu.memory_space<vmem>>, vector<1x16xf32>,
                %get3A_1141 = vector.shape_cast %get3A_1140 : vector<1x16xf32> to vector<16xf32>
                %max3A_1142 = arith.maximumf %while3A_901, %get3A_1141 : vector<16xf32>
                %get3A_1143 = arith.index_cast %sub3A_905 : i32 to index
                %get3A_1144 = arith.constant 144 : index
                %get3A_1145 = tpu.vector_load %arg11[%get3A_1143, %get3A_1144] {strides = array<i32>} : memref<128x384xf32, #tpu.memory_space<vmem>>, vector<1x16xf32>,
                %get3A_1146 = vector.shape_cast %get3A_1145 : vector<1x16xf32> to vector<16xf32>
                %max3A_1147 = arith.maximumf %while3A_902, %get3A_1146 : vector<16xf32>
                %get3A_1148 = arith.index_cast %sub3A_905 : i32 to index
                %get3A_1149 = arith.constant 160 : index
                %get3A_1150 = tpu.vector_load %arg11[%get3A_1148, %get3A_1149] {strides = array<i32>} : memref<128x384xf32, #tpu.memory_space<vmem>>, vector<1x16xf32>,
                %get3A_1151 = vector.shape_cast %get3A_1150 : vector<1x16xf32> to vector<16xf32>
                %max3A_1152 = arith.maximumf %while3A_903, %get3A_1151 : vector<16xf32>
                %get3A_1153 = arith.index_cast %sub3A_905 : i32 to index
                %get3A_1154 = arith.constant 176 : index
                %get3A_1155 = tpu.vector_load %arg11[%get3A_1153, %get3A_1154] {strides = array<i32>} : memref<128x384xf32, #tpu.memory_space<vmem>>, vector<1x16xf32>,
                %get3A_1156 = vector.shape_cast %get3A_1155 : vector<1x16xf32> to vector<16xf32>
                %max3A_1157 = arith.maximumf %while3A_904, %get3A_1156 : vector<16xf32>
                scf.yield %add3A_910, %add3A_915, %add3A_920, %add3A_925, %add3A_930, %add3A_935, %add3A_940, %add3A_945, %add3A_950, %add3A_955, %add3A_960, %add3A_965, %add3A_971, %add3A_977, %add3A_983, %add3A_989, %add3A_995, %add3A_1001, %add3A_1007, %add3A_1013, %add3A_1019, %add3A_1025, %add3A_1031, %add3A_1037, %min3A_1042, %min3A_1047, %min3A_1052, %min3A_1057, %min3A_1062, %min3A_1067, %min3A_1072, %min3A_1077, %min3A_1082, %min3A_1087, %min3A_1092, %min3A_1097, %max3A_1102, %max3A_1107, %max3A_1112, %max3A_1117, %max3A_1122, %max3A_1127, %max3A_1132, %max3A_1137, %max3A_1142, %max3A_1147, %max3A_1152, %max3A_1157 : vector<16xf32>, vector<16xf32>, vector<16xf32>, vector<16xf32>, vector<16xf32>, vector<16xf32>, vector<16xf32>, vector<16xf32>, vector<16xf32>, vector<16xf32>, vector<16xf32>, vector<16xf32>, vector<16xf32>, vector<16xf32>, vector<16xf32>, vector<16xf32>, vector<16xf32>, vector<16xf32>, vector<16xf32>, vector<16xf32>, vector<16xf32>, vector<16xf32>, vector<16xf32>, vector<16xf32>, vector<16xf32>, vector<16xf32>, vector<16xf32>, vector<16xf32>, vector<16xf32>, vector<16xf32>, vector<16xf32>, vector<16xf32>, vector<16xf32>, vector<16xf32>, vector<16xf32>, vector<16xf32>, vector<16xf32>, vector<16xf32>, vector<16xf32>, vector<16xf32>, vector<16xf32>, vector<16xf32>, vector<16xf32>, vector<16xf32>, vector<16xf32>, vector<16xf32>, vector<16xf32>, vector<16xf32>
              }
              %mul3A_127 = arith.constant 384 : i32
              %mul3A_128 = arith.muli %scan3A_99, %mul3A_127 : i32
              %add3A_129 = arith.constant 0 : i32
              %add3A_130 = arith.addi %mul3A_128, %add3A_129 : i32
              %add3A_131 = arith.constant 0 : i32
              %add3A_132 = arith.addi %add3A_130, %add3A_131 : i32
              %swap3A = arith.index_cast %add3A_132 : i32 to index
              %swap3A_133 = tpu.vector_load %arg12[%swap3A] {strides = array<i32>} : memref<6144xf32, #tpu.memory_space<vmem>>, vector<16xf32>,
              %swap3A_134 = vector.shape_cast %swap3A_133 : vector<16xf32> to vector<16xf32>
              %swap3A_135 = vector.shape_cast %while3A_126#0 : vector<16xf32> to vector<16xf32>
              tpu.vector_store %arg12[%swap3A], %swap3A_135 {add = true, strides = array<i32>} : memref<6144xf32, #tpu.memory_space<vmem>>, vector<16xf32>,
              %swap3A_136 = arith.index_cast %add3A_132 : i32 to index
              %swap3A_137 = tpu.vector_load %arg13[%swap3A_136] {strides = array<i32>} : memref<6144xf32, #tpu.memory_space<vmem>>, vector<16xf32>,
              %swap3A_138 = vector.shape_cast %swap3A_137 : vector<16xf32> to vector<16xf32>
              %swap3A_139 = vector.shape_cast %while3A_126#12 : vector<16xf32> to vector<16xf32>
              tpu.vector_store %arg13[%swap3A_136], %swap3A_139 {add = true, strides = array<i32>} : memref<6144xf32, #tpu.memory_space<vmem>>, vector<16xf32>,
              %get3A_140 = arith.index_cast %add3A_132 : i32 to index
              %get3A_141 = tpu.vector_load %arg14[%get3A_140] {strides = array<i32>} : memref<6144xf32, #tpu.memory_space<vmem>>, vector<16xf32>,
              %get3A_142 = vector.shape_cast %get3A_141 : vector<16xf32> to vector<16xf32>
              %min3A_143 = arith.minimumf %get3A_142, %while3A_126#24 : vector<16xf32>
              %swap3A_144 = arith.index_cast %add3A_132 : i32 to index
              %swap3A_145 = tpu.vector_load %arg14[%swap3A_144] {strides = array<i32>} : memref<6144xf32, #tpu.memory_space<vmem>>, vector<16xf32>,
              %swap3A_146 = vector.shape_cast %swap3A_145 : vector<16xf32> to vector<16xf32>
              %swap3A_147 = vector.shape_cast %min3A_143 : vector<16xf32> to vector<16xf32>
              tpu.vector_store %arg14[%swap3A_144], %swap3A_147 {strides = array<i32>} : memref<6144xf32, #tpu.memory_space<vmem>>, vector<16xf32>,
              %get3A_148 = arith.index_cast %add3A_132 : i32 to index
              %get3A_149 = tpu.vector_load %arg15[%get3A_148] {strides = array<i32>} : memref<6144xf32, #tpu.memory_space<vmem>>, vector<16xf32>,
              %get3A_150 = vector.shape_cast %get3A_149 : vector<16xf32> to vector<16xf32>
              %max3A_151 = arith.maximumf %get3A_150, %while3A_126#36 : vector<16xf32>
              %swap3A_152 = arith.index_cast %add3A_132 : i32 to index
              %swap3A_153 = tpu.vector_load %arg15[%swap3A_152] {strides = array<i32>} : memref<6144xf32, #tpu.memory_space<vmem>>, vector<16xf32>,
              %swap3A_154 = vector.shape_cast %swap3A_153 : vector<16xf32> to vector<16xf32>
              %swap3A_155 = vector.shape_cast %max3A_151 : vector<16xf32> to vector<16xf32>
              tpu.vector_store %arg15[%swap3A_152], %swap3A_155 {strides = array<i32>} : memref<6144xf32, #tpu.memory_space<vmem>>, vector<16xf32>,
              %mul3A_156 = arith.constant 384 : i32
              %mul3A_157 = arith.muli %scan3A_99, %mul3A_156 : i32
              %add3A_158 = arith.constant 0 : i32
              %add3A_159 = arith.addi %mul3A_157, %add3A_158 : i32
              %add3A_160 = arith.constant 16 : i32
              %add3A_161 = arith.addi %add3A_159, %add3A_160 : i32
              %swap3A_162 = arith.index_cast %add3A_161 : i32 to index
              %swap3A_163 = tpu.vector_load %arg12[%swap3A_162] {strides = array<i32>} : memref<6144xf32, #tpu.memory_space<vmem>>, vector<16xf32>,
              %swap3A_164 = vector.shape_cast %swap3A_163 : vector<16xf32> to vector<16xf32>
              %swap3A_165 = vector.shape_cast %while3A_126#1 : vector<16xf32> to vector<16xf32>
              tpu.vector_store %arg12[%swap3A_162], %swap3A_165 {add = true, strides = array<i32>} : memref<6144xf32, #tpu.memory_space<vmem>>, vector<16xf32>,
              %swap3A_166 = arith.index_cast %add3A_161 : i32 to index
              %swap3A_167 = tpu.vector_load %arg13[%swap3A_166] {strides = array<i32>} : memref<6144xf32, #tpu.memory_space<vmem>>, vector<16xf32>,
              %swap3A_168 = vector.shape_cast %swap3A_167 : vector<16xf32> to vector<16xf32>
              %swap3A_169 = vector.shape_cast %while3A_126#13 : vector<16xf32> to vector<16xf32>
              tpu.vector_store %arg13[%swap3A_166], %swap3A_169 {add = true, strides = array<i32>} : memref<6144xf32, #tpu.memory_space<vmem>>, vector<16xf32>,
              %get3A_170 = arith.index_cast %add3A_161 : i32 to index
              %get3A_171 = tpu.vector_load %arg14[%get3A_170] {strides = array<i32>} : memref<6144xf32, #tpu.memory_space<vmem>>, vector<16xf32>,
              %get3A_172 = vector.shape_cast %get3A_171 : vector<16xf32> to vector<16xf32>
              %min3A_173 = arith.minimumf %get3A_172, %while3A_126#25 : vector<16xf32>
              %swap3A_174 = arith.index_cast %add3A_161 : i32 to index
              %swap3A_175 = tpu.vector_load %arg14[%swap3A_174] {strides = array<i32>} : memref<6144xf32, #tpu.memory_space<vmem>>, vector<16xf32>,
              %swap3A_176 = vector.shape_cast %swap3A_175 : vector<16xf32> to vector<16xf32>
              %swap3A_177 = vector.shape_cast %min3A_173 : vector<16xf32> to vector<16xf32>
              tpu.vector_store %arg14[%swap3A_174], %swap3A_177 {strides = array<i32>} : memref<6144xf32, #tpu.memory_space<vmem>>, vector<16xf32>,
              %get3A_178 = arith.index_cast %add3A_161 : i32 to index
              %get3A_179 = tpu.vector_load %arg15[%get3A_178] {strides = array<i32>} : memref<6144xf32, #tpu.memory_space<vmem>>, vector<16xf32>,
              %get3A_180 = vector.shape_cast %get3A_179 : vector<16xf32> to vector<16xf32>
              %max3A_181 = arith.maximumf %get3A_180, %while3A_126#37 : vector<16xf32>
              %swap3A_182 = arith.index_cast %add3A_161 : i32 to index
              %swap3A_183 = tpu.vector_load %arg15[%swap3A_182] {strides = array<i32>} : memref<6144xf32, #tpu.memory_space<vmem>>, vector<16xf32>,
              %swap3A_184 = vector.shape_cast %swap3A_183 : vector<16xf32> to vector<16xf32>
              %swap3A_185 = vector.shape_cast %max3A_181 : vector<16xf32> to vector<16xf32>
              tpu.vector_store %arg15[%swap3A_182], %swap3A_185 {strides = array<i32>} : memref<6144xf32, #tpu.memory_space<vmem>>, vector<16xf32>,
              %mul3A_186 = arith.constant 384 : i32
              %mul3A_187 = arith.muli %scan3A_99, %mul3A_186 : i32
              %add3A_188 = arith.constant 0 : i32
              %add3A_189 = arith.addi %mul3A_187, %add3A_188 : i32
              %add3A_190 = arith.constant 32 : i32
              %add3A_191 = arith.addi %add3A_189, %add3A_190 : i32
              %swap3A_192 = arith.index_cast %add3A_191 : i32 to index
              %swap3A_193 = tpu.vector_load %arg12[%swap3A_192] {strides = array<i32>} : memref<6144xf32, #tpu.memory_space<vmem>>, vector<16xf32>,
              %swap3A_194 = vector.shape_cast %swap3A_193 : vector<16xf32> to vector<16xf32>
              %swap3A_195 = vector.shape_cast %while3A_126#2 : vector<16xf32> to vector<16xf32>
              tpu.vector_store %arg12[%swap3A_192], %swap3A_195 {add = true, strides = array<i32>} : memref<6144xf32, #tpu.memory_space<vmem>>, vector<16xf32>,
              %swap3A_196 = arith.index_cast %add3A_191 : i32 to index
              %swap3A_197 = tpu.vector_load %arg13[%swap3A_196] {strides = array<i32>} : memref<6144xf32, #tpu.memory_space<vmem>>, vector<16xf32>,
              %swap3A_198 = vector.shape_cast %swap3A_197 : vector<16xf32> to vector<16xf32>
              %swap3A_199 = vector.shape_cast %while3A_126#14 : vector<16xf32> to vector<16xf32>
              tpu.vector_store %arg13[%swap3A_196], %swap3A_199 {add = true, strides = array<i32>} : memref<6144xf32, #tpu.memory_space<vmem>>, vector<16xf32>,
              %get3A_200 = arith.index_cast %add3A_191 : i32 to index
              %get3A_201 = tpu.vector_load %arg14[%get3A_200] {strides = array<i32>} : memref<6144xf32, #tpu.memory_space<vmem>>, vector<16xf32>,
              %get3A_202 = vector.shape_cast %get3A_201 : vector<16xf32> to vector<16xf32>
              %min3A_203 = arith.minimumf %get3A_202, %while3A_126#26 : vector<16xf32>
              %swap3A_204 = arith.index_cast %add3A_191 : i32 to index
              %swap3A_205 = tpu.vector_load %arg14[%swap3A_204] {strides = array<i32>} : memref<6144xf32, #tpu.memory_space<vmem>>, vector<16xf32>,
              %swap3A_206 = vector.shape_cast %swap3A_205 : vector<16xf32> to vector<16xf32>
              %swap3A_207 = vector.shape_cast %min3A_203 : vector<16xf32> to vector<16xf32>
              tpu.vector_store %arg14[%swap3A_204], %swap3A_207 {strides = array<i32>} : memref<6144xf32, #tpu.memory_space<vmem>>, vector<16xf32>,
              %get3A_208 = arith.index_cast %add3A_191 : i32 to index
              %get3A_209 = tpu.vector_load %arg15[%get3A_208] {strides = array<i32>} : memref<6144xf32, #tpu.memory_space<vmem>>, vector<16xf32>,
              %get3A_210 = vector.shape_cast %get3A_209 : vector<16xf32> to vector<16xf32>
              %max3A_211 = arith.maximumf %get3A_210, %while3A_126#38 : vector<16xf32>
              %swap3A_212 = arith.index_cast %add3A_191 : i32 to index
              %swap3A_213 = tpu.vector_load %arg15[%swap3A_212] {strides = array<i32>} : memref<6144xf32, #tpu.memory_space<vmem>>, vector<16xf32>,
              %swap3A_214 = vector.shape_cast %swap3A_213 : vector<16xf32> to vector<16xf32>
              %swap3A_215 = vector.shape_cast %max3A_211 : vector<16xf32> to vector<16xf32>
              tpu.vector_store %arg15[%swap3A_212], %swap3A_215 {strides = array<i32>} : memref<6144xf32, #tpu.memory_space<vmem>>, vector<16xf32>,
              %mul3A_216 = arith.constant 384 : i32
              %mul3A_217 = arith.muli %scan3A_99, %mul3A_216 : i32
              %add3A_218 = arith.constant 0 : i32
              %add3A_219 = arith.addi %mul3A_217, %add3A_218 : i32
              %add3A_220 = arith.constant 48 : i32
              %add3A_221 = arith.addi %add3A_219, %add3A_220 : i32
              %swap3A_222 = arith.index_cast %add3A_221 : i32 to index
              %swap3A_223 = tpu.vector_load %arg12[%swap3A_222] {strides = array<i32>} : memref<6144xf32, #tpu.memory_space<vmem>>, vector<16xf32>,
              %swap3A_224 = vector.shape_cast %swap3A_223 : vector<16xf32> to vector<16xf32>
              %swap3A_225 = vector.shape_cast %while3A_126#3 : vector<16xf32> to vector<16xf32>
              tpu.vector_store %arg12[%swap3A_222], %swap3A_225 {add = true, strides = array<i32>} : memref<6144xf32, #tpu.memory_space<vmem>>, vector<16xf32>,
              %swap3A_226 = arith.index_cast %add3A_221 : i32 to index
              %swap3A_227 = tpu.vector_load %arg13[%swap3A_226] {strides = array<i32>} : memref<6144xf32, #tpu.memory_space<vmem>>, vector<16xf32>,
              %swap3A_228 = vector.shape_cast %swap3A_227 : vector<16xf32> to vector<16xf32>
              %swap3A_229 = vector.shape_cast %while3A_126#15 : vector<16xf32> to vector<16xf32>
              tpu.vector_store %arg13[%swap3A_226], %swap3A_229 {add = true, strides = array<i32>} : memref<6144xf32, #tpu.memory_space<vmem>>, vector<16xf32>,
              %get3A_230 = arith.index_cast %add3A_221 : i32 to index
              %get3A_231 = tpu.vector_load %arg14[%get3A_230] {strides = array<i32>} : memref<6144xf32, #tpu.memory_space<vmem>>, vector<16xf32>,
              %get3A_232 = vector.shape_cast %get3A_231 : vector<16xf32> to vector<16xf32>
              %min3A_233 = arith.minimumf %get3A_232, %while3A_126#27 : vector<16xf32>
              %swap3A_234 = arith.index_cast %add3A_221 : i32 to index
              %swap3A_235 = tpu.vector_load %arg14[%swap3A_234] {strides = array<i32>} : memref<6144xf32, #tpu.memory_space<vmem>>, vector<16xf32>,
              %swap3A_236 = vector.shape_cast %swap3A_235 : vector<16xf32> to vector<16xf32>
              %swap3A_237 = vector.shape_cast %min3A_233 : vector<16xf32> to vector<16xf32>
              tpu.vector_store %arg14[%swap3A_234], %swap3A_237 {strides = array<i32>} : memref<6144xf32, #tpu.memory_space<vmem>>, vector<16xf32>,
              %get3A_238 = arith.index_cast %add3A_221 : i32 to index
              %get3A_239 = tpu.vector_load %arg15[%get3A_238] {strides = array<i32>} : memref<6144xf32, #tpu.memory_space<vmem>>, vector<16xf32>,
              %get3A_240 = vector.shape_cast %get3A_239 : vector<16xf32> to vector<16xf32>
              %max3A_241 = arith.maximumf %get3A_240, %while3A_126#39 : vector<16xf32>
              %swap3A_242 = arith.index_cast %add3A_221 : i32 to index
              %swap3A_243 = tpu.vector_load %arg15[%swap3A_242] {strides = array<i32>} : memref<6144xf32, #tpu.memory_space<vmem>>, vector<16xf32>,
              %swap3A_244 = vector.shape_cast %swap3A_243 : vector<16xf32> to vector<16xf32>
              %swap3A_245 = vector.shape_cast %max3A_241 : vector<16xf32> to vector<16xf32>
              tpu.vector_store %arg15[%swap3A_242], %swap3A_245 {strides = array<i32>} : memref<6144xf32, #tpu.memory_space<vmem>>, vector<16xf32>,
              %mul3A_246 = arith.constant 384 : i32
              %mul3A_247 = arith.muli %scan3A_99, %mul3A_246 : i32
              %add3A_248 = arith.constant 0 : i32
              %add3A_249 = arith.addi %mul3A_247, %add3A_248 : i32
              %add3A_250 = arith.constant 64 : i32
              %add3A_251 = arith.addi %add3A_249, %add3A_250 : i32
              %swap3A_252 = arith.index_cast %add3A_251 : i32 to index
              %swap3A_253 = tpu.vector_load %arg12[%swap3A_252] {strides = array<i32>} : memref<6144xf32, #tpu.memory_space<vmem>>, vector<16xf32>,
              %swap3A_254 = vector.shape_cast %swap3A_253 : vector<16xf32> to vector<16xf32>
              %swap3A_255 = vector.shape_cast %while3A_126#4 : vector<16xf32> to vector<16xf32>
              tpu.vector_store %arg12[%swap3A_252], %swap3A_255 {add = true, strides = array<i32>} : memref<6144xf32, #tpu.memory_space<vmem>>, vector<16xf32>,
              %swap3A_256 = arith.index_cast %add3A_251 : i32 to index
              %swap3A_257 = tpu.vector_load %arg13[%swap3A_256] {strides = array<i32>} : memref<6144xf32, #tpu.memory_space<vmem>>, vector<16xf32>,
              %swap3A_258 = vector.shape_cast %swap3A_257 : vector<16xf32> to vector<16xf32>
              %swap3A_259 = vector.shape_cast %while3A_126#16 : vector<16xf32> to vector<16xf32>
              tpu.vector_store %arg13[%swap3A_256], %swap3A_259 {add = true, strides = array<i32>} : memref<6144xf32, #tpu.memory_space<vmem>>, vector<16xf32>,
              %get3A_260 = arith.index_cast %add3A_251 : i32 to index
              %get3A_261 = tpu.vector_load %arg14[%get3A_260] {strides = array<i32>} : memref<6144xf32, #tpu.memory_space<vmem>>, vector<16xf32>,
              %get3A_262 = vector.shape_cast %get3A_261 : vector<16xf32> to vector<16xf32>
              %min3A_263 = arith.minimumf %get3A_262, %while3A_126#28 : vector<16xf32>
              %swap3A_264 = arith.index_cast %add3A_251 : i32 to index
              %swap3A_265 = tpu.vector_load %arg14[%swap3A_264] {strides = array<i32>} : memref<6144xf32, #tpu.memory_space<vmem>>, vector<16xf32>,
              %swap3A_266 = vector.shape_cast %swap3A_265 : vector<16xf32> to vector<16xf32>
              %swap3A_267 = vector.shape_cast %min3A_263 : vector<16xf32> to vector<16xf32>
              tpu.vector_store %arg14[%swap3A_264], %swap3A_267 {strides = array<i32>} : memref<6144xf32, #tpu.memory_space<vmem>>, vector<16xf32>,
              %get3A_268 = arith.index_cast %add3A_251 : i32 to index
              %get3A_269 = tpu.vector_load %arg15[%get3A_268] {strides = array<i32>} : memref<6144xf32, #tpu.memory_space<vmem>>, vector<16xf32>,
              %get3A_270 = vector.shape_cast %get3A_269 : vector<16xf32> to vector<16xf32>
              %max3A_271 = arith.maximumf %get3A_270, %while3A_126#40 : vector<16xf32>
              %swap3A_272 = arith.index_cast %add3A_251 : i32 to index
              %swap3A_273 = tpu.vector_load %arg15[%swap3A_272] {strides = array<i32>} : memref<6144xf32, #tpu.memory_space<vmem>>, vector<16xf32>,
              %swap3A_274 = vector.shape_cast %swap3A_273 : vector<16xf32> to vector<16xf32>
              %swap3A_275 = vector.shape_cast %max3A_271 : vector<16xf32> to vector<16xf32>
              tpu.vector_store %arg15[%swap3A_272], %swap3A_275 {strides = array<i32>} : memref<6144xf32, #tpu.memory_space<vmem>>, vector<16xf32>,
              %mul3A_276 = arith.constant 384 : i32
              %mul3A_277 = arith.muli %scan3A_99, %mul3A_276 : i32
              %add3A_278 = arith.constant 0 : i32
              %add3A_279 = arith.addi %mul3A_277, %add3A_278 : i32
              %add3A_280 = arith.constant 80 : i32
              %add3A_281 = arith.addi %add3A_279, %add3A_280 : i32
              %swap3A_282 = arith.index_cast %add3A_281 : i32 to index
              %swap3A_283 = tpu.vector_load %arg12[%swap3A_282] {strides = array<i32>} : memref<6144xf32, #tpu.memory_space<vmem>>, vector<16xf32>,
              %swap3A_284 = vector.shape_cast %swap3A_283 : vector<16xf32> to vector<16xf32>
              %swap3A_285 = vector.shape_cast %while3A_126#5 : vector<16xf32> to vector<16xf32>
              tpu.vector_store %arg12[%swap3A_282], %swap3A_285 {add = true, strides = array<i32>} : memref<6144xf32, #tpu.memory_space<vmem>>, vector<16xf32>,
              %swap3A_286 = arith.index_cast %add3A_281 : i32 to index
              %swap3A_287 = tpu.vector_load %arg13[%swap3A_286] {strides = array<i32>} : memref<6144xf32, #tpu.memory_space<vmem>>, vector<16xf32>,
              %swap3A_288 = vector.shape_cast %swap3A_287 : vector<16xf32> to vector<16xf32>
              %swap3A_289 = vector.shape_cast %while3A_126#17 : vector<16xf32> to vector<16xf32>
              tpu.vector_store %arg13[%swap3A_286], %swap3A_289 {add = true, strides = array<i32>} : memref<6144xf32, #tpu.memory_space<vmem>>, vector<16xf32>,
              %get3A_290 = arith.index_cast %add3A_281 : i32 to index
              %get3A_291 = tpu.vector_load %arg14[%get3A_290] {strides = array<i32>} : memref<6144xf32, #tpu.memory_space<vmem>>, vector<16xf32>,
              %get3A_292 = vector.shape_cast %get3A_291 : vector<16xf32> to vector<16xf32>
              %min3A_293 = arith.minimumf %get3A_292, %while3A_126#29 : vector<16xf32>
              %swap3A_294 = arith.index_cast %add3A_281 : i32 to index
              %swap3A_295 = tpu.vector_load %arg14[%swap3A_294] {strides = array<i32>} : memref<6144xf32, #tpu.memory_space<vmem>>, vector<16xf32>,
              %swap3A_296 = vector.shape_cast %swap3A_295 : vector<16xf32> to vector<16xf32>
              %swap3A_297 = vector.shape_cast %min3A_293 : vector<16xf32> to vector<16xf32>
              tpu.vector_store %arg14[%swap3A_294], %swap3A_297 {strides = array<i32>} : memref<6144xf32, #tpu.memory_space<vmem>>, vector<16xf32>,
              %get3A_298 = arith.index_cast %add3A_281 : i32 to index
              %get3A_299 = tpu.vector_load %arg15[%get3A_298] {strides = array<i32>} : memref<6144xf32, #tpu.memory_space<vmem>>, vector<16xf32>,
              %get3A_300 = vector.shape_cast %get3A_299 : vector<16xf32> to vector<16xf32>
              %max3A_301 = arith.maximumf %get3A_300, %while3A_126#41 : vector<16xf32>
              %swap3A_302 = arith.index_cast %add3A_281 : i32 to index
              %swap3A_303 = tpu.vector_load %arg15[%swap3A_302] {strides = array<i32>} : memref<6144xf32, #tpu.memory_space<vmem>>, vector<16xf32>,
              %swap3A_304 = vector.shape_cast %swap3A_303 : vector<16xf32> to vector<16xf32>
              %swap3A_305 = vector.shape_cast %max3A_301 : vector<16xf32> to vector<16xf32>
              tpu.vector_store %arg15[%swap3A_302], %swap3A_305 {strides = array<i32>} : memref<6144xf32, #tpu.memory_space<vmem>>, vector<16xf32>,
              %mul3A_306 = arith.constant 384 : i32
              %mul3A_307 = arith.muli %scan3A_99, %mul3A_306 : i32
              %add3A_308 = arith.constant 0 : i32
              %add3A_309 = arith.addi %mul3A_307, %add3A_308 : i32
              %add3A_310 = arith.constant 96 : i32
              %add3A_311 = arith.addi %add3A_309, %add3A_310 : i32
              %swap3A_312 = arith.index_cast %add3A_311 : i32 to index
              %swap3A_313 = tpu.vector_load %arg12[%swap3A_312] {strides = array<i32>} : memref<6144xf32, #tpu.memory_space<vmem>>, vector<16xf32>,
              %swap3A_314 = vector.shape_cast %swap3A_313 : vector<16xf32> to vector<16xf32>
              %swap3A_315 = vector.shape_cast %while3A_126#6 : vector<16xf32> to vector<16xf32>
              tpu.vector_store %arg12[%swap3A_312], %swap3A_315 {add = true, strides = array<i32>} : memref<6144xf32, #tpu.memory_space<vmem>>, vector<16xf32>,
              %swap3A_316 = arith.index_cast %add3A_311 : i32 to index
              %swap3A_317 = tpu.vector_load %arg13[%swap3A_316] {strides = array<i32>} : memref<6144xf32, #tpu.memory_space<vmem>>, vector<16xf32>,
              %swap3A_318 = vector.shape_cast %swap3A_317 : vector<16xf32> to vector<16xf32>
              %swap3A_319 = vector.shape_cast %while3A_126#18 : vector<16xf32> to vector<16xf32>
              tpu.vector_store %arg13[%swap3A_316], %swap3A_319 {add = true, strides = array<i32>} : memref<6144xf32, #tpu.memory_space<vmem>>, vector<16xf32>,
              %get3A_320 = arith.index_cast %add3A_311 : i32 to index
              %get3A_321 = tpu.vector_load %arg14[%get3A_320] {strides = array<i32>} : memref<6144xf32, #tpu.memory_space<vmem>>, vector<16xf32>,
              %get3A_322 = vector.shape_cast %get3A_321 : vector<16xf32> to vector<16xf32>
              %min3A_323 = arith.minimumf %get3A_322, %while3A_126#30 : vector<16xf32>
              %swap3A_324 = arith.index_cast %add3A_311 : i32 to index
              %swap3A_325 = tpu.vector_load %arg14[%swap3A_324] {strides = array<i32>} : memref<6144xf32, #tpu.memory_space<vmem>>, vector<16xf32>,
              %swap3A_326 = vector.shape_cast %swap3A_325 : vector<16xf32> to vector<16xf32>
              %swap3A_327 = vector.shape_cast %min3A_323 : vector<16xf32> to vector<16xf32>
              tpu.vector_store %arg14[%swap3A_324], %swap3A_327 {strides = array<i32>} : memref<6144xf32, #tpu.memory_space<vmem>>, vector<16xf32>,
              %get3A_328 = arith.index_cast %add3A_311 : i32 to index
              %get3A_329 = tpu.vector_load %arg15[%get3A_328] {strides = array<i32>} : memref<6144xf32, #tpu.memory_space<vmem>>, vector<16xf32>,
              %get3A_330 = vector.shape_cast %get3A_329 : vector<16xf32> to vector<16xf32>
              %max3A_331 = arith.maximumf %get3A_330, %while3A_126#42 : vector<16xf32>
              %swap3A_332 = arith.index_cast %add3A_311 : i32 to index
              %swap3A_333 = tpu.vector_load %arg15[%swap3A_332] {strides = array<i32>} : memref<6144xf32, #tpu.memory_space<vmem>>, vector<16xf32>,
              %swap3A_334 = vector.shape_cast %swap3A_333 : vector<16xf32> to vector<16xf32>
              %swap3A_335 = vector.shape_cast %max3A_331 : vector<16xf32> to vector<16xf32>
              tpu.vector_store %arg15[%swap3A_332], %swap3A_335 {strides = array<i32>} : memref<6144xf32, #tpu.memory_space<vmem>>, vector<16xf32>,
              %mul3A_336 = arith.constant 384 : i32
              %mul3A_337 = arith.muli %scan3A_99, %mul3A_336 : i32
              %add3A_338 = arith.constant 0 : i32
              %add3A_339 = arith.addi %mul3A_337, %add3A_338 : i32
              %add3A_340 = arith.constant 112 : i32
              %add3A_341 = arith.addi %add3A_339, %add3A_340 : i32
              %swap3A_342 = arith.index_cast %add3A_341 : i32 to index
              %swap3A_343 = tpu.vector_load %arg12[%swap3A_342] {strides = array<i32>} : memref<6144xf32, #tpu.memory_space<vmem>>, vector<16xf32>,
              %swap3A_344 = vector.shape_cast %swap3A_343 : vector<16xf32> to vector<16xf32>
              %swap3A_345 = vector.shape_cast %while3A_126#7 : vector<16xf32> to vector<16xf32>
              tpu.vector_store %arg12[%swap3A_342], %swap3A_345 {add = true, strides = array<i32>} : memref<6144xf32, #tpu.memory_space<vmem>>, vector<16xf32>,
              %swap3A_346 = arith.index_cast %add3A_341 : i32 to index
              %swap3A_347 = tpu.vector_load %arg13[%swap3A_346] {strides = array<i32>} : memref<6144xf32, #tpu.memory_space<vmem>>, vector<16xf32>,
              %swap3A_348 = vector.shape_cast %swap3A_347 : vector<16xf32> to vector<16xf32>
              %swap3A_349 = vector.shape_cast %while3A_126#19 : vector<16xf32> to vector<16xf32>
              tpu.vector_store %arg13[%swap3A_346], %swap3A_349 {add = true, strides = array<i32>} : memref<6144xf32, #tpu.memory_space<vmem>>, vector<16xf32>,
              %get3A_350 = arith.index_cast %add3A_341 : i32 to index
              %get3A_351 = tpu.vector_load %arg14[%get3A_350] {strides = array<i32>} : memref<6144xf32, #tpu.memory_space<vmem>>, vector<16xf32>,
              %get3A_352 = vector.shape_cast %get3A_351 : vector<16xf32> to vector<16xf32>
              %min3A_353 = arith.minimumf %get3A_352, %while3A_126#31 : vector<16xf32>
              %swap3A_354 = arith.index_cast %add3A_341 : i32 to index
              %swap3A_355 = tpu.vector_load %arg14[%swap3A_354] {strides = array<i32>} : memref<6144xf32, #tpu.memory_space<vmem>>, vector<16xf32>,
              %swap3A_356 = vector.shape_cast %swap3A_355 : vector<16xf32> to vector<16xf32>
              %swap3A_357 = vector.shape_cast %min3A_353 : vector<16xf32> to vector<16xf32>
              tpu.vector_store %arg14[%swap3A_354], %swap3A_357 {strides = array<i32>} : memref<6144xf32, #tpu.memory_space<vmem>>, vector<16xf32>,
              %get3A_358 = arith.index_cast %add3A_341 : i32 to index
              %get3A_359 = tpu.vector_load %arg15[%get3A_358] {strides = array<i32>} : memref<6144xf32, #tpu.memory_space<vmem>>, vector<16xf32>,
              %get3A_360 = vector.shape_cast %get3A_359 : vector<16xf32> to vector<16xf32>
              %max3A_361 = arith.maximumf %get3A_360, %while3A_126#43 : vector<16xf32>
              %swap3A_362 = arith.index_cast %add3A_341 : i32 to index
              %swap3A_363 = tpu.vector_load %arg15[%swap3A_362] {strides = array<i32>} : memref<6144xf32, #tpu.memory_space<vmem>>, vector<16xf32>,
              %swap3A_364 = vector.shape_cast %swap3A_363 : vector<16xf32> to vector<16xf32>
              %swap3A_365 = vector.shape_cast %max3A_361 : vector<16xf32> to vector<16xf32>
              tpu.vector_store %arg15[%swap3A_362], %swap3A_365 {strides = array<i32>} : memref<6144xf32, #tpu.memory_space<vmem>>, vector<16xf32>,
              %mul3A_366 = arith.constant 384 : i32
              %mul3A_367 = arith.muli %scan3A_99, %mul3A_366 : i32
              %add3A_368 = arith.constant 0 : i32
              %add3A_369 = arith.addi %mul3A_367, %add3A_368 : i32
              %add3A_370 = arith.constant 128 : i32
              %add3A_371 = arith.addi %add3A_369, %add3A_370 : i32
              %swap3A_372 = arith.index_cast %add3A_371 : i32 to index
              %swap3A_373 = tpu.vector_load %arg12[%swap3A_372] {strides = array<i32>} : memref<6144xf32, #tpu.memory_space<vmem>>, vector<16xf32>,
              %swap3A_374 = vector.shape_cast %swap3A_373 : vector<16xf32> to vector<16xf32>
              %swap3A_375 = vector.shape_cast %while3A_126#8 : vector<16xf32> to vector<16xf32>
              tpu.vector_store %arg12[%swap3A_372], %swap3A_375 {add = true, strides = array<i32>} : memref<6144xf32, #tpu.memory_space<vmem>>, vector<16xf32>,
              %swap3A_376 = arith.index_cast %add3A_371 : i32 to index
              %swap3A_377 = tpu.vector_load %arg13[%swap3A_376] {strides = array<i32>} : memref<6144xf32, #tpu.memory_space<vmem>>, vector<16xf32>,
              %swap3A_378 = vector.shape_cast %swap3A_377 : vector<16xf32> to vector<16xf32>
              %swap3A_379 = vector.shape_cast %while3A_126#20 : vector<16xf32> to vector<16xf32>
              tpu.vector_store %arg13[%swap3A_376], %swap3A_379 {add = true, strides = array<i32>} : memref<6144xf32, #tpu.memory_space<vmem>>, vector<16xf32>,
              %get3A_380 = arith.index_cast %add3A_371 : i32 to index
              %get3A_381 = tpu.vector_load %arg14[%get3A_380] {strides = array<i32>} : memref<6144xf32, #tpu.memory_space<vmem>>, vector<16xf32>,
              %get3A_382 = vector.shape_cast %get3A_381 : vector<16xf32> to vector<16xf32>
              %min3A_383 = arith.minimumf %get3A_382, %while3A_126#32 : vector<16xf32>
              %swap3A_384 = arith.index_cast %add3A_371 : i32 to index
              %swap3A_385 = tpu.vector_load %arg14[%swap3A_384] {strides = array<i32>} : memref<6144xf32, #tpu.memory_space<vmem>>, vector<16xf32>,
              %swap3A_386 = vector.shape_cast %swap3A_385 : vector<16xf32> to vector<16xf32>
              %swap3A_387 = vector.shape_cast %min3A_383 : vector<16xf32> to vector<16xf32>
              tpu.vector_store %arg14[%swap3A_384], %swap3A_387 {strides = array<i32>} : memref<6144xf32, #tpu.memory_space<vmem>>, vector<16xf32>,
              %get3A_388 = arith.index_cast %add3A_371 : i32 to index
              %get3A_389 = tpu.vector_load %arg15[%get3A_388] {strides = array<i32>} : memref<6144xf32, #tpu.memory_space<vmem>>, vector<16xf32>,
              %get3A_390 = vector.shape_cast %get3A_389 : vector<16xf32> to vector<16xf32>
              %max3A_391 = arith.maximumf %get3A_390, %while3A_126#44 : vector<16xf32>
              %swap3A_392 = arith.index_cast %add3A_371 : i32 to index
              %swap3A_393 = tpu.vector_load %arg15[%swap3A_392] {strides = array<i32>} : memref<6144xf32, #tpu.memory_space<vmem>>, vector<16xf32>,
              %swap3A_394 = vector.shape_cast %swap3A_393 : vector<16xf32> to vector<16xf32>
              %swap3A_395 = vector.shape_cast %max3A_391 : vector<16xf32> to vector<16xf32>
              tpu.vector_store %arg15[%swap3A_392], %swap3A_395 {strides = array<i32>} : memref<6144xf32, #tpu.memory_space<vmem>>, vector<16xf32>,
              %mul3A_396 = arith.constant 384 : i32
              %mul3A_397 = arith.muli %scan3A_99, %mul3A_396 : i32
              %add3A_398 = arith.constant 0 : i32
              %add3A_399 = arith.addi %mul3A_397, %add3A_398 : i32
              %add3A_400 = arith.constant 144 : i32
              %add3A_401 = arith.addi %add3A_399, %add3A_400 : i32
              %swap3A_402 = arith.index_cast %add3A_401 : i32 to index
              %swap3A_403 = tpu.vector_load %arg12[%swap3A_402] {strides = array<i32>} : memref<6144xf32, #tpu.memory_space<vmem>>, vector<16xf32>,
              %swap3A_404 = vector.shape_cast %swap3A_403 : vector<16xf32> to vector<16xf32>
              %swap3A_405 = vector.shape_cast %while3A_126#9 : vector<16xf32> to vector<16xf32>
              tpu.vector_store %arg12[%swap3A_402], %swap3A_405 {add = true, strides = array<i32>} : memref<6144xf32, #tpu.memory_space<vmem>>, vector<16xf32>,
              %swap3A_406 = arith.index_cast %add3A_401 : i32 to index
              %swap3A_407 = tpu.vector_load %arg13[%swap3A_406] {strides = array<i32>} : memref<6144xf32, #tpu.memory_space<vmem>>, vector<16xf32>,
              %swap3A_408 = vector.shape_cast %swap3A_407 : vector<16xf32> to vector<16xf32>
              %swap3A_409 = vector.shape_cast %while3A_126#21 : vector<16xf32> to vector<16xf32>
              tpu.vector_store %arg13[%swap3A_406], %swap3A_409 {add = true, strides = array<i32>} : memref<6144xf32, #tpu.memory_space<vmem>>, vector<16xf32>,
              %get3A_410 = arith.index_cast %add3A_401 : i32 to index
              %get3A_411 = tpu.vector_load %arg14[%get3A_410] {strides = array<i32>} : memref<6144xf32, #tpu.memory_space<vmem>>, vector<16xf32>,
              %get3A_412 = vector.shape_cast %get3A_411 : vector<16xf32> to vector<16xf32>
              %min3A_413 = arith.minimumf %get3A_412, %while3A_126#33 : vector<16xf32>
              %swap3A_414 = arith.index_cast %add3A_401 : i32 to index
              %swap3A_415 = tpu.vector_load %arg14[%swap3A_414] {strides = array<i32>} : memref<6144xf32, #tpu.memory_space<vmem>>, vector<16xf32>,
              %swap3A_416 = vector.shape_cast %swap3A_415 : vector<16xf32> to vector<16xf32>
              %swap3A_417 = vector.shape_cast %min3A_413 : vector<16xf32> to vector<16xf32>
              tpu.vector_store %arg14[%swap3A_414], %swap3A_417 {strides = array<i32>} : memref<6144xf32, #tpu.memory_space<vmem>>, vector<16xf32>,
              %get3A_418 = arith.index_cast %add3A_401 : i32 to index
              %get3A_419 = tpu.vector_load %arg15[%get3A_418] {strides = array<i32>} : memref<6144xf32, #tpu.memory_space<vmem>>, vector<16xf32>,
              %get3A_420 = vector.shape_cast %get3A_419 : vector<16xf32> to vector<16xf32>
              %max3A_421 = arith.maximumf %get3A_420, %while3A_126#45 : vector<16xf32>
              %swap3A_422 = arith.index_cast %add3A_401 : i32 to index
              %swap3A_423 = tpu.vector_load %arg15[%swap3A_422] {strides = array<i32>} : memref<6144xf32, #tpu.memory_space<vmem>>, vector<16xf32>,
              %swap3A_424 = vector.shape_cast %swap3A_423 : vector<16xf32> to vector<16xf32>
              %swap3A_425 = vector.shape_cast %max3A_421 : vector<16xf32> to vector<16xf32>
              tpu.vector_store %arg15[%swap3A_422], %swap3A_425 {strides = array<i32>} : memref<6144xf32, #tpu.memory_space<vmem>>, vector<16xf32>,
              %mul3A_426 = arith.constant 384 : i32
              %mul3A_427 = arith.muli %scan3A_99, %mul3A_426 : i32
              %add3A_428 = arith.constant 0 : i32
              %add3A_429 = arith.addi %mul3A_427, %add3A_428 : i32
              %add3A_430 = arith.constant 160 : i32
              %add3A_431 = arith.addi %add3A_429, %add3A_430 : i32
              %swap3A_432 = arith.index_cast %add3A_431 : i32 to index
              %swap3A_433 = tpu.vector_load %arg12[%swap3A_432] {strides = array<i32>} : memref<6144xf32, #tpu.memory_space<vmem>>, vector<16xf32>,
              %swap3A_434 = vector.shape_cast %swap3A_433 : vector<16xf32> to vector<16xf32>
              %swap3A_435 = vector.shape_cast %while3A_126#10 : vector<16xf32> to vector<16xf32>
              tpu.vector_store %arg12[%swap3A_432], %swap3A_435 {add = true, strides = array<i32>} : memref<6144xf32, #tpu.memory_space<vmem>>, vector<16xf32>,
              %swap3A_436 = arith.index_cast %add3A_431 : i32 to index
              %swap3A_437 = tpu.vector_load %arg13[%swap3A_436] {strides = array<i32>} : memref<6144xf32, #tpu.memory_space<vmem>>, vector<16xf32>,
              %swap3A_438 = vector.shape_cast %swap3A_437 : vector<16xf32> to vector<16xf32>
              %swap3A_439 = vector.shape_cast %while3A_126#22 : vector<16xf32> to vector<16xf32>
              tpu.vector_store %arg13[%swap3A_436], %swap3A_439 {add = true, strides = array<i32>} : memref<6144xf32, #tpu.memory_space<vmem>>, vector<16xf32>,
              %get3A_440 = arith.index_cast %add3A_431 : i32 to index
              %get3A_441 = tpu.vector_load %arg14[%get3A_440] {strides = array<i32>} : memref<6144xf32, #tpu.memory_space<vmem>>, vector<16xf32>,
              %get3A_442 = vector.shape_cast %get3A_441 : vector<16xf32> to vector<16xf32>
              %min3A_443 = arith.minimumf %get3A_442, %while3A_126#34 : vector<16xf32>
              %swap3A_444 = arith.index_cast %add3A_431 : i32 to index
              %swap3A_445 = tpu.vector_load %arg14[%swap3A_444] {strides = array<i32>} : memref<6144xf32, #tpu.memory_space<vmem>>, vector<16xf32>,
              %swap3A_446 = vector.shape_cast %swap3A_445 : vector<16xf32> to vector<16xf32>
              %swap3A_447 = vector.shape_cast %min3A_443 : vector<16xf32> to vector<16xf32>
              tpu.vector_store %arg14[%swap3A_444], %swap3A_447 {strides = array<i32>} : memref<6144xf32, #tpu.memory_space<vmem>>, vector<16xf32>,
              %get3A_448 = arith.index_cast %add3A_431 : i32 to index
              %get3A_449 = tpu.vector_load %arg15[%get3A_448] {strides = array<i32>} : memref<6144xf32, #tpu.memory_space<vmem>>, vector<16xf32>,
              %get3A_450 = vector.shape_cast %get3A_449 : vector<16xf32> to vector<16xf32>
              %max3A_451 = arith.maximumf %get3A_450, %while3A_126#46 : vector<16xf32>
              %swap3A_452 = arith.index_cast %add3A_431 : i32 to index
              %swap3A_453 = tpu.vector_load %arg15[%swap3A_452] {strides = array<i32>} : memref<6144xf32, #tpu.memory_space<vmem>>, vector<16xf32>,
              %swap3A_454 = vector.shape_cast %swap3A_453 : vector<16xf32> to vector<16xf32>
              %swap3A_455 = vector.shape_cast %max3A_451 : vector<16xf32> to vector<16xf32>
              tpu.vector_store %arg15[%swap3A_452], %swap3A_455 {strides = array<i32>} : memref<6144xf32, #tpu.memory_space<vmem>>, vector<16xf32>,
              %mul3A_456 = arith.constant 384 : i32
              %mul3A_457 = arith.muli %scan3A_99, %mul3A_456 : i32
              %add3A_458 = arith.constant 0 : i32
              %add3A_459 = arith.addi %mul3A_457, %add3A_458 : i32
              %add3A_460 = arith.constant 176 : i32
              %add3A_461 = arith.addi %add3A_459, %add3A_460 : i32
              %swap3A_462 = arith.index_cast %add3A_461 : i32 to index
              %swap3A_463 = tpu.vector_load %arg12[%swap3A_462] {strides = array<i32>} : memref<6144xf32, #tpu.memory_space<vmem>>, vector<16xf32>,
              %swap3A_464 = vector.shape_cast %swap3A_463 : vector<16xf32> to vector<16xf32>
              %swap3A_465 = vector.shape_cast %while3A_126#11 : vector<16xf32> to vector<16xf32>
              tpu.vector_store %arg12[%swap3A_462], %swap3A_465 {add = true, strides = array<i32>} : memref<6144xf32, #tpu.memory_space<vmem>>, vector<16xf32>,
              %swap3A_466 = arith.index_cast %add3A_461 : i32 to index
              %swap3A_467 = tpu.vector_load %arg13[%swap3A_466] {strides = array<i32>} : memref<6144xf32, #tpu.memory_space<vmem>>, vector<16xf32>,
              %swap3A_468 = vector.shape_cast %swap3A_467 : vector<16xf32> to vector<16xf32>
              %swap3A_469 = vector.shape_cast %while3A_126#23 : vector<16xf32> to vector<16xf32>
              tpu.vector_store %arg13[%swap3A_466], %swap3A_469 {add = true, strides = array<i32>} : memref<6144xf32, #tpu.memory_space<vmem>>, vector<16xf32>,
              %get3A_470 = arith.index_cast %add3A_461 : i32 to index
              %get3A_471 = tpu.vector_load %arg14[%get3A_470] {strides = array<i32>} : memref<6144xf32, #tpu.memory_space<vmem>>, vector<16xf32>,
              %get3A_472 = vector.shape_cast %get3A_471 : vector<16xf32> to vector<16xf32>
              %min3A_473 = arith.minimumf %get3A_472, %while3A_126#35 : vector<16xf32>
              %swap3A_474 = arith.index_cast %add3A_461 : i32 to index
              %swap3A_475 = tpu.vector_load %arg14[%swap3A_474] {strides = array<i32>} : memref<6144xf32, #tpu.memory_space<vmem>>, vector<16xf32>,
              %swap3A_476 = vector.shape_cast %swap3A_475 : vector<16xf32> to vector<16xf32>
              %swap3A_477 = vector.shape_cast %min3A_473 : vector<16xf32> to vector<16xf32>
              tpu.vector_store %arg14[%swap3A_474], %swap3A_477 {strides = array<i32>} : memref<6144xf32, #tpu.memory_space<vmem>>, vector<16xf32>,
              %get3A_478 = arith.index_cast %add3A_461 : i32 to index
              %get3A_479 = tpu.vector_load %arg15[%get3A_478] {strides = array<i32>} : memref<6144xf32, #tpu.memory_space<vmem>>, vector<16xf32>,
              %get3A_480 = vector.shape_cast %get3A_479 : vector<16xf32> to vector<16xf32>
              %max3A_481 = arith.maximumf %get3A_480, %while3A_126#47 : vector<16xf32>
              %swap3A_482 = arith.index_cast %add3A_461 : i32 to index
              %swap3A_483 = tpu.vector_load %arg15[%swap3A_482] {strides = array<i32>} : memref<6144xf32, #tpu.memory_space<vmem>>, vector<16xf32>,
              %swap3A_484 = vector.shape_cast %swap3A_483 : vector<16xf32> to vector<16xf32>
              %swap3A_485 = vector.shape_cast %max3A_481 : vector<16xf32> to vector<16xf32>
              tpu.vector_store %arg15[%swap3A_482], %swap3A_485 {strides = array<i32>} : memref<6144xf32, #tpu.memory_space<vmem>>, vector<16xf32>,
              %while3A_486 = arith.subi %min3A, %max3A : i32
              %while3A_487 = arith.addi %max3A, %while3A_486 : i32
              %while3A_488 = arith.constant 1 : i32
              %while3A_489 = arith.divsi %while3A_486, %while3A_488 : i32
              %while3A_490 = arith.muli %while3A_489, %while3A_488 : i32
              %while3A_491 = arith.addi %max3A, %while3A_490 : i32
              %while3A_492 = arith.constant 1 : i32
              %while3A_493:48 = scf.for %while3A_856 = %max3A to %while3A_491 step %while3A_492 iter_args(%while3A_857 = %broadcast_in_dim3A_1, %while3A_858 = %broadcast_in_dim3A_1, %while3A_859 = %broadcast_in_dim3A_1, %while3A_860 = %broadcast_in_dim3A_1, %while3A_861 = %broadcast_in_dim3A_1, %while3A_862 = %broadcast_in_dim3A_1, %while3A_863 = %broadcast_in_dim3A_1, %while3A_864 = %broadcast_in_dim3A_1, %while3A_865 = %broadcast_in_dim3A_1, %while3A_866 = %broadcast_in_dim3A_1, %while3A_867 = %broadcast_in_dim3A_1, %while3A_868 = %broadcast_in_dim3A_1, %while3A_869 = %broadcast_in_dim3A_1, %while3A_870 = %broadcast_in_dim3A_1, %while3A_871 = %broadcast_in_dim3A_1, %while3A_872 = %broadcast_in_dim3A_1, %while3A_873 = %broadcast_in_dim3A_1, %while3A_874 = %broadcast_in_dim3A_1, %while3A_875 = %broadcast_in_dim3A_1, %while3A_876 = %broadcast_in_dim3A_1, %while3A_877 = %broadcast_in_dim3A_1, %while3A_878 = %broadcast_in_dim3A_1, %while3A_879 = %broadcast_in_dim3A_1, %while3A_880 = %broadcast_in_dim3A_1, %while3A_881 = %add3A_4, %while3A_882 = %add3A_4, %while3A_883 = %add3A_4, %while3A_884 = %add3A_4, %while3A_885 = %add3A_4, %while3A_886 = %add3A_4, %while3A_887 = %add3A_4, %while3A_888 = %add3A_4, %while3A_889 = %add3A_4, %while3A_890 = %add3A_4, %while3A_891 = %add3A_4, %while3A_892 = %add3A_4, %while3A_893 = %sub3A_6, %while3A_894 = %sub3A_6, %while3A_895 = %sub3A_6, %while3A_896 = %sub3A_6, %while3A_897 = %sub3A_6, %while3A_898 = %sub3A_6, %while3A_899 = %sub3A_6, %while3A_900 = %sub3A_6, %while3A_901 = %sub3A_6, %while3A_902 = %sub3A_6, %while3A_903 = %sub3A_6, %while3A_904 = %sub3A_6) -> (vector<16xf32>, vector<16xf32>, vector<16xf32>, vector<16xf32>, vector<16xf32>, vector<16xf32>, vector<16xf32>, vector<16xf32>, vector<16xf32>, vector<16xf32>, vector<16xf32>, vector<16xf32>, vector<16xf32>, vector<16xf32>, vector<16xf32>, vector<16xf32>, vector<16xf32>, vector<16xf32>, vector<16xf32>, vector<16xf32>, vector<16xf32>, vector<16xf32>, vector<16xf32>, vector<16xf32>, vector<16xf32>, vector<16xf32>, vector<16xf32>, vector<16xf32>, vector<16xf32>, vector<16xf32>, vector<16xf32>, vector<16xf32>, vector<16xf32>, vector<16xf32>, vector<16xf32>, vector<16xf32>, vector<16xf32>, vector<16xf32>, vector<16xf32>, vector<16xf32>, vector<16xf32>, vector<16xf32>, vector<16xf32>, vector<16xf32>, vector<16xf32>, vector<16xf32>, vector<16xf32>, vector<16xf32>)  : i32 {
                %sub3A_905 = arith.subi %while3A_856, %add3A_86 : i32
                %get3A_906 = arith.index_cast %sub3A_905 : i32 to index
                %get3A_907 = arith.constant 192 : index
                %get3A_908 = tpu.vector_load %arg11[%get3A_906, %get3A_907] {strides = array<i32>} : memref<128x384xf32, #tpu.memory_space<vmem>>, vector<1x16xf32>,
                %get3A_909 = vector.shape_cast %get3A_908 : vector<1x16xf32> to vector<16xf32>
                %add3A_910 = arith.addf %while3A_857, %get3A_909 : vector<16xf32>
                %get3A_911 = arith.index_cast %sub3A_905 : i32 to index
                %get3A_912 = arith.constant 208 : index
                %get3A_913 = tpu.vector_load %arg11[%get3A_911, %get3A_912] {strides = array<i32>} : memref<128x384xf32, #tpu.memory_space<vmem>>, vector<1x16xf32>,
                %get3A_914 = vector.shape_cast %get3A_913 : vector<1x16xf32> to vector<16xf32>
                %add3A_915 = arith.addf %while3A_858, %get3A_914 : vector<16xf32>
                %get3A_916 = arith.index_cast %sub3A_905 : i32 to index
                %get3A_917 = arith.constant 224 : index
                %get3A_918 = tpu.vector_load %arg11[%get3A_916, %get3A_917] {strides = array<i32>} : memref<128x384xf32, #tpu.memory_space<vmem>>, vector<1x16xf32>,
                %get3A_919 = vector.shape_cast %get3A_918 : vector<1x16xf32> to vector<16xf32>
                %add3A_920 = arith.addf %while3A_859, %get3A_919 : vector<16xf32>
                %get3A_921 = arith.index_cast %sub3A_905 : i32 to index
                %get3A_922 = arith.constant 240 : index
                %get3A_923 = tpu.vector_load %arg11[%get3A_921, %get3A_922] {strides = array<i32>} : memref<128x384xf32, #tpu.memory_space<vmem>>, vector<1x16xf32>,
                %get3A_924 = vector.shape_cast %get3A_923 : vector<1x16xf32> to vector<16xf32>
                %add3A_925 = arith.addf %while3A_860, %get3A_924 : vector<16xf32>
                %get3A_926 = arith.index_cast %sub3A_905 : i32 to index
                %get3A_927 = arith.constant 256 : index
                %get3A_928 = tpu.vector_load %arg11[%get3A_926, %get3A_927] {strides = array<i32>} : memref<128x384xf32, #tpu.memory_space<vmem>>, vector<1x16xf32>,
                %get3A_929 = vector.shape_cast %get3A_928 : vector<1x16xf32> to vector<16xf32>
                %add3A_930 = arith.addf %while3A_861, %get3A_929 : vector<16xf32>
                %get3A_931 = arith.index_cast %sub3A_905 : i32 to index
                %get3A_932 = arith.constant 272 : index
                %get3A_933 = tpu.vector_load %arg11[%get3A_931, %get3A_932] {strides = array<i32>} : memref<128x384xf32, #tpu.memory_space<vmem>>, vector<1x16xf32>,
                %get3A_934 = vector.shape_cast %get3A_933 : vector<1x16xf32> to vector<16xf32>
                %add3A_935 = arith.addf %while3A_862, %get3A_934 : vector<16xf32>
                %get3A_936 = arith.index_cast %sub3A_905 : i32 to index
                %get3A_937 = arith.constant 288 : index
                %get3A_938 = tpu.vector_load %arg11[%get3A_936, %get3A_937] {strides = array<i32>} : memref<128x384xf32, #tpu.memory_space<vmem>>, vector<1x16xf32>,
                %get3A_939 = vector.shape_cast %get3A_938 : vector<1x16xf32> to vector<16xf32>
                %add3A_940 = arith.addf %while3A_863, %get3A_939 : vector<16xf32>
                %get3A_941 = arith.index_cast %sub3A_905 : i32 to index
                %get3A_942 = arith.constant 304 : index
                %get3A_943 = tpu.vector_load %arg11[%get3A_941, %get3A_942] {strides = array<i32>} : memref<128x384xf32, #tpu.memory_space<vmem>>, vector<1x16xf32>,
                %get3A_944 = vector.shape_cast %get3A_943 : vector<1x16xf32> to vector<16xf32>
                %add3A_945 = arith.addf %while3A_864, %get3A_944 : vector<16xf32>
                %get3A_946 = arith.index_cast %sub3A_905 : i32 to index
                %get3A_947 = arith.constant 320 : index
                %get3A_948 = tpu.vector_load %arg11[%get3A_946, %get3A_947] {strides = array<i32>} : memref<128x384xf32, #tpu.memory_space<vmem>>, vector<1x16xf32>,
                %get3A_949 = vector.shape_cast %get3A_948 : vector<1x16xf32> to vector<16xf32>
                %add3A_950 = arith.addf %while3A_865, %get3A_949 : vector<16xf32>
                %get3A_951 = arith.index_cast %sub3A_905 : i32 to index
                %get3A_952 = arith.constant 336 : index
                %get3A_953 = tpu.vector_load %arg11[%get3A_951, %get3A_952] {strides = array<i32>} : memref<128x384xf32, #tpu.memory_space<vmem>>, vector<1x16xf32>,
                %get3A_954 = vector.shape_cast %get3A_953 : vector<1x16xf32> to vector<16xf32>
                %add3A_955 = arith.addf %while3A_866, %get3A_954 : vector<16xf32>
                %get3A_956 = arith.index_cast %sub3A_905 : i32 to index
                %get3A_957 = arith.constant 352 : index
                %get3A_958 = tpu.vector_load %arg11[%get3A_956, %get3A_957] {strides = array<i32>} : memref<128x384xf32, #tpu.memory_space<vmem>>, vector<1x16xf32>,
                %get3A_959 = vector.shape_cast %get3A_958 : vector<1x16xf32> to vector<16xf32>
                %add3A_960 = arith.addf %while3A_867, %get3A_959 : vector<16xf32>
                %get3A_961 = arith.index_cast %sub3A_905 : i32 to index
                %get3A_962 = arith.constant 368 : index
                %get3A_963 = tpu.vector_load %arg11[%get3A_961, %get3A_962] {strides = array<i32>} : memref<128x384xf32, #tpu.memory_space<vmem>>, vector<1x16xf32>,
                %get3A_964 = vector.shape_cast %get3A_963 : vector<1x16xf32> to vector<16xf32>
                %add3A_965 = arith.addf %while3A_868, %get3A_964 : vector<16xf32>
                %get3A_966 = arith.index_cast %sub3A_905 : i32 to index
                %get3A_967 = arith.constant 192 : index
                %get3A_968 = tpu.vector_load %arg11[%get3A_966, %get3A_967] {strides = array<i32>} : memref<128x384xf32, #tpu.memory_space<vmem>>, vector<1x16xf32>,
                %get3A_969 = vector.shape_cast %get3A_968 : vector<1x16xf32> to vector<16xf32>
                %mul3A_970 = arith.mulf %get3A_969, %get3A_969 : vector<16xf32>
                %add3A_971 = arith.addf %while3A_869, %mul3A_970 : vector<16xf32>
                %get3A_972 = arith.index_cast %sub3A_905 : i32 to index
                %get3A_973 = arith.constant 208 : index
                %get3A_974 = tpu.vector_load %arg11[%get3A_972, %get3A_973] {strides = array<i32>} : memref<128x384xf32, #tpu.memory_space<vmem>>, vector<1x16xf32>,
                %get3A_975 = vector.shape_cast %get3A_974 : vector<1x16xf32> to vector<16xf32>
                %mul3A_976 = arith.mulf %get3A_975, %get3A_975 : vector<16xf32>
                %add3A_977 = arith.addf %while3A_870, %mul3A_976 : vector<16xf32>
                %get3A_978 = arith.index_cast %sub3A_905 : i32 to index
                %get3A_979 = arith.constant 224 : index
                %get3A_980 = tpu.vector_load %arg11[%get3A_978, %get3A_979] {strides = array<i32>} : memref<128x384xf32, #tpu.memory_space<vmem>>, vector<1x16xf32>,
                %get3A_981 = vector.shape_cast %get3A_980 : vector<1x16xf32> to vector<16xf32>
                %mul3A_982 = arith.mulf %get3A_981, %get3A_981 : vector<16xf32>
                %add3A_983 = arith.addf %while3A_871, %mul3A_982 : vector<16xf32>
                %get3A_984 = arith.index_cast %sub3A_905 : i32 to index
                %get3A_985 = arith.constant 240 : index
                %get3A_986 = tpu.vector_load %arg11[%get3A_984, %get3A_985] {strides = array<i32>} : memref<128x384xf32, #tpu.memory_space<vmem>>, vector<1x16xf32>,
                %get3A_987 = vector.shape_cast %get3A_986 : vector<1x16xf32> to vector<16xf32>
                %mul3A_988 = arith.mulf %get3A_987, %get3A_987 : vector<16xf32>
                %add3A_989 = arith.addf %while3A_872, %mul3A_988 : vector<16xf32>
                %get3A_990 = arith.index_cast %sub3A_905 : i32 to index
                %get3A_991 = arith.constant 256 : index
                %get3A_992 = tpu.vector_load %arg11[%get3A_990, %get3A_991] {strides = array<i32>} : memref<128x384xf32, #tpu.memory_space<vmem>>, vector<1x16xf32>,
                %get3A_993 = vector.shape_cast %get3A_992 : vector<1x16xf32> to vector<16xf32>
                %mul3A_994 = arith.mulf %get3A_993, %get3A_993 : vector<16xf32>
                %add3A_995 = arith.addf %while3A_873, %mul3A_994 : vector<16xf32>
                %get3A_996 = arith.index_cast %sub3A_905 : i32 to index
                %get3A_997 = arith.constant 272 : index
                %get3A_998 = tpu.vector_load %arg11[%get3A_996, %get3A_997] {strides = array<i32>} : memref<128x384xf32, #tpu.memory_space<vmem>>, vector<1x16xf32>,
                %get3A_999 = vector.shape_cast %get3A_998 : vector<1x16xf32> to vector<16xf32>
                %mul3A_1000 = arith.mulf %get3A_999, %get3A_999 : vector<16xf32>
                %add3A_1001 = arith.addf %while3A_874, %mul3A_1000 : vector<16xf32>
                %get3A_1002 = arith.index_cast %sub3A_905 : i32 to index
                %get3A_1003 = arith.constant 288 : index
                %get3A_1004 = tpu.vector_load %arg11[%get3A_1002, %get3A_1003] {strides = array<i32>} : memref<128x384xf32, #tpu.memory_space<vmem>>, vector<1x16xf32>,
                %get3A_1005 = vector.shape_cast %get3A_1004 : vector<1x16xf32> to vector<16xf32>
                %mul3A_1006 = arith.mulf %get3A_1005, %get3A_1005 : vector<16xf32>
                %add3A_1007 = arith.addf %while3A_875, %mul3A_1006 : vector<16xf32>
                %get3A_1008 = arith.index_cast %sub3A_905 : i32 to index
                %get3A_1009 = arith.constant 304 : index
                %get3A_1010 = tpu.vector_load %arg11[%get3A_1008, %get3A_1009] {strides = array<i32>} : memref<128x384xf32, #tpu.memory_space<vmem>>, vector<1x16xf32>,
                %get3A_1011 = vector.shape_cast %get3A_1010 : vector<1x16xf32> to vector<16xf32>
                %mul3A_1012 = arith.mulf %get3A_1011, %get3A_1011 : vector<16xf32>
                %add3A_1013 = arith.addf %while3A_876, %mul3A_1012 : vector<16xf32>
                %get3A_1014 = arith.index_cast %sub3A_905 : i32 to index
                %get3A_1015 = arith.constant 320 : index
                %get3A_1016 = tpu.vector_load %arg11[%get3A_1014, %get3A_1015] {strides = array<i32>} : memref<128x384xf32, #tpu.memory_space<vmem>>, vector<1x16xf32>,
                %get3A_1017 = vector.shape_cast %get3A_1016 : vector<1x16xf32> to vector<16xf32>
                %mul3A_1018 = arith.mulf %get3A_1017, %get3A_1017 : vector<16xf32>
                %add3A_1019 = arith.addf %while3A_877, %mul3A_1018 : vector<16xf32>
                %get3A_1020 = arith.index_cast %sub3A_905 : i32 to index
                %get3A_1021 = arith.constant 336 : index
                %get3A_1022 = tpu.vector_load %arg11[%get3A_1020, %get3A_1021] {strides = array<i32>} : memref<128x384xf32, #tpu.memory_space<vmem>>, vector<1x16xf32>,
                %get3A_1023 = vector.shape_cast %get3A_1022 : vector<1x16xf32> to vector<16xf32>
                %mul3A_1024 = arith.mulf %get3A_1023, %get3A_1023 : vector<16xf32>
                %add3A_1025 = arith.addf %while3A_878, %mul3A_1024 : vector<16xf32>
                %get3A_1026 = arith.index_cast %sub3A_905 : i32 to index
                %get3A_1027 = arith.constant 352 : index
                %get3A_1028 = tpu.vector_load %arg11[%get3A_1026, %get3A_1027] {strides = array<i32>} : memref<128x384xf32, #tpu.memory_space<vmem>>, vector<1x16xf32>,
                %get3A_1029 = vector.shape_cast %get3A_1028 : vector<1x16xf32> to vector<16xf32>
                %mul3A_1030 = arith.mulf %get3A_1029, %get3A_1029 : vector<16xf32>
                %add3A_1031 = arith.addf %while3A_879, %mul3A_1030 : vector<16xf32>
                %get3A_1032 = arith.index_cast %sub3A_905 : i32 to index
                %get3A_1033 = arith.constant 368 : index
                %get3A_1034 = tpu.vector_load %arg11[%get3A_1032, %get3A_1033] {strides = array<i32>} : memref<128x384xf32, #tpu.memory_space<vmem>>, vector<1x16xf32>,
                %get3A_1035 = vector.shape_cast %get3A_1034 : vector<1x16xf32> to vector<16xf32>
                %mul3A_1036 = arith.mulf %get3A_1035, %get3A_1035 : vector<16xf32>
                %add3A_1037 = arith.addf %while3A_880, %mul3A_1036 : vector<16xf32>
                %get3A_1038 = arith.index_cast %sub3A_905 : i32 to index
                %get3A_1039 = arith.constant 192 : index
                %get3A_1040 = tpu.vector_load %arg11[%get3A_1038, %get3A_1039] {strides = array<i32>} : memref<128x384xf32, #tpu.memory_space<vmem>>, vector<1x16xf32>,
                %get3A_1041 = vector.shape_cast %get3A_1040 : vector<1x16xf32> to vector<16xf32>
                %min3A_1042 = arith.minimumf %while3A_881, %get3A_1041 : vector<16xf32>
                %get3A_1043 = arith.index_cast %sub3A_905 : i32 to index
                %get3A_1044 = arith.constant 208 : index
                %get3A_1045 = tpu.vector_load %arg11[%get3A_1043, %get3A_1044] {strides = array<i32>} : memref<128x384xf32, #tpu.memory_space<vmem>>, vector<1x16xf32>,
                %get3A_1046 = vector.shape_cast %get3A_1045 : vector<1x16xf32> to vector<16xf32>
                %min3A_1047 = arith.minimumf %while3A_882, %get3A_1046 : vector<16xf32>
                %get3A_1048 = arith.index_cast %sub3A_905 : i32 to index
                %get3A_1049 = arith.constant 224 : index
                %get3A_1050 = tpu.vector_load %arg11[%get3A_1048, %get3A_1049] {strides = array<i32>} : memref<128x384xf32, #tpu.memory_space<vmem>>, vector<1x16xf32>,
                %get3A_1051 = vector.shape_cast %get3A_1050 : vector<1x16xf32> to vector<16xf32>
                %min3A_1052 = arith.minimumf %while3A_883, %get3A_1051 : vector<16xf32>
                %get3A_1053 = arith.index_cast %sub3A_905 : i32 to index
                %get3A_1054 = arith.constant 240 : index
                %get3A_1055 = tpu.vector_load %arg11[%get3A_1053, %get3A_1054] {strides = array<i32>} : memref<128x384xf32, #tpu.memory_space<vmem>>, vector<1x16xf32>,
                %get3A_1056 = vector.shape_cast %get3A_1055 : vector<1x16xf32> to vector<16xf32>
                %min3A_1057 = arith.minimumf %while3A_884, %get3A_1056 : vector<16xf32>
                %get3A_1058 = arith.index_cast %sub3A_905 : i32 to index
                %get3A_1059 = arith.constant 256 : index
                %get3A_1060 = tpu.vector_load %arg11[%get3A_1058, %get3A_1059] {strides = array<i32>} : memref<128x384xf32, #tpu.memory_space<vmem>>, vector<1x16xf32>,
                %get3A_1061 = vector.shape_cast %get3A_1060 : vector<1x16xf32> to vector<16xf32>
                %min3A_1062 = arith.minimumf %while3A_885, %get3A_1061 : vector<16xf32>
                %get3A_1063 = arith.index_cast %sub3A_905 : i32 to index
                %get3A_1064 = arith.constant 272 : index
                %get3A_1065 = tpu.vector_load %arg11[%get3A_1063, %get3A_1064] {strides = array<i32>} : memref<128x384xf32, #tpu.memory_space<vmem>>, vector<1x16xf32>,
                %get3A_1066 = vector.shape_cast %get3A_1065 : vector<1x16xf32> to vector<16xf32>
                %min3A_1067 = arith.minimumf %while3A_886, %get3A_1066 : vector<16xf32>
                %get3A_1068 = arith.index_cast %sub3A_905 : i32 to index
                %get3A_1069 = arith.constant 288 : index
                %get3A_1070 = tpu.vector_load %arg11[%get3A_1068, %get3A_1069] {strides = array<i32>} : memref<128x384xf32, #tpu.memory_space<vmem>>, vector<1x16xf32>,
                %get3A_1071 = vector.shape_cast %get3A_1070 : vector<1x16xf32> to vector<16xf32>
                %min3A_1072 = arith.minimumf %while3A_887, %get3A_1071 : vector<16xf32>
                %get3A_1073 = arith.index_cast %sub3A_905 : i32 to index
                %get3A_1074 = arith.constant 304 : index
                %get3A_1075 = tpu.vector_load %arg11[%get3A_1073, %get3A_1074] {strides = array<i32>} : memref<128x384xf32, #tpu.memory_space<vmem>>, vector<1x16xf32>,
                %get3A_1076 = vector.shape_cast %get3A_1075 : vector<1x16xf32> to vector<16xf32>
                %min3A_1077 = arith.minimumf %while3A_888, %get3A_1076 : vector<16xf32>
                %get3A_1078 = arith.index_cast %sub3A_905 : i32 to index
                %get3A_1079 = arith.constant 320 : index
                %get3A_1080 = tpu.vector_load %arg11[%get3A_1078, %get3A_1079] {strides = array<i32>} : memref<128x384xf32, #tpu.memory_space<vmem>>, vector<1x16xf32>,
                %get3A_1081 = vector.shape_cast %get3A_1080 : vector<1x16xf32> to vector<16xf32>
                %min3A_1082 = arith.minimumf %while3A_889, %get3A_1081 : vector<16xf32>
                %get3A_1083 = arith.index_cast %sub3A_905 : i32 to index
                %get3A_1084 = arith.constant 336 : index
                %get3A_1085 = tpu.vector_load %arg11[%get3A_1083, %get3A_1084] {strides = array<i32>} : memref<128x384xf32, #tpu.memory_space<vmem>>, vector<1x16xf32>,
                %get3A_1086 = vector.shape_cast %get3A_1085 : vector<1x16xf32> to vector<16xf32>
                %min3A_1087 = arith.minimumf %while3A_890, %get3A_1086 : vector<16xf32>
                %get3A_1088 = arith.index_cast %sub3A_905 : i32 to index
                %get3A_1089 = arith.constant 352 : index
                %get3A_1090 = tpu.vector_load %arg11[%get3A_1088, %get3A_1089] {strides = array<i32>} : memref<128x384xf32, #tpu.memory_space<vmem>>, vector<1x16xf32>,
                %get3A_1091 = vector.shape_cast %get3A_1090 : vector<1x16xf32> to vector<16xf32>
                %min3A_1092 = arith.minimumf %while3A_891, %get3A_1091 : vector<16xf32>
                %get3A_1093 = arith.index_cast %sub3A_905 : i32 to index
                %get3A_1094 = arith.constant 368 : index
                %get3A_1095 = tpu.vector_load %arg11[%get3A_1093, %get3A_1094] {strides = array<i32>} : memref<128x384xf32, #tpu.memory_space<vmem>>, vector<1x16xf32>,
                %get3A_1096 = vector.shape_cast %get3A_1095 : vector<1x16xf32> to vector<16xf32>
                %min3A_1097 = arith.minimumf %while3A_892, %get3A_1096 : vector<16xf32>
                %get3A_1098 = arith.index_cast %sub3A_905 : i32 to index
                %get3A_1099 = arith.constant 192 : index
                %get3A_1100 = tpu.vector_load %arg11[%get3A_1098, %get3A_1099] {strides = array<i32>} : memref<128x384xf32, #tpu.memory_space<vmem>>, vector<1x16xf32>,
                %get3A_1101 = vector.shape_cast %get3A_1100 : vector<1x16xf32> to vector<16xf32>
                %max3A_1102 = arith.maximumf %while3A_893, %get3A_1101 : vector<16xf32>
                %get3A_1103 = arith.index_cast %sub3A_905 : i32 to index
                %get3A_1104 = arith.constant 208 : index
                %get3A_1105 = tpu.vector_load %arg11[%get3A_1103, %get3A_1104] {strides = array<i32>} : memref<128x384xf32, #tpu.memory_space<vmem>>, vector<1x16xf32>,
                %get3A_1106 = vector.shape_cast %get3A_1105 : vector<1x16xf32> to vector<16xf32>
                %max3A_1107 = arith.maximumf %while3A_894, %get3A_1106 : vector<16xf32>
                %get3A_1108 = arith.index_cast %sub3A_905 : i32 to index
                %get3A_1109 = arith.constant 224 : index
                %get3A_1110 = tpu.vector_load %arg11[%get3A_1108, %get3A_1109] {strides = array<i32>} : memref<128x384xf32, #tpu.memory_space<vmem>>, vector<1x16xf32>,
                %get3A_1111 = vector.shape_cast %get3A_1110 : vector<1x16xf32> to vector<16xf32>
                %max3A_1112 = arith.maximumf %while3A_895, %get3A_1111 : vector<16xf32>
                %get3A_1113 = arith.index_cast %sub3A_905 : i32 to index
                %get3A_1114 = arith.constant 240 : index
                %get3A_1115 = tpu.vector_load %arg11[%get3A_1113, %get3A_1114] {strides = array<i32>} : memref<128x384xf32, #tpu.memory_space<vmem>>, vector<1x16xf32>,
                %get3A_1116 = vector.shape_cast %get3A_1115 : vector<1x16xf32> to vector<16xf32>
                %max3A_1117 = arith.maximumf %while3A_896, %get3A_1116 : vector<16xf32>
                %get3A_1118 = arith.index_cast %sub3A_905 : i32 to index
                %get3A_1119 = arith.constant 256 : index
                %get3A_1120 = tpu.vector_load %arg11[%get3A_1118, %get3A_1119] {strides = array<i32>} : memref<128x384xf32, #tpu.memory_space<vmem>>, vector<1x16xf32>,
                %get3A_1121 = vector.shape_cast %get3A_1120 : vector<1x16xf32> to vector<16xf32>
                %max3A_1122 = arith.maximumf %while3A_897, %get3A_1121 : vector<16xf32>
                %get3A_1123 = arith.index_cast %sub3A_905 : i32 to index
                %get3A_1124 = arith.constant 272 : index
                %get3A_1125 = tpu.vector_load %arg11[%get3A_1123, %get3A_1124] {strides = array<i32>} : memref<128x384xf32, #tpu.memory_space<vmem>>, vector<1x16xf32>,
                %get3A_1126 = vector.shape_cast %get3A_1125 : vector<1x16xf32> to vector<16xf32>
                %max3A_1127 = arith.maximumf %while3A_898, %get3A_1126 : vector<16xf32>
                %get3A_1128 = arith.index_cast %sub3A_905 : i32 to index
                %get3A_1129 = arith.constant 288 : index
                %get3A_1130 = tpu.vector_load %arg11[%get3A_1128, %get3A_1129] {strides = array<i32>} : memref<128x384xf32, #tpu.memory_space<vmem>>, vector<1x16xf32>,
                %get3A_1131 = vector.shape_cast %get3A_1130 : vector<1x16xf32> to vector<16xf32>
                %max3A_1132 = arith.maximumf %while3A_899, %get3A_1131 : vector<16xf32>
                %get3A_1133 = arith.index_cast %sub3A_905 : i32 to index
                %get3A_1134 = arith.constant 304 : index
                %get3A_1135 = tpu.vector_load %arg11[%get3A_1133, %get3A_1134] {strides = array<i32>} : memref<128x384xf32, #tpu.memory_space<vmem>>, vector<1x16xf32>,
                %get3A_1136 = vector.shape_cast %get3A_1135 : vector<1x16xf32> to vector<16xf32>
                %max3A_1137 = arith.maximumf %while3A_900, %get3A_1136 : vector<16xf32>
                %get3A_1138 = arith.index_cast %sub3A_905 : i32 to index
                %get3A_1139 = arith.constant 320 : index
                %get3A_1140 = tpu.vector_load %arg11[%get3A_1138, %get3A_1139] {strides = array<i32>} : memref<128x384xf32, #tpu.memory_space<vmem>>, vector<1x16xf32>,
                %get3A_1141 = vector.shape_cast %get3A_1140 : vector<1x16xf32> to vector<16xf32>
                %max3A_1142 = arith.maximumf %while3A_901, %get3A_1141 : vector<16xf32>
                %get3A_1143 = arith.index_cast %sub3A_905 : i32 to index
                %get3A_1144 = arith.constant 336 : index
                %get3A_1145 = tpu.vector_load %arg11[%get3A_1143, %get3A_1144] {strides = array<i32>} : memref<128x384xf32, #tpu.memory_space<vmem>>, vector<1x16xf32>,
                %get3A_1146 = vector.shape_cast %get3A_1145 : vector<1x16xf32> to vector<16xf32>
                %max3A_1147 = arith.maximumf %while3A_902, %get3A_1146 : vector<16xf32>
                %get3A_1148 = arith.index_cast %sub3A_905 : i32 to index
                %get3A_1149 = arith.constant 352 : index
                %get3A_1150 = tpu.vector_load %arg11[%get3A_1148, %get3A_1149] {strides = array<i32>} : memref<128x384xf32, #tpu.memory_space<vmem>>, vector<1x16xf32>,
                %get3A_1151 = vector.shape_cast %get3A_1150 : vector<1x16xf32> to vector<16xf32>
                %max3A_1152 = arith.maximumf %while3A_903, %get3A_1151 : vector<16xf32>
                %get3A_1153 = arith.index_cast %sub3A_905 : i32 to index
                %get3A_1154 = arith.constant 368 : index
                %get3A_1155 = tpu.vector_load %arg11[%get3A_1153, %get3A_1154] {strides = array<i32>} : memref<128x384xf32, #tpu.memory_space<vmem>>, vector<1x16xf32>,
                %get3A_1156 = vector.shape_cast %get3A_1155 : vector<1x16xf32> to vector<16xf32>
                %max3A_1157 = arith.maximumf %while3A_904, %get3A_1156 : vector<16xf32>
                scf.yield %add3A_910, %add3A_915, %add3A_920, %add3A_925, %add3A_930, %add3A_935, %add3A_940, %add3A_945, %add3A_950, %add3A_955, %add3A_960, %add3A_965, %add3A_971, %add3A_977, %add3A_983, %add3A_989, %add3A_995, %add3A_1001, %add3A_1007, %add3A_1013, %add3A_1019, %add3A_1025, %add3A_1031, %add3A_1037, %min3A_1042, %min3A_1047, %min3A_1052, %min3A_1057, %min3A_1062, %min3A_1067, %min3A_1072, %min3A_1077, %min3A_1082, %min3A_1087, %min3A_1092, %min3A_1097, %max3A_1102, %max3A_1107, %max3A_1112, %max3A_1117, %max3A_1122, %max3A_1127, %max3A_1132, %max3A_1137, %max3A_1142, %max3A_1147, %max3A_1152, %max3A_1157 : vector<16xf32>, vector<16xf32>, vector<16xf32>, vector<16xf32>, vector<16xf32>, vector<16xf32>, vector<16xf32>, vector<16xf32>, vector<16xf32>, vector<16xf32>, vector<16xf32>, vector<16xf32>, vector<16xf32>, vector<16xf32>, vector<16xf32>, vector<16xf32>, vector<16xf32>, vector<16xf32>, vector<16xf32>, vector<16xf32>, vector<16xf32>, vector<16xf32>, vector<16xf32>, vector<16xf32>, vector<16xf32>, vector<16xf32>, vector<16xf32>, vector<16xf32>, vector<16xf32>, vector<16xf32>, vector<16xf32>, vector<16xf32>, vector<16xf32>, vector<16xf32>, vector<16xf32>, vector<16xf32>, vector<16xf32>, vector<16xf32>, vector<16xf32>, vector<16xf32>, vector<16xf32>, vector<16xf32>, vector<16xf32>, vector<16xf32>, vector<16xf32>, vector<16xf32>, vector<16xf32>, vector<16xf32>
              }
              %while3A_494 = arith.constant 1 : i32
              %while3A_495:48 = scf.for %while3A_856 = %while3A_491 to %while3A_487 step %while3A_494 iter_args(%while3A_857 = %while3A_493#0, %while3A_858 = %while3A_493#1, %while3A_859 = %while3A_493#2, %while3A_860 = %while3A_493#3, %while3A_861 = %while3A_493#4, %while3A_862 = %while3A_493#5, %while3A_863 = %while3A_493#6, %while3A_864 = %while3A_493#7, %while3A_865 = %while3A_493#8, %while3A_866 = %while3A_493#9, %while3A_867 = %while3A_493#10, %while3A_868 = %while3A_493#11, %while3A_869 = %while3A_493#12, %while3A_870 = %while3A_493#13, %while3A_871 = %while3A_493#14, %while3A_872 = %while3A_493#15, %while3A_873 = %while3A_493#16, %while3A_874 = %while3A_493#17, %while3A_875 = %while3A_493#18, %while3A_876 = %while3A_493#19, %while3A_877 = %while3A_493#20, %while3A_878 = %while3A_493#21, %while3A_879 = %while3A_493#22, %while3A_880 = %while3A_493#23, %while3A_881 = %while3A_493#24, %while3A_882 = %while3A_493#25, %while3A_883 = %while3A_493#26, %while3A_884 = %while3A_493#27, %while3A_885 = %while3A_493#28, %while3A_886 = %while3A_493#29, %while3A_887 = %while3A_493#30, %while3A_888 = %while3A_493#31, %while3A_889 = %while3A_493#32, %while3A_890 = %while3A_493#33, %while3A_891 = %while3A_493#34, %while3A_892 = %while3A_493#35, %while3A_893 = %while3A_493#36, %while3A_894 = %while3A_493#37, %while3A_895 = %while3A_493#38, %while3A_896 = %while3A_493#39, %while3A_897 = %while3A_493#40, %while3A_898 = %while3A_493#41, %while3A_899 = %while3A_493#42, %while3A_900 = %while3A_493#43, %while3A_901 = %while3A_493#44, %while3A_902 = %while3A_493#45, %while3A_903 = %while3A_493#46, %while3A_904 = %while3A_493#47) -> (vector<16xf32>, vector<16xf32>, vector<16xf32>, vector<16xf32>, vector<16xf32>, vector<16xf32>, vector<16xf32>, vector<16xf32>, vector<16xf32>, vector<16xf32>, vector<16xf32>, vector<16xf32>, vector<16xf32>, vector<16xf32>, vector<16xf32>, vector<16xf32>, vector<16xf32>, vector<16xf32>, vector<16xf32>, vector<16xf32>, vector<16xf32>, vector<16xf32>, vector<16xf32>, vector<16xf32>, vector<16xf32>, vector<16xf32>, vector<16xf32>, vector<16xf32>, vector<16xf32>, vector<16xf32>, vector<16xf32>, vector<16xf32>, vector<16xf32>, vector<16xf32>, vector<16xf32>, vector<16xf32>, vector<16xf32>, vector<16xf32>, vector<16xf32>, vector<16xf32>, vector<16xf32>, vector<16xf32>, vector<16xf32>, vector<16xf32>, vector<16xf32>, vector<16xf32>, vector<16xf32>, vector<16xf32>)  : i32 {
                %sub3A_905 = arith.subi %while3A_856, %add3A_86 : i32
                %get3A_906 = arith.index_cast %sub3A_905 : i32 to index
                %get3A_907 = arith.constant 192 : index
                %get3A_908 = tpu.vector_load %arg11[%get3A_906, %get3A_907] {strides = array<i32>} : memref<128x384xf32, #tpu.memory_space<vmem>>, vector<1x16xf32>,
                %get3A_909 = vector.shape_cast %get3A_908 : vector<1x16xf32> to vector<16xf32>
                %add3A_910 = arith.addf %while3A_857, %get3A_909 : vector<16xf32>
                %get3A_911 = arith.index_cast %sub3A_905 : i32 to index
                %get3A_912 = arith.constant 208 : index
                %get3A_913 = tpu.vector_load %arg11[%get3A_911, %get3A_912] {strides = array<i32>} : memref<128x384xf32, #tpu.memory_space<vmem>>, vector<1x16xf32>,
                %get3A_914 = vector.shape_cast %get3A_913 : vector<1x16xf32> to vector<16xf32>
                %add3A_915 = arith.addf %while3A_858, %get3A_914 : vector<16xf32>
                %get3A_916 = arith.index_cast %sub3A_905 : i32 to index
                %get3A_917 = arith.constant 224 : index
                %get3A_918 = tpu.vector_load %arg11[%get3A_916, %get3A_917] {strides = array<i32>} : memref<128x384xf32, #tpu.memory_space<vmem>>, vector<1x16xf32>,
                %get3A_919 = vector.shape_cast %get3A_918 : vector<1x16xf32> to vector<16xf32>
                %add3A_920 = arith.addf %while3A_859, %get3A_919 : vector<16xf32>
                %get3A_921 = arith.index_cast %sub3A_905 : i32 to index
                %get3A_922 = arith.constant 240 : index
                %get3A_923 = tpu.vector_load %arg11[%get3A_921, %get3A_922] {strides = array<i32>} : memref<128x384xf32, #tpu.memory_space<vmem>>, vector<1x16xf32>,
                %get3A_924 = vector.shape_cast %get3A_923 : vector<1x16xf32> to vector<16xf32>
                %add3A_925 = arith.addf %while3A_860, %get3A_924 : vector<16xf32>
                %get3A_926 = arith.index_cast %sub3A_905 : i32 to index
                %get3A_927 = arith.constant 256 : index
                %get3A_928 = tpu.vector_load %arg11[%get3A_926, %get3A_927] {strides = array<i32>} : memref<128x384xf32, #tpu.memory_space<vmem>>, vector<1x16xf32>,
                %get3A_929 = vector.shape_cast %get3A_928 : vector<1x16xf32> to vector<16xf32>
                %add3A_930 = arith.addf %while3A_861, %get3A_929 : vector<16xf32>
                %get3A_931 = arith.index_cast %sub3A_905 : i32 to index
                %get3A_932 = arith.constant 272 : index
                %get3A_933 = tpu.vector_load %arg11[%get3A_931, %get3A_932] {strides = array<i32>} : memref<128x384xf32, #tpu.memory_space<vmem>>, vector<1x16xf32>,
                %get3A_934 = vector.shape_cast %get3A_933 : vector<1x16xf32> to vector<16xf32>
                %add3A_935 = arith.addf %while3A_862, %get3A_934 : vector<16xf32>
                %get3A_936 = arith.index_cast %sub3A_905 : i32 to index
                %get3A_937 = arith.constant 288 : index
                %get3A_938 = tpu.vector_load %arg11[%get3A_936, %get3A_937] {strides = array<i32>} : memref<128x384xf32, #tpu.memory_space<vmem>>, vector<1x16xf32>,
                %get3A_939 = vector.shape_cast %get3A_938 : vector<1x16xf32> to vector<16xf32>
                %add3A_940 = arith.addf %while3A_863, %get3A_939 : vector<16xf32>
                %get3A_941 = arith.index_cast %sub3A_905 : i32 to index
                %get3A_942 = arith.constant 304 : index
                %get3A_943 = tpu.vector_load %arg11[%get3A_941, %get3A_942] {strides = array<i32>} : memref<128x384xf32, #tpu.memory_space<vmem>>, vector<1x16xf32>,
                %get3A_944 = vector.shape_cast %get3A_943 : vector<1x16xf32> to vector<16xf32>
                %add3A_945 = arith.addf %while3A_864, %get3A_944 : vector<16xf32>
                %get3A_946 = arith.index_cast %sub3A_905 : i32 to index
                %get3A_947 = arith.constant 320 : index
                %get3A_948 = tpu.vector_load %arg11[%get3A_946, %get3A_947] {strides = array<i32>} : memref<128x384xf32, #tpu.memory_space<vmem>>, vector<1x16xf32>,
                %get3A_949 = vector.shape_cast %get3A_948 : vector<1x16xf32> to vector<16xf32>
                %add3A_950 = arith.addf %while3A_865, %get3A_949 : vector<16xf32>
                %get3A_951 = arith.index_cast %sub3A_905 : i32 to index
                %get3A_952 = arith.constant 336 : index
                %get3A_953 = tpu.vector_load %arg11[%get3A_951, %get3A_952] {strides = array<i32>} : memref<128x384xf32, #tpu.memory_space<vmem>>, vector<1x16xf32>,
                %get3A_954 = vector.shape_cast %get3A_953 : vector<1x16xf32> to vector<16xf32>
                %add3A_955 = arith.addf %while3A_866, %get3A_954 : vector<16xf32>
                %get3A_956 = arith.index_cast %sub3A_905 : i32 to index
                %get3A_957 = arith.constant 352 : index
                %get3A_958 = tpu.vector_load %arg11[%get3A_956, %get3A_957] {strides = array<i32>} : memref<128x384xf32, #tpu.memory_space<vmem>>, vector<1x16xf32>,
                %get3A_959 = vector.shape_cast %get3A_958 : vector<1x16xf32> to vector<16xf32>
                %add3A_960 = arith.addf %while3A_867, %get3A_959 : vector<16xf32>
                %get3A_961 = arith.index_cast %sub3A_905 : i32 to index
                %get3A_962 = arith.constant 368 : index
                %get3A_963 = tpu.vector_load %arg11[%get3A_961, %get3A_962] {strides = array<i32>} : memref<128x384xf32, #tpu.memory_space<vmem>>, vector<1x16xf32>,
                %get3A_964 = vector.shape_cast %get3A_963 : vector<1x16xf32> to vector<16xf32>
                %add3A_965 = arith.addf %while3A_868, %get3A_964 : vector<16xf32>
                %get3A_966 = arith.index_cast %sub3A_905 : i32 to index
                %get3A_967 = arith.constant 192 : index
                %get3A_968 = tpu.vector_load %arg11[%get3A_966, %get3A_967] {strides = array<i32>} : memref<128x384xf32, #tpu.memory_space<vmem>>, vector<1x16xf32>,
                %get3A_969 = vector.shape_cast %get3A_968 : vector<1x16xf32> to vector<16xf32>
                %mul3A_970 = arith.mulf %get3A_969, %get3A_969 : vector<16xf32>
                %add3A_971 = arith.addf %while3A_869, %mul3A_970 : vector<16xf32>
                %get3A_972 = arith.index_cast %sub3A_905 : i32 to index
                %get3A_973 = arith.constant 208 : index
                %get3A_974 = tpu.vector_load %arg11[%get3A_972, %get3A_973] {strides = array<i32>} : memref<128x384xf32, #tpu.memory_space<vmem>>, vector<1x16xf32>,
                %get3A_975 = vector.shape_cast %get3A_974 : vector<1x16xf32> to vector<16xf32>
                %mul3A_976 = arith.mulf %get3A_975, %get3A_975 : vector<16xf32>
                %add3A_977 = arith.addf %while3A_870, %mul3A_976 : vector<16xf32>
                %get3A_978 = arith.index_cast %sub3A_905 : i32 to index
                %get3A_979 = arith.constant 224 : index
                %get3A_980 = tpu.vector_load %arg11[%get3A_978, %get3A_979] {strides = array<i32>} : memref<128x384xf32, #tpu.memory_space<vmem>>, vector<1x16xf32>,
                %get3A_981 = vector.shape_cast %get3A_980 : vector<1x16xf32> to vector<16xf32>
                %mul3A_982 = arith.mulf %get3A_981, %get3A_981 : vector<16xf32>
                %add3A_983 = arith.addf %while3A_871, %mul3A_982 : vector<16xf32>
                %get3A_984 = arith.index_cast %sub3A_905 : i32 to index
                %get3A_985 = arith.constant 240 : index
                %get3A_986 = tpu.vector_load %arg11[%get3A_984, %get3A_985] {strides = array<i32>} : memref<128x384xf32, #tpu.memory_space<vmem>>, vector<1x16xf32>,
                %get3A_987 = vector.shape_cast %get3A_986 : vector<1x16xf32> to vector<16xf32>
                %mul3A_988 = arith.mulf %get3A_987, %get3A_987 : vector<16xf32>
                %add3A_989 = arith.addf %while3A_872, %mul3A_988 : vector<16xf32>
                %get3A_990 = arith.index_cast %sub3A_905 : i32 to index
                %get3A_991 = arith.constant 256 : index
                %get3A_992 = tpu.vector_load %arg11[%get3A_990, %get3A_991] {strides = array<i32>} : memref<128x384xf32, #tpu.memory_space<vmem>>, vector<1x16xf32>,
                %get3A_993 = vector.shape_cast %get3A_992 : vector<1x16xf32> to vector<16xf32>
                %mul3A_994 = arith.mulf %get3A_993, %get3A_993 : vector<16xf32>
                %add3A_995 = arith.addf %while3A_873, %mul3A_994 : vector<16xf32>
                %get3A_996 = arith.index_cast %sub3A_905 : i32 to index
                %get3A_997 = arith.constant 272 : index
                %get3A_998 = tpu.vector_load %arg11[%get3A_996, %get3A_997] {strides = array<i32>} : memref<128x384xf32, #tpu.memory_space<vmem>>, vector<1x16xf32>,
                %get3A_999 = vector.shape_cast %get3A_998 : vector<1x16xf32> to vector<16xf32>
                %mul3A_1000 = arith.mulf %get3A_999, %get3A_999 : vector<16xf32>
                %add3A_1001 = arith.addf %while3A_874, %mul3A_1000 : vector<16xf32>
                %get3A_1002 = arith.index_cast %sub3A_905 : i32 to index
                %get3A_1003 = arith.constant 288 : index
                %get3A_1004 = tpu.vector_load %arg11[%get3A_1002, %get3A_1003] {strides = array<i32>} : memref<128x384xf32, #tpu.memory_space<vmem>>, vector<1x16xf32>,
                %get3A_1005 = vector.shape_cast %get3A_1004 : vector<1x16xf32> to vector<16xf32>
                %mul3A_1006 = arith.mulf %get3A_1005, %get3A_1005 : vector<16xf32>
                %add3A_1007 = arith.addf %while3A_875, %mul3A_1006 : vector<16xf32>
                %get3A_1008 = arith.index_cast %sub3A_905 : i32 to index
                %get3A_1009 = arith.constant 304 : index
                %get3A_1010 = tpu.vector_load %arg11[%get3A_1008, %get3A_1009] {strides = array<i32>} : memref<128x384xf32, #tpu.memory_space<vmem>>, vector<1x16xf32>,
                %get3A_1011 = vector.shape_cast %get3A_1010 : vector<1x16xf32> to vector<16xf32>
                %mul3A_1012 = arith.mulf %get3A_1011, %get3A_1011 : vector<16xf32>
                %add3A_1013 = arith.addf %while3A_876, %mul3A_1012 : vector<16xf32>
                %get3A_1014 = arith.index_cast %sub3A_905 : i32 to index
                %get3A_1015 = arith.constant 320 : index
                %get3A_1016 = tpu.vector_load %arg11[%get3A_1014, %get3A_1015] {strides = array<i32>} : memref<128x384xf32, #tpu.memory_space<vmem>>, vector<1x16xf32>,
                %get3A_1017 = vector.shape_cast %get3A_1016 : vector<1x16xf32> to vector<16xf32>
                %mul3A_1018 = arith.mulf %get3A_1017, %get3A_1017 : vector<16xf32>
                %add3A_1019 = arith.addf %while3A_877, %mul3A_1018 : vector<16xf32>
                %get3A_1020 = arith.index_cast %sub3A_905 : i32 to index
                %get3A_1021 = arith.constant 336 : index
                %get3A_1022 = tpu.vector_load %arg11[%get3A_1020, %get3A_1021] {strides = array<i32>} : memref<128x384xf32, #tpu.memory_space<vmem>>, vector<1x16xf32>,
                %get3A_1023 = vector.shape_cast %get3A_1022 : vector<1x16xf32> to vector<16xf32>
                %mul3A_1024 = arith.mulf %get3A_1023, %get3A_1023 : vector<16xf32>
                %add3A_1025 = arith.addf %while3A_878, %mul3A_1024 : vector<16xf32>
                %get3A_1026 = arith.index_cast %sub3A_905 : i32 to index
                %get3A_1027 = arith.constant 352 : index
                %get3A_1028 = tpu.vector_load %arg11[%get3A_1026, %get3A_1027] {strides = array<i32>} : memref<128x384xf32, #tpu.memory_space<vmem>>, vector<1x16xf32>,
                %get3A_1029 = vector.shape_cast %get3A_1028 : vector<1x16xf32> to vector<16xf32>
                %mul3A_1030 = arith.mulf %get3A_1029, %get3A_1029 : vector<16xf32>
                %add3A_1031 = arith.addf %while3A_879, %mul3A_1030 : vector<16xf32>
                %get3A_1032 = arith.index_cast %sub3A_905 : i32 to index
                %get3A_1033 = arith.constant 368 : index
                %get3A_1034 = tpu.vector_load %arg11[%get3A_1032, %get3A_1033] {strides = array<i32>} : memref<128x384xf32, #tpu.memory_space<vmem>>, vector<1x16xf32>,
                %get3A_1035 = vector.shape_cast %get3A_1034 : vector<1x16xf32> to vector<16xf32>
                %mul3A_1036 = arith.mulf %get3A_1035, %get3A_1035 : vector<16xf32>
                %add3A_1037 = arith.addf %while3A_880, %mul3A_1036 : vector<16xf32>
                %get3A_1038 = arith.index_cast %sub3A_905 : i32 to index
                %get3A_1039 = arith.constant 192 : index
                %get3A_1040 = tpu.vector_load %arg11[%get3A_1038, %get3A_1039] {strides = array<i32>} : memref<128x384xf32, #tpu.memory_space<vmem>>, vector<1x16xf32>,
                %get3A_1041 = vector.shape_cast %get3A_1040 : vector<1x16xf32> to vector<16xf32>
                %min3A_1042 = arith.minimumf %while3A_881, %get3A_1041 : vector<16xf32>
                %get3A_1043 = arith.index_cast %sub3A_905 : i32 to index
                %get3A_1044 = arith.constant 208 : index
                %get3A_1045 = tpu.vector_load %arg11[%get3A_1043, %get3A_1044] {strides = array<i32>} : memref<128x384xf32, #tpu.memory_space<vmem>>, vector<1x16xf32>,
                %get3A_1046 = vector.shape_cast %get3A_1045 : vector<1x16xf32> to vector<16xf32>
                %min3A_1047 = arith.minimumf %while3A_882, %get3A_1046 : vector<16xf32>
                %get3A_1048 = arith.index_cast %sub3A_905 : i32 to index
                %get3A_1049 = arith.constant 224 : index
                %get3A_1050 = tpu.vector_load %arg11[%get3A_1048, %get3A_1049] {strides = array<i32>} : memref<128x384xf32, #tpu.memory_space<vmem>>, vector<1x16xf32>,
                %get3A_1051 = vector.shape_cast %get3A_1050 : vector<1x16xf32> to vector<16xf32>
                %min3A_1052 = arith.minimumf %while3A_883, %get3A_1051 : vector<16xf32>
                %get3A_1053 = arith.index_cast %sub3A_905 : i32 to index
                %get3A_1054 = arith.constant 240 : index
                %get3A_1055 = tpu.vector_load %arg11[%get3A_1053, %get3A_1054] {strides = array<i32>} : memref<128x384xf32, #tpu.memory_space<vmem>>, vector<1x16xf32>,
                %get3A_1056 = vector.shape_cast %get3A_1055 : vector<1x16xf32> to vector<16xf32>
                %min3A_1057 = arith.minimumf %while3A_884, %get3A_1056 : vector<16xf32>
                %get3A_1058 = arith.index_cast %sub3A_905 : i32 to index
                %get3A_1059 = arith.constant 256 : index
                %get3A_1060 = tpu.vector_load %arg11[%get3A_1058, %get3A_1059] {strides = array<i32>} : memref<128x384xf32, #tpu.memory_space<vmem>>, vector<1x16xf32>,
                %get3A_1061 = vector.shape_cast %get3A_1060 : vector<1x16xf32> to vector<16xf32>
                %min3A_1062 = arith.minimumf %while3A_885, %get3A_1061 : vector<16xf32>
                %get3A_1063 = arith.index_cast %sub3A_905 : i32 to index
                %get3A_1064 = arith.constant 272 : index
                %get3A_1065 = tpu.vector_load %arg11[%get3A_1063, %get3A_1064] {strides = array<i32>} : memref<128x384xf32, #tpu.memory_space<vmem>>, vector<1x16xf32>,
                %get3A_1066 = vector.shape_cast %get3A_1065 : vector<1x16xf32> to vector<16xf32>
                %min3A_1067 = arith.minimumf %while3A_886, %get3A_1066 : vector<16xf32>
                %get3A_1068 = arith.index_cast %sub3A_905 : i32 to index
                %get3A_1069 = arith.constant 288 : index
                %get3A_1070 = tpu.vector_load %arg11[%get3A_1068, %get3A_1069] {strides = array<i32>} : memref<128x384xf32, #tpu.memory_space<vmem>>, vector<1x16xf32>,
                %get3A_1071 = vector.shape_cast %get3A_1070 : vector<1x16xf32> to vector<16xf32>
                %min3A_1072 = arith.minimumf %while3A_887, %get3A_1071 : vector<16xf32>
                %get3A_1073 = arith.index_cast %sub3A_905 : i32 to index
                %get3A_1074 = arith.constant 304 : index
                %get3A_1075 = tpu.vector_load %arg11[%get3A_1073, %get3A_1074] {strides = array<i32>} : memref<128x384xf32, #tpu.memory_space<vmem>>, vector<1x16xf32>,
                %get3A_1076 = vector.shape_cast %get3A_1075 : vector<1x16xf32> to vector<16xf32>
                %min3A_1077 = arith.minimumf %while3A_888, %get3A_1076 : vector<16xf32>
                %get3A_1078 = arith.index_cast %sub3A_905 : i32 to index
                %get3A_1079 = arith.constant 320 : index
                %get3A_1080 = tpu.vector_load %arg11[%get3A_1078, %get3A_1079] {strides = array<i32>} : memref<128x384xf32, #tpu.memory_space<vmem>>, vector<1x16xf32>,
                %get3A_1081 = vector.shape_cast %get3A_1080 : vector<1x16xf32> to vector<16xf32>
                %min3A_1082 = arith.minimumf %while3A_889, %get3A_1081 : vector<16xf32>
                %get3A_1083 = arith.index_cast %sub3A_905 : i32 to index
                %get3A_1084 = arith.constant 336 : index
                %get3A_1085 = tpu.vector_load %arg11[%get3A_1083, %get3A_1084] {strides = array<i32>} : memref<128x384xf32, #tpu.memory_space<vmem>>, vector<1x16xf32>,
                %get3A_1086 = vector.shape_cast %get3A_1085 : vector<1x16xf32> to vector<16xf32>
                %min3A_1087 = arith.minimumf %while3A_890, %get3A_1086 : vector<16xf32>
                %get3A_1088 = arith.index_cast %sub3A_905 : i32 to index
                %get3A_1089 = arith.constant 352 : index
                %get3A_1090 = tpu.vector_load %arg11[%get3A_1088, %get3A_1089] {strides = array<i32>} : memref<128x384xf32, #tpu.memory_space<vmem>>, vector<1x16xf32>,
                %get3A_1091 = vector.shape_cast %get3A_1090 : vector<1x16xf32> to vector<16xf32>
                %min3A_1092 = arith.minimumf %while3A_891, %get3A_1091 : vector<16xf32>
                %get3A_1093 = arith.index_cast %sub3A_905 : i32 to index
                %get3A_1094 = arith.constant 368 : index
                %get3A_1095 = tpu.vector_load %arg11[%get3A_1093, %get3A_1094] {strides = array<i32>} : memref<128x384xf32, #tpu.memory_space<vmem>>, vector<1x16xf32>,
                %get3A_1096 = vector.shape_cast %get3A_1095 : vector<1x16xf32> to vector<16xf32>
                %min3A_1097 = arith.minimumf %while3A_892, %get3A_1096 : vector<16xf32>
                %get3A_1098 = arith.index_cast %sub3A_905 : i32 to index
                %get3A_1099 = arith.constant 192 : index
                %get3A_1100 = tpu.vector_load %arg11[%get3A_1098, %get3A_1099] {strides = array<i32>} : memref<128x384xf32, #tpu.memory_space<vmem>>, vector<1x16xf32>,
                %get3A_1101 = vector.shape_cast %get3A_1100 : vector<1x16xf32> to vector<16xf32>
                %max3A_1102 = arith.maximumf %while3A_893, %get3A_1101 : vector<16xf32>
                %get3A_1103 = arith.index_cast %sub3A_905 : i32 to index
                %get3A_1104 = arith.constant 208 : index
                %get3A_1105 = tpu.vector_load %arg11[%get3A_1103, %get3A_1104] {strides = array<i32>} : memref<128x384xf32, #tpu.memory_space<vmem>>, vector<1x16xf32>,
                %get3A_1106 = vector.shape_cast %get3A_1105 : vector<1x16xf32> to vector<16xf32>
                %max3A_1107 = arith.maximumf %while3A_894, %get3A_1106 : vector<16xf32>
                %get3A_1108 = arith.index_cast %sub3A_905 : i32 to index
                %get3A_1109 = arith.constant 224 : index
                %get3A_1110 = tpu.vector_load %arg11[%get3A_1108, %get3A_1109] {strides = array<i32>} : memref<128x384xf32, #tpu.memory_space<vmem>>, vector<1x16xf32>,
                %get3A_1111 = vector.shape_cast %get3A_1110 : vector<1x16xf32> to vector<16xf32>
                %max3A_1112 = arith.maximumf %while3A_895, %get3A_1111 : vector<16xf32>
                %get3A_1113 = arith.index_cast %sub3A_905 : i32 to index
                %get3A_1114 = arith.constant 240 : index
                %get3A_1115 = tpu.vector_load %arg11[%get3A_1113, %get3A_1114] {strides = array<i32>} : memref<128x384xf32, #tpu.memory_space<vmem>>, vector<1x16xf32>,
                %get3A_1116 = vector.shape_cast %get3A_1115 : vector<1x16xf32> to vector<16xf32>
                %max3A_1117 = arith.maximumf %while3A_896, %get3A_1116 : vector<16xf32>
                %get3A_1118 = arith.index_cast %sub3A_905 : i32 to index
                %get3A_1119 = arith.constant 256 : index
                %get3A_1120 = tpu.vector_load %arg11[%get3A_1118, %get3A_1119] {strides = array<i32>} : memref<128x384xf32, #tpu.memory_space<vmem>>, vector<1x16xf32>,
                %get3A_1121 = vector.shape_cast %get3A_1120 : vector<1x16xf32> to vector<16xf32>
                %max3A_1122 = arith.maximumf %while3A_897, %get3A_1121 : vector<16xf32>
                %get3A_1123 = arith.index_cast %sub3A_905 : i32 to index
                %get3A_1124 = arith.constant 272 : index
                %get3A_1125 = tpu.vector_load %arg11[%get3A_1123, %get3A_1124] {strides = array<i32>} : memref<128x384xf32, #tpu.memory_space<vmem>>, vector<1x16xf32>,
                %get3A_1126 = vector.shape_cast %get3A_1125 : vector<1x16xf32> to vector<16xf32>
                %max3A_1127 = arith.maximumf %while3A_898, %get3A_1126 : vector<16xf32>
                %get3A_1128 = arith.index_cast %sub3A_905 : i32 to index
                %get3A_1129 = arith.constant 288 : index
                %get3A_1130 = tpu.vector_load %arg11[%get3A_1128, %get3A_1129] {strides = array<i32>} : memref<128x384xf32, #tpu.memory_space<vmem>>, vector<1x16xf32>,
                %get3A_1131 = vector.shape_cast %get3A_1130 : vector<1x16xf32> to vector<16xf32>
                %max3A_1132 = arith.maximumf %while3A_899, %get3A_1131 : vector<16xf32>
                %get3A_1133 = arith.index_cast %sub3A_905 : i32 to index
                %get3A_1134 = arith.constant 304 : index
                %get3A_1135 = tpu.vector_load %arg11[%get3A_1133, %get3A_1134] {strides = array<i32>} : memref<128x384xf32, #tpu.memory_space<vmem>>, vector<1x16xf32>,
                %get3A_1136 = vector.shape_cast %get3A_1135 : vector<1x16xf32> to vector<16xf32>
                %max3A_1137 = arith.maximumf %while3A_900, %get3A_1136 : vector<16xf32>
                %get3A_1138 = arith.index_cast %sub3A_905 : i32 to index
                %get3A_1139 = arith.constant 320 : index
                %get3A_1140 = tpu.vector_load %arg11[%get3A_1138, %get3A_1139] {strides = array<i32>} : memref<128x384xf32, #tpu.memory_space<vmem>>, vector<1x16xf32>,
                %get3A_1141 = vector.shape_cast %get3A_1140 : vector<1x16xf32> to vector<16xf32>
                %max3A_1142 = arith.maximumf %while3A_901, %get3A_1141 : vector<16xf32>
                %get3A_1143 = arith.index_cast %sub3A_905 : i32 to index
                %get3A_1144 = arith.constant 336 : index
                %get3A_1145 = tpu.vector_load %arg11[%get3A_1143, %get3A_1144] {strides = array<i32>} : memref<128x384xf32, #tpu.memory_space<vmem>>, vector<1x16xf32>,
                %get3A_1146 = vector.shape_cast %get3A_1145 : vector<1x16xf32> to vector<16xf32>
                %max3A_1147 = arith.maximumf %while3A_902, %get3A_1146 : vector<16xf32>
                %get3A_1148 = arith.index_cast %sub3A_905 : i32 to index
                %get3A_1149 = arith.constant 352 : index
                %get3A_1150 = tpu.vector_load %arg11[%get3A_1148, %get3A_1149] {strides = array<i32>} : memref<128x384xf32, #tpu.memory_space<vmem>>, vector<1x16xf32>,
                %get3A_1151 = vector.shape_cast %get3A_1150 : vector<1x16xf32> to vector<16xf32>
                %max3A_1152 = arith.maximumf %while3A_903, %get3A_1151 : vector<16xf32>
                %get3A_1153 = arith.index_cast %sub3A_905 : i32 to index
                %get3A_1154 = arith.constant 368 : index
                %get3A_1155 = tpu.vector_load %arg11[%get3A_1153, %get3A_1154] {strides = array<i32>} : memref<128x384xf32, #tpu.memory_space<vmem>>, vector<1x16xf32>,
                %get3A_1156 = vector.shape_cast %get3A_1155 : vector<1x16xf32> to vector<16xf32>
                %max3A_1157 = arith.maximumf %while3A_904, %get3A_1156 : vector<16xf32>
                scf.yield %add3A_910, %add3A_915, %add3A_920, %add3A_925, %add3A_930, %add3A_935, %add3A_940, %add3A_945, %add3A_950, %add3A_955, %add3A_960, %add3A_965, %add3A_971, %add3A_977, %add3A_983, %add3A_989, %add3A_995, %add3A_1001, %add3A_1007, %add3A_1013, %add3A_1019, %add3A_1025, %add3A_1031, %add3A_1037, %min3A_1042, %min3A_1047, %min3A_1052, %min3A_1057, %min3A_1062, %min3A_1067, %min3A_1072, %min3A_1077, %min3A_1082, %min3A_1087, %min3A_1092, %min3A_1097, %max3A_1102, %max3A_1107, %max3A_1112, %max3A_1117, %max3A_1122, %max3A_1127, %max3A_1132, %max3A_1137, %max3A_1142, %max3A_1147, %max3A_1152, %max3A_1157 : vector<16xf32>, vector<16xf32>, vector<16xf32>, vector<16xf32>, vector<16xf32>, vector<16xf32>, vector<16xf32>, vector<16xf32>, vector<16xf32>, vector<16xf32>, vector<16xf32>, vector<16xf32>, vector<16xf32>, vector<16xf32>, vector<16xf32>, vector<16xf32>, vector<16xf32>, vector<16xf32>, vector<16xf32>, vector<16xf32>, vector<16xf32>, vector<16xf32>, vector<16xf32>, vector<16xf32>, vector<16xf32>, vector<16xf32>, vector<16xf32>, vector<16xf32>, vector<16xf32>, vector<16xf32>, vector<16xf32>, vector<16xf32>, vector<16xf32>, vector<16xf32>, vector<16xf32>, vector<16xf32>, vector<16xf32>, vector<16xf32>, vector<16xf32>, vector<16xf32>, vector<16xf32>, vector<16xf32>, vector<16xf32>, vector<16xf32>, vector<16xf32>, vector<16xf32>, vector<16xf32>, vector<16xf32>
              }
              %mul3A_496 = arith.constant 384 : i32
              %mul3A_497 = arith.muli %scan3A_99, %mul3A_496 : i32
              %add3A_498 = arith.constant 192 : i32
              %add3A_499 = arith.addi %mul3A_497, %add3A_498 : i32
              %add3A_500 = arith.constant 0 : i32
              %add3A_501 = arith.addi %add3A_499, %add3A_500 : i32
              %swap3A_502 = arith.index_cast %add3A_501 : i32 to index
              %swap3A_503 = tpu.vector_load %arg12[%swap3A_502] {strides = array<i32>} : memref<6144xf32, #tpu.memory_space<vmem>>, vector<16xf32>,
              %swap3A_504 = vector.shape_cast %swap3A_503 : vector<16xf32> to vector<16xf32>
              %swap3A_505 = vector.shape_cast %while3A_495#0 : vector<16xf32> to vector<16xf32>
              tpu.vector_store %arg12[%swap3A_502], %swap3A_505 {add = true, strides = array<i32>} : memref<6144xf32, #tpu.memory_space<vmem>>, vector<16xf32>,
              %swap3A_506 = arith.index_cast %add3A_501 : i32 to index
              %swap3A_507 = tpu.vector_load %arg13[%swap3A_506] {strides = array<i32>} : memref<6144xf32, #tpu.memory_space<vmem>>, vector<16xf32>,
              %swap3A_508 = vector.shape_cast %swap3A_507 : vector<16xf32> to vector<16xf32>
              %swap3A_509 = vector.shape_cast %while3A_495#12 : vector<16xf32> to vector<16xf32>
              tpu.vector_store %arg13[%swap3A_506], %swap3A_509 {add = true, strides = array<i32>} : memref<6144xf32, #tpu.memory_space<vmem>>, vector<16xf32>,
              %get3A_510 = arith.index_cast %add3A_501 : i32 to index
              %get3A_511 = tpu.vector_load %arg14[%get3A_510] {strides = array<i32>} : memref<6144xf32, #tpu.memory_space<vmem>>, vector<16xf32>,
              %get3A_512 = vector.shape_cast %get3A_511 : vector<16xf32> to vector<16xf32>
              %min3A_513 = arith.minimumf %get3A_512, %while3A_495#24 : vector<16xf32>
              %swap3A_514 = arith.index_cast %add3A_501 : i32 to index
              %swap3A_515 = tpu.vector_load %arg14[%swap3A_514] {strides = array<i32>} : memref<6144xf32, #tpu.memory_space<vmem>>, vector<16xf32>,
              %swap3A_516 = vector.shape_cast %swap3A_515 : vector<16xf32> to vector<16xf32>
              %swap3A_517 = vector.shape_cast %min3A_513 : vector<16xf32> to vector<16xf32>
              tpu.vector_store %arg14[%swap3A_514], %swap3A_517 {strides = array<i32>} : memref<6144xf32, #tpu.memory_space<vmem>>, vector<16xf32>,
              %get3A_518 = arith.index_cast %add3A_501 : i32 to index
              %get3A_519 = tpu.vector_load %arg15[%get3A_518] {strides = array<i32>} : memref<6144xf32, #tpu.memory_space<vmem>>, vector<16xf32>,
              %get3A_520 = vector.shape_cast %get3A_519 : vector<16xf32> to vector<16xf32>
              %max3A_521 = arith.maximumf %get3A_520, %while3A_495#36 : vector<16xf32>
              %swap3A_522 = arith.index_cast %add3A_501 : i32 to index
              %swap3A_523 = tpu.vector_load %arg15[%swap3A_522] {strides = array<i32>} : memref<6144xf32, #tpu.memory_space<vmem>>, vector<16xf32>,
              %swap3A_524 = vector.shape_cast %swap3A_523 : vector<16xf32> to vector<16xf32>
              %swap3A_525 = vector.shape_cast %max3A_521 : vector<16xf32> to vector<16xf32>
              tpu.vector_store %arg15[%swap3A_522], %swap3A_525 {strides = array<i32>} : memref<6144xf32, #tpu.memory_space<vmem>>, vector<16xf32>,
              %mul3A_526 = arith.constant 384 : i32
              %mul3A_527 = arith.muli %scan3A_99, %mul3A_526 : i32
              %add3A_528 = arith.constant 192 : i32
              %add3A_529 = arith.addi %mul3A_527, %add3A_528 : i32
              %add3A_530 = arith.constant 16 : i32
              %add3A_531 = arith.addi %add3A_529, %add3A_530 : i32
              %swap3A_532 = arith.index_cast %add3A_531 : i32 to index
              %swap3A_533 = tpu.vector_load %arg12[%swap3A_532] {strides = array<i32>} : memref<6144xf32, #tpu.memory_space<vmem>>, vector<16xf32>,
              %swap3A_534 = vector.shape_cast %swap3A_533 : vector<16xf32> to vector<16xf32>
              %swap3A_535 = vector.shape_cast %while3A_495#1 : vector<16xf32> to vector<16xf32>
              tpu.vector_store %arg12[%swap3A_532], %swap3A_535 {add = true, strides = array<i32>} : memref<6144xf32, #tpu.memory_space<vmem>>, vector<16xf32>,
              %swap3A_536 = arith.index_cast %add3A_531 : i32 to index
              %swap3A_537 = tpu.vector_load %arg13[%swap3A_536] {strides = array<i32>} : memref<6144xf32, #tpu.memory_space<vmem>>, vector<16xf32>,
              %swap3A_538 = vector.shape_cast %swap3A_537 : vector<16xf32> to vector<16xf32>
              %swap3A_539 = vector.shape_cast %while3A_495#13 : vector<16xf32> to vector<16xf32>
              tpu.vector_store %arg13[%swap3A_536], %swap3A_539 {add = true, strides = array<i32>} : memref<6144xf32, #tpu.memory_space<vmem>>, vector<16xf32>,
              %get3A_540 = arith.index_cast %add3A_531 : i32 to index
              %get3A_541 = tpu.vector_load %arg14[%get3A_540] {strides = array<i32>} : memref<6144xf32, #tpu.memory_space<vmem>>, vector<16xf32>,
              %get3A_542 = vector.shape_cast %get3A_541 : vector<16xf32> to vector<16xf32>
              %min3A_543 = arith.minimumf %get3A_542, %while3A_495#25 : vector<16xf32>
              %swap3A_544 = arith.index_cast %add3A_531 : i32 to index
              %swap3A_545 = tpu.vector_load %arg14[%swap3A_544] {strides = array<i32>} : memref<6144xf32, #tpu.memory_space<vmem>>, vector<16xf32>,
              %swap3A_546 = vector.shape_cast %swap3A_545 : vector<16xf32> to vector<16xf32>
              %swap3A_547 = vector.shape_cast %min3A_543 : vector<16xf32> to vector<16xf32>
              tpu.vector_store %arg14[%swap3A_544], %swap3A_547 {strides = array<i32>} : memref<6144xf32, #tpu.memory_space<vmem>>, vector<16xf32>,
              %get3A_548 = arith.index_cast %add3A_531 : i32 to index
              %get3A_549 = tpu.vector_load %arg15[%get3A_548] {strides = array<i32>} : memref<6144xf32, #tpu.memory_space<vmem>>, vector<16xf32>,
              %get3A_550 = vector.shape_cast %get3A_549 : vector<16xf32> to vector<16xf32>
              %max3A_551 = arith.maximumf %get3A_550, %while3A_495#37 : vector<16xf32>
              %swap3A_552 = arith.index_cast %add3A_531 : i32 to index
              %swap3A_553 = tpu.vector_load %arg15[%swap3A_552] {strides = array<i32>} : memref<6144xf32, #tpu.memory_space<vmem>>, vector<16xf32>,
              %swap3A_554 = vector.shape_cast %swap3A_553 : vector<16xf32> to vector<16xf32>
              %swap3A_555 = vector.shape_cast %max3A_551 : vector<16xf32> to vector<16xf32>
              tpu.vector_store %arg15[%swap3A_552], %swap3A_555 {strides = array<i32>} : memref<6144xf32, #tpu.memory_space<vmem>>, vector<16xf32>,
              %mul3A_556 = arith.constant 384 : i32
              %mul3A_557 = arith.muli %scan3A_99, %mul3A_556 : i32
              %add3A_558 = arith.constant 192 : i32
              %add3A_559 = arith.addi %mul3A_557, %add3A_558 : i32
              %add3A_560 = arith.constant 32 : i32
              %add3A_561 = arith.addi %add3A_559, %add3A_560 : i32
              %swap3A_562 = arith.index_cast %add3A_561 : i32 to index
              %swap3A_563 = tpu.vector_load %arg12[%swap3A_562] {strides = array<i32>} : memref<6144xf32, #tpu.memory_space<vmem>>, vector<16xf32>,
              %swap3A_564 = vector.shape_cast %swap3A_563 : vector<16xf32> to vector<16xf32>
              %swap3A_565 = vector.shape_cast %while3A_495#2 : vector<16xf32> to vector<16xf32>
              tpu.vector_store %arg12[%swap3A_562], %swap3A_565 {add = true, strides = array<i32>} : memref<6144xf32, #tpu.memory_space<vmem>>, vector<16xf32>,
              %swap3A_566 = arith.index_cast %add3A_561 : i32 to index
              %swap3A_567 = tpu.vector_load %arg13[%swap3A_566] {strides = array<i32>} : memref<6144xf32, #tpu.memory_space<vmem>>, vector<16xf32>,
              %swap3A_568 = vector.shape_cast %swap3A_567 : vector<16xf32> to vector<16xf32>
              %swap3A_569 = vector.shape_cast %while3A_495#14 : vector<16xf32> to vector<16xf32>
              tpu.vector_store %arg13[%swap3A_566], %swap3A_569 {add = true, strides = array<i32>} : memref<6144xf32, #tpu.memory_space<vmem>>, vector<16xf32>,
              %get3A_570 = arith.index_cast %add3A_561 : i32 to index
              %get3A_571 = tpu.vector_load %arg14[%get3A_570] {strides = array<i32>} : memref<6144xf32, #tpu.memory_space<vmem>>, vector<16xf32>,
              %get3A_572 = vector.shape_cast %get3A_571 : vector<16xf32> to vector<16xf32>
              %min3A_573 = arith.minimumf %get3A_572, %while3A_495#26 : vector<16xf32>
              %swap3A_574 = arith.index_cast %add3A_561 : i32 to index
              %swap3A_575 = tpu.vector_load %arg14[%swap3A_574] {strides = array<i32>} : memref<6144xf32, #tpu.memory_space<vmem>>, vector<16xf32>,
              %swap3A_576 = vector.shape_cast %swap3A_575 : vector<16xf32> to vector<16xf32>
              %swap3A_577 = vector.shape_cast %min3A_573 : vector<16xf32> to vector<16xf32>
              tpu.vector_store %arg14[%swap3A_574], %swap3A_577 {strides = array<i32>} : memref<6144xf32, #tpu.memory_space<vmem>>, vector<16xf32>,
              %get3A_578 = arith.index_cast %add3A_561 : i32 to index
              %get3A_579 = tpu.vector_load %arg15[%get3A_578] {strides = array<i32>} : memref<6144xf32, #tpu.memory_space<vmem>>, vector<16xf32>,
              %get3A_580 = vector.shape_cast %get3A_579 : vector<16xf32> to vector<16xf32>
              %max3A_581 = arith.maximumf %get3A_580, %while3A_495#38 : vector<16xf32>
              %swap3A_582 = arith.index_cast %add3A_561 : i32 to index
              %swap3A_583 = tpu.vector_load %arg15[%swap3A_582] {strides = array<i32>} : memref<6144xf32, #tpu.memory_space<vmem>>, vector<16xf32>,
              %swap3A_584 = vector.shape_cast %swap3A_583 : vector<16xf32> to vector<16xf32>
              %swap3A_585 = vector.shape_cast %max3A_581 : vector<16xf32> to vector<16xf32>
              tpu.vector_store %arg15[%swap3A_582], %swap3A_585 {strides = array<i32>} : memref<6144xf32, #tpu.memory_space<vmem>>, vector<16xf32>,
              %mul3A_586 = arith.constant 384 : i32
              %mul3A_587 = arith.muli %scan3A_99, %mul3A_586 : i32
              %add3A_588 = arith.constant 192 : i32
              %add3A_589 = arith.addi %mul3A_587, %add3A_588 : i32
              %add3A_590 = arith.constant 48 : i32
              %add3A_591 = arith.addi %add3A_589, %add3A_590 : i32
              %swap3A_592 = arith.index_cast %add3A_591 : i32 to index
              %swap3A_593 = tpu.vector_load %arg12[%swap3A_592] {strides = array<i32>} : memref<6144xf32, #tpu.memory_space<vmem>>, vector<16xf32>,
              %swap3A_594 = vector.shape_cast %swap3A_593 : vector<16xf32> to vector<16xf32>
              %swap3A_595 = vector.shape_cast %while3A_495#3 : vector<16xf32> to vector<16xf32>
              tpu.vector_store %arg12[%swap3A_592], %swap3A_595 {add = true, strides = array<i32>} : memref<6144xf32, #tpu.memory_space<vmem>>, vector<16xf32>,
              %swap3A_596 = arith.index_cast %add3A_591 : i32 to index
              %swap3A_597 = tpu.vector_load %arg13[%swap3A_596] {strides = array<i32>} : memref<6144xf32, #tpu.memory_space<vmem>>, vector<16xf32>,
              %swap3A_598 = vector.shape_cast %swap3A_597 : vector<16xf32> to vector<16xf32>
              %swap3A_599 = vector.shape_cast %while3A_495#15 : vector<16xf32> to vector<16xf32>
              tpu.vector_store %arg13[%swap3A_596], %swap3A_599 {add = true, strides = array<i32>} : memref<6144xf32, #tpu.memory_space<vmem>>, vector<16xf32>,
              %get3A_600 = arith.index_cast %add3A_591 : i32 to index
              %get3A_601 = tpu.vector_load %arg14[%get3A_600] {strides = array<i32>} : memref<6144xf32, #tpu.memory_space<vmem>>, vector<16xf32>,
              %get3A_602 = vector.shape_cast %get3A_601 : vector<16xf32> to vector<16xf32>
              %min3A_603 = arith.minimumf %get3A_602, %while3A_495#27 : vector<16xf32>
              %swap3A_604 = arith.index_cast %add3A_591 : i32 to index
              %swap3A_605 = tpu.vector_load %arg14[%swap3A_604] {strides = array<i32>} : memref<6144xf32, #tpu.memory_space<vmem>>, vector<16xf32>,
              %swap3A_606 = vector.shape_cast %swap3A_605 : vector<16xf32> to vector<16xf32>
              %swap3A_607 = vector.shape_cast %min3A_603 : vector<16xf32> to vector<16xf32>
              tpu.vector_store %arg14[%swap3A_604], %swap3A_607 {strides = array<i32>} : memref<6144xf32, #tpu.memory_space<vmem>>, vector<16xf32>,
              %get3A_608 = arith.index_cast %add3A_591 : i32 to index
              %get3A_609 = tpu.vector_load %arg15[%get3A_608] {strides = array<i32>} : memref<6144xf32, #tpu.memory_space<vmem>>, vector<16xf32>,
              %get3A_610 = vector.shape_cast %get3A_609 : vector<16xf32> to vector<16xf32>
              %max3A_611 = arith.maximumf %get3A_610, %while3A_495#39 : vector<16xf32>
              %swap3A_612 = arith.index_cast %add3A_591 : i32 to index
              %swap3A_613 = tpu.vector_load %arg15[%swap3A_612] {strides = array<i32>} : memref<6144xf32, #tpu.memory_space<vmem>>, vector<16xf32>,
              %swap3A_614 = vector.shape_cast %swap3A_613 : vector<16xf32> to vector<16xf32>
              %swap3A_615 = vector.shape_cast %max3A_611 : vector<16xf32> to vector<16xf32>
              tpu.vector_store %arg15[%swap3A_612], %swap3A_615 {strides = array<i32>} : memref<6144xf32, #tpu.memory_space<vmem>>, vector<16xf32>,
              %mul3A_616 = arith.constant 384 : i32
              %mul3A_617 = arith.muli %scan3A_99, %mul3A_616 : i32
              %add3A_618 = arith.constant 192 : i32
              %add3A_619 = arith.addi %mul3A_617, %add3A_618 : i32
              %add3A_620 = arith.constant 64 : i32
              %add3A_621 = arith.addi %add3A_619, %add3A_620 : i32
              %swap3A_622 = arith.index_cast %add3A_621 : i32 to index
              %swap3A_623 = tpu.vector_load %arg12[%swap3A_622] {strides = array<i32>} : memref<6144xf32, #tpu.memory_space<vmem>>, vector<16xf32>,
              %swap3A_624 = vector.shape_cast %swap3A_623 : vector<16xf32> to vector<16xf32>
              %swap3A_625 = vector.shape_cast %while3A_495#4 : vector<16xf32> to vector<16xf32>
              tpu.vector_store %arg12[%swap3A_622], %swap3A_625 {add = true, strides = array<i32>} : memref<6144xf32, #tpu.memory_space<vmem>>, vector<16xf32>,
              %swap3A_626 = arith.index_cast %add3A_621 : i32 to index
              %swap3A_627 = tpu.vector_load %arg13[%swap3A_626] {strides = array<i32>} : memref<6144xf32, #tpu.memory_space<vmem>>, vector<16xf32>,
              %swap3A_628 = vector.shape_cast %swap3A_627 : vector<16xf32> to vector<16xf32>
              %swap3A_629 = vector.shape_cast %while3A_495#16 : vector<16xf32> to vector<16xf32>
              tpu.vector_store %arg13[%swap3A_626], %swap3A_629 {add = true, strides = array<i32>} : memref<6144xf32, #tpu.memory_space<vmem>>, vector<16xf32>,
              %get3A_630 = arith.index_cast %add3A_621 : i32 to index
              %get3A_631 = tpu.vector_load %arg14[%get3A_630] {strides = array<i32>} : memref<6144xf32, #tpu.memory_space<vmem>>, vector<16xf32>,
              %get3A_632 = vector.shape_cast %get3A_631 : vector<16xf32> to vector<16xf32>
              %min3A_633 = arith.minimumf %get3A_632, %while3A_495#28 : vector<16xf32>
              %swap3A_634 = arith.index_cast %add3A_621 : i32 to index
              %swap3A_635 = tpu.vector_load %arg14[%swap3A_634] {strides = array<i32>} : memref<6144xf32, #tpu.memory_space<vmem>>, vector<16xf32>,
              %swap3A_636 = vector.shape_cast %swap3A_635 : vector<16xf32> to vector<16xf32>
              %swap3A_637 = vector.shape_cast %min3A_633 : vector<16xf32> to vector<16xf32>
              tpu.vector_store %arg14[%swap3A_634], %swap3A_637 {strides = array<i32>} : memref<6144xf32, #tpu.memory_space<vmem>>, vector<16xf32>,
              %get3A_638 = arith.index_cast %add3A_621 : i32 to index
              %get3A_639 = tpu.vector_load %arg15[%get3A_638] {strides = array<i32>} : memref<6144xf32, #tpu.memory_space<vmem>>, vector<16xf32>,
              %get3A_640 = vector.shape_cast %get3A_639 : vector<16xf32> to vector<16xf32>
              %max3A_641 = arith.maximumf %get3A_640, %while3A_495#40 : vector<16xf32>
              %swap3A_642 = arith.index_cast %add3A_621 : i32 to index
              %swap3A_643 = tpu.vector_load %arg15[%swap3A_642] {strides = array<i32>} : memref<6144xf32, #tpu.memory_space<vmem>>, vector<16xf32>,
              %swap3A_644 = vector.shape_cast %swap3A_643 : vector<16xf32> to vector<16xf32>
              %swap3A_645 = vector.shape_cast %max3A_641 : vector<16xf32> to vector<16xf32>
              tpu.vector_store %arg15[%swap3A_642], %swap3A_645 {strides = array<i32>} : memref<6144xf32, #tpu.memory_space<vmem>>, vector<16xf32>,
              %mul3A_646 = arith.constant 384 : i32
              %mul3A_647 = arith.muli %scan3A_99, %mul3A_646 : i32
              %add3A_648 = arith.constant 192 : i32
              %add3A_649 = arith.addi %mul3A_647, %add3A_648 : i32
              %add3A_650 = arith.constant 80 : i32
              %add3A_651 = arith.addi %add3A_649, %add3A_650 : i32
              %swap3A_652 = arith.index_cast %add3A_651 : i32 to index
              %swap3A_653 = tpu.vector_load %arg12[%swap3A_652] {strides = array<i32>} : memref<6144xf32, #tpu.memory_space<vmem>>, vector<16xf32>,
              %swap3A_654 = vector.shape_cast %swap3A_653 : vector<16xf32> to vector<16xf32>
              %swap3A_655 = vector.shape_cast %while3A_495#5 : vector<16xf32> to vector<16xf32>
              tpu.vector_store %arg12[%swap3A_652], %swap3A_655 {add = true, strides = array<i32>} : memref<6144xf32, #tpu.memory_space<vmem>>, vector<16xf32>,
              %swap3A_656 = arith.index_cast %add3A_651 : i32 to index
              %swap3A_657 = tpu.vector_load %arg13[%swap3A_656] {strides = array<i32>} : memref<6144xf32, #tpu.memory_space<vmem>>, vector<16xf32>,
              %swap3A_658 = vector.shape_cast %swap3A_657 : vector<16xf32> to vector<16xf32>
              %swap3A_659 = vector.shape_cast %while3A_495#17 : vector<16xf32> to vector<16xf32>
              tpu.vector_store %arg13[%swap3A_656], %swap3A_659 {add = true, strides = array<i32>} : memref<6144xf32, #tpu.memory_space<vmem>>, vector<16xf32>,
              %get3A_660 = arith.index_cast %add3A_651 : i32 to index
              %get3A_661 = tpu.vector_load %arg14[%get3A_660] {strides = array<i32>} : memref<6144xf32, #tpu.memory_space<vmem>>, vector<16xf32>,
              %get3A_662 = vector.shape_cast %get3A_661 : vector<16xf32> to vector<16xf32>
              %min3A_663 = arith.minimumf %get3A_662, %while3A_495#29 : vector<16xf32>
              %swap3A_664 = arith.index_cast %add3A_651 : i32 to index
              %swap3A_665 = tpu.vector_load %arg14[%swap3A_664] {strides = array<i32>} : memref<6144xf32, #tpu.memory_space<vmem>>, vector<16xf32>,
              %swap3A_666 = vector.shape_cast %swap3A_665 : vector<16xf32> to vector<16xf32>
              %swap3A_667 = vector.shape_cast %min3A_663 : vector<16xf32> to vector<16xf32>
              tpu.vector_store %arg14[%swap3A_664], %swap3A_667 {strides = array<i32>} : memref<6144xf32, #tpu.memory_space<vmem>>, vector<16xf32>,
              %get3A_668 = arith.index_cast %add3A_651 : i32 to index
              %get3A_669 = tpu.vector_load %arg15[%get3A_668] {strides = array<i32>} : memref<6144xf32, #tpu.memory_space<vmem>>, vector<16xf32>,
              %get3A_670 = vector.shape_cast %get3A_669 : vector<16xf32> to vector<16xf32>
              %max3A_671 = arith.maximumf %get3A_670, %while3A_495#41 : vector<16xf32>
              %swap3A_672 = arith.index_cast %add3A_651 : i32 to index
              %swap3A_673 = tpu.vector_load %arg15[%swap3A_672] {strides = array<i32>} : memref<6144xf32, #tpu.memory_space<vmem>>, vector<16xf32>,
              %swap3A_674 = vector.shape_cast %swap3A_673 : vector<16xf32> to vector<16xf32>
              %swap3A_675 = vector.shape_cast %max3A_671 : vector<16xf32> to vector<16xf32>
              tpu.vector_store %arg15[%swap3A_672], %swap3A_675 {strides = array<i32>} : memref<6144xf32, #tpu.memory_space<vmem>>, vector<16xf32>,
              %mul3A_676 = arith.constant 384 : i32
              %mul3A_677 = arith.muli %scan3A_99, %mul3A_676 : i32
              %add3A_678 = arith.constant 192 : i32
              %add3A_679 = arith.addi %mul3A_677, %add3A_678 : i32
              %add3A_680 = arith.constant 96 : i32
              %add3A_681 = arith.addi %add3A_679, %add3A_680 : i32
              %swap3A_682 = arith.index_cast %add3A_681 : i32 to index
              %swap3A_683 = tpu.vector_load %arg12[%swap3A_682] {strides = array<i32>} : memref<6144xf32, #tpu.memory_space<vmem>>, vector<16xf32>,
              %swap3A_684 = vector.shape_cast %swap3A_683 : vector<16xf32> to vector<16xf32>
              %swap3A_685 = vector.shape_cast %while3A_495#6 : vector<16xf32> to vector<16xf32>
              tpu.vector_store %arg12[%swap3A_682], %swap3A_685 {add = true, strides = array<i32>} : memref<6144xf32, #tpu.memory_space<vmem>>, vector<16xf32>,
              %swap3A_686 = arith.index_cast %add3A_681 : i32 to index
              %swap3A_687 = tpu.vector_load %arg13[%swap3A_686] {strides = array<i32>} : memref<6144xf32, #tpu.memory_space<vmem>>, vector<16xf32>,
              %swap3A_688 = vector.shape_cast %swap3A_687 : vector<16xf32> to vector<16xf32>
              %swap3A_689 = vector.shape_cast %while3A_495#18 : vector<16xf32> to vector<16xf32>
              tpu.vector_store %arg13[%swap3A_686], %swap3A_689 {add = true, strides = array<i32>} : memref<6144xf32, #tpu.memory_space<vmem>>, vector<16xf32>,
              %get3A_690 = arith.index_cast %add3A_681 : i32 to index
              %get3A_691 = tpu.vector_load %arg14[%get3A_690] {strides = array<i32>} : memref<6144xf32, #tpu.memory_space<vmem>>, vector<16xf32>,
              %get3A_692 = vector.shape_cast %get3A_691 : vector<16xf32> to vector<16xf32>
              %min3A_693 = arith.minimumf %get3A_692, %while3A_495#30 : vector<16xf32>
              %swap3A_694 = arith.index_cast %add3A_681 : i32 to index
              %swap3A_695 = tpu.vector_load %arg14[%swap3A_694] {strides = array<i32>} : memref<6144xf32, #tpu.memory_space<vmem>>, vector<16xf32>,
              %swap3A_696 = vector.shape_cast %swap3A_695 : vector<16xf32> to vector<16xf32>
              %swap3A_697 = vector.shape_cast %min3A_693 : vector<16xf32> to vector<16xf32>
              tpu.vector_store %arg14[%swap3A_694], %swap3A_697 {strides = array<i32>} : memref<6144xf32, #tpu.memory_space<vmem>>, vector<16xf32>,
              %get3A_698 = arith.index_cast %add3A_681 : i32 to index
              %get3A_699 = tpu.vector_load %arg15[%get3A_698] {strides = array<i32>} : memref<6144xf32, #tpu.memory_space<vmem>>, vector<16xf32>,
              %get3A_700 = vector.shape_cast %get3A_699 : vector<16xf32> to vector<16xf32>
              %max3A_701 = arith.maximumf %get3A_700, %while3A_495#42 : vector<16xf32>
              %swap3A_702 = arith.index_cast %add3A_681 : i32 to index
              %swap3A_703 = tpu.vector_load %arg15[%swap3A_702] {strides = array<i32>} : memref<6144xf32, #tpu.memory_space<vmem>>, vector<16xf32>,
              %swap3A_704 = vector.shape_cast %swap3A_703 : vector<16xf32> to vector<16xf32>
              %swap3A_705 = vector.shape_cast %max3A_701 : vector<16xf32> to vector<16xf32>
              tpu.vector_store %arg15[%swap3A_702], %swap3A_705 {strides = array<i32>} : memref<6144xf32, #tpu.memory_space<vmem>>, vector<16xf32>,
              %mul3A_706 = arith.constant 384 : i32
              %mul3A_707 = arith.muli %scan3A_99, %mul3A_706 : i32
              %add3A_708 = arith.constant 192 : i32
              %add3A_709 = arith.addi %mul3A_707, %add3A_708 : i32
              %add3A_710 = arith.constant 112 : i32
              %add3A_711 = arith.addi %add3A_709, %add3A_710 : i32
              %swap3A_712 = arith.index_cast %add3A_711 : i32 to index
              %swap3A_713 = tpu.vector_load %arg12[%swap3A_712] {strides = array<i32>} : memref<6144xf32, #tpu.memory_space<vmem>>, vector<16xf32>,
              %swap3A_714 = vector.shape_cast %swap3A_713 : vector<16xf32> to vector<16xf32>
              %swap3A_715 = vector.shape_cast %while3A_495#7 : vector<16xf32> to vector<16xf32>
              tpu.vector_store %arg12[%swap3A_712], %swap3A_715 {add = true, strides = array<i32>} : memref<6144xf32, #tpu.memory_space<vmem>>, vector<16xf32>,
              %swap3A_716 = arith.index_cast %add3A_711 : i32 to index
              %swap3A_717 = tpu.vector_load %arg13[%swap3A_716] {strides = array<i32>} : memref<6144xf32, #tpu.memory_space<vmem>>, vector<16xf32>,
              %swap3A_718 = vector.shape_cast %swap3A_717 : vector<16xf32> to vector<16xf32>
              %swap3A_719 = vector.shape_cast %while3A_495#19 : vector<16xf32> to vector<16xf32>
              tpu.vector_store %arg13[%swap3A_716], %swap3A_719 {add = true, strides = array<i32>} : memref<6144xf32, #tpu.memory_space<vmem>>, vector<16xf32>,
              %get3A_720 = arith.index_cast %add3A_711 : i32 to index
              %get3A_721 = tpu.vector_load %arg14[%get3A_720] {strides = array<i32>} : memref<6144xf32, #tpu.memory_space<vmem>>, vector<16xf32>,
              %get3A_722 = vector.shape_cast %get3A_721 : vector<16xf32> to vector<16xf32>
              %min3A_723 = arith.minimumf %get3A_722, %while3A_495#31 : vector<16xf32>
              %swap3A_724 = arith.index_cast %add3A_711 : i32 to index
              %swap3A_725 = tpu.vector_load %arg14[%swap3A_724] {strides = array<i32>} : memref<6144xf32, #tpu.memory_space<vmem>>, vector<16xf32>,
              %swap3A_726 = vector.shape_cast %swap3A_725 : vector<16xf32> to vector<16xf32>
              %swap3A_727 = vector.shape_cast %min3A_723 : vector<16xf32> to vector<16xf32>
              tpu.vector_store %arg14[%swap3A_724], %swap3A_727 {strides = array<i32>} : memref<6144xf32, #tpu.memory_space<vmem>>, vector<16xf32>,
              %get3A_728 = arith.index_cast %add3A_711 : i32 to index
              %get3A_729 = tpu.vector_load %arg15[%get3A_728] {strides = array<i32>} : memref<6144xf32, #tpu.memory_space<vmem>>, vector<16xf32>,
              %get3A_730 = vector.shape_cast %get3A_729 : vector<16xf32> to vector<16xf32>
              %max3A_731 = arith.maximumf %get3A_730, %while3A_495#43 : vector<16xf32>
              %swap3A_732 = arith.index_cast %add3A_711 : i32 to index
              %swap3A_733 = tpu.vector_load %arg15[%swap3A_732] {strides = array<i32>} : memref<6144xf32, #tpu.memory_space<vmem>>, vector<16xf32>,
              %swap3A_734 = vector.shape_cast %swap3A_733 : vector<16xf32> to vector<16xf32>
              %swap3A_735 = vector.shape_cast %max3A_731 : vector<16xf32> to vector<16xf32>
              tpu.vector_store %arg15[%swap3A_732], %swap3A_735 {strides = array<i32>} : memref<6144xf32, #tpu.memory_space<vmem>>, vector<16xf32>,
              %mul3A_736 = arith.constant 384 : i32
              %mul3A_737 = arith.muli %scan3A_99, %mul3A_736 : i32
              %add3A_738 = arith.constant 192 : i32
              %add3A_739 = arith.addi %mul3A_737, %add3A_738 : i32
              %add3A_740 = arith.constant 128 : i32
              %add3A_741 = arith.addi %add3A_739, %add3A_740 : i32
              %swap3A_742 = arith.index_cast %add3A_741 : i32 to index
              %swap3A_743 = tpu.vector_load %arg12[%swap3A_742] {strides = array<i32>} : memref<6144xf32, #tpu.memory_space<vmem>>, vector<16xf32>,
              %swap3A_744 = vector.shape_cast %swap3A_743 : vector<16xf32> to vector<16xf32>
              %swap3A_745 = vector.shape_cast %while3A_495#8 : vector<16xf32> to vector<16xf32>
              tpu.vector_store %arg12[%swap3A_742], %swap3A_745 {add = true, strides = array<i32>} : memref<6144xf32, #tpu.memory_space<vmem>>, vector<16xf32>,
              %swap3A_746 = arith.index_cast %add3A_741 : i32 to index
              %swap3A_747 = tpu.vector_load %arg13[%swap3A_746] {strides = array<i32>} : memref<6144xf32, #tpu.memory_space<vmem>>, vector<16xf32>,
              %swap3A_748 = vector.shape_cast %swap3A_747 : vector<16xf32> to vector<16xf32>
              %swap3A_749 = vector.shape_cast %while3A_495#20 : vector<16xf32> to vector<16xf32>
              tpu.vector_store %arg13[%swap3A_746], %swap3A_749 {add = true, strides = array<i32>} : memref<6144xf32, #tpu.memory_space<vmem>>, vector<16xf32>,
              %get3A_750 = arith.index_cast %add3A_741 : i32 to index
              %get3A_751 = tpu.vector_load %arg14[%get3A_750] {strides = array<i32>} : memref<6144xf32, #tpu.memory_space<vmem>>, vector<16xf32>,
              %get3A_752 = vector.shape_cast %get3A_751 : vector<16xf32> to vector<16xf32>
              %min3A_753 = arith.minimumf %get3A_752, %while3A_495#32 : vector<16xf32>
              %swap3A_754 = arith.index_cast %add3A_741 : i32 to index
              %swap3A_755 = tpu.vector_load %arg14[%swap3A_754] {strides = array<i32>} : memref<6144xf32, #tpu.memory_space<vmem>>, vector<16xf32>,
              %swap3A_756 = vector.shape_cast %swap3A_755 : vector<16xf32> to vector<16xf32>
              %swap3A_757 = vector.shape_cast %min3A_753 : vector<16xf32> to vector<16xf32>
              tpu.vector_store %arg14[%swap3A_754], %swap3A_757 {strides = array<i32>} : memref<6144xf32, #tpu.memory_space<vmem>>, vector<16xf32>,
              %get3A_758 = arith.index_cast %add3A_741 : i32 to index
              %get3A_759 = tpu.vector_load %arg15[%get3A_758] {strides = array<i32>} : memref<6144xf32, #tpu.memory_space<vmem>>, vector<16xf32>,
              %get3A_760 = vector.shape_cast %get3A_759 : vector<16xf32> to vector<16xf32>
              %max3A_761 = arith.maximumf %get3A_760, %while3A_495#44 : vector<16xf32>
              %swap3A_762 = arith.index_cast %add3A_741 : i32 to index
              %swap3A_763 = tpu.vector_load %arg15[%swap3A_762] {strides = array<i32>} : memref<6144xf32, #tpu.memory_space<vmem>>, vector<16xf32>,
              %swap3A_764 = vector.shape_cast %swap3A_763 : vector<16xf32> to vector<16xf32>
              %swap3A_765 = vector.shape_cast %max3A_761 : vector<16xf32> to vector<16xf32>
              tpu.vector_store %arg15[%swap3A_762], %swap3A_765 {strides = array<i32>} : memref<6144xf32, #tpu.memory_space<vmem>>, vector<16xf32>,
              %mul3A_766 = arith.constant 384 : i32
              %mul3A_767 = arith.muli %scan3A_99, %mul3A_766 : i32
              %add3A_768 = arith.constant 192 : i32
              %add3A_769 = arith.addi %mul3A_767, %add3A_768 : i32
              %add3A_770 = arith.constant 144 : i32
              %add3A_771 = arith.addi %add3A_769, %add3A_770 : i32
              %swap3A_772 = arith.index_cast %add3A_771 : i32 to index
              %swap3A_773 = tpu.vector_load %arg12[%swap3A_772] {strides = array<i32>} : memref<6144xf32, #tpu.memory_space<vmem>>, vector<16xf32>,
              %swap3A_774 = vector.shape_cast %swap3A_773 : vector<16xf32> to vector<16xf32>
              %swap3A_775 = vector.shape_cast %while3A_495#9 : vector<16xf32> to vector<16xf32>
              tpu.vector_store %arg12[%swap3A_772], %swap3A_775 {add = true, strides = array<i32>} : memref<6144xf32, #tpu.memory_space<vmem>>, vector<16xf32>,
              %swap3A_776 = arith.index_cast %add3A_771 : i32 to index
              %swap3A_777 = tpu.vector_load %arg13[%swap3A_776] {strides = array<i32>} : memref<6144xf32, #tpu.memory_space<vmem>>, vector<16xf32>,
              %swap3A_778 = vector.shape_cast %swap3A_777 : vector<16xf32> to vector<16xf32>
              %swap3A_779 = vector.shape_cast %while3A_495#21 : vector<16xf32> to vector<16xf32>
              tpu.vector_store %arg13[%swap3A_776], %swap3A_779 {add = true, strides = array<i32>} : memref<6144xf32, #tpu.memory_space<vmem>>, vector<16xf32>,
              %get3A_780 = arith.index_cast %add3A_771 : i32 to index
              %get3A_781 = tpu.vector_load %arg14[%get3A_780] {strides = array<i32>} : memref<6144xf32, #tpu.memory_space<vmem>>, vector<16xf32>,
              %get3A_782 = vector.shape_cast %get3A_781 : vector<16xf32> to vector<16xf32>
              %min3A_783 = arith.minimumf %get3A_782, %while3A_495#33 : vector<16xf32>
              %swap3A_784 = arith.index_cast %add3A_771 : i32 to index
              %swap3A_785 = tpu.vector_load %arg14[%swap3A_784] {strides = array<i32>} : memref<6144xf32, #tpu.memory_space<vmem>>, vector<16xf32>,
              %swap3A_786 = vector.shape_cast %swap3A_785 : vector<16xf32> to vector<16xf32>
              %swap3A_787 = vector.shape_cast %min3A_783 : vector<16xf32> to vector<16xf32>
              tpu.vector_store %arg14[%swap3A_784], %swap3A_787 {strides = array<i32>} : memref<6144xf32, #tpu.memory_space<vmem>>, vector<16xf32>,
              %get3A_788 = arith.index_cast %add3A_771 : i32 to index
              %get3A_789 = tpu.vector_load %arg15[%get3A_788] {strides = array<i32>} : memref<6144xf32, #tpu.memory_space<vmem>>, vector<16xf32>,
              %get3A_790 = vector.shape_cast %get3A_789 : vector<16xf32> to vector<16xf32>
              %max3A_791 = arith.maximumf %get3A_790, %while3A_495#45 : vector<16xf32>
              %swap3A_792 = arith.index_cast %add3A_771 : i32 to index
              %swap3A_793 = tpu.vector_load %arg15[%swap3A_792] {strides = array<i32>} : memref<6144xf32, #tpu.memory_space<vmem>>, vector<16xf32>,
              %swap3A_794 = vector.shape_cast %swap3A_793 : vector<16xf32> to vector<16xf32>
              %swap3A_795 = vector.shape_cast %max3A_791 : vector<16xf32> to vector<16xf32>
              tpu.vector_store %arg15[%swap3A_792], %swap3A_795 {strides = array<i32>} : memref<6144xf32, #tpu.memory_space<vmem>>, vector<16xf32>,
              %mul3A_796 = arith.constant 384 : i32
              %mul3A_797 = arith.muli %scan3A_99, %mul3A_796 : i32
              %add3A_798 = arith.constant 192 : i32
              %add3A_799 = arith.addi %mul3A_797, %add3A_798 : i32
              %add3A_800 = arith.constant 160 : i32
              %add3A_801 = arith.addi %add3A_799, %add3A_800 : i32
              %swap3A_802 = arith.index_cast %add3A_801 : i32 to index
              %swap3A_803 = tpu.vector_load %arg12[%swap3A_802] {strides = array<i32>} : memref<6144xf32, #tpu.memory_space<vmem>>, vector<16xf32>,
              %swap3A_804 = vector.shape_cast %swap3A_803 : vector<16xf32> to vector<16xf32>
              %swap3A_805 = vector.shape_cast %while3A_495#10 : vector<16xf32> to vector<16xf32>
              tpu.vector_store %arg12[%swap3A_802], %swap3A_805 {add = true, strides = array<i32>} : memref<6144xf32, #tpu.memory_space<vmem>>, vector<16xf32>,
              %swap3A_806 = arith.index_cast %add3A_801 : i32 to index
              %swap3A_807 = tpu.vector_load %arg13[%swap3A_806] {strides = array<i32>} : memref<6144xf32, #tpu.memory_space<vmem>>, vector<16xf32>,
              %swap3A_808 = vector.shape_cast %swap3A_807 : vector<16xf32> to vector<16xf32>
              %swap3A_809 = vector.shape_cast %while3A_495#22 : vector<16xf32> to vector<16xf32>
              tpu.vector_store %arg13[%swap3A_806], %swap3A_809 {add = true, strides = array<i32>} : memref<6144xf32, #tpu.memory_space<vmem>>, vector<16xf32>,
              %get3A_810 = arith.index_cast %add3A_801 : i32 to index
              %get3A_811 = tpu.vector_load %arg14[%get3A_810] {strides = array<i32>} : memref<6144xf32, #tpu.memory_space<vmem>>, vector<16xf32>,
              %get3A_812 = vector.shape_cast %get3A_811 : vector<16xf32> to vector<16xf32>
              %min3A_813 = arith.minimumf %get3A_812, %while3A_495#34 : vector<16xf32>
              %swap3A_814 = arith.index_cast %add3A_801 : i32 to index
              %swap3A_815 = tpu.vector_load %arg14[%swap3A_814] {strides = array<i32>} : memref<6144xf32, #tpu.memory_space<vmem>>, vector<16xf32>,
              %swap3A_816 = vector.shape_cast %swap3A_815 : vector<16xf32> to vector<16xf32>
              %swap3A_817 = vector.shape_cast %min3A_813 : vector<16xf32> to vector<16xf32>
              tpu.vector_store %arg14[%swap3A_814], %swap3A_817 {strides = array<i32>} : memref<6144xf32, #tpu.memory_space<vmem>>, vector<16xf32>,
              %get3A_818 = arith.index_cast %add3A_801 : i32 to index
              %get3A_819 = tpu.vector_load %arg15[%get3A_818] {strides = array<i32>} : memref<6144xf32, #tpu.memory_space<vmem>>, vector<16xf32>,
              %get3A_820 = vector.shape_cast %get3A_819 : vector<16xf32> to vector<16xf32>
              %max3A_821 = arith.maximumf %get3A_820, %while3A_495#46 : vector<16xf32>
              %swap3A_822 = arith.index_cast %add3A_801 : i32 to index
              %swap3A_823 = tpu.vector_load %arg15[%swap3A_822] {strides = array<i32>} : memref<6144xf32, #tpu.memory_space<vmem>>, vector<16xf32>,
              %swap3A_824 = vector.shape_cast %swap3A_823 : vector<16xf32> to vector<16xf32>
              %swap3A_825 = vector.shape_cast %max3A_821 : vector<16xf32> to vector<16xf32>
              tpu.vector_store %arg15[%swap3A_822], %swap3A_825 {strides = array<i32>} : memref<6144xf32, #tpu.memory_space<vmem>>, vector<16xf32>,
              %mul3A_826 = arith.constant 384 : i32
              %mul3A_827 = arith.muli %scan3A_99, %mul3A_826 : i32
              %add3A_828 = arith.constant 192 : i32
              %add3A_829 = arith.addi %mul3A_827, %add3A_828 : i32
              %add3A_830 = arith.constant 176 : i32
              %add3A_831 = arith.addi %add3A_829, %add3A_830 : i32
              %swap3A_832 = arith.index_cast %add3A_831 : i32 to index
              %swap3A_833 = tpu.vector_load %arg12[%swap3A_832] {strides = array<i32>} : memref<6144xf32, #tpu.memory_space<vmem>>, vector<16xf32>,
              %swap3A_834 = vector.shape_cast %swap3A_833 : vector<16xf32> to vector<16xf32>
              %swap3A_835 = vector.shape_cast %while3A_495#11 : vector<16xf32> to vector<16xf32>
              tpu.vector_store %arg12[%swap3A_832], %swap3A_835 {add = true, strides = array<i32>} : memref<6144xf32, #tpu.memory_space<vmem>>, vector<16xf32>,
              %swap3A_836 = arith.index_cast %add3A_831 : i32 to index
              %swap3A_837 = tpu.vector_load %arg13[%swap3A_836] {strides = array<i32>} : memref<6144xf32, #tpu.memory_space<vmem>>, vector<16xf32>,
              %swap3A_838 = vector.shape_cast %swap3A_837 : vector<16xf32> to vector<16xf32>
              %swap3A_839 = vector.shape_cast %while3A_495#23 : vector<16xf32> to vector<16xf32>
              tpu.vector_store %arg13[%swap3A_836], %swap3A_839 {add = true, strides = array<i32>} : memref<6144xf32, #tpu.memory_space<vmem>>, vector<16xf32>,
              %get3A_840 = arith.index_cast %add3A_831 : i32 to index
              %get3A_841 = tpu.vector_load %arg14[%get3A_840] {strides = array<i32>} : memref<6144xf32, #tpu.memory_space<vmem>>, vector<16xf32>,
              %get3A_842 = vector.shape_cast %get3A_841 : vector<16xf32> to vector<16xf32>
              %min3A_843 = arith.minimumf %get3A_842, %while3A_495#35 : vector<16xf32>
              %swap3A_844 = arith.index_cast %add3A_831 : i32 to index
              %swap3A_845 = tpu.vector_load %arg14[%swap3A_844] {strides = array<i32>} : memref<6144xf32, #tpu.memory_space<vmem>>, vector<16xf32>,
              %swap3A_846 = vector.shape_cast %swap3A_845 : vector<16xf32> to vector<16xf32>
              %swap3A_847 = vector.shape_cast %min3A_843 : vector<16xf32> to vector<16xf32>
              tpu.vector_store %arg14[%swap3A_844], %swap3A_847 {strides = array<i32>} : memref<6144xf32, #tpu.memory_space<vmem>>, vector<16xf32>,
              %get3A_848 = arith.index_cast %add3A_831 : i32 to index
              %get3A_849 = tpu.vector_load %arg15[%get3A_848] {strides = array<i32>} : memref<6144xf32, #tpu.memory_space<vmem>>, vector<16xf32>,
              %get3A_850 = vector.shape_cast %get3A_849 : vector<16xf32> to vector<16xf32>
              %max3A_851 = arith.maximumf %get3A_850, %while3A_495#47 : vector<16xf32>
              %swap3A_852 = arith.index_cast %add3A_831 : i32 to index
              %swap3A_853 = tpu.vector_load %arg15[%swap3A_852] {strides = array<i32>} : memref<6144xf32, #tpu.memory_space<vmem>>, vector<16xf32>,
              %swap3A_854 = vector.shape_cast %swap3A_853 : vector<16xf32> to vector<16xf32>
              %swap3A_855 = vector.shape_cast %max3A_851 : vector<16xf32> to vector<16xf32>
              tpu.vector_store %arg15[%swap3A_852], %swap3A_855 {strides = array<i32>} : memref<6144xf32, #tpu.memory_space<vmem>>, vector<16xf32>,
            } else {
            }
            %scan3A_116 = arith.constant 0 : i32
            scf.yield %scan3A_116 : i32
          }
          %scan3A_97 = arith.constant 16 : i32
          %while3A_98 = arith.constant 0 : i32
          scf.yield %while3A_98 : i32
        }
        %mul3A_78 = arith.constant 16 : i32
        %mul3A_79 = arith.muli %mul3A_78, %add3A_17 : i32
        %mul3A_80 = arith.constant 384 : i32
        %mul3A_81 = arith.muli %mul3A_79, %mul3A_80 : i32
        "tpu.region"() ({
          %run_scoped3A = tpu.sem_alloc : memref<!tpu.dma_semaphore, #tpu.memory_space<semaphore_mem>>
          %dma_start3A = arith.constant 0 : i32
          %dma_start3A_82 = tpu.memref_slice %arg12[%dma_start3A] : memref<6144xf32, #tpu.memory_space<vmem>> -> memref<6144xf32, #tpu.memory_space<vmem>>
          %dma_start3A_83 = tpu.memref_slice %arg5[%mul3A_81] : memref<3840000xf32, #tpu.memory_space<hbm>> -> memref<6144xf32, #tpu.memory_space<hbm>>
          %dma_start3A_84 = tpu.memref_slice %arg5[%mul3A_81] : memref<3840000xf32, #tpu.memory_space<hbm>> -> memref<6144xf32, #tpu.memory_space<hbm>>
          %dma_start3A_85 = arith.constant 0 : i32
          %dma_start3A_86 = tpu.memref_slice %arg12[%dma_start3A_85] : memref<6144xf32, #tpu.memory_space<vmem>> -> memref<6144xf32, #tpu.memory_space<vmem>>
          tpu.enqueue_dma source(%dma_start3A_86 : memref<6144xf32, #tpu.memory_space<vmem>>) target(%dma_start3A_84 : memref<6144xf32, #tpu.memory_space<hbm>>) target_semaphore(%run_scoped3A : memref<!tpu.dma_semaphore, #tpu.memory_space<semaphore_mem>>)
          %dma_wait3A = arith.constant 0 : i32
          %dma_wait3A_87 = tpu.memref_slice %arg12[%dma_wait3A] : memref<6144xf32, #tpu.memory_space<vmem>> -> memref<6144xf32, #tpu.memory_space<vmem>>
          %dma_wait3A_88 = tpu.memref_slice %arg5[%mul3A_81] : memref<3840000xf32, #tpu.memory_space<hbm>> -> memref<6144xf32, #tpu.memory_space<hbm>>
          %dma_wait3A_89 = tpu.memref_slice %arg5[%mul3A_81] : memref<3840000xf32, #tpu.memory_space<hbm>> -> memref<6144xf32, #tpu.memory_space<hbm>>
          %dma_wait3A_90 = arith.constant 0 : i32
          %dma_wait3A_91 = tpu.memref_slice %arg12[%dma_wait3A_90] : memref<6144xf32, #tpu.memory_space<vmem>> -> memref<6144xf32, #tpu.memory_space<vmem>>
          tpu.wait_dma2 semaphore(%run_scoped3A : memref<!tpu.dma_semaphore, #tpu.memory_space<semaphore_mem>>) src(%dma_wait3A_91 : memref<6144xf32, #tpu.memory_space<vmem>>) dst(%dma_wait3A_89 : memref<6144xf32, #tpu.memory_space<hbm>>)
          tpu.yield
        }) : () -> ()
        "tpu.region"() ({
          %run_scoped3A = tpu.sem_alloc : memref<!tpu.dma_semaphore, #tpu.memory_space<semaphore_mem>>
          %dma_start3A = arith.constant 0 : i32
          %dma_start3A_82 = tpu.memref_slice %arg13[%dma_start3A] : memref<6144xf32, #tpu.memory_space<vmem>> -> memref<6144xf32, #tpu.memory_space<vmem>>
          %dma_start3A_83 = tpu.memref_slice %arg6[%mul3A_81] : memref<3840000xf32, #tpu.memory_space<hbm>> -> memref<6144xf32, #tpu.memory_space<hbm>>
          %dma_start3A_84 = tpu.memref_slice %arg6[%mul3A_81] : memref<3840000xf32, #tpu.memory_space<hbm>> -> memref<6144xf32, #tpu.memory_space<hbm>>
          %dma_start3A_85 = arith.constant 0 : i32
          %dma_start3A_86 = tpu.memref_slice %arg13[%dma_start3A_85] : memref<6144xf32, #tpu.memory_space<vmem>> -> memref<6144xf32, #tpu.memory_space<vmem>>
          tpu.enqueue_dma source(%dma_start3A_86 : memref<6144xf32, #tpu.memory_space<vmem>>) target(%dma_start3A_84 : memref<6144xf32, #tpu.memory_space<hbm>>) target_semaphore(%run_scoped3A : memref<!tpu.dma_semaphore, #tpu.memory_space<semaphore_mem>>)
          %dma_wait3A = arith.constant 0 : i32
          %dma_wait3A_87 = tpu.memref_slice %arg13[%dma_wait3A] : memref<6144xf32, #tpu.memory_space<vmem>> -> memref<6144xf32, #tpu.memory_space<vmem>>
          %dma_wait3A_88 = tpu.memref_slice %arg6[%mul3A_81] : memref<3840000xf32, #tpu.memory_space<hbm>> -> memref<6144xf32, #tpu.memory_space<hbm>>
          %dma_wait3A_89 = tpu.memref_slice %arg6[%mul3A_81] : memref<3840000xf32, #tpu.memory_space<hbm>> -> memref<6144xf32, #tpu.memory_space<hbm>>
          %dma_wait3A_90 = arith.constant 0 : i32
          %dma_wait3A_91 = tpu.memref_slice %arg13[%dma_wait3A_90] : memref<6144xf32, #tpu.memory_space<vmem>> -> memref<6144xf32, #tpu.memory_space<vmem>>
          tpu.wait_dma2 semaphore(%run_scoped3A : memref<!tpu.dma_semaphore, #tpu.memory_space<semaphore_mem>>) src(%dma_wait3A_91 : memref<6144xf32, #tpu.memory_space<vmem>>) dst(%dma_wait3A_89 : memref<6144xf32, #tpu.memory_space<hbm>>)
          tpu.yield
        }) : () -> ()
        "tpu.region"() ({
          %run_scoped3A = tpu.sem_alloc : memref<!tpu.dma_semaphore, #tpu.memory_space<semaphore_mem>>
          %dma_start3A = arith.constant 0 : i32
          %dma_start3A_82 = tpu.memref_slice %arg14[%dma_start3A] : memref<6144xf32, #tpu.memory_space<vmem>> -> memref<6144xf32, #tpu.memory_space<vmem>>
          %dma_start3A_83 = tpu.memref_slice %arg7[%mul3A_81] : memref<3840000xf32, #tpu.memory_space<hbm>> -> memref<6144xf32, #tpu.memory_space<hbm>>
          %dma_start3A_84 = tpu.memref_slice %arg7[%mul3A_81] : memref<3840000xf32, #tpu.memory_space<hbm>> -> memref<6144xf32, #tpu.memory_space<hbm>>
          %dma_start3A_85 = arith.constant 0 : i32
          %dma_start3A_86 = tpu.memref_slice %arg14[%dma_start3A_85] : memref<6144xf32, #tpu.memory_space<vmem>> -> memref<6144xf32, #tpu.memory_space<vmem>>
          tpu.enqueue_dma source(%dma_start3A_86 : memref<6144xf32, #tpu.memory_space<vmem>>) target(%dma_start3A_84 : memref<6144xf32, #tpu.memory_space<hbm>>) target_semaphore(%run_scoped3A : memref<!tpu.dma_semaphore, #tpu.memory_space<semaphore_mem>>)
          %dma_wait3A = arith.constant 0 : i32
          %dma_wait3A_87 = tpu.memref_slice %arg14[%dma_wait3A] : memref<6144xf32, #tpu.memory_space<vmem>> -> memref<6144xf32, #tpu.memory_space<vmem>>
          %dma_wait3A_88 = tpu.memref_slice %arg7[%mul3A_81] : memref<3840000xf32, #tpu.memory_space<hbm>> -> memref<6144xf32, #tpu.memory_space<hbm>>
          %dma_wait3A_89 = tpu.memref_slice %arg7[%mul3A_81] : memref<3840000xf32, #tpu.memory_space<hbm>> -> memref<6144xf32, #tpu.memory_space<hbm>>
          %dma_wait3A_90 = arith.constant 0 : i32
          %dma_wait3A_91 = tpu.memref_slice %arg14[%dma_wait3A_90] : memref<6144xf32, #tpu.memory_space<vmem>> -> memref<6144xf32, #tpu.memory_space<vmem>>
          tpu.wait_dma2 semaphore(%run_scoped3A : memref<!tpu.dma_semaphore, #tpu.memory_space<semaphore_mem>>) src(%dma_wait3A_91 : memref<6144xf32, #tpu.memory_space<vmem>>) dst(%dma_wait3A_89 : memref<6144xf32, #tpu.memory_space<hbm>>)
          tpu.yield
        }) : () -> ()
        "tpu.region"() ({
          %run_scoped3A = tpu.sem_alloc : memref<!tpu.dma_semaphore, #tpu.memory_space<semaphore_mem>>
          %dma_start3A = arith.constant 0 : i32
          %dma_start3A_82 = tpu.memref_slice %arg15[%dma_start3A] : memref<6144xf32, #tpu.memory_space<vmem>> -> memref<6144xf32, #tpu.memory_space<vmem>>
          %dma_start3A_83 = tpu.memref_slice %arg8[%mul3A_81] : memref<3840000xf32, #tpu.memory_space<hbm>> -> memref<6144xf32, #tpu.memory_space<hbm>>
          %dma_start3A_84 = tpu.memref_slice %arg8[%mul3A_81] : memref<3840000xf32, #tpu.memory_space<hbm>> -> memref<6144xf32, #tpu.memory_space<hbm>>
          %dma_start3A_85 = arith.constant 0 : i32
          %dma_start3A_86 = tpu.memref_slice %arg15[%dma_start3A_85] : memref<6144xf32, #tpu.memory_space<vmem>> -> memref<6144xf32, #tpu.memory_space<vmem>>
          tpu.enqueue_dma source(%dma_start3A_86 : memref<6144xf32, #tpu.memory_space<vmem>>) target(%dma_start3A_84 : memref<6144xf32, #tpu.memory_space<hbm>>) target_semaphore(%run_scoped3A : memref<!tpu.dma_semaphore, #tpu.memory_space<semaphore_mem>>)
          %dma_wait3A = arith.constant 0 : i32
          %dma_wait3A_87 = tpu.memref_slice %arg15[%dma_wait3A] : memref<6144xf32, #tpu.memory_space<vmem>> -> memref<6144xf32, #tpu.memory_space<vmem>>
          %dma_wait3A_88 = tpu.memref_slice %arg8[%mul3A_81] : memref<3840000xf32, #tpu.memory_space<hbm>> -> memref<6144xf32, #tpu.memory_space<hbm>>
          %dma_wait3A_89 = tpu.memref_slice %arg8[%mul3A_81] : memref<3840000xf32, #tpu.memory_space<hbm>> -> memref<6144xf32, #tpu.memory_space<hbm>>
          %dma_wait3A_90 = arith.constant 0 : i32
          %dma_wait3A_91 = tpu.memref_slice %arg15[%dma_wait3A_90] : memref<6144xf32, #tpu.memory_space<vmem>> -> memref<6144xf32, #tpu.memory_space<vmem>>
          tpu.wait_dma2 semaphore(%run_scoped3A : memref<!tpu.dma_semaphore, #tpu.memory_space<semaphore_mem>>) src(%dma_wait3A_91 : memref<6144xf32, #tpu.memory_space<vmem>>) dst(%dma_wait3A_89 : memref<6144xf32, #tpu.memory_space<hbm>>)
          tpu.yield
        }) : () -> ()
      } else {
      }
      %scan3A_20 = arith.constant 0 : i32
      scf.yield %scan3A_20 : i32
    }
    %scan3A_12 = arith.constant 20 : i32
    return
  }
}

</mosaic_0001>

<sc_bundles>
// kernel: _seg_reduce.3.cloned.1.call-start
scs
__scs_entry_jumppad:
0x0: {  	(pc) =	sbr.rel $0x88, $3  }
0x1: {  	(tag) =	ssettag $0x0;
	lr =	simm.s32 $0x1  }
0x2: {  	[smem:$0x3F9E] =	sst lr;
	_ =	strace $0xD0000000  }
0x3: {  	_ = 	snop  }
0x4: {  	_ = 	snop  }
0x5: {  	_ = 	snop  }
0x6: {  	_ = 	snop  }
0x7: {  	_ = 	snop  }
__scs_overlays_trampoline_lowered:
0x8: {  	[smem:$0x3FAD] =	sst s0  }
0x9: {  	[smem:$0x3FAE] =	sst s1  }
0xa: {  	[smem:$0x3FAF] =	sst s2  }
0xb: {  	[smem:$0x3FB0] =	sst s3  }
0xc: {  	[smem:$0x3FB1] =	sst s4  }
0xd: {  	[smem:$0x3FB2] =	sst s5  }
0xe: {  	[smem:$0x3FB3] =	sst s6  }
0xf: {  	[smem:$0x3FB4] =	sst s7  }
0x10: {  	[smem:$0x3FB5] =	sst s8  }
0x11: {  	[smem:$0x3FB6] =	sst s9;
	s0 =	simm.s32 @!p0 $0x0  }
0x12: {  	s1 =	sld [smem:$0x3F9C];
	s0 =	simm.s32 @p0 $0x1  }
0x13: {  	[smem:$0x3FB7] =	sst s0;
	s0 =	simm.s32 @!p1 $0x0  }
0x14: {  	s2 =	sld [smem:$0x3F9B];
	s0 =	simm.s32 @p1 $0x1  }
0x15: {  	[smem:$0x3FB8] =	sst s0;
	s0 =	simm.s32 @!p2 $0x0  }
0x16: {  	s3 =	sld [smem:$0x3FDB];
	s0 =	simm.s32 @p2 $0x1  }
0x17: {  	s4 =	simm.s32 $0x1BF5;
	[smem:$0x3FBA] =	sst s0  }
0x18: {  	s0 =	sld [smem:$0x3F9D];
	_ =	swait.ge [sflag:s4], $0x0  }
0x19: {  	s7 =	sld [smem:$0x3F9E]  }
0x1a: {  	s8 =	sadd.s32 $0xFFFFE003, lr  }
0x1b: {  	s9 =	sadd.s32 $0xFFFFFEF7, lr;
	s5 =	simm.s32 $0xFFFFFFFF;
	p2 =	slt.u32 s8, $0xFFFFF086  }
0x1c: {  	p1 =	slt.u32 s9, $0xF7A;
	s5 =	simm.s32 @!p2 $0x0  }
0x1d: {  	s5 =	simm.s32 @p1 $0x1;
	p0 =	seq.s32 s7, s2  }
0x1e: {  	s7 =	smul.u32 @!p0 $0xF7A, s2;
	p2 =	seq.s32 @!p0 s5, $0x0  }
0x1f: {  	s9 =	smul.u32 $0xF7A, s1;
	s8 =	simm.s32 @!p0 $0x1BF5;
	p2 =	por !p2, p0  }
0x20: {  	[sflag:s8] =	ssyncset.s32 @!p0 $0xFFFFF086;
	s6 =	sadd.s32 @!p0 s3, s7;
	s7 =	simm.s32 @!p0 $0x108  }
0x21: {  	s3 =	sadd.s32 s3, s9;
	s6 =	sadd.s32 @!p0 $0x88, s6;
	s7 =	simm.s32 @p2 $0x1082  }
0x22: {  	[simem:s7], [sflag:s8] =	dma.local @!p0 [hbm:s6], $0xF7A  }
0x23: {  	s9 =	sor.u32 $0xD0000000, s2;
	s6 =	simm.s32 $0x108;
	_ =	swait.ge @!p0 [sflag:s8], $0x0  }
0x24: {  	s3 =	sadd.s32 $0x88, s3;
	s6 =	simm.s32 @!p1 $0x1082;
	[sflag:s4] =	ssyncset.s32 $0xFFFFF086  }
0x25: {  	[simem:s6], [sflag:s4] =	dma.local [hbm:s3], $0xF7A  }
0x26: {  	[smem:$0x3F9E] =	sst s1;
	(tag) =	ssettag s2;
	_ =	strace s9  }
0x27: {  	s1 =	sld [smem:$0x3FAE]  }
0x28: {  	s2 =	sld [smem:$0x3FAF]  }
0x29: {  	s4 =	sld [smem:$0x3FB1]  }
0x2a: {  	p0 =	seq.s32 s5, $0x0;
	s5 =	sld [smem:$0x3FB2]  }
0x2b: {  	s6 =	sld [smem:$0x3FB3]  }
0x2c: {  	s7 =	sld [smem:$0x3FB4]  }
0x2d: {  	s3 =	simm.s32 $0x108;
	s8 =	sld [smem:$0x3FB5]  }
0x2e: {  	s3 =	simm.s32 @!p0 $0x1082;
	s9 =	sld [smem:$0x3FB6]  }
0x2f: {  	lr =	sadd.s32 s0, s3;
	s0 =	sld [smem:$0x3FAD]  }
0x30: {  	s3 =	sld [smem:$0x3FB0]  }
0x31: {  	[smem:$0x3FB9] =	sst s10  }
0x32: {  	s10 =	sld [smem:$0x3FB7];
	_ =	sdelay $0x3  }
0x33: {  	p0 =	seq.s32 s10, $0x1;
	s10 =	sld [smem:$0x3FB9];
	_ =	sdelay $0x3  }
0x34: {  	[smem:$0x3FB9] =	sst s10  }
0x35: {  	s10 =	sld [smem:$0x3FB8];
	_ =	sdelay $0x3  }
0x36: {  	p1 =	seq.s32 s10, $0x1;
	s10 =	sld [smem:$0x3FB9];
	_ =	sdelay $0x3  }
0x37: {  	[smem:$0x3FB9] =	sst s10  }
0x38: {  	s10 =	sld [smem:$0x3FBA]  }
0x39: {  	_ = 	snop;
	(pc) =	sbr.ind lr, $3  }
0x3a: {  	_ = 	snop  }
0x3b: {  	_ = 	snop  }
0x3c: {  	p2 =	seq.s32 s10, $0x1;
	s10 =	sld [smem:$0x3FB9]  }
0x3d: {  	_ =	shalt  }
0x3e: {  	_ =	shalt  }
0x3f: {  	_ =	shalt  }
0x40: {  	_ =	shalt  }
0x41: {  	_ =	shalt  }
0x42: {  	_ =	shalt  }
0x43: {  	_ =	shalt  }
0x44: {  	_ =	shalt  }
0x45: {  	_ =	shalt  }
0x46: {  	_ =	shalt  }
0x47: {  	_ =	shalt  }
0x48: {  	_ =	shalt  }
0x49: {  	_ =	shalt  }
0x4a: {  	_ =	shalt  }
0x4b: {  	_ =	shalt  }
0x4c: {  	_ =	shalt  }
0x4d: {  	_ =	shalt  }
0x4e: {  	_ =	shalt  }
0x4f: {  	_ =	shalt  }
0x50: {  	_ =	shalt  }
0x51: {  	_ =	shalt  }
0x52: {  	_ =	shalt  }
0x53: {  	_ =	shalt  }
0x54: {  	_ =	shalt  }
0x55: {  	_ =	shalt  }
0x56: {  	_ =	shalt  }
0x57: {  	_ =	shalt  }
0x58: {  	_ =	shalt  }
0x59: {  	_ =	shalt  }
0x5a: {  	_ =	shalt  }
0x5b: {  	_ =	shalt  }
0x5c: {  	_ =	shalt  }
0x5d: {  	_ =	shalt  }
0x5e: {  	_ =	shalt  }
0x5f: {  	_ =	shalt  }
0x60: {  	_ =	shalt  }
0x61: {  	_ =	shalt  }
0x62: {  	_ =	shalt  }
0x63: {  	_ =	shalt  }
0x64: {  	_ =	shalt  }
0x65: {  	_ =	shalt  }
0x66: {  	_ =	shalt  }
0x67: {  	_ =	shalt  }
0x68: {  	_ =	shalt  }
0x69: {  	_ =	shalt  }
0x6a: {  	_ =	shalt  }
0x6b: {  	_ =	shalt  }
0x6c: {  	_ =	shalt  }
0x6d: {  	_ =	shalt  }
0x6e: {  	_ =	shalt  }
0x6f: {  	_ =	shalt  }
0x70: {  	_ =	shalt  }
0x71: {  	_ =	shalt  }
0x72: {  	_ =	shalt  }
0x73: {  	_ =	shalt  }
0x74: {  	_ =	shalt  }
0x75: {  	_ =	shalt  }
0x76: {  	_ =	shalt  }
0x77: {  	_ =	shalt  }
0x78: {  	_ =	shalt  }
0x79: {  	_ =	shalt  }
0x7a: {  	_ =	shalt  }
0x7b: {  	_ =	shalt  }
0x7c: {  	_ =	shalt  }
0x7d: {  	_ =	shalt  }
0x7e: {  	_ =	shalt  }
0x7f: {  	_ =	shalt  }
0x80: {  	_ =	shalt  }
0x81: {  	_ =	shalt  }
0x82: {  	_ =	shalt  }
0x83: {  	_ =	shalt  }
0x84: {  	_ =	shalt  }
0x85: {  	_ =	shalt  }
0x86: {  	_ =	shalt  }
0x87: {  	_ =	shalt  }
.Lfunc_end0:
.L_simem_size_0:
called_computation_lowered:
.L_overlay_start_0:
0x88: {  	s2 =	sld [smem:$0x3FD9]  }
0x89: {  	s3 =	sld [smem:$0x3FFE];
	_ =	sdelay $0x1  }
0x8a: {  	s1 =	srdreg.scid  }
0x8b: {  	s0 =	sand.u32 $0x1, s1  }
0x8c: {  	s14 =	sshll.u32 s0, $0xA;
	s2 =	sadd.s32 s3, s2  }
0x8d: {  	s2 =	sadd.s32 s2, s14  }
0x8e: {  	[smem:$0x3FC5] =	sst s2  }
0x8f: {  	_ = 	snop  }
0x90: {  	s2 =	sld [smem:$0x3FD0]  }
0x91: {  	s15 =	sld [smem:$0x3FC9]  }
0x92: {  	s4 =	sld [smem:$0x3FC8]  }
0x93: {  	s6 =	simm.s32 $0xA;
	s7 =	simm.s32 $0x10;
	s5 =	sld [smem:$0x3FC7]  }
0x94: {  	[smem:s7], [sflag:s6] =	dma.local [hbm:s2], $0x1  }
0x95: {  	_ =	swait.eq [sflag:s6], $0x1  }
0x96: {  	[sflag:s6] =	ssyncset.done $0x0  }
0x97: {  	s16 =	sld [smem:$0x12];
	[sflag:s6] =	ssyncadd.s32 $0xFFFFFFFF  }
0x98: {  	s17 =	sld [smem:$0x13];
	(tm) =	ssettm $0x1  }
0x99: {  	s18 =	sld [smem:$0x3FFB];
	_ =	sdelay $0x3  }
0x9a: {  	_ =	strace s18  }
0x9b: {  	s7 =	sld [smem:$0x3FFC];
	_ =	sdelay $0x3  }
0x9c: {  	_ =	strace s7  }
0x9d: {  	s7 =	sld [smem:$0x3FFD];
	_ =	sdelay $0x3  }
0x9e: {  	_ =	strace s7  }
0x9f: {  	_ =	strace $0x8FFFFFFF  }
0xa0: {  	s19 =	sld [smem:$0x3FDB];
	_ =	sdelay $0x1  }
0xa1: {  	s8 =	simm.s32 $_scs_section_size  }
0xa2: {  	s9 =	simm.s32 $_size__tile_overlayer_lowered;
	s10 =	simm.s32 $_tile_overlayer_lowered  }
0xa3: {  	s22 =	simm.s32 $0x1BFF;
	s21 =	sshll.u32 s10, $0x1;
	s7 =	sadd.s32 s8, s19  }
0xa4: {  	s11 =	simm.s32 $0x0;
	s20 =	sshll.u32 s9, $0x1;
	s9 =	sadd.s32 s21, s7  }
0xa5: {  	[timem:s11], [sflag:s22] =	dma.local [hbm:s9], s20  }
0xa6: {  	_ =	swait.ge [sflag:s22], s20  }
0xa7: {  	s8 =	ssub.s32 $0x0, s20;
	[sflag:s22] =	ssyncset.done $0x0  }
0xa8: {  	[sflag:s22] =	ssyncadd.s32 s8;
	_ =	sdelay $0x1  }
0xa9: {  	s23 =	simm.s32 $0x1B8B  }
0xaa: {  	_ =	swait.ge [sflag:s23], $0x1  }
0xab: {  	[sflag:s23] =	ssyncset.done $0x0  }
0xac: {  	s25 =	simm.s32 $0x1B8E;
	s24 =	sld [smem:$0x3FFE];
	[sflag:s23] =	ssyncadd.s32 $0xFFFFFFFF  }
0xad: {  	s26 =	simm.s32 $execute0_lowered;
	[smem:$0x3FD2] =	sst s25  }
0xae: {  	s9 =	sshll.u32 s26, $0x1;
	_ =	strace $0x80000046;
	[dreg:$0x1] =	wrdreg $0xFFFFFFFF  }
0xaf: {  	s28 =	simm.s32 $_size_execute0_lowered;
	s7 =	sadd.s32 s7, s9;
	[dreg:$0x0] =	wrdreg $0x0  }
0xb0: {  	s9 =	sshll.u32 s28, $0x1;
	[dreg:$0x2] =	wrdreg s7  }
0xb1: {  	[dreg:$0x3] =	wrdreg s9  }
0xb2: {  	[dreg:$0x4] =	wrdreg $0xC0  }
0xb3: {  	_ =	task [dreg:s11], $0x5FFFF  }
0xb4: {  	[dreg:$0x1] =	wrdreg $0xFFFFFFFF  }
0xb5: {  	[dreg:$0x0] =	wrdreg $0x60  }
0xb6: {  	[dreg:$0x2] =	wrdreg s15  }
0xb7: {  	[dreg:$0x3] =	wrdreg s4  }
0xb8: {  	[dreg:$0x4] =	wrdreg s5  }
0xb9: {  	[dreg:$0x5] =	wrdreg s17  }
0xba: {  	[dreg:$0x6] =	wrdreg s16  }
0xbb: {  	[dreg:$0x7] =	wrdreg s24  }
0xbc: {  	[dreg:$0x8] =	wrdreg $0x9  }
0xbd: {  	_ =	task.clear_ibuf [dreg:s11], $0x9FFFF;
	_ =	strace $0x90000046  }
0xbe: {  	s29 =	simm.s32 $0x9;
	_ =	strace $0x80000048  }
0xbf: {  	_ =	swait.ge [sflag:s29], $0x1  }
0xc0: {  	[sflag:s29] =	ssyncadd.s32 $0xFFFFFFFF  }
0xc1: {  	_ =	strace $0x90000048  }
0xc2: {  	_ =	sfence  }
0xc3: {  	s30 =	sld [smem:$0x0];
	_ =	sdelay $0x2  }
0xc4: {  	s31 =	sshll.u32 s1, $0xD;
	s1 =	sshrl.u32 s1, $0x2  }
0xc5: {  	s3 =	sand.u32 $0x4000, s31;
	s1 =	sadd.s32 s1, s30  }
0xc6: {  	s0 =	sor.u32 s3, s0;
	s1 =	sshll.u32 s1, $0x11  }
0xc7: {  	s0 =	sor.u32 s1, s0  }
0xc8: {  	s0 =	sadd.s32 $0x8F2B, s0  }
0xc9: {  	[sflag:s0] =	ssyncadd.remote.s32 $0x1  }
0xca: {  	_ =	sfence.sel $0xFFFF  }
0xcb: {  	[dreg:$0x0] =	wrdreg $0xFFFFFFFF;
	(pc) =	sbr.abs _section_cstart, $3  }
0xcc: {  	[dreg:$0x1] =	wrdreg $0xFFFFFFFF  }
0xcd: {  	_ =	task.clear_ibuf [dreg:s11], $0x2FFFF;
	_ =	strace $0x9FFFFFFF  }
0xce: {  	(tm) =	ssettm $0x7FFFFFFF  }
0xcf: {  	_ =	shalt  }
tec
execute0_lowered:
.L_overlay_start_1:
0x0: {  	(tag) =	ssettag $0x1  }
0x1: {  	s1 =	rddreg [dreg:$0x0]  }
0x2: {  	s0 =	rddreg [dreg:$0x5];
	s4 =	simm.s32 $0x0  }
0x3: {  	s2 =	srdreg.scid;
	s3 =	simm.s32 $0x0;
	s5 =	stileid.u32  }
0x4: {  	s15 =	simm.s32 $0x1;
	s17 =	simm.s32 $0x3;
	s11 =	simm.s32 $0xB400  }
0x5: {  	s6 =	simm.s32 $0xB800;
	s16 =	simm.s32 $0xC400;
	s18 =	simm.s32 $0xCC00  }
0x6: {  	s19 =	simm.s32 $0xD000;
	s20 =	simm.s32 $0xD800;
	s21 =	simm.s32 $0xDC00  }
0x7: {  	s22 =	simm.s32 $0xE400;
	[smem:$0x7FF] =	sst s4;
	s4 =	sand.u32 $0x1, s2  }
0x8: {  	s29 =	sadd.s32 $0x2800, s0;
	s0 =	sadd.s32 $0x77C00, s0;
	_ =	strace $0x80000047  }
.Ltmp0:
0x9: {  	v0 =	vlaneseq.u32;
	[dreg:$0x8] =	wrdreg s29;
	s30 =	ssub.s32 $0x2, s4;
	(pc) =	sbr.rel .LBB2_1-.Ltmp0, $4  }
0xa: {  	s7 =	simm.s32 $0x0;
	v1 =	vshrl.u32 v0, $0x3;
	v5 =	vand.u32 $0x7, v0;
	[dreg:$0x9] =	wrdreg s0;
	s31 =	sshrl.u32 s30, $0x1  }
0xb: {  	s5 =	sshll.u32 s5, $0x1;
	v0 =	vor.u32 $0x8, v0;
	[tilespmem:$0x1FFD0] =	vst v5;
	v1 =	vmul.u32 $0x8, v1;
	[dreg:$0x7] =	wrdreg s4;
	s0 =	ssub.s32 s30, s31  }
0xc: {  	v2 =	vimm.f32 $0.0e+00;
	v3 =	vimm.f32 $3.000000010e+38;
	s28 =	simm.s32 $0x0;
	[tilespmem:$0x1FFF0] =	vst v0;
	[dreg:$0xa] =	wrdreg s5;
	s0 =	smax.u32 s0, $0x1  }
0xd: {  	v4 =	vimm.f32 $-3.000000010e+38;
	vm0 =	vmmov $0xffff;
	vm1 =	vmmov $0xff;
	s12 =	sadd.s32 $0x100, s1;
	s2 =	simm.s32 $0xC000;
	[tilespmem:$0x1FFE0] =	vst v1;
	[dreg:$0xb] =	wrdreg s0  }
.LBB2_18:
0xe: {  	s7 =	rddreg [dreg:$0xc]  }
0xf: {  	s0 =	rddreg [dreg:$0xb];
	s7 =	sadd.s32 $0x1, s7  }
0x10: {  	p0 =	sne.s32 s7, s0  }
.Ltmp1:
0x11: {  	_ = 	snop;
	(pc) =	sbr.rel @!p0 .LBB2_19-.Ltmp1, $1  }
0x12: {  	_ =	sdelay $0x3  }
.LBB2_1:
0x13: {  	[dreg:$0xc] =	wrdreg s7  }
.Ltmp2:
0x14: {  	s0 =	rddreg [dreg:$0x2];
	s31 =	simm.s32 $0x2;
	(pc) =	sbr.rel .LBB2_2-.Ltmp2, $4  }
0x15: {  	[tilespmem:s3], [sflag:$0x2] =	stream.linear.gather [hbm4b:s0+s3], $0x2780, $0x38;
	[tilespmem:$0x14800] =	vst v63  }
0x16: {  	_ =	swait.ge [sflag:s31], $0x2780  }
0x17: {  	[sflag:s31] =	ssyncset.done $0x0  }
0x18: {  	s23 =	simm.s32 $0x0;
	[sflag:s31] =	ssyncadd.s32 $0xFFFFD880  }
.LBB2_16:
0x19: {  	s0 =	rddreg [dreg:$0xd]  }
0x1a: {  	s0 =	smul.u32 $0x300, s0  }
0x1b: {  	s3 =	rddreg [dreg:$0x3]  }
0x1c: {  	s4 =	simm.s32 $0x0;
	s5 =	simm.s32 $0xE800;
	s3 =	sadd.s32 s3, s0  }
0x1d: {  	[hbm4b:s3+s4] =	stream.linear.scatter [tilespmem:s5], [sflag:$0x3], $0x1800, $0x38;
	[tilespmem:$0x14800] =	vst v63  }
0x1e: {  	_ =	swait.ge [sflag:s17], $0x1800  }
0x1f: {  	[sflag:s17] =	ssyncset.done $0x0  }
0x20: {  	[sflag:s17] =	ssyncadd.s32 $0xFFFFE800  }
0x21: {  	s14 =	rddreg [dreg:$0x4]  }
0x22: {  	s24 =	simm.s32 $0x10000;
	s3 =	sadd.s32 s14, s0  }
0x23: {  	[hbm4b:s3+s4] =	stream.linear.scatter [tilespmem:s24], [sflag:$0x3], $0x1800, $0x38;
	[tilespmem:$0x14800] =	vst v63  }
0x24: {  	_ =	swait.ge [sflag:s17], $0x1800  }
0x25: {  	[sflag:s17] =	ssyncset.done $0x0;
	s25 =	rddreg [dreg:$0x8]  }
0x26: {  	s26 =	simm.s32 $0x11800;
	[sflag:s17] =	ssyncadd.s32 $0xFFFFE800;
	s3 =	sadd.s32 s25, s0  }
0x27: {  	[hbm4b:s3+s4] =	stream.linear.scatter [tilespmem:s26], [sflag:$0x3], $0x1800, $0x38;
	[tilespmem:$0x14800] =	vst v63  }
0x28: {  	_ =	swait.ge [sflag:s17], $0x1800  }
0x29: {  	s30 =	simm.s32 $0x13000;
	[sflag:s17] =	ssyncset.done $0x0;
	s29 =	rddreg [dreg:$0x9]  }
0x2a: {  	s31 =	simm.s32 $0x2;
	[sflag:s17] =	ssyncadd.s32 $0xFFFFE800;
	s0 =	sadd.s32 s29, s0  }
0x2b: {  	[hbm4b:s0+s4] =	stream.linear.scatter [tilespmem:s30], [sflag:$0x2], $0x1800, $0x38;
	[tilespmem:$0x14800] =	vst v63  }
0x2c: {  	_ =	swait.ge [sflag:s31], $0x1800  }
0x2d: {  	[sflag:s31] =	ssyncset.done $0x0;
	s4 =	rddreg [dreg:$0x7]  }
0x2e: {  	s3 =	simm.s32 $0x0;
	s5 =	rddreg [dreg:$0xa];
	[sflag:s31] =	ssyncadd.s32 $0xFFFFE800  }
.LBB2_17:
0x2f: {  	s23 =	sadd.s32 $0x1, s23  }
0x30: {  	p0 =	sne.s32 s23, $0x14  }
.Ltmp3:
0x31: {  	_ = 	snop;
	(pc) =	sbr.rel @!p0 .LBB2_18-.Ltmp3, $1  }
0x32: {  	_ =	sdelay $0x3  }
.LBB2_2:
0x33: {  	s0 =	sshll.u32 s23, $0x5  }
0x34: {  	s0 =	sor.u32 s0, s5  }
0x35: {  	s0 =	sor.u32 s4, s0  }
0x36: {  	p0 =	sgt.u32 s0, $0x270  }
.Ltmp4:
0x37: {  	_ = 	snop;
	(pc) =	sbr.rel @p0 .LBB2_17-.Ltmp4, $1  }
0x38: {  	_ =	sdelay $0x3  }
0x39: {  	s31 =	sshll.u32 s0, $0x4  }
0x3a: {  	[dreg:$0xd] =	wrdreg s0;
	s0 =	sand.u32 $0x3FFFFFF0, s31  }
0x3b: {  	v0 =	vld [tilespmem:s0+$0x0]  }
0x3c: {  	s4 =	simm.s32 $0x40;
	s3 =	simm.s32 $0x0;
	v1 =	vld [tilespmem:s0+$0x8]  }
.LBB2_4:
0x3d: {  	p0 =	seq.s32 s4, $0x5FC0;
	[tilespmem:s3+$0x13000] =	vst v4;
	s5 =	smov.u32 s4;
	s4 =	sadd.s32 $0x40, s4  }
.Ltmp5:
0x3e: {  	[tilespmem:s3+$0x11800] =	vst v3;
	(pc) =	sbr.rel @!p0 .LBB2_4-.Ltmp5, $3  }
0x3f: {  	[tilespmem:s3+$0xE800] =	vst v2  }
0x40: {  	[tilespmem:s3+$0x10000] =	vst v2;
	_ =	sdelay $0x1  }
0x41: {  	s3 =	sshra.s32 s5, $0x2  }
0x42: {  	(v2sf) =	vpush v0, $0x0;
	_ =	sdelay $0x6  }
0x43: {  	(v2sf) =	vpush v1, $0x8;
	_ =	sdelay $0x7  }
0x44: {  	s26 =	spop (v2sf)  }
0x45: {  	[tilespmem:s3+$0x13000] =	vst v4;
	s4 =	sand.u32 $0x7, s26  }
0x46: {  	[tilespmem:s3+$0x11800] =	vst v3;
	s5 =	sshra.s32 s26, $0x1F;
	p0 =	slt.s32 s26, $0x1;
	p1 =	sne.s32 s4, $0x0  }
0x47: {  	[tilespmem:s3+$0xE800] =	vst v2;
	s30 =	sshrl.u32 s5, $0x1D;
	p0 =	por !p0, !p1  }
0x48: {  	[tilespmem:s3+$0x10000] =	vst v2;
	s4 =	simm.s32 $0x1;
	s3 =	sadd.s32 s30, s26;
	p0 =	por !p0, !p0  }
0x49: {  	s3 =	sshra.s32 s3, $0x3;
	s4 =	simm.s32 @!p0 $0x0  }
0x4a: {  	s3 =	ssub.s32 s3, s4  }
0x4b: {  	s31 =	spop (v2sf);
	s29 =	sshll.u32 s3, $0x3  }
0x4c: {  	s4 =	ssub.s32 s31, s29  }
0x4d: {  	s4 =	sadd.s32 $0x7F, s4  }
0x4e: {  	p0 =	slt.s32 s4, $0x80  }
.Ltmp6:
0x4f: {  	_ = 	snop;
	(pc) =	sbr.rel @p0 .LBB2_16-.Ltmp6, $1  }
0x50: {  	_ =	sdelay $0x3  }
.Ltmp7:
0x51: {  	(pc) =	sbr.rel .LBB2_7-.Ltmp7, $4  }
0x52: {  	s5 =	sshra.s32 s4, $0x1F  }
0x53: {  	s5 =	sshrl.u32 s5, $0x19  }
0x54: {  	s3 =	sshll.u32 s3, $0x3;
	v8 =	vmov s0;
	s24 =	smov.u32 s29;
	s31 =	sadd.s32 s5, s4  }
0x55: {  	s30 =	simm.s32 $0x0;
	s26 =	ssub.s32 $0x0, s3;
	[tilespmem:$0x1FFC0] =	vst v8;
	s25 =	sshra.s32 s31, $0x7  }
.LBB2_15:
0x56: {  	s30 =	sadd.s32 $0x1, s30  }
0x57: {  	p0 =	sne.s32 s30, s25  }
.Ltmp8:
0x58: {  	_ = 	snop;
	(pc) =	sbr.rel @!p0 .LBB2_16-.Ltmp8, $2  }
0x59: {  	_ =	sdelay $0x2  }
0x5a: {  	s24 =	sadd.s32 $0x80, s24;
	s26 =	sadd.s32 $0xFFFFFF80, s26  }
.LBB2_7:
0x5b: {  	s0 =	sshll.u32 s30, $0x7  }
0x5c: {  	s5 =	sadd.s32 s29, s0  }
0x5d: {  	s3 =	rddreg [dreg:$0x1];
	s0 =	sshrl.u32 s5, $0x3  }
0x5e: {  	s8 =	simm.s32 $0x2780;
	s0 =	sadd.s32 s3, s0  }
0x5f: {  	[tilespmem:s8], [sflag:$0x3] =	stream.linear.gather [hbm4b:s0+s28], $0x80, $0x38;
	[tilespmem:$0x14800] =	vst v63  }
0x60: {  	_ =	swait.ge [sflag:s17], $0x80  }
0x61: {  	[sflag:s17] =	ssyncset.done $0x0  }
0x62: {  	[sflag:s17] =	ssyncadd.s32 $0xFFFFFF80  }
0x63: {  	v0 =	vld [tilespmem:$0x2780];
	_ =	sdelay $0x3  }
0x64: {  	v5 =	vld [tilespmem:$0x1FFD0]  }
0x65: {  	v1 =	vshrl.u32 v0, $0x3  }
0x66: {  	v6 =	vld [tilespmem:$0x1FFE0];
	v1 =	vmul.u32 $0x18, v1  }
0x67: {  	v0 =	vand.u32 $0x7, v0  }
0x68: {  	v7 =	vld [tilespmem:$0x1FFF0];
	v0 =	vor.u32 v0, v1  }
0x69: {  	v1 =	vperm.xlane v0, v5;
	_ =	sdelay $0x1  }
0x6a: {  	v1 =	vadd.s32 v6, v1;
	_ =	sdelay $0x1  }
0x6b: {  	v0 =	vperm.xlane v0, v7;
	_ =	sdelay $0x1  }
0x6c: {  	s9 =	simm.s32 $0x2800;
	v0 =	vadd.s32 v6, v0  }
0x6d: {  	[tilespmem:s9], [sflag:$0x1] =	stream.indirect_vreg.gather [hbm4b:s1+s28], $0x80, v1, vm0, $0xb8;
	[tilespmem:$0x14800] =	vst v63  }
0x6e: {  	s10 =	simm.s32 $0x3000  }
0x6f: {  	[tilespmem:s10], [sflag:$0x1] =	stream.indirect_vreg.gather [hbm4b:s12+s28], $0x80, v1, vm1, $0xb8;
	[tilespmem:$0x14800] =	vst v63  }
0x70: {  	s13 =	simm.s32 $0x3400  }
0x71: {  	[tilespmem:s13], [sflag:$0x1] =	stream.indirect_vreg.gather [hbm4b:s1+s28], $0x80, v0, vm0, $0xb8;
	[tilespmem:$0x14800] =	vst v63  }
0x72: {  	s14 =	simm.s32 $0x3C00  }
0x73: {  	[tilespmem:s14], [sflag:$0x1] =	stream.indirect_vreg.gather [hbm4b:s12+s28], $0x80, v0, vm1, $0xb8;
	[tilespmem:$0x14800] =	vst v63  }
0x74: {  	v0 =	vld [tilespmem:$0x2790];
	_ =	sdelay $0x4  }
0x75: {  	v1 =	vshrl.u32 v0, $0x3  }
0x76: {  	v1 =	vmul.u32 $0x18, v1  }
0x77: {  	v0 =	vand.u32 $0x7, v0  }
0x78: {  	v0 =	vor.u32 v0, v1  }
0x79: {  	v1 =	vperm.xlane v0, v5;
	_ =	sdelay $0x1  }
0x7a: {  	v1 =	vadd.s32 v6, v1;
	_ =	sdelay $0x1  }
0x7b: {  	v0 =	vperm.xlane v0, v7;
	_ =	sdelay $0x1  }
0x7c: {  	s31 =	simm.s32 $0x4000;
	v0 =	vadd.s32 v6, v0  }
0x7d: {  	[tilespmem:s31], [sflag:$0x1] =	stream.indirect_vreg.gather [hbm4b:s1+s28], $0x80, v1, vm0, $0xb8;
	[tilespmem:$0x14800] =	vst v63  }
0x7e: {  	s3 =	simm.s32 $0x4800  }
0x7f: {  	[tilespmem:s3], [sflag:$0x1] =	stream.indirect_vreg.gather [hbm4b:s12+s28], $0x80, v1, vm1, $0xb8;
	[tilespmem:$0x14800] =	vst v63  }
0x80: {  	s4 =	simm.s32 $0x4C00  }
0x81: {  	[tilespmem:s4], [sflag:$0x1] =	stream.indirect_vreg.gather [hbm4b:s1+s28], $0x80, v0, vm0, $0xb8;
	[tilespmem:$0x14800] =	vst v63  }
0x82: {  	s7 =	simm.s32 $0x5400  }
0x83: {  	[tilespmem:s7], [sflag:$0x1] =	stream.indirect_vreg.gather [hbm4b:s12+s28], $0x80, v0, vm1, $0xb8;
	[tilespmem:$0x14800] =	vst v63  }
0x84: {  	v0 =	vld [tilespmem:$0x27A0];
	_ =	sdelay $0x4  }
0x85: {  	v1 =	vshrl.u32 v0, $0x3  }
0x86: {  	v1 =	vmul.u32 $0x18, v1  }
0x87: {  	v0 =	vand.u32 $0x7, v0  }
0x88: {  	v0 =	vor.u32 v0, v1  }
0x89: {  	v1 =	vperm.xlane v0, v5;
	_ =	sdelay $0x1  }
0x8a: {  	v1 =	vadd.s32 v6, v1;
	_ =	sdelay $0x1  }
0x8b: {  	v0 =	vperm.xlane v0, v7;
	_ =	sdelay $0x1  }
0x8c: {  	s8 =	simm.s32 $0x5800;
	v0 =	vadd.s32 v6, v0  }
0x8d: {  	[tilespmem:s8], [sflag:$0x1] =	stream.indirect_vreg.gather [hbm4b:s1+s28], $0x80, v1, vm0, $0xb8;
	[tilespmem:$0x14800] =	vst v63  }
0x8e: {  	s9 =	simm.s32 $0x6000  }
0x8f: {  	[tilespmem:s9], [sflag:$0x1] =	stream.indirect_vreg.gather [hbm4b:s12+s28], $0x80, v1, vm1, $0xb8;
	[tilespmem:$0x14800] =	vst v63  }
0x90: {  	s10 =	simm.s32 $0x6400  }
0x91: {  	[tilespmem:s10], [sflag:$0x1] =	stream.indirect_vreg.gather [hbm4b:s1+s28], $0x80, v0, vm0, $0xb8;
	[tilespmem:$0x14800] =	vst v63  }
0x92: {  	s13 =	simm.s32 $0x6C00  }
0x93: {  	[tilespmem:s13], [sflag:$0x1] =	stream.indirect_vreg.gather [hbm4b:s12+s28], $0x80, v0, vm1, $0xb8;
	[tilespmem:$0x14800] =	vst v63  }
0x94: {  	v0 =	vld [tilespmem:$0x27B0];
	_ =	sdelay $0x4  }
0x95: {  	v1 =	vshrl.u32 v0, $0x3  }
0x96: {  	v1 =	vmul.u32 $0x18, v1  }
0x97: {  	v0 =	vand.u32 $0x7, v0  }
0x98: {  	v0 =	vor.u32 v0, v1  }
0x99: {  	v1 =	vperm.xlane v0, v5;
	_ =	sdelay $0x1  }
0x9a: {  	v1 =	vadd.s32 v6, v1;
	_ =	sdelay $0x1  }
0x9b: {  	v0 =	vperm.xlane v0, v7;
	_ =	sdelay $0x1  }
0x9c: {  	s14 =	simm.s32 $0x7000;
	v0 =	vadd.s32 v6, v0  }
0x9d: {  	[tilespmem:s14], [sflag:$0x1] =	stream.indirect_vreg.gather [hbm4b:s1+s28], $0x80, v1, vm0, $0xb8;
	[tilespmem:$0x14800] =	vst v63  }
0x9e: {  	s31 =	simm.s32 $0x7800  }
0x9f: {  	[tilespmem:s31], [sflag:$0x1] =	stream.indirect_vreg.gather [hbm4b:s12+s28], $0x80, v1, vm1, $0xb8;
	[tilespmem:$0x14800] =	vst v63  }
0xa0: {  	s3 =	simm.s32 $0x7C00  }
0xa1: {  	[tilespmem:s3], [sflag:$0x1] =	stream.indirect_vreg.gather [hbm4b:s1+s28], $0x80, v0, vm0, $0xb8;
	[tilespmem:$0x14800] =	vst v63  }
0xa2: {  	s4 =	simm.s32 $0x8400  }
0xa3: {  	[tilespmem:s4], [sflag:$0x1] =	stream.indirect_vreg.gather [hbm4b:s12+s28], $0x80, v0, vm1, $0xb8;
	[tilespmem:$0x14800] =	vst v63  }
0xa4: {  	v0 =	vld [tilespmem:$0x27C0];
	_ =	sdelay $0x4  }
0xa5: {  	v1 =	vshrl.u32 v0, $0x3  }
0xa6: {  	v1 =	vmul.u32 $0x18, v1  }
0xa7: {  	v0 =	vand.u32 $0x7, v0  }
0xa8: {  	v0 =	vor.u32 v0, v1  }
0xa9: {  	v1 =	vperm.xlane v0, v5;
	_ =	sdelay $0x1  }
0xaa: {  	v1 =	vadd.s32 v6, v1;
	_ =	sdelay $0x1  }
0xab: {  	v0 =	vperm.xlane v0, v7;
	_ =	sdelay $0x1  }
0xac: {  	s7 =	simm.s32 $0x8800;
	v0 =	vadd.s32 v6, v0  }
0xad: {  	[tilespmem:s7], [sflag:$0x1] =	stream.indirect_vreg.gather [hbm4b:s1+s28], $0x80, v1, vm0, $0xb8;
	[tilespmem:$0x14800] =	vst v63  }
0xae: {  	s8 =	simm.s32 $0x9000  }
0xaf: {  	[tilespmem:s8], [sflag:$0x1] =	stream.indirect_vreg.gather [hbm4b:s12+s28], $0x80, v1, vm1, $0xb8;
	[tilespmem:$0x14800] =	vst v63  }
0xb0: {  	s9 =	simm.s32 $0x9400  }
0xb1: {  	[tilespmem:s9], [sflag:$0x1] =	stream.indirect_vreg.gather [hbm4b:s1+s28], $0x80, v0, vm0, $0xb8;
	[tilespmem:$0x14800] =	vst v63  }
0xb2: {  	s10 =	simm.s32 $0x9C00  }
0xb3: {  	[tilespmem:s10], [sflag:$0x1] =	stream.indirect_vreg.gather [hbm4b:s12+s28], $0x80, v0, vm1, $0xb8;
	[tilespmem:$0x14800] =	vst v63  }
0xb4: {  	v0 =	vld [tilespmem:$0x27D0];
	_ =	sdelay $0x4  }
0xb5: {  	v1 =	vshrl.u32 v0, $0x3  }
0xb6: {  	v1 =	vmul.u32 $0x18, v1  }
0xb7: {  	v0 =	vand.u32 $0x7, v0  }
0xb8: {  	v0 =	vor.u32 v0, v1  }
0xb9: {  	v1 =	vperm.xlane v0, v5;
	_ =	sdelay $0x1  }
0xba: {  	v1 =	vadd.s32 v6, v1;
	_ =	sdelay $0x1  }
0xbb: {  	v0 =	vperm.xlane v0, v7;
	_ =	sdelay $0x1  }
0xbc: {  	s13 =	simm.s32 $0xA000;
	v0 =	vadd.s32 v6, v0  }
0xbd: {  	[tilespmem:s13], [sflag:$0x1] =	stream.indirect_vreg.gather [hbm4b:s1+s28], $0x80, v1, vm0, $0xb8;
	[tilespmem:$0x14800] =	vst v63  }
0xbe: {  	s14 =	simm.s32 $0xA800  }
0xbf: {  	[tilespmem:s14], [sflag:$0x1] =	stream.indirect_vreg.gather [hbm4b:s12+s28], $0x80, v1, vm1, $0xb8;
	[tilespmem:$0x14800] =	vst v63  }
0xc0: {  	s31 =	simm.s32 $0xAC00  }
0xc1: {  	[tilespmem:s31], [sflag:$0x1] =	stream.indirect_vreg.gather [hbm4b:s1+s28], $0x80, v0, vm0, $0xb8;
	[tilespmem:$0x14800] =	vst v63  }
0xc2: {  	_ = 	snop  }
0xc3: {  	[tilespmem:s11], [sflag:$0x1] =	stream.indirect_vreg.gather [hbm4b:s12+s28], $0x80, v0, vm1, $0xb8;
	[tilespmem:$0x14800] =	vst v63  }
0xc4: {  	v0 =	vld [tilespmem:$0x27E0];
	_ =	sdelay $0x4  }
0xc5: {  	v1 =	vshrl.u32 v0, $0x3  }
0xc6: {  	v1 =	vmul.u32 $0x18, v1  }
0xc7: {  	v0 =	vand.u32 $0x7, v0  }
0xc8: {  	v0 =	vor.u32 v0, v1  }
0xc9: {  	v1 =	vperm.xlane v0, v5;
	_ =	sdelay $0x1  }
0xca: {  	v1 =	vadd.s32 v6, v1;
	_ =	sdelay $0x1  }
0xcb: {  	v0 =	vperm.xlane v0, v7;
	_ =	sdelay $0x1  }
0xcc: {  	v0 =	vadd.s32 v6, v0  }
0xcd: {  	[tilespmem:s6], [sflag:$0x1] =	stream.indirect_vreg.gather [hbm4b:s1+s28], $0x80, v1, vm0, $0xb8;
	[tilespmem:$0x14800] =	vst v63  }
0xce: {  	_ = 	snop  }
0xcf: {  	[tilespmem:s2], [sflag:$0x1] =	stream.indirect_vreg.gather [hbm4b:s12+s28], $0x80, v1, vm1, $0xb8;
	[tilespmem:$0x14800] =	vst v63  }
0xd0: {  	_ = 	snop  }
0xd1: {  	[tilespmem:s16], [sflag:$0x1] =	stream.indirect_vreg.gather [hbm4b:s1+s28], $0x80, v0, vm0, $0xb8;
	[tilespmem:$0x14800] =	vst v63  }
0xd2: {  	_ = 	snop  }
0xd3: {  	[tilespmem:s18], [sflag:$0x1] =	stream.indirect_vreg.gather [hbm4b:s12+s28], $0x80, v0, vm1, $0xb8;
	[tilespmem:$0x14800] =	vst v63  }
0xd4: {  	v0 =	vld [tilespmem:$0x27F0];
	_ =	sdelay $0x4  }
0xd5: {  	v1 =	vshrl.u32 v0, $0x3  }
0xd6: {  	v1 =	vmul.u32 $0x18, v1  }
0xd7: {  	v0 =	vand.u32 $0x7, v0  }
0xd8: {  	v0 =	vor.u32 v0, v1  }
0xd9: {  	v1 =	vperm.xlane v0, v5;
	_ =	sdelay $0x1  }
0xda: {  	v1 =	vadd.s32 v6, v1;
	_ =	sdelay $0x1  }
0xdb: {  	v0 =	vperm.xlane v0, v7;
	_ =	sdelay $0x1  }
0xdc: {  	v0 =	vadd.s32 v6, v0  }
0xdd: {  	[tilespmem:s19], [sflag:$0x1] =	stream.indirect_vreg.gather [hbm4b:s1+s28], $0x80, v1, vm0, $0xb8;
	[tilespmem:$0x14800] =	vst v63  }
0xde: {  	_ = 	snop  }
0xdf: {  	[tilespmem:s20], [sflag:$0x1] =	stream.indirect_vreg.gather [hbm4b:s12+s28], $0x80, v1, vm1, $0xb8;
	[tilespmem:$0x14800] =	vst v63  }
0xe0: {  	_ = 	snop  }
0xe1: {  	[tilespmem:s21], [sflag:$0x1] =	stream.indirect_vreg.gather [hbm4b:s1+s28], $0x80, v0, vm0, $0xb8;
	[tilespmem:$0x14800] =	vst v63  }
.Ltmp9:
0xe2: {  	_ = 	snop;
	(pc) =	sbr.rel .LBB2_8-.Ltmp9, $4  }
0xe3: {  	[tilespmem:s22], [sflag:$0x1] =	stream.indirect_vreg.gather [hbm4b:s12+s28], $0x80, v0, vm1, $0xb8;
	[tilespmem:$0x14800] =	vst v63  }
0xe4: {  	_ =	swait.ge [sflag:s15], $0xC000  }
0xe5: {  	[sflag:s15] =	ssyncset.done $0x0  }
0xe6: {  	s3 =	sadd.s32 $0x80, s5;
	s8 =	simm.s32 $0x0;
	[sflag:s15] =	ssyncadd.s32 $0xFFFF4000  }
.LBB2_13:
0xe7: {  	[tilespmem:s4+$0xE8C0] =	vst.add.f32.msk $0xffff, v57  }
0xe8: {  	[tilespmem:s4+$0x100C0] =	vst.add.f32.msk $0xffff, v62  }
0xe9: {  	v6 =	vld [tilespmem:s4+$0x118C0]  }
0xea: {  	v62 =	vmov v7;
	v7 =	vld [tilespmem:s4+$0x130C0]  }
0xeb: {  	[tilespmem:s4+$0xE8D0] =	vst.add.f32.msk $0xffff, v58  }
0xec: {  	[tilespmem:s4+$0x100D0] =	vst.add.f32.msk $0xffff, v61  }
0xed: {  	v8 =	vld [tilespmem:s4+$0x118D0]  }
0xee: {  	v61 =	vld [tilespmem:s4+$0x130D0]  }
0xef: {  	[tilespmem:s4+$0xE8E0] =	vst.add.f32.msk $0xffff, v59  }
0xf0: {  	[tilespmem:s4+$0x100E0] =	vst.add.f32.msk $0xffff, v3  }
0xf1: {  	[tilespmem:s4+$0xE8F0] =	vst.add.f32.msk $0xffff, v53  }
0xf2: {  	[tilespmem:s4+$0x100F0] =	vst.add.f32.msk $0xffff, v56  }
0xf3: {  	[tilespmem:s4+$0xE900] =	vst.add.f32.msk $0xffff, v49  }
0xf4: {  	[tilespmem:s4+$0x10100] =	vst.add.f32.msk $0xffff, v51  }
0xf5: {  	[tilespmem:s4+$0xE910] =	vst.add.f32.msk $0xffff, v44  }
0xf6: {  	[tilespmem:s4+$0x10110] =	vst.add.f32.msk $0xffff, v47  }
0xf7: {  	[tilespmem:s4+$0xE920] =	vst.add.f32.msk $0xffff, v36  }
0xf8: {  	[tilespmem:s4+$0xE930] =	vst.add.f32.msk $0xffff, v31  }
0xf9: {  	v9 =	vmax.f32 v9, v46;
	[tilespmem:s4+$0xE970] =	vst.add.f32.msk $0xffff, v12  }
0xfa: {  	[tilespmem:s4+$0x10170] =	vst.add.f32.msk $0xffff, v13;
	v3 =	vmax.f32 v7, v9  }
0xfb: {  	v2 =	vmax.f32 v2, v40;
	v6 =	vmin.f32 v6, v52;
	[tilespmem:s4+$0x130C0] =	vst v3;
	v3 =	vld [tilespmem:s4+$0x130E0]  }
0xfc: {  	v7 =	vmin.f32 v62, v40;
	v2 =	vmax.f32 v61, v2;
	[tilespmem:s4+$0x118C0] =	vst v6;
	v6 =	vld [tilespmem:s4+$0x118E0]  }
0xfd: {  	v4 =	vadd.f32 v4, v45;
	v7 =	vmin.f32 v8, v7;
	[tilespmem:s4+$0x130D0] =	vst v2;
	v2 =	vld [tilespmem:s4+$0x130F0]  }
0xfe: {  	[tilespmem:s4+$0x118D0] =	vst v7;
	v7 =	vld [tilespmem:s4+$0x118F0]  }
0xff: {  	v1 =	vmax.f32 v1, v35;
	[tilespmem:s4+$0x10120] =	vst.add.f32.msk $0xffff, v4  }
0x100: {  	v5 =	vmin.f32 v5, v35;
	v1 =	vmax.f32 v3, v1;
	v3 =	vld [tilespmem:s4+$0x11900]  }
0x101: {  	v5 =	vmin.f32 v6, v5;
	v6 =	vmax.f32 v60, v32;
	[tilespmem:s4+$0x130E0] =	vst v1;
	v1 =	vld [tilespmem:s4+$0x13100]  }
0x102: {  	[tilespmem:s4+$0x118E0] =	vst v5;
	v5 =	vmin.f32 v54, v32;
	v2 =	vmax.f32 v2, v6  }
0x103: {  	v0 =	vadd.f32 v0, v37;
	v5 =	vmin.f32 v7, v5;
	[tilespmem:s4+$0x130F0] =	vst v2;
	v2 =	vld [tilespmem:s4+$0x13110]  }
0x104: {  	v6 =	vmin.f32 v50, v28;
	[tilespmem:s4+$0x118F0] =	vst v5;
	v5 =	vld [tilespmem:s4+$0x11910]  }
0x105: {  	[tilespmem:s4+$0x10130] =	vst.add.f32.msk $0xffff, v0;
	v7 =	vmax.f32 v55, v28;
	v3 =	vmin.f32 v3, v6  }
0x106: {  	v0 =	vadd.f32 v43, v63;
	[tilespmem:s4+$0x11900] =	vst v3;
	v1 =	vmax.f32 v1, v7;
	v3 =	vld [tilespmem:s4+$0x11920]  }
0x107: {  	v6 =	vmul.f32 v43, v43;
	v7 =	vmax.f32 v48, v27;
	[tilespmem:s4+$0x13100] =	vst v1;
	v1 =	vld [tilespmem:s4+$0x13120]  }
0x108: {  	v4 =	vmin.f32 v42, v27;
	[tilespmem:s4+$0xE940] =	vst.add.f32.msk $0xffff, v0;
	v2 =	vmax.f32 v2, v7  }
0x109: {  	v4 =	vmin.f32 v5, v4;
	v5 =	vadd.f32 v6, v30;
	[tilespmem:s4+$0x13110] =	vst v2;
	v2 =	vld [tilespmem:s4+$0x13130]  }
0x10a: {  	v6 =	vmin.f32 v33, v25;
	[tilespmem:s4+$0x11910] =	vst v4;
	v4 =	vld [tilespmem:s4+$0x11930]  }
0x10b: {  	v0 =	vmul.f32 v38, v38;
	v7 =	vmax.f32 v41, v25;
	[tilespmem:s4+$0x10140] =	vst.add.f32.msk $0xffff, v5;
	v3 =	vmin.f32 v3, v6  }
0x10c: {  	v5 =	vadd.f32 v38, v22;
	[tilespmem:s4+$0x11920] =	vst v3;
	v1 =	vmax.f32 v1, v7;
	v3 =	vld [tilespmem:s4+$0x11940]  }
0x10d: {  	v0 =	vadd.f32 v0, v23;
	[tilespmem:s4+$0x13120] =	vst v1;
	v1 =	vld [tilespmem:s4+$0x13140]  }
0x10e: {  	[tilespmem:s4+$0xE950] =	vst.add.f32.msk $0xffff, v5;
	v5 =	vmax.f32 v34, v20  }
0x10f: {  	[tilespmem:s4+$0x10150] =	vst.add.f32.msk $0xffff, v0;
	v6 =	vmin.f32 v26, v20;
	v2 =	vmax.f32 v2, v5  }
0x110: {  	v0 =	vmin.f32 v24, v43;
	v4 =	vmin.f32 v4, v6;
	[tilespmem:s4+$0x13130] =	vst v2;
	v2 =	vld [tilespmem:s4+$0x13150]  }
0x111: {  	v6 =	vmax.f32 v29, v43;
	[tilespmem:s4+$0x11930] =	vst v4;
	v4 =	vld [tilespmem:s4+$0x11950];
	v0 =	vmin.f32 v3, v0  }
0x112: {  	v3 =	vadd.f32 v39, v14;
	[tilespmem:s4+$0x11940] =	vst v0;
	v0 =	vmax.f32 v1, v6;
	v1 =	vld [tilespmem:s4+$0x11960]  }
0x113: {  	v5 =	vmul.f32 v39, v39;
	[tilespmem:s4+$0x13140] =	vst v0;
	v0 =	vld [tilespmem:s4+$0x13160]  }
0x114: {  	[tilespmem:s4+$0xE960] =	vst.add.f32.msk $0xffff, v3;
	v3 =	vmax.f32 v21, v38  }
0x115: {  	v5 =	vadd.f32 v5, v15;
	v2 =	vmax.f32 v2, v3;
	v3 =	vld [tilespmem:s4+$0x11970]  }
0x116: {  	v6 =	vmin.f32 v17, v38;
	[tilespmem:s4+$0x13150] =	vst v2;
	v2 =	vld [tilespmem:s4+$0x13170]  }
0x117: {  	[tilespmem:s4+$0x10160] =	vst.add.f32.msk $0xffff, v5;
	v5 =	vmin.f32 v16, v39;
	v4 =	vmin.f32 v4, v6  }
0x118: {  	[tilespmem:s4+$0x11950] =	vst v4;
	v4 =	vmax.f32 v19, v39;
	v1 =	vmin.f32 v1, v5  }
0x119: {  	[tilespmem:s4+$0x11960] =	vst v1;
	v0 =	vmax.f32 v0, v4  }
0x11a: {  	[tilespmem:s4+$0x13160] =	vst v0;
	v0 =	vmax.f32 v18, v10;
	v1 =	vmin.f32 v3, v11  }
0x11b: {  	[tilespmem:s4+$0x11970] =	vst v1;
	v0 =	vmax.f32 v2, v0  }
0x11c: {  	v8 =	vld [tilespmem:$0x1FFC0];
	v4 =	vimm.f32 $-3.000000010e+38;
	v3 =	vimm.f32 $3.000000010e+38;
	v2 =	vimm.f32 $0.0e+00;
	[tilespmem:s4+$0x13170] =	vst v0  }
.LBB2_14:
0x11d: {  	s8 =	sadd.s32 $0x1, s8  }
0x11e: {  	p0 =	sne.s32 s8, $0x10  }
.Ltmp10:
0x11f: {  	_ = 	snop;
	(pc) =	sbr.rel @!p0 .LBB2_15-.Ltmp10, $1  }
0x120: {  	_ =	sdelay $0x3  }
.LBB2_8:
0x121: {  	_ =	sdelay $0x3  }
0x122: {  	v0 =	vld.idx.msk [tilespmem:v8+s8+$0x0 ss:$0x1], $0xffff;
	_ =	sdelay $0x4  }
0x123: {  	(v2sf) =	vpush v0, $0x0  }
0x124: {  	(v2sf) =	vpush v0, $0x1;
	_ =	sdelay $0xd  }
0x125: {  	s4 =	spop (v2sf)  }
0x126: {  	s31 =	smov.u32 s5;
	s9 =	spop (v2sf)  }
0x127: {  	s0 =	smov.u32 s3;
	p0 =	sgt.s32 s4, s5;
	p1 =	slt.s32 s9, s3  }
0x128: {  	s31 =	smov.u32 @p0 s4;
	s0 =	smov.u32 @p1 s9  }
0x129: {  	p0 =	sle.s32 s0, s31  }
.Ltmp11:
0x12a: {  	_ = 	snop;
	(pc) =	sbr.rel @p0 .LBB2_14-.Ltmp11, $1  }
0x12b: {  	_ =	sdelay $0x3  }
0x12c: {  	s9 =	sadd.s32 s31, s26  }
0x12d: {  	p0 =	sgt.s32 s4, s24;
	s10 =	smov.u32 s24;
	s9 =	sshrl.u32 s9, $0x3  }
0x12e: {  	s10 =	smov.u32 @p0 s4;
	s13 =	smul.u32 $0x3000, s9  }
0x12f: {  	v4 =	vimm.f32 $0.0e+00;
	v2 =	vimm.f32 $3.000000010e+38;
	v9 =	vimm.f32 $-3.000000010e+38;
	s10 =	sshll.u32 s10, $0x7  }
0x130: {  	v29 =	vimm.f32 $0.0e+00;
	v47 =	vimm.f32 $0.0e+00;
	v21 =	vimm.f32 $0.0e+00;
	s14 =	sand.u32 $0x380, s10;
	s4 =	sshra.s32 s13, $0x2  }
0x131: {  	v38 =	vimm.f32 $0.0e+00;
	v14 =	vimm.f32 $0.0e+00;
	v31 =	vimm.f32 $0.0e+00;
	s9 =	sor.u32 s14, s4  }
0x132: {  	v22 =	vimm.f32 $0.0e+00;
	v62 =	vimm.f32 $3.000000010e+38;
	v15 =	vimm.f32 $0.0e+00;
	v10 =	vld [tilespmem:s9+$0x2C30]  }
0x133: {  	v56 =	vimm.f32 $3.000000010e+38;
	v50 =	vimm.f32 $3.000000010e+38;
	v42 =	vimm.f32 $3.000000010e+38;
	v45 =	vld [tilespmem:s9+$0x2800]  }
0x134: {  	v34 =	vimm.f32 $3.000000010e+38;
	v26 =	vimm.f32 $3.000000010e+38;
	v24 =	vimm.f32 $3.000000010e+38;
	v39 =	vld [tilespmem:s9+$0x2810]  }
0x135: {  	v17 =	vimm.f32 $3.000000010e+38;
	v16 =	vimm.f32 $3.000000010e+38;
	v6 =	vimm.f32 $-3.000000010e+38;
	v35 =	vld [tilespmem:s9+$0x2820]  }
0x136: {  	v5 =	vimm.f32 $-3.000000010e+38;
	v60 =	vimm.f32 $-3.000000010e+38;
	v51 =	vimm.f32 $-3.000000010e+38;
	v33 =	vld [tilespmem:s9+$0x2830]  }
0x137: {  	v43 =	vimm.f32 $-3.000000010e+38;
	v36 =	vimm.f32 $-3.000000010e+38;
	v30 =	vimm.f32 $-3.000000010e+38;
	v28 =	vld [tilespmem:s9+$0x2840]  }
0x138: {  	v25 =	vimm.f32 $-3.000000010e+38;
	v19 =	vimm.f32 $-3.000000010e+38;
	v18 =	vimm.f32 $-3.000000010e+38;
	v27 =	vld [tilespmem:s9+$0x2850]  }
0x139: {  	v23 =	vld [tilespmem:s9+$0x2860];
	v12 =	vadd.f32 v10, v4;
	v0 =	vmul.f32 v10, v10;
	v11 =	vmin.f32 v2, v10  }
0x13a: {  	v57 =	vadd.f32 v45, v4;
	v1 =	vmul.f32 v45, v45;
	v58 =	vadd.f32 v39, v4  }
0x13b: {  	v20 =	vld [tilespmem:s9+$0x2870];
	v53 =	vmin.f32 v2, v45;
	v59 =	vadd.f32 v35, v4;
	v54 =	vadd.f32 v33, v4  }
0x13c: {  	s4 =	sadd.s32 $0x1, s31;
	v49 =	vadd.f32 v28, v4;
	v13 =	vadd.f32 v0, v4;
	v0 =	vmul.f32 v35, v35  }
0x13d: {  	p0 =	slt.s32 s4, s0;
	v44 =	vadd.f32 v27, v4;
	v3 =	vadd.f32 v1, v4;
	v1 =	vmul.f32 v33, v33  }
.Ltmp12:
0x13e: {  	v46 =	vld [tilespmem:s9+$0x2C00];
	v2 =	vmul.f32 v39, v39;
	v37 =	vadd.f32 v23, v4;
	v61 =	vadd.f32 v0, v4;
	(pc) =	sbr.rel @!p0 .LBB2_11-.Ltmp12, $4  }
0x13f: {  	v40 =	vld [tilespmem:s9+$0x2C10];
	v0 =	vmul.f32 v28, v28;
	v55 =	vadd.f32 v1, v4;
	v1 =	vmul.f32 v27, v27  }
0x140: {  	v41 =	vld [tilespmem:s9+$0x2C20];
	v7 =	vmul.f32 v23, v23;
	v32 =	vadd.f32 v20, v4;
	v63 =	vadd.f32 v2, v4  }
0x141: {  	v2 =	vimm.f32 $-3.000000010e+38;
	v52 =	vadd.f32 v0, v4;
	v48 =	vadd.f32 v1, v4  }
0x142: {  	s13 =	smov.u32 s10;
	v0 =	vmul.f32 v20, v20;
	v4 =	vimm.f32 $3.000000010e+38;
	v1 =	vimm.f32 $-3.000000010e+38  }
.LBB2_10:
0x143: {  	s14 =	sadd.s32 s4, s26;
	s4 =	sadd.s32 $0x1, s4;
	v29 =	vadd.f32 v46, v29;
	v47 =	vadd.f32 v7, v47;
	v7 =	vmul.f32 v46, v46  }
0x144: {  	s14 =	sshrl.u32 s14, $0x3;
	p0 =	slt.s32 s4, s0;
	v21 =	vadd.f32 v40, v21;
	v38 =	vadd.f32 v0, v38;
	v0 =	vmul.f32 v40, v40  }
0x145: {  	s14 =	smul.u32 $0x3000, s14;
	v14 =	vadd.f32 v41, v14;
	v31 =	vadd.f32 v7, v31;
	v7 =	vmul.f32 v41, v41  }
0x146: {  	v4 =	vmin.f32 v4, v39;
	v62 =	vmin.f32 v62, v35;
	s13 =	sadd.s32 $0x80, s13;
	v22 =	vadd.f32 v0, v22  }
0x147: {  	v56 =	vmin.f32 v56, v33;
	v50 =	vmin.f32 v50, v28;
	s7 =	sand.u32 $0x380, s13;
	s14 =	sshra.s32 s14, $0x2;
	v15 =	vadd.f32 v7, v15  }
0x148: {  	v42 =	vmin.f32 v42, v27;
	v34 =	vmin.f32 v34, v23;
	v26 =	vmin.f32 v26, v20;
	s7 =	sor.u32 s7, s14  }
0x149: {  	v24 =	vmin.f32 v24, v46;
	v17 =	vmin.f32 v17, v40;
	v16 =	vmin.f32 v16, v41;
	v0 =	vld [tilespmem:s7+$0x2C30]  }
0x14a: {  	v6 =	vmax.f32 v6, v45;
	v2 =	vmax.f32 v2, v39;
	v1 =	vmax.f32 v1, v35;
	v45 =	vld [tilespmem:s7+$0x2800]  }
0x14b: {  	v5 =	vmax.f32 v5, v33;
	v60 =	vmax.f32 v60, v28;
	v51 =	vmax.f32 v51, v27;
	v39 =	vld [tilespmem:s7+$0x2810]  }
0x14c: {  	v43 =	vmax.f32 v43, v23;
	v36 =	vmax.f32 v36, v20;
	v30 =	vmax.f32 v30, v46;
	v35 =	vld [tilespmem:s7+$0x2820]  }
0x14d: {  	v18 =	vmax.f32 v18, v10;
	v25 =	vmax.f32 v25, v40;
	v19 =	vmax.f32 v19, v41;
	v33 =	vld [tilespmem:s7+$0x2830]  }
0x14e: {  	v28 =	vld [tilespmem:s7+$0x2840];
	v12 =	vadd.f32 v0, v12;
	v7 =	vmul.f32 v0, v0;
	v11 =	vmin.f32 v11, v0;
	v10 =	vmovc v0  }
0x14f: {  	v57 =	vadd.f32 v45, v57;
	v27 =	vld [tilespmem:s7+$0x2850];
	v0 =	vmul.f32 v45, v45;
	v53 =	vmin.f32 v53, v45  }
0x150: {  	v58 =	vadd.f32 v39, v58;
	v23 =	vld [tilespmem:s7+$0x2860];
	v40 =	vmul.f32 v39, v39;
	v13 =	vadd.f32 v7, v13  }
0x151: {  	v59 =	vadd.f32 v35, v59;
	v20 =	vld [tilespmem:s7+$0x2870];
	v3 =	vadd.f32 v0, v3;
	v0 =	vmul.f32 v35, v35  }
.Ltmp13:
0x152: {  	v54 =	vadd.f32 v33, v54;
	v46 =	vld [tilespmem:s7+$0x2C00];
	v63 =	vadd.f32 v40, v63;
	v7 =	vmul.f32 v33, v33;
	(pc) =	sbr.rel @p0 .LBB2_10-.Ltmp13, $4  }
0x153: {  	v49 =	vadd.f32 v28, v49;
	v40 =	vld [tilespmem:s7+$0x2C10];
	v61 =	vadd.f32 v0, v61;
	v0 =	vmul.f32 v28, v28  }
0x154: {  	v44 =	vadd.f32 v27, v44;
	v41 =	vld [tilespmem:s7+$0x2C20];
	v55 =	vadd.f32 v7, v55;
	v8 =	vmul.f32 v27, v27  }
0x155: {  	v37 =	vadd.f32 v23, v37;
	v52 =	vadd.f32 v0, v52;
	v7 =	vmul.f32 v23, v23  }
0x156: {  	v32 =	vadd.f32 v20, v32;
	v48 =	vadd.f32 v8, v48;
	v0 =	vmul.f32 v20, v20  }
.LBB2_11:
0x157: {  	s4 =	smul.u32 $0x180, s8;
	_ =	sdelay $0x1  }
0x158: {  	[tilespmem:s4+$0xE800] =	vst.add.f32.msk $0xffff, v57  }
0x159: {  	[tilespmem:s4+$0x10000] =	vst.add.f32.msk $0xffff, v3  }
0x15a: {  	v3 =	vld [tilespmem:s4+$0x11800]  }
0x15b: {  	v8 =	vld [tilespmem:s4+$0x13000]  }
0x15c: {  	[tilespmem:s4+$0xE810] =	vst.add.f32.msk $0xffff, v58  }
0x15d: {  	[tilespmem:s4+$0x10010] =	vst.add.f32.msk $0xffff, v63  }
0x15e: {  	v57 =	vld [tilespmem:s4+$0x11810]  }
0x15f: {  	v63 =	vld [tilespmem:s4+$0x13010]  }
0x160: {  	[tilespmem:s4+$0xE820] =	vst.add.f32.msk $0xffff, v59  }
0x161: {  	[tilespmem:s4+$0x10020] =	vst.add.f32.msk $0xffff, v61  }
0x162: {  	[tilespmem:s4+$0xE830] =	vst.add.f32.msk $0xffff, v54  }
0x163: {  	[tilespmem:s4+$0x10030] =	vst.add.f32.msk $0xffff, v55  }
0x164: {  	[tilespmem:s4+$0xE840] =	vst.add.f32.msk $0xffff, v49  }
0x165: {  	[tilespmem:s4+$0x10040] =	vst.add.f32.msk $0xffff, v52  }
0x166: {  	[tilespmem:s4+$0xE850] =	vst.add.f32.msk $0xffff, v44  }
0x167: {  	[tilespmem:s4+$0x10050] =	vst.add.f32.msk $0xffff, v48  }
0x168: {  	[tilespmem:s4+$0xE860] =	vst.add.f32.msk $0xffff, v37  }
0x169: {  	v6 =	vmax.f32 v6, v45;
	[tilespmem:s4+$0xE870] =	vst.add.f32.msk $0xffff, v32;
	v3 =	vmin.f32 v3, v53  }
0x16a: {  	[tilespmem:s4+$0x11800] =	vst v3;
	v3 =	vmax.f32 v8, v6;
	v6 =	vld [tilespmem:s4+$0x11820]  }
0x16b: {  	v4 =	vmin.f32 v4, v39;
	[tilespmem:s4+$0x13000] =	vst v3;
	v3 =	vld [tilespmem:s4+$0x13020]  }
0x16c: {  	v2 =	vmax.f32 v2, v39;
	[tilespmem:s4+$0xE8B0] =	vst.add.f32.msk $0xffff, v12;
	v4 =	vmin.f32 v57, v4  }
0x16d: {  	v2 =	vmax.f32 v63, v2;
	[tilespmem:s4+$0x11810] =	vst v4;
	v4 =	vld [tilespmem:s4+$0x11830]  }
0x16e: {  	[tilespmem:s4+$0x13010] =	vst v2;
	v2 =	vld [tilespmem:s4+$0x13030];
	v8 =	vmin.f32 v62, v35  }
0x16f: {  	v1 =	vmax.f32 v1, v35;
	[tilespmem:s4+$0x100B0] =	vst.add.f32.msk $0xffff, v13;
	v6 =	vmin.f32 v6, v8  }
0x170: {  	v0 =	vadd.f32 v0, v38;
	[tilespmem:s4+$0x11820] =	vst v6;
	v1 =	vmax.f32 v3, v1;
	v3 =	vld [tilespmem:s4+$0x11840]  }
0x171: {  	v6 =	vmin.f32 v56, v33;
	[tilespmem:s4+$0x13020] =	vst v1;
	v1 =	vld [tilespmem:s4+$0x13040]  }
0x172: {  	v5 =	vmax.f32 v5, v33;
	[tilespmem:s4+$0x10070] =	vst.add.f32.msk $0xffff, v0;
	v4 =	vmin.f32 v4, v6  }
0x173: {  	v2 =	vmax.f32 v2, v5;
	v5 =	vadd.f32 v7, v47;
	[tilespmem:s4+$0x11830] =	vst v4;
	v4 =	vld [tilespmem:s4+$0x11850]  }
0x174: {  	[tilespmem:s4+$0x13030] =	vst v2;
	v2 =	vld [tilespmem:s4+$0x13050];
	v6 =	vmin.f32 v50, v28  }
0x175: {  	v7 =	vmax.f32 v60, v28;
	[tilespmem:s4+$0x10060] =	vst.add.f32.msk $0xffff, v5;
	v3 =	vmin.f32 v3, v6  }
0x176: {  	v0 =	vadd.f32 v46, v29;
	[tilespmem:s4+$0x11840] =	vst v3;
	v1 =	vmax.f32 v1, v7;
	v3 =	vld [tilespmem:s4+$0x11860]  }
0x177: {  	v5 =	vmin.f32 v42, v27;
	v6 =	vmul.f32 v46, v46;
	[tilespmem:s4+$0x13040] =	vst v1;
	v1 =	vld [tilespmem:s4+$0x13060]  }
0x178: {  	[tilespmem:s4+$0xE880] =	vst.add.f32.msk $0xffff, v0;
	v7 =	vmax.f32 v51, v27;
	v4 =	vmin.f32 v4, v5  }
0x179: {  	v2 =	vmax.f32 v2, v7;
	v5 =	vadd.f32 v6, v31;
	[tilespmem:s4+$0x11850] =	vst v4;
	v4 =	vld [tilespmem:s4+$0x11870]  }
0x17a: {  	v6 =	vmin.f32 v34, v23;
	[tilespmem:s4+$0x13050] =	vst v2;
	v2 =	vld [tilespmem:s4+$0x13070]  }
0x17b: {  	v0 =	vmul.f32 v40, v40;
	v7 =	vmax.f32 v43, v23;
	[tilespmem:s4+$0x10080] =	vst.add.f32.msk $0xffff, v5;
	v3 =	vmin.f32 v3, v6  }
0x17c: {  	v5 =	vadd.f32 v40, v21;
	[tilespmem:s4+$0x11860] =	vst v3;
	v1 =	vmax.f32 v1, v7;
	v3 =	vld [tilespmem:s4+$0x11880]  }
0x17d: {  	v0 =	vadd.f32 v0, v22;
	[tilespmem:s4+$0x13060] =	vst v1;
	v1 =	vld [tilespmem:s4+$0x13080]  }
0x17e: {  	[tilespmem:s4+$0xE890] =	vst.add.f32.msk $0xffff, v5;
	v5 =	vmax.f32 v36, v20  }
0x17f: {  	[tilespmem:s4+$0x10090] =	vst.add.f32.msk $0xffff, v0;
	v6 =	vmin.f32 v26, v20;
	v2 =	vmax.f32 v2, v5  }
0x180: {  	v0 =	vmin.f32 v24, v46;
	v4 =	vmin.f32 v4, v6;
	[tilespmem:s4+$0x13070] =	vst v2;
	v2 =	vld [tilespmem:s4+$0x13090]  }
0x181: {  	v6 =	vmax.f32 v30, v46;
	[tilespmem:s4+$0x11870] =	vst v4;
	v4 =	vld [tilespmem:s4+$0x11890];
	v0 =	vmin.f32 v3, v0  }
0x182: {  	v3 =	vadd.f32 v41, v14;
	[tilespmem:s4+$0x11880] =	vst v0;
	v0 =	vmax.f32 v1, v6;
	v1 =	vld [tilespmem:s4+$0x118A0]  }
0x183: {  	v5 =	vmul.f32 v41, v41;
	[tilespmem:s4+$0x13080] =	vst v0;
	v0 =	vld [tilespmem:s4+$0x130A0]  }
0x184: {  	[tilespmem:s4+$0xE8A0] =	vst.add.f32.msk $0xffff, v3;
	v3 =	vmax.f32 v25, v40  }
0x185: {  	v5 =	vadd.f32 v5, v15;
	v2 =	vmax.f32 v2, v3;
	v3 =	vld [tilespmem:s4+$0x118B0]  }
0x186: {  	v6 =	vmin.f32 v17, v40;
	[tilespmem:s4+$0x13090] =	vst v2;
	v2 =	vld [tilespmem:s4+$0x130B0]  }
0x187: {  	[tilespmem:s4+$0x100A0] =	vst.add.f32.msk $0xffff, v5;
	v5 =	vmin.f32 v16, v41;
	v4 =	vmin.f32 v4, v6  }
0x188: {  	[tilespmem:s4+$0x11890] =	vst v4;
	v4 =	vmax.f32 v19, v41;
	v1 =	vmin.f32 v1, v5  }
0x189: {  	[tilespmem:s4+$0x118A0] =	vst v1;
	v0 =	vmax.f32 v0, v4  }
0x18a: {  	[tilespmem:s4+$0x130A0] =	vst v0;
	v0 =	vmax.f32 v18, v10;
	v1 =	vmin.f32 v3, v11  }
0x18b: {  	v45 =	vimm.f32 $0.0e+00;
	v37 =	vimm.f32 $0.0e+00;
	[tilespmem:s4+$0x118B0] =	vst v1;
	v0 =	vmax.f32 v2, v0  }
0x18c: {  	v54 =	vimm.f32 $3.000000010e+38;
	v55 =	vimm.f32 $-3.000000010e+38;
	v48 =	vimm.f32 $-3.000000010e+38;
	[tilespmem:s4+$0x130B0] =	vst v0  }
0x18d: {  	v29 =	vimm.f32 $-3.000000010e+38;
	v63 =	vimm.f32 $0.0e+00;
	v22 =	vimm.f32 $0.0e+00;
	v10 =	vld [tilespmem:s9+$0x3070]  }
0x18e: {  	v24 =	vimm.f32 $3.000000010e+38;
	v60 =	vimm.f32 $-3.000000010e+38;
	v33 =	vimm.f32 $3.000000010e+38;
	v46 =	vld [tilespmem:s9+$0x2C40]  }
0x18f: {  	v50 =	vimm.f32 $3.000000010e+38;
	v42 =	vimm.f32 $3.000000010e+38;
	v23 =	vimm.f32 $0.0e+00;
	v40 =	vld [tilespmem:s9+$0x2C50]  }
0x190: {  	v34 =	vimm.f32 $-3.000000010e+38;
	v21 =	vimm.f32 $-3.000000010e+38;
	v26 =	vimm.f32 $3.000000010e+38;
	v35 =	vld [tilespmem:s9+$0x2C60]  }
0x191: {  	v7 =	vimm.f32 $3.000000010e+38;
	v30 =	vimm.f32 $0.0e+00;
	v15 =	vimm.f32 $0.0e+00;
	v32 =	vld [tilespmem:s9+$0x2C70]  }
0x192: {  	v14 =	vimm.f32 $0.0e+00;
	v16 =	vimm.f32 $3.000000010e+38;
	v17 =	vimm.f32 $3.000000010e+38;
	v28 =	vld [tilespmem:s9+$0x3000]  }
0x193: {  	v41 =	vimm.f32 $-3.000000010e+38;
	v19 =	vimm.f32 $-3.000000010e+38;
	v5 =	vimm.f32 $3.000000010e+38;
	v27 =	vld [tilespmem:s9+$0x3010]  }
0x194: {  	v18 =	vimm.f32 $-3.000000010e+38;
	v25 =	vld [tilespmem:s9+$0x3020];
	v12 =	vadd.f32 v10, v63;
	v0 =	vmul.f32 v10, v10  }
0x195: {  	v11 =	vmin.f32 v7, v10;
	v57 =	vadd.f32 v46, v63;
	v1 =	vmul.f32 v46, v46  }
0x196: {  	v20 =	vld [tilespmem:s9+$0x3030];
	v52 =	vmin.f32 v7, v46;
	v58 =	vadd.f32 v40, v63;
	v59 =	vadd.f32 v35, v63  }
0x197: {  	s31 =	sadd.s32 $0x1, s31;
	v2 =	vmul.f32 v40, v40;
	v53 =	vadd.f32 v32, v63;
	v49 =	vadd.f32 v28, v63  }
0x198: {  	p0 =	slt.s32 s31, s0;
	v44 =	vadd.f32 v27, v63;
	v13 =	vadd.f32 v0, v63;
	v0 =	vmul.f32 v35, v35  }
.Ltmp14:
0x199: {  	v43 =	vld [tilespmem:s9+$0x3040];
	v36 =	vadd.f32 v25, v63;
	v62 =	vadd.f32 v1, v63;
	v1 =	vmul.f32 v32, v32;
	(pc) =	sbr.rel @!p0 .LBB2_13-.Ltmp14, $4  }
0x19a: {  	v38 =	vld [tilespmem:s9+$0x3050];
	v4 =	vmul.f32 v25, v25;
	v3 =	vadd.f32 v0, v63;
	v0 =	vmul.f32 v28, v28  }
0x19b: {  	v39 =	vld [tilespmem:s9+$0x3060];
	v31 =	vadd.f32 v20, v63;
	v56 =	vadd.f32 v1, v63;
	v1 =	vmul.f32 v27, v27  }
0x19c: {  	v61 =	vadd.f32 v2, v63;
	v2 =	vimm.f32 $-3.000000010e+38;
	v51 =	vadd.f32 v0, v63  }
0x19d: {  	v47 =	vadd.f32 v1, v63;
	v0 =	vmul.f32 v20, v20;
	v1 =	vimm.f32 $-3.000000010e+38  }
.LBB2_12:
0x19e: {  	s7 =	sadd.s32 s31, s26;
	s31 =	sadd.s32 $0x1, s31;
	v63 =	vadd.f32 v43, v63;
	v45 =	vadd.f32 v4, v45;
	v4 =	vmul.f32 v43, v43  }
0x19f: {  	v22 =	vadd.f32 v38, v22;
	v37 =	vadd.f32 v0, v37;
	v0 =	vmul.f32 v38, v38;
	s7 =	sshrl.u32 s7, $0x3;
	p0 =	slt.s32 s31, s0  }
0x1a0: {  	v14 =	vadd.f32 v39, v14;
	s7 =	smul.u32 $0x3000, s7;
	v30 =	vadd.f32 v4, v30;
	v4 =	vmul.f32 v39, v39  }
0x1a1: {  	v7 =	vmin.f32 v7, v40;
	v5 =	vmin.f32 v5, v35;
	s10 =	sadd.s32 $0x80, s10;
	v23 =	vadd.f32 v0, v23  }
0x1a2: {  	v54 =	vmin.f32 v54, v32;
	v50 =	vmin.f32 v50, v28;
	s9 =	sand.u32 $0x380, s10;
	s7 =	sshra.s32 s7, $0x2;
	v15 =	vadd.f32 v4, v15  }
0x1a3: {  	v42 =	vmin.f32 v42, v27;
	v33 =	vmin.f32 v33, v25;
	v26 =	vmin.f32 v26, v20;
	s7 =	sor.u32 s9, s7  }
0x1a4: {  	v24 =	vmin.f32 v24, v43;
	v17 =	vmin.f32 v17, v38;
	v16 =	vmin.f32 v16, v39;
	v0 =	vld [tilespmem:s7+$0x3070]  }
0x1a5: {  	v9 =	vmax.f32 v9, v46;
	v2 =	vmax.f32 v2, v40;
	v1 =	vmax.f32 v1, v35;
	v46 =	vld [tilespmem:s7+$0x2C40]  }
0x1a6: {  	v60 =	vmax.f32 v60, v32;
	v55 =	vmax.f32 v55, v28;
	v48 =	vmax.f32 v48, v27;
	v40 =	vld [tilespmem:s7+$0x2C50]  }
0x1a7: {  	v41 =	vmax.f32 v41, v25;
	v34 =	vmax.f32 v34, v20;
	v29 =	vmax.f32 v29, v43;
	v35 =	vld [tilespmem:s7+$0x2C60]  }
0x1a8: {  	v21 =	vmax.f32 v21, v38;
	v19 =	vmax.f32 v19, v39;
	v18 =	vmax.f32 v18, v10;
	v32 =	vld [tilespmem:s7+$0x2C70]  }
0x1a9: {  	v28 =	vld [tilespmem:s7+$0x3000];
	v12 =	vadd.f32 v0, v12;
	v4 =	vmul.f32 v0, v0;
	v11 =	vmin.f32 v11, v0;
	v10 =	vmovc v0  }
0x1aa: {  	v57 =	vadd.f32 v46, v57;
	v27 =	vld [tilespmem:s7+$0x3010];
	v0 =	vmul.f32 v46, v46;
	v52 =	vmin.f32 v52, v46  }
0x1ab: {  	v58 =	vadd.f32 v40, v58;
	v25 =	vld [tilespmem:s7+$0x3020];
	v6 =	vmul.f32 v40, v40;
	v13 =	vadd.f32 v4, v13  }
0x1ac: {  	v59 =	vadd.f32 v35, v59;
	v20 =	vld [tilespmem:s7+$0x3030];
	v62 =	vadd.f32 v0, v62;
	v0 =	vmul.f32 v35, v35  }
.Ltmp15:
0x1ad: {  	v53 =	vadd.f32 v32, v53;
	v43 =	vld [tilespmem:s7+$0x3040];
	v61 =	vadd.f32 v6, v61;
	v4 =	vmul.f32 v32, v32;
	(pc) =	sbr.rel @p0 .LBB2_12-.Ltmp15, $4  }
0x1ae: {  	v49 =	vadd.f32 v28, v49;
	v38 =	vld [tilespmem:s7+$0x3050];
	v3 =	vadd.f32 v0, v3;
	v0 =	vmul.f32 v28, v28  }
0x1af: {  	v44 =	vadd.f32 v27, v44;
	v39 =	vld [tilespmem:s7+$0x3060];
	v56 =	vadd.f32 v4, v56;
	v6 =	vmul.f32 v27, v27  }
0x1b0: {  	v36 =	vadd.f32 v25, v36;
	v51 =	vadd.f32 v0, v51;
	v4 =	vmul.f32 v25, v25  }
0x1b1: {  	v31 =	vadd.f32 v20, v31;
	v47 =	vadd.f32 v6, v47;
	v0 =	vmul.f32 v20, v20  }
.Ltmp16:
0x1b2: {  	_ = 	snop;
	(pc) =	sbr.rel .LBB2_13-.Ltmp16, $1  }
0x1b3: {  	_ =	sdelay $0x3  }
.LBB2_19:
0x1b4: {  	_ =	sfence.sel $0x180000  }
0x1b5: {  	[bflag:$0x0] =	sbarrier.arrive $0xFFFF  }
0x1b6: {  	_ =	strace $0x90000047  }
0x1b7: {  	s0 =	stileid.u32;
	[bflag:$0x2] =	sbarrier.arrive $0xFFFF  }
0x1b8: {  	p0 =	sne.s32 s0, $0x0;
	s0 =	rddreg [dreg:$0x6]  }
0x1b9: {  	s0 =	sadd.s32 @!p0 $0x100000, s0  }
0x1ba: {  	[sflag:s0] =	ssyncadd.tile.s32 @!p0 $0x1;
	_ =	shalt  }
.Lfunc_end2:
_tile_overlayer_lowered:
.L_overlay_start_2:
0x1bb: {  	(tag) =	ssettag $0x2  }
0x1bc: {  	s0 =	rddreg [dreg:$0x0];
	s2 =	stileid.u32  }
0x1bd: {  	s1 =	rddreg [dreg:$0x1];
	p0 =	sne.s32 s2, $0x0  }
0x1be: {  	s3 =	rddreg [dreg:$0x2];
	[bflag:$0x3] =	sbarrier.arrive $0xFFFF;
	s2 =	simm.s32 @!p0 $0x1C02  }
0x1bf: {  	[timem:s3], [sflag:s2] =	dma.local @!p0 [hbm:s0], s1  }
0x1c0: {  	s0 =	simm.s32 @!p0 $0x2  }
0x1c1: {  	_ =	swait.ge @!p0 [sflag:s0], s1  }
0x1c2: {  	s1 =	ssub.s32 @!p0 $0x0, s1;
	[sflag:s0] =	ssyncset.done @!p0 $0x0  }
0x1c3: {  	[sflag:s0] =	ssyncadd.s32 @!p0 s1  }
0x1c4: {  	[bflag:$0x3] =	sbarrier.arrive $0xFFFF  }
0x1c5: {  	_ =	shalt  }

</sc_bundles>
